<compile_context>
chip_gen: v7x
topology: tpu7x:2x2x1
jax: 0.10.2.dev20260603
libtpu: 0.0.44.dev20260713+nightly
codegen_flags: <defaults>
</compile_context>

<pallas_src>
import functools

import jax
import jax.numpy as jnp
from jax import lax
from jax.experimental import pallas as pl
from jax.experimental.pallas import tpu as pltpu
from jax.experimental.pallas import tpu_sc as plsc

N = 102400
E = 3276800
NF = 16
DIM = 32
HALF = 16
NC = 2
NS = 16
KI = 8
ROWS128 = E // 128


def _make_sc_agg(split_edges: bool):
    mesh = plsc.VectorSubcoreMesh(core_axis_name="c", subcore_axis_name="s")
    rows_per_tile = ROWS128 // (NC * NS) if split_edges else ROWS128 // NS
    n_outer = rows_per_tile // KI
    rows_per_sub = N // NS

    @functools.partial(
        pl.kernel,
        mesh=mesh,
        compiler_params=pltpu.CompilerParams(use_tc_tiling_on_sc=False),
        out_type=jax.ShapeDtypeStruct((NC, N, HALF), jnp.float32),
        scratch_types=[
            pltpu.VMEM_SHARED((N, HALF), jnp.float32),
            pltpu.VMEM((KI, 128), jnp.int32),
            pltpu.VMEM((KI, 128), jnp.int32),
            pltpu.VMEM((KI, 128, HALF), jnp.float32),
            pltpu.SemaphoreType.DMA,
        ],
    )
    def k(h_hbm, src_hbm, dst_hbm, out_hbm, agg_s, idx_s, idx_d, rows_v, sem):
        c = lax.axis_index("c")
        s = lax.axis_index("s")
        hsrc = h_hbm if split_edges else h_hbm.at[c]
        pltpu.sync_copy(
            hsrc.at[pl.ds(s * rows_per_sub, rows_per_sub)],
            agg_s.at[pl.ds(s * rows_per_sub, rows_per_sub)],
        )
        plsc.subcore_barrier()
        tile_base = (
            (c * NS + s) * rows_per_tile if split_edges else s * rows_per_tile
        )

        def body(i, carry):
            base = tile_base + i * KI
            pltpu.sync_copy(src_hbm.at[pl.ds(base, KI)], idx_s)
            pltpu.sync_copy(dst_hbm.at[pl.ds(base, KI)], idx_d)
            cps = [
                pltpu.async_copy(hsrc.at[idx_s.at[j]], rows_v.at[j], sem)
                for j in range(KI)
            ]
            for cp in cps:
                cp.wait()
            for j in range(KI):
                pltpu.sync_copy(rows_v.at[j], agg_s.at[idx_d.at[j]], add=True)
            return carry

        lax.fori_loop(0, n_outer, body, 0)
        plsc.subcore_barrier()
        pltpu.sync_copy(
            agg_s.at[pl.ds(s * rows_per_sub, rows_per_sub)],
            out_hbm.at[c].at[pl.ds(s * rows_per_sub, rows_per_sub)],
        )

    return k


_sc_agg_l1 = _make_sc_agg(split_edges=True)
_sc_agg = _make_sc_agg(split_edges=False)


MLP_BLK = 4096


def _mlp_l1_body(p_ref, x_ref, w1, b1, w2, b2, sc, sh, out_ref):
    h2 = p_ref[0] + p_ref[1] - x_ref[...]
    a = jnp.maximum(
        jnp.dot(h2, w1[...], preferred_element_type=jnp.float32) + b1[...], 0.0
    )
    o = jnp.dot(a, w2[...], preferred_element_type=jnp.float32) + b2[...]
    o = jnp.maximum(o, 0.0) * sc[...] + sh[...]
    out_ref[0] = o[:, :HALF]
    out_ref[1] = o[:, HALF:]


def _mlp_body(s_ref, w1, b1, w2, b2, sc, sh, out_ref, *, out_split):
    h2 = jnp.concatenate([s_ref[0], s_ref[1]], axis=-1)
    a = jnp.maximum(
        jnp.dot(h2, w1[...], preferred_element_type=jnp.float32) + b1[...], 0.0
    )
    o = jnp.dot(a, w2[...], preferred_element_type=jnp.float32) + b2[...]
    o = jnp.maximum(o, 0.0) * sc[...] + sh[...]
    if out_split:
        out_ref[0] = o[:, :HALF]
        out_ref[1] = o[:, HALF:]
    else:
        out_ref[...] = o


def _vec_spec():
    return pl.BlockSpec((1, DIM), lambda i: (0, 0))


def _mlp_l1(p, x, w1, b1, w2, b2, sc, sh):
    grid = (N // MLP_BLK,)
    return pl.pallas_call(
        _mlp_l1_body,
        grid=grid,
        in_specs=[
            pl.BlockSpec((NC, MLP_BLK, HALF), lambda i: (0, i, 0)),
            pl.BlockSpec((MLP_BLK, HALF), lambda i: (i, 0)),
            pl.BlockSpec((HALF, DIM), lambda i: (0, 0)),
            _vec_spec(),
            pl.BlockSpec((DIM, DIM), lambda i: (0, 0)),
            _vec_spec(),
            _vec_spec(),
            _vec_spec(),
        ],
        out_specs=pl.BlockSpec((NC, MLP_BLK, HALF), lambda i: (0, i, 0)),
        out_shape=jax.ShapeDtypeStruct((NC, N, HALF), jnp.float32),
    )(p, x, w1, b1, w2, b2, sc, sh)


def _mlp(sagg, w1, b1, w2, b2, sc, sh, out_split):
    grid = (N // MLP_BLK,)
    if out_split:
        out_spec = pl.BlockSpec((NC, MLP_BLK, HALF), lambda i: (0, i, 0))
        out_shape = jax.ShapeDtypeStruct((NC, N, HALF), jnp.float32)
    else:
        out_spec = pl.BlockSpec((MLP_BLK, DIM), lambda i: (i, 0))
        out_shape = jax.ShapeDtypeStruct((N, DIM), jnp.float32)
    return pl.pallas_call(
        functools.partial(_mlp_body, out_split=out_split),
        grid=grid,
        in_specs=[
            pl.BlockSpec((NC, MLP_BLK, HALF), lambda i: (0, i, 0)),
            pl.BlockSpec((DIM, DIM), lambda i: (0, 0)),
            _vec_spec(),
            pl.BlockSpec((DIM, DIM), lambda i: (0, 0)),
            _vec_spec(),
            _vec_spec(),
            _vec_spec(),
        ],
        out_specs=out_spec,
        out_shape=out_shape,
    )(sagg, w1, b1, w2, b2, sc, sh)


POOL_BLK = 200
BATCH_N = N // 64


def _final_body(h_ref, s_ref, wf, bf, out_ref):
    pooled = jnp.dot(h_ref[...], s_ref[...], preferred_element_type=jnp.float32)
    logits = jnp.dot(pooled, wf[...], preferred_element_type=jnp.float32) + bf[...]
    m = jnp.max(logits, axis=-1, keepdims=True)
    e = jnp.exp(logits - m)
    out_ref[...] = logits - m - jnp.log(jnp.sum(e, axis=-1, keepdims=True))


def _final(hre, smat, wf, bf):
    grid = (BATCH_N // POOL_BLK,)
    return pl.pallas_call(
        _final_body,
        grid=grid,
        in_specs=[
            pl.BlockSpec((POOL_BLK, 64 * DIM), lambda i: (i, 0)),
            pl.BlockSpec((64 * DIM, DIM), lambda i: (0, 0)),
            pl.BlockSpec((DIM, 2), lambda i: (0, 0)),
            pl.BlockSpec((1, 2), lambda i: (0, 0)),
        ],
        out_specs=pl.BlockSpec((POOL_BLK, 2), lambda i: (i, 0)),
        out_shape=jax.ShapeDtypeStruct((BATCH_N, 2), jnp.float32),
    )(hre, smat, wf, bf)


def _bn_fold(bn_p, bn_s):
    scale = bn_p["gamma"] * lax.rsqrt(bn_s["var"] + 1e-5)
    shift = bn_p["beta"] - bn_s["mean"] * scale
    return scale.reshape(1, DIM), shift.reshape(1, DIM)


def kernel(x, batch, edge_index, params, bn_stats):
    del batch
    x = x.reshape(N, NF).astype(jnp.float32)
    src = edge_index[0].astype(jnp.int32).reshape(ROWS128, 128)
    dst = edge_index[1].astype(jnp.int32).reshape(ROWS128, 128)

    p1 = _sc_agg_l1(x, src, dst)
    w = params["nn1"]
    sc1, sh1 = _bn_fold(params["bn1"], bn_stats["bn1"])
    hcols = _mlp_l1(
        p1, x, w["W1"].T, w["b1"].reshape(1, DIM), w["W2"].T,
        w["b2"].reshape(1, DIM), sc1, sh1,
    )

    for i, out_split in ((2, True), (3, False)):
        sagg = _sc_agg(hcols, src, dst)
        w = params["nn%d" % i]
        sci, shi = _bn_fold(params["bn%d" % i], bn_stats["bn%d" % i])
        hcols = _mlp(
            sagg, w["W1"].T, w["b1"].reshape(1, DIM), w["W2"].T,
            w["b2"].reshape(1, DIM), sci, shi, out_split,
        )

    hre = hcols.reshape(BATCH_N, 64 * DIM)
    smat = jnp.tile(jnp.eye(DIM, dtype=jnp.float32), (64, 1))
    out = _final(
        hre, smat, params["fc2"]["W"].T, params["fc2"]["b"].reshape(1, 2)
    )
    return out

# --- scband reference (transcript-rebuilt; emitter-appended) ---
"""Pipeline reference for scband-gin-37048387895934 (READ-ONLY COPY).

The authoritative reference and input builder live on the scoring server;
editing this copy changes nothing except your own understanding.
"""

import jax, jax.numpy as jnp
import numpy as np

N = 102400
E = 3276800
NF = 16
DIM = 32
BATCH = 1600

def _mk_linear(key, din, dout):
    kw, kb = jax.random.split(key)
    lim = 1.0 / np.sqrt(din)
    W = jax.random.uniform(kw, (dout, din), minval=-lim, maxval=lim, dtype=jnp.float32)
    b = jax.random.uniform(kb, (dout,), minval=-lim, maxval=lim, dtype=jnp.float32)
    return W, b

def setup_inputs(seed: int = 0):
    key = jax.random.key(seed)
    ks = jax.random.split(key, 12)
    x = jax.random.normal(ks[0], (N, NF), dtype=jnp.float32)
    edge_index = jax.random.randint(ks[1], (2, E), 0, N)
    params = {}
    dims = [(NF, DIM), (DIM, DIM), (DIM, DIM)]
    for i, (din, dout) in enumerate(dims, start=1):
        k1, k2, k3, k4 = jax.random.split(ks[1 + i], 4)
        W1, b1 = _mk_linear(k1, din, dout)
        W2, b2 = _mk_linear(k2, dout, dout)
        params['nn%d' % i] = {'W1': W1, 'b1': b1, 'W2': W2, 'b2': b2}
        params['bn%d' % i] = {'gamma': 1.0 + 0.1 * jax.random.normal(k3, (dout,), dtype=jnp.float32), 'beta': 0.1 * jax.random.normal(k4, (dout,), dtype=jnp.float32)}
    Wf, bf = _mk_linear(ks[6], DIM, 2)
    params['fc2'] = {'W': Wf, 'b': bf}
    bn_stats = {}
    for i in range(1, 4):
        km, kv = jax.random.split(jax.random.fold_in(ks[7], i))
        bn_stats['bn%d' % i] = {'mean': 0.05 * jax.random.normal(km, (DIM,), dtype=jnp.float32), 'var': 1.0 + 0.1 * jax.random.uniform(kv, (DIM,), dtype=jnp.float32)}
    return {'x': x, 'batch': BATCH, 'edge_index': edge_index, 'params': params, 'bn_stats': bn_stats}

def _gin_conv(h, src, dst, p):
    # GINConv with eps=0: nn(x + sum_{j in N(i)} x_j), scatter-add over dst
    agg = jnp.zeros_like(h).at[dst].add(h[src])
    h2 = h + agg
    h2 = jnp.maximum(h2 @ p['W1'].T + p['b1'], 0.0)
    return h2 @ p['W2'].T + p['b2']

def _bn(h, p, s):
    # BatchNorm1d in eval mode with materialized running stats
    return p['gamma'] * (h - s['mean']) / jnp.sqrt(s['var'] + 1e-5) + p['beta']

def _forward(x, batch, edge_index, params, bn_stats):
    src = edge_index[0]
    dst = edge_index[1]
    h = x.reshape(-1, NF).astype(jnp.float32)
    for i in range(1, 4):
        h = jnp.maximum(_gin_conv(h, src, dst, params['nn%d' % i]), 0.0)
        h = _bn(h, params['bn%d' % i], bn_stats['bn%d' % i])
    batch_static = h.shape[0] // 64
    h = h + (jnp.asarray(batch) - jnp.asarray(batch)).astype(h.dtype)
    h = h.reshape(batch_static, 64, DIM).sum(axis=1)
    # dropout p=0.3 is identity in eval mode
    h = h @ params['fc2']['W'].T + params['fc2']['b']
    return jax.nn.log_softmax(h, axis=-1)

def reference(x, batch, edge_index, params, bn_stats):
    return _forward(x, batch, edge_index, params, bn_stats)

if __name__ == "__main__":
    import jax
    _d = setup_inputs()
    print(jax.jit(kernel)(*tuple(_d.values())))

</pallas_src>

<mosaic_0001>
#map = affine_map<(d0, d1) -> (0, 0, 0)>
#map1 = affine_map<(d0, d1) -> (0, 0)>
module attributes {stable_mosaic.version = 14 : i64} {
  func.func @k(%arg0: i32, %arg1: i32, %arg2: memref<2x102400x16xf32, #tpu.memory_space<hbm>>, %arg3: memref<25600x128xi32, #tpu.memory_space<hbm>>, %arg4: memref<25600x128xi32, #tpu.memory_space<hbm>>, %arg5: memref<2x102400x16xf32, #tpu.memory_space<hbm>>, %arg6: memref<102400x16xf32, #tpu.memory_space<vmem_shared>>, %arg7: memref<8x128xi32, #tpu.memory_space<vmem>>, %arg8: memref<8x128xi32, #tpu.memory_space<vmem>>, %arg9: memref<8x128x16xf32, #tpu.memory_space<vmem>>, %arg10: memref<!tpu.dma_semaphore, #tpu.memory_space<semaphore_mem>>) attributes {dimension_semantics = [#tpu.dimension_semantics<core_parallel>, #tpu.dimension_semantics<subcore_parallel>], iteration_bounds = array<i64: 2, 16>, scalar_prefetch = 0 : i64, scratch_operands = 5 : i64, tpu.core_type = #tpu.core_type<sc_vector_subcore>, window_params = [{transform_indices = #map}, {transform_indices = #map1}, {transform_indices = #map1}, {transform_indices = #map}]} {
    %mul3A = arith.constant 6400 : i32
    %mul3A_0 = arith.muli %arg1, %mul3A : i32
    %mul3A_1 = arith.constant 6400 : i32
    %mul3A_2 = arith.muli %arg1, %mul3A_1 : i32
    "tpu.region"() ({
      %run_scoped3A = tpu.sem_alloc : memref<!tpu.dma_semaphore, #tpu.memory_space<semaphore_mem>>
      %dma_start3A = arith.constant 0 : i32
      %dma_start3A_15 = tpu.memref_slice %arg6[%mul3A_2, %dma_start3A] : memref<102400x16xf32, #tpu.memory_space<vmem_shared>> -> memref<6400x16xf32, #tpu.memory_space<vmem_shared>>
      %dma_start3A_16 = arith.constant 0 : i32
      %dma_start3A_17 = arith.constant 0 : i32
      %dma_start3A_18 = tpu.memref_slice %arg2[%arg0, %dma_start3A_16, %dma_start3A_17] : memref<2x102400x16xf32, #tpu.memory_space<hbm>> -> memref<1x102400x16xf32, #tpu.memory_space<hbm>>
      %dma_start3A_19 = tpu.memref_squeeze %dma_start3A_18 : memref<1x102400x16xf32, #tpu.memory_space<hbm>> -> memref<102400x16xf32, #tpu.memory_space<hbm>>
      %dma_start3A_20 = arith.constant 0 : i32
      %dma_start3A_21 = tpu.memref_slice %dma_start3A_19[%mul3A_0, %dma_start3A_20] : memref<102400x16xf32, #tpu.memory_space<hbm>> -> memref<6400x16xf32, #tpu.memory_space<hbm>>
      tpu.enqueue_dma source(%dma_start3A_21 : memref<6400x16xf32, #tpu.memory_space<hbm>>) target(%dma_start3A_15 : memref<6400x16xf32, #tpu.memory_space<vmem_shared>>) target_semaphore(%run_scoped3A : memref<!tpu.dma_semaphore, #tpu.memory_space<semaphore_mem>>)
      %dma_wait3A = arith.constant 0 : i32
      %dma_wait3A_22 = tpu.memref_slice %arg6[%mul3A_2, %dma_wait3A] : memref<102400x16xf32, #tpu.memory_space<vmem_shared>> -> memref<6400x16xf32, #tpu.memory_space<vmem_shared>>
      %dma_wait3A_23 = arith.constant 0 : i32
      %dma_wait3A_24 = arith.constant 0 : i32
      %dma_wait3A_25 = tpu.memref_slice %arg2[%arg0, %dma_wait3A_23, %dma_wait3A_24] : memref<2x102400x16xf32, #tpu.memory_space<hbm>> -> memref<1x102400x16xf32, #tpu.memory_space<hbm>>
      %dma_wait3A_26 = tpu.memref_squeeze %dma_wait3A_25 : memref<1x102400x16xf32, #tpu.memory_space<hbm>> -> memref<102400x16xf32, #tpu.memory_space<hbm>>
      %dma_wait3A_27 = arith.constant 0 : i32
      %dma_wait3A_28 = tpu.memref_slice %dma_wait3A_26[%mul3A_0, %dma_wait3A_27] : memref<102400x16xf32, #tpu.memory_space<hbm>> -> memref<6400x16xf32, #tpu.memory_space<hbm>>
      tpu.wait_dma2 semaphore(%run_scoped3A : memref<!tpu.dma_semaphore, #tpu.memory_space<semaphore_mem>>) src(%dma_wait3A_28 : memref<6400x16xf32, #tpu.memory_space<hbm>>) dst(%dma_wait3A_22 : memref<6400x16xf32, #tpu.memory_space<vmem_shared>>)
      tpu.yield
    }) : () -> ()
    %barrier3A = arith.constant 0 : index
    tpu.barrier barrier_id(%barrier3A)
    %mul3A_3 = arith.constant 1600 : i32
    %mul3A_4 = arith.muli %arg1, %mul3A_3 : i32
    %scan3A = arith.constant 0 : i32
    %scan3A_5 = arith.constant 0 : i32
    %scan3A_6 = arith.constant 200 : i32
    %scan3A_7 = arith.addi %scan3A_5, %scan3A_6 : i32
    %scan3A_8 = arith.constant 1 : i32
    scf.for %scan3A_15 = %scan3A_5 to %scan3A_7 step %scan3A_8  : i32 {
      %mul3A_16 = arith.constant 8 : i32
      %mul3A_17 = arith.muli %scan3A_15, %mul3A_16 : i32
      %add3A = arith.addi %mul3A_4, %mul3A_17 : i32
      "tpu.region"() ({
        %run_scoped3A_287 = tpu.sem_alloc : memref<!tpu.dma_semaphore, #tpu.memory_space<semaphore_mem>>
        %dma_start3A_288 = arith.constant 0 : i32
        %dma_start3A_289 = tpu.memref_slice %arg3[%add3A, %dma_start3A_288] : memref<25600x128xi32, #tpu.memory_space<hbm>> -> memref<8x128xi32, #tpu.memory_space<hbm>>
        %dma_start3A_290 = arith.constant 0 : i32
        %dma_start3A_291 = tpu.memref_slice %arg3[%add3A, %dma_start3A_290] : memref<25600x128xi32, #tpu.memory_space<hbm>> -> memref<8x128xi32, #tpu.memory_space<hbm>>
        tpu.enqueue_dma source(%dma_start3A_291 : memref<8x128xi32, #tpu.memory_space<hbm>>) target(%arg7 : memref<8x128xi32, #tpu.memory_space<vmem>>) target_semaphore(%run_scoped3A_287 : memref<!tpu.dma_semaphore, #tpu.memory_space<semaphore_mem>>)
        %dma_wait3A_292 = arith.constant 0 : i32
        %dma_wait3A_293 = tpu.memref_slice %arg3[%add3A, %dma_wait3A_292] : memref<25600x128xi32, #tpu.memory_space<hbm>> -> memref<8x128xi32, #tpu.memory_space<hbm>>
        %dma_wait3A_294 = arith.constant 0 : i32
        %dma_wait3A_295 = tpu.memref_slice %arg3[%add3A, %dma_wait3A_294] : memref<25600x128xi32, #tpu.memory_space<hbm>> -> memref<8x128xi32, #tpu.memory_space<hbm>>
        tpu.wait_dma2 semaphore(%run_scoped3A_287 : memref<!tpu.dma_semaphore, #tpu.memory_space<semaphore_mem>>) src(%dma_wait3A_295 : memref<8x128xi32, #tpu.memory_space<hbm>>) dst(%arg7 : memref<8x128xi32, #tpu.memory_space<vmem>>)
        tpu.yield
      }) : () -> ()
      "tpu.region"() ({
        %run_scoped3A_287 = tpu.sem_alloc : memref<!tpu.dma_semaphore, #tpu.memory_space<semaphore_mem>>
        %dma_start3A_288 = arith.constant 0 : i32
        %dma_start3A_289 = tpu.memref_slice %arg4[%add3A, %dma_start3A_288] : memref<25600x128xi32, #tpu.memory_space<hbm>> -> memref<8x128xi32, #tpu.memory_space<hbm>>
        %dma_start3A_290 = arith.constant 0 : i32
        %dma_start3A_291 = tpu.memref_slice %arg4[%add3A, %dma_start3A_290] : memref<25600x128xi32, #tpu.memory_space<hbm>> -> memref<8x128xi32, #tpu.memory_space<hbm>>
        tpu.enqueue_dma source(%dma_start3A_291 : memref<8x128xi32, #tpu.memory_space<hbm>>) target(%arg8 : memref<8x128xi32, #tpu.memory_space<vmem>>) target_semaphore(%run_scoped3A_287 : memref<!tpu.dma_semaphore, #tpu.memory_space<semaphore_mem>>)
        %dma_wait3A_292 = arith.constant 0 : i32
        %dma_wait3A_293 = tpu.memref_slice %arg4[%add3A, %dma_wait3A_292] : memref<25600x128xi32, #tpu.memory_space<hbm>> -> memref<8x128xi32, #tpu.memory_space<hbm>>
        %dma_wait3A_294 = arith.constant 0 : i32
        %dma_wait3A_295 = tpu.memref_slice %arg4[%add3A, %dma_wait3A_294] : memref<25600x128xi32, #tpu.memory_space<hbm>> -> memref<8x128xi32, #tpu.memory_space<hbm>>
        tpu.wait_dma2 semaphore(%run_scoped3A_287 : memref<!tpu.dma_semaphore, #tpu.memory_space<semaphore_mem>>) src(%dma_wait3A_295 : memref<8x128xi32, #tpu.memory_space<hbm>>) dst(%arg8 : memref<8x128xi32, #tpu.memory_space<vmem>>)
        tpu.yield
      }) : () -> ()
      %dma_start3A = arith.constant 0 : i32
      %dma_start3A_18 = arith.constant 0 : i32
      %dma_start3A_19 = arith.constant 0 : i32
      %dma_start3A_20 = arith.constant 0 : i32
      %dma_start3A_21 = tpu.memref_slice %arg9[%dma_start3A_18, %dma_start3A_19, %dma_start3A_20] : memref<8x128x16xf32, #tpu.memory_space<vmem>> -> memref<1x128x16xf32, #tpu.memory_space<vmem>>
      %dma_start3A_22 = tpu.memref_squeeze %dma_start3A_21 : memref<1x128x16xf32, #tpu.memory_space<vmem>> -> memref<128x16xf32, #tpu.memory_space<vmem>>
      %dma_start3A_23 = arith.constant 0 : i32
      %dma_start3A_24 = tpu.memref_slice %arg7[%dma_start3A, %dma_start3A_23] : memref<8x128xi32, #tpu.memory_space<vmem>> -> memref<1x128xi32, #tpu.memory_space<vmem>>
      %dma_start3A_25 = tpu.memref_squeeze %dma_start3A_24 : memref<1x128xi32, #tpu.memory_space<vmem>> -> memref<128xi32, #tpu.memory_space<vmem>>
      %dma_start3A_26 = arith.constant 0 : i32
      %dma_start3A_27 = arith.constant 0 : i32
      %dma_start3A_28 = tpu.memref_slice %arg2[%arg0, %dma_start3A_26, %dma_start3A_27] : memref<2x102400x16xf32, #tpu.memory_space<hbm>> -> memref<1x102400x16xf32, #tpu.memory_space<hbm>>
      %dma_start3A_29 = tpu.memref_squeeze %dma_start3A_28 : memref<1x102400x16xf32, #tpu.memory_space<hbm>> -> memref<102400x16xf32, #tpu.memory_space<hbm>>
      %dma_start3A_30 = arith.constant 0 : i32
      %dma_start3A_31 = arith.constant 0 : i32
      %dma_start3A_32 = tpu.memref_slice %dma_start3A_29[%dma_start3A_30, %dma_start3A_31] : memref<102400x16xf32, #tpu.memory_space<hbm>> -> memref<102400x16xf32, #tpu.memory_space<hbm>>
      tpu.enqueue_indirect_dma source(%dma_start3A_32 : memref<102400x16xf32, #tpu.memory_space<hbm>>) target(%dma_start3A_22 : memref<128x16xf32, #tpu.memory_space<vmem>>) offsets(%dma_start3A_25 : memref<128xi32, #tpu.memory_space<vmem>>) semaphore(%arg10 : memref<!tpu.dma_semaphore, #tpu.memory_space<semaphore_mem>>)
      %dma_start3A_33 = arith.constant 1 : i32
      %dma_start3A_34 = arith.constant 1 : i32
      %dma_start3A_35 = arith.constant 0 : i32
      %dma_start3A_36 = arith.constant 0 : i32
      %dma_start3A_37 = tpu.memref_slice %arg9[%dma_start3A_34, %dma_start3A_35, %dma_start3A_36] : memref<8x128x16xf32, #tpu.memory_space<vmem>> -> memref<1x128x16xf32, #tpu.memory_space<vmem>>
      %dma_start3A_38 = tpu.memref_squeeze %dma_start3A_37 : memref<1x128x16xf32, #tpu.memory_space<vmem>> -> memref<128x16xf32, #tpu.memory_space<vmem>>
      %dma_start3A_39 = arith.constant 0 : i32
      %dma_start3A_40 = tpu.memref_slice %arg7[%dma_start3A_33, %dma_start3A_39] : memref<8x128xi32, #tpu.memory_space<vmem>> -> memref<1x128xi32, #tpu.memory_space<vmem>>
      %dma_start3A_41 = tpu.memref_squeeze %dma_start3A_40 : memref<1x128xi32, #tpu.memory_space<vmem>> -> memref<128xi32, #tpu.memory_space<vmem>>
      %dma_start3A_42 = arith.constant 0 : i32
      %dma_start3A_43 = arith.constant 0 : i32
      %dma_start3A_44 = tpu.memref_slice %arg2[%arg0, %dma_start3A_42, %dma_start3A_43] : memref<2x102400x16xf32, #tpu.memory_space<hbm>> -> memref<1x102400x16xf32, #tpu.memory_space<hbm>>
      %dma_start3A_45 = tpu.memref_squeeze %dma_start3A_44 : memref<1x102400x16xf32, #tpu.memory_space<hbm>> -> memref<102400x16xf32, #tpu.memory_space<hbm>>
      %dma_start3A_46 = arith.constant 0 : i32
      %dma_start3A_47 = arith.constant 0 : i32
      %dma_start3A_48 = tpu.memref_slice %dma_start3A_45[%dma_start3A_46, %dma_start3A_47] : memref<102400x16xf32, #tpu.memory_space<hbm>> -> memref<102400x16xf32, #tpu.memory_space<hbm>>
      tpu.enqueue_indirect_dma source(%dma_start3A_48 : memref<102400x16xf32, #tpu.memory_space<hbm>>) target(%dma_start3A_38 : memref<128x16xf32, #tpu.memory_space<vmem>>) offsets(%dma_start3A_41 : memref<128xi32, #tpu.memory_space<vmem>>) semaphore(%arg10 : memref<!tpu.dma_semaphore, #tpu.memory_space<semaphore_mem>>)
      %dma_start3A_49 = arith.constant 2 : i32
      %dma_start3A_50 = arith.constant 2 : i32
      %dma_start3A_51 = arith.constant 0 : i32
      %dma_start3A_52 = arith.constant 0 : i32
      %dma_start3A_53 = tpu.memref_slice %arg9[%dma_start3A_50, %dma_start3A_51, %dma_start3A_52] : memref<8x128x16xf32, #tpu.memory_space<vmem>> -> memref<1x128x16xf32, #tpu.memory_space<vmem>>
      %dma_start3A_54 = tpu.memref_squeeze %dma_start3A_53 : memref<1x128x16xf32, #tpu.memory_space<vmem>> -> memref<128x16xf32, #tpu.memory_space<vmem>>
      %dma_start3A_55 = arith.constant 0 : i32
      %dma_start3A_56 = tpu.memref_slice %arg7[%dma_start3A_49, %dma_start3A_55] : memref<8x128xi32, #tpu.memory_space<vmem>> -> memref<1x128xi32, #tpu.memory_space<vmem>>
      %dma_start3A_57 = tpu.memref_squeeze %dma_start3A_56 : memref<1x128xi32, #tpu.memory_space<vmem>> -> memref<128xi32, #tpu.memory_space<vmem>>
      %dma_start3A_58 = arith.constant 0 : i32
      %dma_start3A_59 = arith.constant 0 : i32
      %dma_start3A_60 = tpu.memref_slice %arg2[%arg0, %dma_start3A_58, %dma_start3A_59] : memref<2x102400x16xf32, #tpu.memory_space<hbm>> -> memref<1x102400x16xf32, #tpu.memory_space<hbm>>
      %dma_start3A_61 = tpu.memref_squeeze %dma_start3A_60 : memref<1x102400x16xf32, #tpu.memory_space<hbm>> -> memref<102400x16xf32, #tpu.memory_space<hbm>>
      %dma_start3A_62 = arith.constant 0 : i32
      %dma_start3A_63 = arith.constant 0 : i32
      %dma_start3A_64 = tpu.memref_slice %dma_start3A_61[%dma_start3A_62, %dma_start3A_63] : memref<102400x16xf32, #tpu.memory_space<hbm>> -> memref<102400x16xf32, #tpu.memory_space<hbm>>
      tpu.enqueue_indirect_dma source(%dma_start3A_64 : memref<102400x16xf32, #tpu.memory_space<hbm>>) target(%dma_start3A_54 : memref<128x16xf32, #tpu.memory_space<vmem>>) offsets(%dma_start3A_57 : memref<128xi32, #tpu.memory_space<vmem>>) semaphore(%arg10 : memref<!tpu.dma_semaphore, #tpu.memory_space<semaphore_mem>>)
      %dma_start3A_65 = arith.constant 3 : i32
      %dma_start3A_66 = arith.constant 3 : i32
      %dma_start3A_67 = arith.constant 0 : i32
      %dma_start3A_68 = arith.constant 0 : i32
      %dma_start3A_69 = tpu.memref_slice %arg9[%dma_start3A_66, %dma_start3A_67, %dma_start3A_68] : memref<8x128x16xf32, #tpu.memory_space<vmem>> -> memref<1x128x16xf32, #tpu.memory_space<vmem>>
      %dma_start3A_70 = tpu.memref_squeeze %dma_start3A_69 : memref<1x128x16xf32, #tpu.memory_space<vmem>> -> memref<128x16xf32, #tpu.memory_space<vmem>>
      %dma_start3A_71 = arith.constant 0 : i32
      %dma_start3A_72 = tpu.memref_slice %arg7[%dma_start3A_65, %dma_start3A_71] : memref<8x128xi32, #tpu.memory_space<vmem>> -> memref<1x128xi32, #tpu.memory_space<vmem>>
      %dma_start3A_73 = tpu.memref_squeeze %dma_start3A_72 : memref<1x128xi32, #tpu.memory_space<vmem>> -> memref<128xi32, #tpu.memory_space<vmem>>
      %dma_start3A_74 = arith.constant 0 : i32
      %dma_start3A_75 = arith.constant 0 : i32
      %dma_start3A_76 = tpu.memref_slice %arg2[%arg0, %dma_start3A_74, %dma_start3A_75] : memref<2x102400x16xf32, #tpu.memory_space<hbm>> -> memref<1x102400x16xf32, #tpu.memory_space<hbm>>
      %dma_start3A_77 = tpu.memref_squeeze %dma_start3A_76 : memref<1x102400x16xf32, #tpu.memory_space<hbm>> -> memref<102400x16xf32, #tpu.memory_space<hbm>>
      %dma_start3A_78 = arith.constant 0 : i32
      %dma_start3A_79 = arith.constant 0 : i32
      %dma_start3A_80 = tpu.memref_slice %dma_start3A_77[%dma_start3A_78, %dma_start3A_79] : memref<102400x16xf32, #tpu.memory_space<hbm>> -> memref<102400x16xf32, #tpu.memory_space<hbm>>
      tpu.enqueue_indirect_dma source(%dma_start3A_80 : memref<102400x16xf32, #tpu.memory_space<hbm>>) target(%dma_start3A_70 : memref<128x16xf32, #tpu.memory_space<vmem>>) offsets(%dma_start3A_73 : memref<128xi32, #tpu.memory_space<vmem>>) semaphore(%arg10 : memref<!tpu.dma_semaphore, #tpu.memory_space<semaphore_mem>>)
      %dma_start3A_81 = arith.constant 4 : i32
      %dma_start3A_82 = arith.constant 4 : i32
      %dma_start3A_83 = arith.constant 0 : i32
      %dma_start3A_84 = arith.constant 0 : i32
      %dma_start3A_85 = tpu.memref_slice %arg9[%dma_start3A_82, %dma_start3A_83, %dma_start3A_84] : memref<8x128x16xf32, #tpu.memory_space<vmem>> -> memref<1x128x16xf32, #tpu.memory_space<vmem>>
      %dma_start3A_86 = tpu.memref_squeeze %dma_start3A_85 : memref<1x128x16xf32, #tpu.memory_space<vmem>> -> memref<128x16xf32, #tpu.memory_space<vmem>>
      %dma_start3A_87 = arith.constant 0 : i32
      %dma_start3A_88 = tpu.memref_slice %arg7[%dma_start3A_81, %dma_start3A_87] : memref<8x128xi32, #tpu.memory_space<vmem>> -> memref<1x128xi32, #tpu.memory_space<vmem>>
      %dma_start3A_89 = tpu.memref_squeeze %dma_start3A_88 : memref<1x128xi32, #tpu.memory_space<vmem>> -> memref<128xi32, #tpu.memory_space<vmem>>
      %dma_start3A_90 = arith.constant 0 : i32
      %dma_start3A_91 = arith.constant 0 : i32
      %dma_start3A_92 = tpu.memref_slice %arg2[%arg0, %dma_start3A_90, %dma_start3A_91] : memref<2x102400x16xf32, #tpu.memory_space<hbm>> -> memref<1x102400x16xf32, #tpu.memory_space<hbm>>
      %dma_start3A_93 = tpu.memref_squeeze %dma_start3A_92 : memref<1x102400x16xf32, #tpu.memory_space<hbm>> -> memref<102400x16xf32, #tpu.memory_space<hbm>>
      %dma_start3A_94 = arith.constant 0 : i32
      %dma_start3A_95 = arith.constant 0 : i32
      %dma_start3A_96 = tpu.memref_slice %dma_start3A_93[%dma_start3A_94, %dma_start3A_95] : memref<102400x16xf32, #tpu.memory_space<hbm>> -> memref<102400x16xf32, #tpu.memory_space<hbm>>
      tpu.enqueue_indirect_dma source(%dma_start3A_96 : memref<102400x16xf32, #tpu.memory_space<hbm>>) target(%dma_start3A_86 : memref<128x16xf32, #tpu.memory_space<vmem>>) offsets(%dma_start3A_89 : memref<128xi32, #tpu.memory_space<vmem>>) semaphore(%arg10 : memref<!tpu.dma_semaphore, #tpu.memory_space<semaphore_mem>>)
      %dma_start3A_97 = arith.constant 5 : i32
      %dma_start3A_98 = arith.constant 5 : i32
      %dma_start3A_99 = arith.constant 0 : i32
      %dma_start3A_100 = arith.constant 0 : i32
      %dma_start3A_101 = tpu.memref_slice %arg9[%dma_start3A_98, %dma_start3A_99, %dma_start3A_100] : memref<8x128x16xf32, #tpu.memory_space<vmem>> -> memref<1x128x16xf32, #tpu.memory_space<vmem>>
      %dma_start3A_102 = tpu.memref_squeeze %dma_start3A_101 : memref<1x128x16xf32, #tpu.memory_space<vmem>> -> memref<128x16xf32, #tpu.memory_space<vmem>>
      %dma_start3A_103 = arith.constant 0 : i32
      %dma_start3A_104 = tpu.memref_slice %arg7[%dma_start3A_97, %dma_start3A_103] : memref<8x128xi32, #tpu.memory_space<vmem>> -> memref<1x128xi32, #tpu.memory_space<vmem>>
      %dma_start3A_105 = tpu.memref_squeeze %dma_start3A_104 : memref<1x128xi32, #tpu.memory_space<vmem>> -> memref<128xi32, #tpu.memory_space<vmem>>
      %dma_start3A_106 = arith.constant 0 : i32
      %dma_start3A_107 = arith.constant 0 : i32
      %dma_start3A_108 = tpu.memref_slice %arg2[%arg0, %dma_start3A_106, %dma_start3A_107] : memref<2x102400x16xf32, #tpu.memory_space<hbm>> -> memref<1x102400x16xf32, #tpu.memory_space<hbm>>
      %dma_start3A_109 = tpu.memref_squeeze %dma_start3A_108 : memref<1x102400x16xf32, #tpu.memory_space<hbm>> -> memref<102400x16xf32, #tpu.memory_space<hbm>>
      %dma_start3A_110 = arith.constant 0 : i32
      %dma_start3A_111 = arith.constant 0 : i32
      %dma_start3A_112 = tpu.memref_slice %dma_start3A_109[%dma_start3A_110, %dma_start3A_111] : memref<102400x16xf32, #tpu.memory_space<hbm>> -> memref<102400x16xf32, #tpu.memory_space<hbm>>
      tpu.enqueue_indirect_dma source(%dma_start3A_112 : memref<102400x16xf32, #tpu.memory_space<hbm>>) target(%dma_start3A_102 : memref<128x16xf32, #tpu.memory_space<vmem>>) offsets(%dma_start3A_105 : memref<128xi32, #tpu.memory_space<vmem>>) semaphore(%arg10 : memref<!tpu.dma_semaphore, #tpu.memory_space<semaphore_mem>>)
      %dma_start3A_113 = arith.constant 6 : i32
      %dma_start3A_114 = arith.constant 6 : i32
      %dma_start3A_115 = arith.constant 0 : i32
      %dma_start3A_116 = arith.constant 0 : i32
      %dma_start3A_117 = tpu.memref_slice %arg9[%dma_start3A_114, %dma_start3A_115, %dma_start3A_116] : memref<8x128x16xf32, #tpu.memory_space<vmem>> -> memref<1x128x16xf32, #tpu.memory_space<vmem>>
      %dma_start3A_118 = tpu.memref_squeeze %dma_start3A_117 : memref<1x128x16xf32, #tpu.memory_space<vmem>> -> memref<128x16xf32, #tpu.memory_space<vmem>>
      %dma_start3A_119 = arith.constant 0 : i32
      %dma_start3A_120 = tpu.memref_slice %arg7[%dma_start3A_113, %dma_start3A_119] : memref<8x128xi32, #tpu.memory_space<vmem>> -> memref<1x128xi32, #tpu.memory_space<vmem>>
      %dma_start3A_121 = tpu.memref_squeeze %dma_start3A_120 : memref<1x128xi32, #tpu.memory_space<vmem>> -> memref<128xi32, #tpu.memory_space<vmem>>
      %dma_start3A_122 = arith.constant 0 : i32
      %dma_start3A_123 = arith.constant 0 : i32
      %dma_start3A_124 = tpu.memref_slice %arg2[%arg0, %dma_start3A_122, %dma_start3A_123] : memref<2x102400x16xf32, #tpu.memory_space<hbm>> -> memref<1x102400x16xf32, #tpu.memory_space<hbm>>
      %dma_start3A_125 = tpu.memref_squeeze %dma_start3A_124 : memref<1x102400x16xf32, #tpu.memory_space<hbm>> -> memref<102400x16xf32, #tpu.memory_space<hbm>>
      %dma_start3A_126 = arith.constant 0 : i32
      %dma_start3A_127 = arith.constant 0 : i32
      %dma_start3A_128 = tpu.memref_slice %dma_start3A_125[%dma_start3A_126, %dma_start3A_127] : memref<102400x16xf32, #tpu.memory_space<hbm>> -> memref<102400x16xf32, #tpu.memory_space<hbm>>
      tpu.enqueue_indirect_dma source(%dma_start3A_128 : memref<102400x16xf32, #tpu.memory_space<hbm>>) target(%dma_start3A_118 : memref<128x16xf32, #tpu.memory_space<vmem>>) offsets(%dma_start3A_121 : memref<128xi32, #tpu.memory_space<vmem>>) semaphore(%arg10 : memref<!tpu.dma_semaphore, #tpu.memory_space<semaphore_mem>>)
      %dma_start3A_129 = arith.constant 7 : i32
      %dma_start3A_130 = arith.constant 7 : i32
      %dma_start3A_131 = arith.constant 0 : i32
      %dma_start3A_132 = arith.constant 0 : i32
      %dma_start3A_133 = tpu.memref_slice %arg9[%dma_start3A_130, %dma_start3A_131, %dma_start3A_132] : memref<8x128x16xf32, #tpu.memory_space<vmem>> -> memref<1x128x16xf32, #tpu.memory_space<vmem>>
      %dma_start3A_134 = tpu.memref_squeeze %dma_start3A_133 : memref<1x128x16xf32, #tpu.memory_space<vmem>> -> memref<128x16xf32, #tpu.memory_space<vmem>>
      %dma_start3A_135 = arith.constant 0 : i32
      %dma_start3A_136 = tpu.memref_slice %arg7[%dma_start3A_129, %dma_start3A_135] : memref<8x128xi32, #tpu.memory_space<vmem>> -> memref<1x128xi32, #tpu.memory_space<vmem>>
      %dma_start3A_137 = tpu.memref_squeeze %dma_start3A_136 : memref<1x128xi32, #tpu.memory_space<vmem>> -> memref<128xi32, #tpu.memory_space<vmem>>
      %dma_start3A_138 = arith.constant 0 : i32
      %dma_start3A_139 = arith.constant 0 : i32
      %dma_start3A_140 = tpu.memref_slice %arg2[%arg0, %dma_start3A_138, %dma_start3A_139] : memref<2x102400x16xf32, #tpu.memory_space<hbm>> -> memref<1x102400x16xf32, #tpu.memory_space<hbm>>
      %dma_start3A_141 = tpu.memref_squeeze %dma_start3A_140 : memref<1x102400x16xf32, #tpu.memory_space<hbm>> -> memref<102400x16xf32, #tpu.memory_space<hbm>>
      %dma_start3A_142 = arith.constant 0 : i32
      %dma_start3A_143 = arith.constant 0 : i32
      %dma_start3A_144 = tpu.memref_slice %dma_start3A_141[%dma_start3A_142, %dma_start3A_143] : memref<102400x16xf32, #tpu.memory_space<hbm>> -> memref<102400x16xf32, #tpu.memory_space<hbm>>
      tpu.enqueue_indirect_dma source(%dma_start3A_144 : memref<102400x16xf32, #tpu.memory_space<hbm>>) target(%dma_start3A_134 : memref<128x16xf32, #tpu.memory_space<vmem>>) offsets(%dma_start3A_137 : memref<128xi32, #tpu.memory_space<vmem>>) semaphore(%arg10 : memref<!tpu.dma_semaphore, #tpu.memory_space<semaphore_mem>>)
      %dma_wait3A = arith.constant 0 : i32
      %dma_wait3A_145 = arith.constant 0 : i32
      %dma_wait3A_146 = arith.constant 0 : i32
      %dma_wait3A_147 = arith.constant 0 : i32
      %dma_wait3A_148 = tpu.memref_slice %arg9[%dma_wait3A_145, %dma_wait3A_146, %dma_wait3A_147] : memref<8x128x16xf32, #tpu.memory_space<vmem>> -> memref<1x128x16xf32, #tpu.memory_space<vmem>>
      %dma_wait3A_149 = tpu.memref_squeeze %dma_wait3A_148 : memref<1x128x16xf32, #tpu.memory_space<vmem>> -> memref<128x16xf32, #tpu.memory_space<vmem>>
      %dma_wait3A_150 = arith.constant 0 : i32
      %dma_wait3A_151 = tpu.memref_slice %arg7[%dma_wait3A, %dma_wait3A_150] : memref<8x128xi32, #tpu.memory_space<vmem>> -> memref<1x128xi32, #tpu.memory_space<vmem>>
      %dma_wait3A_152 = tpu.memref_squeeze %dma_wait3A_151 : memref<1x128xi32, #tpu.memory_space<vmem>> -> memref<128xi32, #tpu.memory_space<vmem>>
      %dma_wait3A_153 = arith.constant 0 : i32
      %dma_wait3A_154 = arith.constant 0 : i32
      %dma_wait3A_155 = tpu.memref_slice %arg2[%arg0, %dma_wait3A_153, %dma_wait3A_154] : memref<2x102400x16xf32, #tpu.memory_space<hbm>> -> memref<1x102400x16xf32, #tpu.memory_space<hbm>>
      %dma_wait3A_156 = tpu.memref_squeeze %dma_wait3A_155 : memref<1x102400x16xf32, #tpu.memory_space<hbm>> -> memref<102400x16xf32, #tpu.memory_space<hbm>>
      %dma_wait3A_157 = arith.constant 0 : i32
      %dma_wait3A_158 = arith.constant 0 : i32
      %dma_wait3A_159 = tpu.memref_slice %dma_wait3A_156[%dma_wait3A_157, %dma_wait3A_158] : memref<102400x16xf32, #tpu.memory_space<hbm>> -> memref<102400x16xf32, #tpu.memory_space<hbm>>
      tpu.wait_indirect_dma semaphore(%arg10 : memref<!tpu.dma_semaphore, #tpu.memory_space<semaphore_mem>>) src(%dma_wait3A_159 : memref<102400x16xf32, #tpu.memory_space<hbm>>) dst(%dma_wait3A_149 : memref<128x16xf32, #tpu.memory_space<vmem>>)
      %dma_wait3A_160 = arith.constant 1 : i32
      %dma_wait3A_161 = arith.constant 1 : i32
      %dma_wait3A_162 = arith.constant 0 : i32
      %dma_wait3A_163 = arith.constant 0 : i32
      %dma_wait3A_164 = tpu.memref_slice %arg9[%dma_wait3A_161, %dma_wait3A_162, %dma_wait3A_163] : memref<8x128x16xf32, #tpu.memory_space<vmem>> -> memref<1x128x16xf32, #tpu.memory_space<vmem>>
      %dma_wait3A_165 = tpu.memref_squeeze %dma_wait3A_164 : memref<1x128x16xf32, #tpu.memory_space<vmem>> -> memref<128x16xf32, #tpu.memory_space<vmem>>
      %dma_wait3A_166 = arith.constant 0 : i32
      %dma_wait3A_167 = tpu.memref_slice %arg7[%dma_wait3A_160, %dma_wait3A_166] : memref<8x128xi32, #tpu.memory_space<vmem>> -> memref<1x128xi32, #tpu.memory_space<vmem>>
      %dma_wait3A_168 = tpu.memref_squeeze %dma_wait3A_167 : memref<1x128xi32, #tpu.memory_space<vmem>> -> memref<128xi32, #tpu.memory_space<vmem>>
      %dma_wait3A_169 = arith.constant 0 : i32
      %dma_wait3A_170 = arith.constant 0 : i32
      %dma_wait3A_171 = tpu.memref_slice %arg2[%arg0, %dma_wait3A_169, %dma_wait3A_170] : memref<2x102400x16xf32, #tpu.memory_space<hbm>> -> memref<1x102400x16xf32, #tpu.memory_space<hbm>>
      %dma_wait3A_172 = tpu.memref_squeeze %dma_wait3A_171 : memref<1x102400x16xf32, #tpu.memory_space<hbm>> -> memref<102400x16xf32, #tpu.memory_space<hbm>>
      %dma_wait3A_173 = arith.constant 0 : i32
      %dma_wait3A_174 = arith.constant 0 : i32
      %dma_wait3A_175 = tpu.memref_slice %dma_wait3A_172[%dma_wait3A_173, %dma_wait3A_174] : memref<102400x16xf32, #tpu.memory_space<hbm>> -> memref<102400x16xf32, #tpu.memory_space<hbm>>
      tpu.wait_indirect_dma semaphore(%arg10 : memref<!tpu.dma_semaphore, #tpu.memory_space<semaphore_mem>>) src(%dma_wait3A_175 : memref<102400x16xf32, #tpu.memory_space<hbm>>) dst(%dma_wait3A_165 : memref<128x16xf32, #tpu.memory_space<vmem>>)
      %dma_wait3A_176 = arith.constant 2 : i32
      %dma_wait3A_177 = arith.constant 2 : i32
      %dma_wait3A_178 = arith.constant 0 : i32
      %dma_wait3A_179 = arith.constant 0 : i32
      %dma_wait3A_180 = tpu.memref_slice %arg9[%dma_wait3A_177, %dma_wait3A_178, %dma_wait3A_179] : memref<8x128x16xf32, #tpu.memory_space<vmem>> -> memref<1x128x16xf32, #tpu.memory_space<vmem>>
      %dma_wait3A_181 = tpu.memref_squeeze %dma_wait3A_180 : memref<1x128x16xf32, #tpu.memory_space<vmem>> -> memref<128x16xf32, #tpu.memory_space<vmem>>
      %dma_wait3A_182 = arith.constant 0 : i32
      %dma_wait3A_183 = tpu.memref_slice %arg7[%dma_wait3A_176, %dma_wait3A_182] : memref<8x128xi32, #tpu.memory_space<vmem>> -> memref<1x128xi32, #tpu.memory_space<vmem>>
      %dma_wait3A_184 = tpu.memref_squeeze %dma_wait3A_183 : memref<1x128xi32, #tpu.memory_space<vmem>> -> memref<128xi32, #tpu.memory_space<vmem>>
      %dma_wait3A_185 = arith.constant 0 : i32
      %dma_wait3A_186 = arith.constant 0 : i32
      %dma_wait3A_187 = tpu.memref_slice %arg2[%arg0, %dma_wait3A_185, %dma_wait3A_186] : memref<2x102400x16xf32, #tpu.memory_space<hbm>> -> memref<1x102400x16xf32, #tpu.memory_space<hbm>>
      %dma_wait3A_188 = tpu.memref_squeeze %dma_wait3A_187 : memref<1x102400x16xf32, #tpu.memory_space<hbm>> -> memref<102400x16xf32, #tpu.memory_space<hbm>>
      %dma_wait3A_189 = arith.constant 0 : i32
      %dma_wait3A_190 = arith.constant 0 : i32
      %dma_wait3A_191 = tpu.memref_slice %dma_wait3A_188[%dma_wait3A_189, %dma_wait3A_190] : memref<102400x16xf32, #tpu.memory_space<hbm>> -> memref<102400x16xf32, #tpu.memory_space<hbm>>
      tpu.wait_indirect_dma semaphore(%arg10 : memref<!tpu.dma_semaphore, #tpu.memory_space<semaphore_mem>>) src(%dma_wait3A_191 : memref<102400x16xf32, #tpu.memory_space<hbm>>) dst(%dma_wait3A_181 : memref<128x16xf32, #tpu.memory_space<vmem>>)
      %dma_wait3A_192 = arith.constant 3 : i32
      %dma_wait3A_193 = arith.constant 3 : i32
      %dma_wait3A_194 = arith.constant 0 : i32
      %dma_wait3A_195 = arith.constant 0 : i32
      %dma_wait3A_196 = tpu.memref_slice %arg9[%dma_wait3A_193, %dma_wait3A_194, %dma_wait3A_195] : memref<8x128x16xf32, #tpu.memory_space<vmem>> -> memref<1x128x16xf32, #tpu.memory_space<vmem>>
      %dma_wait3A_197 = tpu.memref_squeeze %dma_wait3A_196 : memref<1x128x16xf32, #tpu.memory_space<vmem>> -> memref<128x16xf32, #tpu.memory_space<vmem>>
      %dma_wait3A_198 = arith.constant 0 : i32
      %dma_wait3A_199 = tpu.memref_slice %arg7[%dma_wait3A_192, %dma_wait3A_198] : memref<8x128xi32, #tpu.memory_space<vmem>> -> memref<1x128xi32, #tpu.memory_space<vmem>>
      %dma_wait3A_200 = tpu.memref_squeeze %dma_wait3A_199 : memref<1x128xi32, #tpu.memory_space<vmem>> -> memref<128xi32, #tpu.memory_space<vmem>>
      %dma_wait3A_201 = arith.constant 0 : i32
      %dma_wait3A_202 = arith.constant 0 : i32
      %dma_wait3A_203 = tpu.memref_slice %arg2[%arg0, %dma_wait3A_201, %dma_wait3A_202] : memref<2x102400x16xf32, #tpu.memory_space<hbm>> -> memref<1x102400x16xf32, #tpu.memory_space<hbm>>
      %dma_wait3A_204 = tpu.memref_squeeze %dma_wait3A_203 : memref<1x102400x16xf32, #tpu.memory_space<hbm>> -> memref<102400x16xf32, #tpu.memory_space<hbm>>
      %dma_wait3A_205 = arith.constant 0 : i32
      %dma_wait3A_206 = arith.constant 0 : i32
      %dma_wait3A_207 = tpu.memref_slice %dma_wait3A_204[%dma_wait3A_205, %dma_wait3A_206] : memref<102400x16xf32, #tpu.memory_space<hbm>> -> memref<102400x16xf32, #tpu.memory_space<hbm>>
      tpu.wait_indirect_dma semaphore(%arg10 : memref<!tpu.dma_semaphore, #tpu.memory_space<semaphore_mem>>) src(%dma_wait3A_207 : memref<102400x16xf32, #tpu.memory_space<hbm>>) dst(%dma_wait3A_197 : memref<128x16xf32, #tpu.memory_space<vmem>>)
      %dma_wait3A_208 = arith.constant 4 : i32
      %dma_wait3A_209 = arith.constant 4 : i32
      %dma_wait3A_210 = arith.constant 0 : i32
      %dma_wait3A_211 = arith.constant 0 : i32
      %dma_wait3A_212 = tpu.memref_slice %arg9[%dma_wait3A_209, %dma_wait3A_210, %dma_wait3A_211] : memref<8x128x16xf32, #tpu.memory_space<vmem>> -> memref<1x128x16xf32, #tpu.memory_space<vmem>>
      %dma_wait3A_213 = tpu.memref_squeeze %dma_wait3A_212 : memref<1x128x16xf32, #tpu.memory_space<vmem>> -> memref<128x16xf32, #tpu.memory_space<vmem>>
      %dma_wait3A_214 = arith.constant 0 : i32
      %dma_wait3A_215 = tpu.memref_slice %arg7[%dma_wait3A_208, %dma_wait3A_214] : memref<8x128xi32, #tpu.memory_space<vmem>> -> memref<1x128xi32, #tpu.memory_space<vmem>>
      %dma_wait3A_216 = tpu.memref_squeeze %dma_wait3A_215 : memref<1x128xi32, #tpu.memory_space<vmem>> -> memref<128xi32, #tpu.memory_space<vmem>>
      %dma_wait3A_217 = arith.constant 0 : i32
      %dma_wait3A_218 = arith.constant 0 : i32
      %dma_wait3A_219 = tpu.memref_slice %arg2[%arg0, %dma_wait3A_217, %dma_wait3A_218] : memref<2x102400x16xf32, #tpu.memory_space<hbm>> -> memref<1x102400x16xf32, #tpu.memory_space<hbm>>
      %dma_wait3A_220 = tpu.memref_squeeze %dma_wait3A_219 : memref<1x102400x16xf32, #tpu.memory_space<hbm>> -> memref<102400x16xf32, #tpu.memory_space<hbm>>
      %dma_wait3A_221 = arith.constant 0 : i32
      %dma_wait3A_222 = arith.constant 0 : i32
      %dma_wait3A_223 = tpu.memref_slice %dma_wait3A_220[%dma_wait3A_221, %dma_wait3A_222] : memref<102400x16xf32, #tpu.memory_space<hbm>> -> memref<102400x16xf32, #tpu.memory_space<hbm>>
      tpu.wait_indirect_dma semaphore(%arg10 : memref<!tpu.dma_semaphore, #tpu.memory_space<semaphore_mem>>) src(%dma_wait3A_223 : memref<102400x16xf32, #tpu.memory_space<hbm>>) dst(%dma_wait3A_213 : memref<128x16xf32, #tpu.memory_space<vmem>>)
      %dma_wait3A_224 = arith.constant 5 : i32
      %dma_wait3A_225 = arith.constant 5 : i32
      %dma_wait3A_226 = arith.constant 0 : i32
      %dma_wait3A_227 = arith.constant 0 : i32
      %dma_wait3A_228 = tpu.memref_slice %arg9[%dma_wait3A_225, %dma_wait3A_226, %dma_wait3A_227] : memref<8x128x16xf32, #tpu.memory_space<vmem>> -> memref<1x128x16xf32, #tpu.memory_space<vmem>>
      %dma_wait3A_229 = tpu.memref_squeeze %dma_wait3A_228 : memref<1x128x16xf32, #tpu.memory_space<vmem>> -> memref<128x16xf32, #tpu.memory_space<vmem>>
      %dma_wait3A_230 = arith.constant 0 : i32
      %dma_wait3A_231 = tpu.memref_slice %arg7[%dma_wait3A_224, %dma_wait3A_230] : memref<8x128xi32, #tpu.memory_space<vmem>> -> memref<1x128xi32, #tpu.memory_space<vmem>>
      %dma_wait3A_232 = tpu.memref_squeeze %dma_wait3A_231 : memref<1x128xi32, #tpu.memory_space<vmem>> -> memref<128xi32, #tpu.memory_space<vmem>>
      %dma_wait3A_233 = arith.constant 0 : i32
      %dma_wait3A_234 = arith.constant 0 : i32
      %dma_wait3A_235 = tpu.memref_slice %arg2[%arg0, %dma_wait3A_233, %dma_wait3A_234] : memref<2x102400x16xf32, #tpu.memory_space<hbm>> -> memref<1x102400x16xf32, #tpu.memory_space<hbm>>
      %dma_wait3A_236 = tpu.memref_squeeze %dma_wait3A_235 : memref<1x102400x16xf32, #tpu.memory_space<hbm>> -> memref<102400x16xf32, #tpu.memory_space<hbm>>
      %dma_wait3A_237 = arith.constant 0 : i32
      %dma_wait3A_238 = arith.constant 0 : i32
      %dma_wait3A_239 = tpu.memref_slice %dma_wait3A_236[%dma_wait3A_237, %dma_wait3A_238] : memref<102400x16xf32, #tpu.memory_space<hbm>> -> memref<102400x16xf32, #tpu.memory_space<hbm>>
      tpu.wait_indirect_dma semaphore(%arg10 : memref<!tpu.dma_semaphore, #tpu.memory_space<semaphore_mem>>) src(%dma_wait3A_239 : memref<102400x16xf32, #tpu.memory_space<hbm>>) dst(%dma_wait3A_229 : memref<128x16xf32, #tpu.memory_space<vmem>>)
      %dma_wait3A_240 = arith.constant 6 : i32
      %dma_wait3A_241 = arith.constant 6 : i32
      %dma_wait3A_242 = arith.constant 0 : i32
      %dma_wait3A_243 = arith.constant 0 : i32
      %dma_wait3A_244 = tpu.memref_slice %arg9[%dma_wait3A_241, %dma_wait3A_242, %dma_wait3A_243] : memref<8x128x16xf32, #tpu.memory_space<vmem>> -> memref<1x128x16xf32, #tpu.memory_space<vmem>>
      %dma_wait3A_245 = tpu.memref_squeeze %dma_wait3A_244 : memref<1x128x16xf32, #tpu.memory_space<vmem>> -> memref<128x16xf32, #tpu.memory_space<vmem>>
      %dma_wait3A_246 = arith.constant 0 : i32
      %dma_wait3A_247 = tpu.memref_slice %arg7[%dma_wait3A_240, %dma_wait3A_246] : memref<8x128xi32, #tpu.memory_space<vmem>> -> memref<1x128xi32, #tpu.memory_space<vmem>>
      %dma_wait3A_248 = tpu.memref_squeeze %dma_wait3A_247 : memref<1x128xi32, #tpu.memory_space<vmem>> -> memref<128xi32, #tpu.memory_space<vmem>>
      %dma_wait3A_249 = arith.constant 0 : i32
      %dma_wait3A_250 = arith.constant 0 : i32
      %dma_wait3A_251 = tpu.memref_slice %arg2[%arg0, %dma_wait3A_249, %dma_wait3A_250] : memref<2x102400x16xf32, #tpu.memory_space<hbm>> -> memref<1x102400x16xf32, #tpu.memory_space<hbm>>
      %dma_wait3A_252 = tpu.memref_squeeze %dma_wait3A_251 : memref<1x102400x16xf32, #tpu.memory_space<hbm>> -> memref<102400x16xf32, #tpu.memory_space<hbm>>
      %dma_wait3A_253 = arith.constant 0 : i32
      %dma_wait3A_254 = arith.constant 0 : i32
      %dma_wait3A_255 = tpu.memref_slice %dma_wait3A_252[%dma_wait3A_253, %dma_wait3A_254] : memref<102400x16xf32, #tpu.memory_space<hbm>> -> memref<102400x16xf32, #tpu.memory_space<hbm>>
      tpu.wait_indirect_dma semaphore(%arg10 : memref<!tpu.dma_semaphore, #tpu.memory_space<semaphore_mem>>) src(%dma_wait3A_255 : memref<102400x16xf32, #tpu.memory_space<hbm>>) dst(%dma_wait3A_245 : memref<128x16xf32, #tpu.memory_space<vmem>>)
      %dma_wait3A_256 = arith.constant 7 : i32
      %dma_wait3A_257 = arith.constant 7 : i32
      %dma_wait3A_258 = arith.constant 0 : i32
      %dma_wait3A_259 = arith.constant 0 : i32
      %dma_wait3A_260 = tpu.memref_slice %arg9[%dma_wait3A_257, %dma_wait3A_258, %dma_wait3A_259] : memref<8x128x16xf32, #tpu.memory_space<vmem>> -> memref<1x128x16xf32, #tpu.memory_space<vmem>>
      %dma_wait3A_261 = tpu.memref_squeeze %dma_wait3A_260 : memref<1x128x16xf32, #tpu.memory_space<vmem>> -> memref<128x16xf32, #tpu.memory_space<vmem>>
      %dma_wait3A_262 = arith.constant 0 : i32
      %dma_wait3A_263 = tpu.memref_slice %arg7[%dma_wait3A_256, %dma_wait3A_262] : memref<8x128xi32, #tpu.memory_space<vmem>> -> memref<1x128xi32, #tpu.memory_space<vmem>>
      %dma_wait3A_264 = tpu.memref_squeeze %dma_wait3A_263 : memref<1x128xi32, #tpu.memory_space<vmem>> -> memref<128xi32, #tpu.memory_space<vmem>>
      %dma_wait3A_265 = arith.constant 0 : i32
      %dma_wait3A_266 = arith.constant 0 : i32
      %dma_wait3A_267 = tpu.memref_slice %arg2[%arg0, %dma_wait3A_265, %dma_wait3A_266] : memref<2x102400x16xf32, #tpu.memory_space<hbm>> -> memref<1x102400x16xf32, #tpu.memory_space<hbm>>
      %dma_wait3A_268 = tpu.memref_squeeze %dma_wait3A_267 : memref<1x102400x16xf32, #tpu.memory_space<hbm>> -> memref<102400x16xf32, #tpu.memory_space<hbm>>
      %dma_wait3A_269 = arith.constant 0 : i32
      %dma_wait3A_270 = arith.constant 0 : i32
      %dma_wait3A_271 = tpu.memref_slice %dma_wait3A_268[%dma_wait3A_269, %dma_wait3A_270] : memref<102400x16xf32, #tpu.memory_space<hbm>> -> memref<102400x16xf32, #tpu.memory_space<hbm>>
      tpu.wait_indirect_dma semaphore(%arg10 : memref<!tpu.dma_semaphore, #tpu.memory_space<semaphore_mem>>) src(%dma_wait3A_271 : memref<102400x16xf32, #tpu.memory_space<hbm>>) dst(%dma_wait3A_261 : memref<128x16xf32, #tpu.memory_space<vmem>>)
      %run_scoped3A = arith.constant 0 : i32
      %run_scoped3A_272 = arith.constant 0 : i32
      "tpu.region"() ({
        %run_scoped3A_287 = tpu.sem_alloc : memref<!tpu.dma_semaphore, #tpu.memory_space<semaphore_mem>>
        %dma_start3A_288 = arith.constant 0 : i32
        %dma_start3A_289 = arith.constant 0 : i32
        %dma_start3A_290 = tpu.memref_slice %arg9[%run_scoped3A, %dma_start3A_288, %dma_start3A_289] : memref<8x128x16xf32, #tpu.memory_space<vmem>> -> memref<1x128x16xf32, #tpu.memory_space<vmem>>
        %dma_start3A_291 = tpu.memref_squeeze %dma_start3A_290 : memref<1x128x16xf32, #tpu.memory_space<vmem>> -> memref<128x16xf32, #tpu.memory_space<vmem>>
        %dma_start3A_292 = arith.constant 0 : i32
        %dma_start3A_293 = tpu.memref_slice %arg8[%run_scoped3A_272, %dma_start3A_292] : memref<8x128xi32, #tpu.memory_space<vmem>> -> memref<1x128xi32, #tpu.memory_space<vmem>>
        %dma_start3A_294 = tpu.memref_squeeze %dma_start3A_293 : memref<1x128xi32, #tpu.memory_space<vmem>> -> memref<128xi32, #tpu.memory_space<vmem>>
        %dma_start3A_295 = arith.constant 0 : i32
        %dma_start3A_296 = arith.constant 0 : i32
        %dma_start3A_297 = tpu.memref_slice %arg6[%dma_start3A_295, %dma_start3A_296] : memref<102400x16xf32, #tpu.memory_space<vmem_shared>> -> memref<102400x16xf32, #tpu.memory_space<vmem_shared>>
        tpu.enqueue_indirect_dma source(%dma_start3A_291 : memref<128x16xf32, #tpu.memory_space<vmem>>) target(%dma_start3A_297 : memref<102400x16xf32, #tpu.memory_space<vmem_shared>>) offsets(%dma_start3A_294 : memref<128xi32, #tpu.memory_space<vmem>>) semaphore(%run_scoped3A_287 : memref<!tpu.dma_semaphore, #tpu.memory_space<semaphore_mem>>) {add = true}
        %dma_wait3A_298 = arith.constant 0 : i32
        %dma_wait3A_299 = arith.constant 0 : i32
        %dma_wait3A_300 = tpu.memref_slice %arg9[%run_scoped3A, %dma_wait3A_298, %dma_wait3A_299] : memref<8x128x16xf32, #tpu.memory_space<vmem>> -> memref<1x128x16xf32, #tpu.memory_space<vmem>>
        %dma_wait3A_301 = tpu.memref_squeeze %dma_wait3A_300 : memref<1x128x16xf32, #tpu.memory_space<vmem>> -> memref<128x16xf32, #tpu.memory_space<vmem>>
        %dma_wait3A_302 = arith.constant 0 : i32
        %dma_wait3A_303 = tpu.memref_slice %arg8[%run_scoped3A_272, %dma_wait3A_302] : memref<8x128xi32, #tpu.memory_space<vmem>> -> memref<1x128xi32, #tpu.memory_space<vmem>>
        %dma_wait3A_304 = tpu.memref_squeeze %dma_wait3A_303 : memref<1x128xi32, #tpu.memory_space<vmem>> -> memref<128xi32, #tpu.memory_space<vmem>>
        %dma_wait3A_305 = arith.constant 0 : i32
        %dma_wait3A_306 = arith.constant 0 : i32
        %dma_wait3A_307 = tpu.memref_slice %arg6[%dma_wait3A_305, %dma_wait3A_306] : memref<102400x16xf32, #tpu.memory_space<vmem_shared>> -> memref<102400x16xf32, #tpu.memory_space<vmem_shared>>
        tpu.wait_indirect_dma semaphore(%run_scoped3A_287 : memref<!tpu.dma_semaphore, #tpu.memory_space<semaphore_mem>>) src(%dma_wait3A_301 : memref<128x16xf32, #tpu.memory_space<vmem>>) dst(%dma_wait3A_307 : memref<102400x16xf32, #tpu.memory_space<vmem_shared>>)
        tpu.yield
      }) : () -> ()
      %run_scoped3A_273 = arith.constant 1 : i32
      %run_scoped3A_274 = arith.constant 1 : i32
      "tpu.region"() ({
        %run_scoped3A_287 = tpu.sem_alloc : memref<!tpu.dma_semaphore, #tpu.memory_space<semaphore_mem>>
        %dma_start3A_288 = arith.constant 0 : i32
        %dma_start3A_289 = arith.constant 0 : i32
        %dma_start3A_290 = tpu.memref_slice %arg9[%run_scoped3A_273, %dma_start3A_288, %dma_start3A_289] : memref<8x128x16xf32, #tpu.memory_space<vmem>> -> memref<1x128x16xf32, #tpu.memory_space<vmem>>
        %dma_start3A_291 = tpu.memref_squeeze %dma_start3A_290 : memref<1x128x16xf32, #tpu.memory_space<vmem>> -> memref<128x16xf32, #tpu.memory_space<vmem>>
        %dma_start3A_292 = arith.constant 0 : i32
        %dma_start3A_293 = tpu.memref_slice %arg8[%run_scoped3A_274, %dma_start3A_292] : memref<8x128xi32, #tpu.memory_space<vmem>> -> memref<1x128xi32, #tpu.memory_space<vmem>>
        %dma_start3A_294 = tpu.memref_squeeze %dma_start3A_293 : memref<1x128xi32, #tpu.memory_space<vmem>> -> memref<128xi32, #tpu.memory_space<vmem>>
        %dma_start3A_295 = arith.constant 0 : i32
        %dma_start3A_296 = arith.constant 0 : i32
        %dma_start3A_297 = tpu.memref_slice %arg6[%dma_start3A_295, %dma_start3A_296] : memref<102400x16xf32, #tpu.memory_space<vmem_shared>> -> memref<102400x16xf32, #tpu.memory_space<vmem_shared>>
        tpu.enqueue_indirect_dma source(%dma_start3A_291 : memref<128x16xf32, #tpu.memory_space<vmem>>) target(%dma_start3A_297 : memref<102400x16xf32, #tpu.memory_space<vmem_shared>>) offsets(%dma_start3A_294 : memref<128xi32, #tpu.memory_space<vmem>>) semaphore(%run_scoped3A_287 : memref<!tpu.dma_semaphore, #tpu.memory_space<semaphore_mem>>) {add = true}
        %dma_wait3A_298 = arith.constant 0 : i32
        %dma_wait3A_299 = arith.constant 0 : i32
        %dma_wait3A_300 = tpu.memref_slice %arg9[%run_scoped3A_273, %dma_wait3A_298, %dma_wait3A_299] : memref<8x128x16xf32, #tpu.memory_space<vmem>> -> memref<1x128x16xf32, #tpu.memory_space<vmem>>
        %dma_wait3A_301 = tpu.memref_squeeze %dma_wait3A_300 : memref<1x128x16xf32, #tpu.memory_space<vmem>> -> memref<128x16xf32, #tpu.memory_space<vmem>>
        %dma_wait3A_302 = arith.constant 0 : i32
        %dma_wait3A_303 = tpu.memref_slice %arg8[%run_scoped3A_274, %dma_wait3A_302] : memref<8x128xi32, #tpu.memory_space<vmem>> -> memref<1x128xi32, #tpu.memory_space<vmem>>
        %dma_wait3A_304 = tpu.memref_squeeze %dma_wait3A_303 : memref<1x128xi32, #tpu.memory_space<vmem>> -> memref<128xi32, #tpu.memory_space<vmem>>
        %dma_wait3A_305 = arith.constant 0 : i32
        %dma_wait3A_306 = arith.constant 0 : i32
        %dma_wait3A_307 = tpu.memref_slice %arg6[%dma_wait3A_305, %dma_wait3A_306] : memref<102400x16xf32, #tpu.memory_space<vmem_shared>> -> memref<102400x16xf32, #tpu.memory_space<vmem_shared>>
        tpu.wait_indirect_dma semaphore(%run_scoped3A_287 : memref<!tpu.dma_semaphore, #tpu.memory_space<semaphore_mem>>) src(%dma_wait3A_301 : memref<128x16xf32, #tpu.memory_space<vmem>>) dst(%dma_wait3A_307 : memref<102400x16xf32, #tpu.memory_space<vmem_shared>>)
        tpu.yield
      }) : () -> ()
      %run_scoped3A_275 = arith.constant 2 : i32
      %run_scoped3A_276 = arith.constant 2 : i32
      "tpu.region"() ({
        %run_scoped3A_287 = tpu.sem_alloc : memref<!tpu.dma_semaphore, #tpu.memory_space<semaphore_mem>>
        %dma_start3A_288 = arith.constant 0 : i32
        %dma_start3A_289 = arith.constant 0 : i32
        %dma_start3A_290 = tpu.memref_slice %arg9[%run_scoped3A_275, %dma_start3A_288, %dma_start3A_289] : memref<8x128x16xf32, #tpu.memory_space<vmem>> -> memref<1x128x16xf32, #tpu.memory_space<vmem>>
        %dma_start3A_291 = tpu.memref_squeeze %dma_start3A_290 : memref<1x128x16xf32, #tpu.memory_space<vmem>> -> memref<128x16xf32, #tpu.memory_space<vmem>>
        %dma_start3A_292 = arith.constant 0 : i32
        %dma_start3A_293 = tpu.memref_slice %arg8[%run_scoped3A_276, %dma_start3A_292] : memref<8x128xi32, #tpu.memory_space<vmem>> -> memref<1x128xi32, #tpu.memory_space<vmem>>
        %dma_start3A_294 = tpu.memref_squeeze %dma_start3A_293 : memref<1x128xi32, #tpu.memory_space<vmem>> -> memref<128xi32, #tpu.memory_space<vmem>>
        %dma_start3A_295 = arith.constant 0 : i32
        %dma_start3A_296 = arith.constant 0 : i32
        %dma_start3A_297 = tpu.memref_slice %arg6[%dma_start3A_295, %dma_start3A_296] : memref<102400x16xf32, #tpu.memory_space<vmem_shared>> -> memref<102400x16xf32, #tpu.memory_space<vmem_shared>>
        tpu.enqueue_indirect_dma source(%dma_start3A_291 : memref<128x16xf32, #tpu.memory_space<vmem>>) target(%dma_start3A_297 : memref<102400x16xf32, #tpu.memory_space<vmem_shared>>) offsets(%dma_start3A_294 : memref<128xi32, #tpu.memory_space<vmem>>) semaphore(%run_scoped3A_287 : memref<!tpu.dma_semaphore, #tpu.memory_space<semaphore_mem>>) {add = true}
        %dma_wait3A_298 = arith.constant 0 : i32
        %dma_wait3A_299 = arith.constant 0 : i32
        %dma_wait3A_300 = tpu.memref_slice %arg9[%run_scoped3A_275, %dma_wait3A_298, %dma_wait3A_299] : memref<8x128x16xf32, #tpu.memory_space<vmem>> -> memref<1x128x16xf32, #tpu.memory_space<vmem>>
        %dma_wait3A_301 = tpu.memref_squeeze %dma_wait3A_300 : memref<1x128x16xf32, #tpu.memory_space<vmem>> -> memref<128x16xf32, #tpu.memory_space<vmem>>
        %dma_wait3A_302 = arith.constant 0 : i32
        %dma_wait3A_303 = tpu.memref_slice %arg8[%run_scoped3A_276, %dma_wait3A_302] : memref<8x128xi32, #tpu.memory_space<vmem>> -> memref<1x128xi32, #tpu.memory_space<vmem>>
        %dma_wait3A_304 = tpu.memref_squeeze %dma_wait3A_303 : memref<1x128xi32, #tpu.memory_space<vmem>> -> memref<128xi32, #tpu.memory_space<vmem>>
        %dma_wait3A_305 = arith.constant 0 : i32
        %dma_wait3A_306 = arith.constant 0 : i32
        %dma_wait3A_307 = tpu.memref_slice %arg6[%dma_wait3A_305, %dma_wait3A_306] : memref<102400x16xf32, #tpu.memory_space<vmem_shared>> -> memref<102400x16xf32, #tpu.memory_space<vmem_shared>>
        tpu.wait_indirect_dma semaphore(%run_scoped3A_287 : memref<!tpu.dma_semaphore, #tpu.memory_space<semaphore_mem>>) src(%dma_wait3A_301 : memref<128x16xf32, #tpu.memory_space<vmem>>) dst(%dma_wait3A_307 : memref<102400x16xf32, #tpu.memory_space<vmem_shared>>)
        tpu.yield
      }) : () -> ()
      %run_scoped3A_277 = arith.constant 3 : i32
      %run_scoped3A_278 = arith.constant 3 : i32
      "tpu.region"() ({
        %run_scoped3A_287 = tpu.sem_alloc : memref<!tpu.dma_semaphore, #tpu.memory_space<semaphore_mem>>
        %dma_start3A_288 = arith.constant 0 : i32
        %dma_start3A_289 = arith.constant 0 : i32
        %dma_start3A_290 = tpu.memref_slice %arg9[%run_scoped3A_277, %dma_start3A_288, %dma_start3A_289] : memref<8x128x16xf32, #tpu.memory_space<vmem>> -> memref<1x128x16xf32, #tpu.memory_space<vmem>>
        %dma_start3A_291 = tpu.memref_squeeze %dma_start3A_290 : memref<1x128x16xf32, #tpu.memory_space<vmem>> -> memref<128x16xf32, #tpu.memory_space<vmem>>
        %dma_start3A_292 = arith.constant 0 : i32
        %dma_start3A_293 = tpu.memref_slice %arg8[%run_scoped3A_278, %dma_start3A_292] : memref<8x128xi32, #tpu.memory_space<vmem>> -> memref<1x128xi32, #tpu.memory_space<vmem>>
        %dma_start3A_294 = tpu.memref_squeeze %dma_start3A_293 : memref<1x128xi32, #tpu.memory_space<vmem>> -> memref<128xi32, #tpu.memory_space<vmem>>
        %dma_start3A_295 = arith.constant 0 : i32
        %dma_start3A_296 = arith.constant 0 : i32
        %dma_start3A_297 = tpu.memref_slice %arg6[%dma_start3A_295, %dma_start3A_296] : memref<102400x16xf32, #tpu.memory_space<vmem_shared>> -> memref<102400x16xf32, #tpu.memory_space<vmem_shared>>
        tpu.enqueue_indirect_dma source(%dma_start3A_291 : memref<128x16xf32, #tpu.memory_space<vmem>>) target(%dma_start3A_297 : memref<102400x16xf32, #tpu.memory_space<vmem_shared>>) offsets(%dma_start3A_294 : memref<128xi32, #tpu.memory_space<vmem>>) semaphore(%run_scoped3A_287 : memref<!tpu.dma_semaphore, #tpu.memory_space<semaphore_mem>>) {add = true}
        %dma_wait3A_298 = arith.constant 0 : i32
        %dma_wait3A_299 = arith.constant 0 : i32
        %dma_wait3A_300 = tpu.memref_slice %arg9[%run_scoped3A_277, %dma_wait3A_298, %dma_wait3A_299] : memref<8x128x16xf32, #tpu.memory_space<vmem>> -> memref<1x128x16xf32, #tpu.memory_space<vmem>>
        %dma_wait3A_301 = tpu.memref_squeeze %dma_wait3A_300 : memref<1x128x16xf32, #tpu.memory_space<vmem>> -> memref<128x16xf32, #tpu.memory_space<vmem>>
        %dma_wait3A_302 = arith.constant 0 : i32
        %dma_wait3A_303 = tpu.memref_slice %arg8[%run_scoped3A_278, %dma_wait3A_302] : memref<8x128xi32, #tpu.memory_space<vmem>> -> memref<1x128xi32, #tpu.memory_space<vmem>>
        %dma_wait3A_304 = tpu.memref_squeeze %dma_wait3A_303 : memref<1x128xi32, #tpu.memory_space<vmem>> -> memref<128xi32, #tpu.memory_space<vmem>>
        %dma_wait3A_305 = arith.constant 0 : i32
        %dma_wait3A_306 = arith.constant 0 : i32
        %dma_wait3A_307 = tpu.memref_slice %arg6[%dma_wait3A_305, %dma_wait3A_306] : memref<102400x16xf32, #tpu.memory_space<vmem_shared>> -> memref<102400x16xf32, #tpu.memory_space<vmem_shared>>
        tpu.wait_indirect_dma semaphore(%run_scoped3A_287 : memref<!tpu.dma_semaphore, #tpu.memory_space<semaphore_mem>>) src(%dma_wait3A_301 : memref<128x16xf32, #tpu.memory_space<vmem>>) dst(%dma_wait3A_307 : memref<102400x16xf32, #tpu.memory_space<vmem_shared>>)
        tpu.yield
      }) : () -> ()
      %run_scoped3A_279 = arith.constant 4 : i32
      %run_scoped3A_280 = arith.constant 4 : i32
      "tpu.region"() ({
        %run_scoped3A_287 = tpu.sem_alloc : memref<!tpu.dma_semaphore, #tpu.memory_space<semaphore_mem>>
        %dma_start3A_288 = arith.constant 0 : i32
        %dma_start3A_289 = arith.constant 0 : i32
        %dma_start3A_290 = tpu.memref_slice %arg9[%run_scoped3A_279, %dma_start3A_288, %dma_start3A_289] : memref<8x128x16xf32, #tpu.memory_space<vmem>> -> memref<1x128x16xf32, #tpu.memory_space<vmem>>
        %dma_start3A_291 = tpu.memref_squeeze %dma_start3A_290 : memref<1x128x16xf32, #tpu.memory_space<vmem>> -> memref<128x16xf32, #tpu.memory_space<vmem>>
        %dma_start3A_292 = arith.constant 0 : i32
        %dma_start3A_293 = tpu.memref_slice %arg8[%run_scoped3A_280, %dma_start3A_292] : memref<8x128xi32, #tpu.memory_space<vmem>> -> memref<1x128xi32, #tpu.memory_space<vmem>>
        %dma_start3A_294 = tpu.memref_squeeze %dma_start3A_293 : memref<1x128xi32, #tpu.memory_space<vmem>> -> memref<128xi32, #tpu.memory_space<vmem>>
        %dma_start3A_295 = arith.constant 0 : i32
        %dma_start3A_296 = arith.constant 0 : i32
        %dma_start3A_297 = tpu.memref_slice %arg6[%dma_start3A_295, %dma_start3A_296] : memref<102400x16xf32, #tpu.memory_space<vmem_shared>> -> memref<102400x16xf32, #tpu.memory_space<vmem_shared>>
        tpu.enqueue_indirect_dma source(%dma_start3A_291 : memref<128x16xf32, #tpu.memory_space<vmem>>) target(%dma_start3A_297 : memref<102400x16xf32, #tpu.memory_space<vmem_shared>>) offsets(%dma_start3A_294 : memref<128xi32, #tpu.memory_space<vmem>>) semaphore(%run_scoped3A_287 : memref<!tpu.dma_semaphore, #tpu.memory_space<semaphore_mem>>) {add = true}
        %dma_wait3A_298 = arith.constant 0 : i32
        %dma_wait3A_299 = arith.constant 0 : i32
        %dma_wait3A_300 = tpu.memref_slice %arg9[%run_scoped3A_279, %dma_wait3A_298, %dma_wait3A_299] : memref<8x128x16xf32, #tpu.memory_space<vmem>> -> memref<1x128x16xf32, #tpu.memory_space<vmem>>
        %dma_wait3A_301 = tpu.memref_squeeze %dma_wait3A_300 : memref<1x128x16xf32, #tpu.memory_space<vmem>> -> memref<128x16xf32, #tpu.memory_space<vmem>>
        %dma_wait3A_302 = arith.constant 0 : i32
        %dma_wait3A_303 = tpu.memref_slice %arg8[%run_scoped3A_280, %dma_wait3A_302] : memref<8x128xi32, #tpu.memory_space<vmem>> -> memref<1x128xi32, #tpu.memory_space<vmem>>
        %dma_wait3A_304 = tpu.memref_squeeze %dma_wait3A_303 : memref<1x128xi32, #tpu.memory_space<vmem>> -> memref<128xi32, #tpu.memory_space<vmem>>
        %dma_wait3A_305 = arith.constant 0 : i32
        %dma_wait3A_306 = arith.constant 0 : i32
        %dma_wait3A_307 = tpu.memref_slice %arg6[%dma_wait3A_305, %dma_wait3A_306] : memref<102400x16xf32, #tpu.memory_space<vmem_shared>> -> memref<102400x16xf32, #tpu.memory_space<vmem_shared>>
        tpu.wait_indirect_dma semaphore(%run_scoped3A_287 : memref<!tpu.dma_semaphore, #tpu.memory_space<semaphore_mem>>) src(%dma_wait3A_301 : memref<128x16xf32, #tpu.memory_space<vmem>>) dst(%dma_wait3A_307 : memref<102400x16xf32, #tpu.memory_space<vmem_shared>>)
        tpu.yield
      }) : () -> ()
      %run_scoped3A_281 = arith.constant 5 : i32
      %run_scoped3A_282 = arith.constant 5 : i32
      "tpu.region"() ({
        %run_scoped3A_287 = tpu.sem_alloc : memref<!tpu.dma_semaphore, #tpu.memory_space<semaphore_mem>>
        %dma_start3A_288 = arith.constant 0 : i32
        %dma_start3A_289 = arith.constant 0 : i32
        %dma_start3A_290 = tpu.memref_slice %arg9[%run_scoped3A_281, %dma_start3A_288, %dma_start3A_289] : memref<8x128x16xf32, #tpu.memory_space<vmem>> -> memref<1x128x16xf32, #tpu.memory_space<vmem>>
        %dma_start3A_291 = tpu.memref_squeeze %dma_start3A_290 : memref<1x128x16xf32, #tpu.memory_space<vmem>> -> memref<128x16xf32, #tpu.memory_space<vmem>>
        %dma_start3A_292 = arith.constant 0 : i32
        %dma_start3A_293 = tpu.memref_slice %arg8[%run_scoped3A_282, %dma_start3A_292] : memref<8x128xi32, #tpu.memory_space<vmem>> -> memref<1x128xi32, #tpu.memory_space<vmem>>
        %dma_start3A_294 = tpu.memref_squeeze %dma_start3A_293 : memref<1x128xi32, #tpu.memory_space<vmem>> -> memref<128xi32, #tpu.memory_space<vmem>>
        %dma_start3A_295 = arith.constant 0 : i32
        %dma_start3A_296 = arith.constant 0 : i32
        %dma_start3A_297 = tpu.memref_slice %arg6[%dma_start3A_295, %dma_start3A_296] : memref<102400x16xf32, #tpu.memory_space<vmem_shared>> -> memref<102400x16xf32, #tpu.memory_space<vmem_shared>>
        tpu.enqueue_indirect_dma source(%dma_start3A_291 : memref<128x16xf32, #tpu.memory_space<vmem>>) target(%dma_start3A_297 : memref<102400x16xf32, #tpu.memory_space<vmem_shared>>) offsets(%dma_start3A_294 : memref<128xi32, #tpu.memory_space<vmem>>) semaphore(%run_scoped3A_287 : memref<!tpu.dma_semaphore, #tpu.memory_space<semaphore_mem>>) {add = true}
        %dma_wait3A_298 = arith.constant 0 : i32
        %dma_wait3A_299 = arith.constant 0 : i32
        %dma_wait3A_300 = tpu.memref_slice %arg9[%run_scoped3A_281, %dma_wait3A_298, %dma_wait3A_299] : memref<8x128x16xf32, #tpu.memory_space<vmem>> -> memref<1x128x16xf32, #tpu.memory_space<vmem>>
        %dma_wait3A_301 = tpu.memref_squeeze %dma_wait3A_300 : memref<1x128x16xf32, #tpu.memory_space<vmem>> -> memref<128x16xf32, #tpu.memory_space<vmem>>
        %dma_wait3A_302 = arith.constant 0 : i32
        %dma_wait3A_303 = tpu.memref_slice %arg8[%run_scoped3A_282, %dma_wait3A_302] : memref<8x128xi32, #tpu.memory_space<vmem>> -> memref<1x128xi32, #tpu.memory_space<vmem>>
        %dma_wait3A_304 = tpu.memref_squeeze %dma_wait3A_303 : memref<1x128xi32, #tpu.memory_space<vmem>> -> memref<128xi32, #tpu.memory_space<vmem>>
        %dma_wait3A_305 = arith.constant 0 : i32
        %dma_wait3A_306 = arith.constant 0 : i32
        %dma_wait3A_307 = tpu.memref_slice %arg6[%dma_wait3A_305, %dma_wait3A_306] : memref<102400x16xf32, #tpu.memory_space<vmem_shared>> -> memref<102400x16xf32, #tpu.memory_space<vmem_shared>>
        tpu.wait_indirect_dma semaphore(%run_scoped3A_287 : memref<!tpu.dma_semaphore, #tpu.memory_space<semaphore_mem>>) src(%dma_wait3A_301 : memref<128x16xf32, #tpu.memory_space<vmem>>) dst(%dma_wait3A_307 : memref<102400x16xf32, #tpu.memory_space<vmem_shared>>)
        tpu.yield
      }) : () -> ()
      %run_scoped3A_283 = arith.constant 6 : i32
      %run_scoped3A_284 = arith.constant 6 : i32
      "tpu.region"() ({
        %run_scoped3A_287 = tpu.sem_alloc : memref<!tpu.dma_semaphore, #tpu.memory_space<semaphore_mem>>
        %dma_start3A_288 = arith.constant 0 : i32
        %dma_start3A_289 = arith.constant 0 : i32
        %dma_start3A_290 = tpu.memref_slice %arg9[%run_scoped3A_283, %dma_start3A_288, %dma_start3A_289] : memref<8x128x16xf32, #tpu.memory_space<vmem>> -> memref<1x128x16xf32, #tpu.memory_space<vmem>>
        %dma_start3A_291 = tpu.memref_squeeze %dma_start3A_290 : memref<1x128x16xf32, #tpu.memory_space<vmem>> -> memref<128x16xf32, #tpu.memory_space<vmem>>
        %dma_start3A_292 = arith.constant 0 : i32
        %dma_start3A_293 = tpu.memref_slice %arg8[%run_scoped3A_284, %dma_start3A_292] : memref<8x128xi32, #tpu.memory_space<vmem>> -> memref<1x128xi32, #tpu.memory_space<vmem>>
        %dma_start3A_294 = tpu.memref_squeeze %dma_start3A_293 : memref<1x128xi32, #tpu.memory_space<vmem>> -> memref<128xi32, #tpu.memory_space<vmem>>
        %dma_start3A_295 = arith.constant 0 : i32
        %dma_start3A_296 = arith.constant 0 : i32
        %dma_start3A_297 = tpu.memref_slice %arg6[%dma_start3A_295, %dma_start3A_296] : memref<102400x16xf32, #tpu.memory_space<vmem_shared>> -> memref<102400x16xf32, #tpu.memory_space<vmem_shared>>
        tpu.enqueue_indirect_dma source(%dma_start3A_291 : memref<128x16xf32, #tpu.memory_space<vmem>>) target(%dma_start3A_297 : memref<102400x16xf32, #tpu.memory_space<vmem_shared>>) offsets(%dma_start3A_294 : memref<128xi32, #tpu.memory_space<vmem>>) semaphore(%run_scoped3A_287 : memref<!tpu.dma_semaphore, #tpu.memory_space<semaphore_mem>>) {add = true}
        %dma_wait3A_298 = arith.constant 0 : i32
        %dma_wait3A_299 = arith.constant 0 : i32
        %dma_wait3A_300 = tpu.memref_slice %arg9[%run_scoped3A_283, %dma_wait3A_298, %dma_wait3A_299] : memref<8x128x16xf32, #tpu.memory_space<vmem>> -> memref<1x128x16xf32, #tpu.memory_space<vmem>>
        %dma_wait3A_301 = tpu.memref_squeeze %dma_wait3A_300 : memref<1x128x16xf32, #tpu.memory_space<vmem>> -> memref<128x16xf32, #tpu.memory_space<vmem>>
        %dma_wait3A_302 = arith.constant 0 : i32
        %dma_wait3A_303 = tpu.memref_slice %arg8[%run_scoped3A_284, %dma_wait3A_302] : memref<8x128xi32, #tpu.memory_space<vmem>> -> memref<1x128xi32, #tpu.memory_space<vmem>>
        %dma_wait3A_304 = tpu.memref_squeeze %dma_wait3A_303 : memref<1x128xi32, #tpu.memory_space<vmem>> -> memref<128xi32, #tpu.memory_space<vmem>>
        %dma_wait3A_305 = arith.constant 0 : i32
        %dma_wait3A_306 = arith.constant 0 : i32
        %dma_wait3A_307 = tpu.memref_slice %arg6[%dma_wait3A_305, %dma_wait3A_306] : memref<102400x16xf32, #tpu.memory_space<vmem_shared>> -> memref<102400x16xf32, #tpu.memory_space<vmem_shared>>
        tpu.wait_indirect_dma semaphore(%run_scoped3A_287 : memref<!tpu.dma_semaphore, #tpu.memory_space<semaphore_mem>>) src(%dma_wait3A_301 : memref<128x16xf32, #tpu.memory_space<vmem>>) dst(%dma_wait3A_307 : memref<102400x16xf32, #tpu.memory_space<vmem_shared>>)
        tpu.yield
      }) : () -> ()
      %run_scoped3A_285 = arith.constant 7 : i32
      %run_scoped3A_286 = arith.constant 7 : i32
      "tpu.region"() ({
        %run_scoped3A_287 = tpu.sem_alloc : memref<!tpu.dma_semaphore, #tpu.memory_space<semaphore_mem>>
        %dma_start3A_288 = arith.constant 0 : i32
        %dma_start3A_289 = arith.constant 0 : i32
        %dma_start3A_290 = tpu.memref_slice %arg9[%run_scoped3A_285, %dma_start3A_288, %dma_start3A_289] : memref<8x128x16xf32, #tpu.memory_space<vmem>> -> memref<1x128x16xf32, #tpu.memory_space<vmem>>
        %dma_start3A_291 = tpu.memref_squeeze %dma_start3A_290 : memref<1x128x16xf32, #tpu.memory_space<vmem>> -> memref<128x16xf32, #tpu.memory_space<vmem>>
        %dma_start3A_292 = arith.constant 0 : i32
        %dma_start3A_293 = tpu.memref_slice %arg8[%run_scoped3A_286, %dma_start3A_292] : memref<8x128xi32, #tpu.memory_space<vmem>> -> memref<1x128xi32, #tpu.memory_space<vmem>>
        %dma_start3A_294 = tpu.memref_squeeze %dma_start3A_293 : memref<1x128xi32, #tpu.memory_space<vmem>> -> memref<128xi32, #tpu.memory_space<vmem>>
        %dma_start3A_295 = arith.constant 0 : i32
        %dma_start3A_296 = arith.constant 0 : i32
        %dma_start3A_297 = tpu.memref_slice %arg6[%dma_start3A_295, %dma_start3A_296] : memref<102400x16xf32, #tpu.memory_space<vmem_shared>> -> memref<102400x16xf32, #tpu.memory_space<vmem_shared>>
        tpu.enqueue_indirect_dma source(%dma_start3A_291 : memref<128x16xf32, #tpu.memory_space<vmem>>) target(%dma_start3A_297 : memref<102400x16xf32, #tpu.memory_space<vmem_shared>>) offsets(%dma_start3A_294 : memref<128xi32, #tpu.memory_space<vmem>>) semaphore(%run_scoped3A_287 : memref<!tpu.dma_semaphore, #tpu.memory_space<semaphore_mem>>) {add = true}
        %dma_wait3A_298 = arith.constant 0 : i32
        %dma_wait3A_299 = arith.constant 0 : i32
        %dma_wait3A_300 = tpu.memref_slice %arg9[%run_scoped3A_285, %dma_wait3A_298, %dma_wait3A_299] : memref<8x128x16xf32, #tpu.memory_space<vmem>> -> memref<1x128x16xf32, #tpu.memory_space<vmem>>
        %dma_wait3A_301 = tpu.memref_squeeze %dma_wait3A_300 : memref<1x128x16xf32, #tpu.memory_space<vmem>> -> memref<128x16xf32, #tpu.memory_space<vmem>>
        %dma_wait3A_302 = arith.constant 0 : i32
        %dma_wait3A_303 = tpu.memref_slice %arg8[%run_scoped3A_286, %dma_wait3A_302] : memref<8x128xi32, #tpu.memory_space<vmem>> -> memref<1x128xi32, #tpu.memory_space<vmem>>
        %dma_wait3A_304 = tpu.memref_squeeze %dma_wait3A_303 : memref<1x128xi32, #tpu.memory_space<vmem>> -> memref<128xi32, #tpu.memory_space<vmem>>
        %dma_wait3A_305 = arith.constant 0 : i32
        %dma_wait3A_306 = arith.constant 0 : i32
        %dma_wait3A_307 = tpu.memref_slice %arg6[%dma_wait3A_305, %dma_wait3A_306] : memref<102400x16xf32, #tpu.memory_space<vmem_shared>> -> memref<102400x16xf32, #tpu.memory_space<vmem_shared>>
        tpu.wait_indirect_dma semaphore(%run_scoped3A_287 : memref<!tpu.dma_semaphore, #tpu.memory_space<semaphore_mem>>) src(%dma_wait3A_301 : memref<128x16xf32, #tpu.memory_space<vmem>>) dst(%dma_wait3A_307 : memref<102400x16xf32, #tpu.memory_space<vmem_shared>>)
        tpu.yield
      }) : () -> ()
    }
    %scan3A_9 = arith.constant 200 : i32
    %barrier3A_10 = arith.constant 0 : index
    tpu.barrier barrier_id(%barrier3A_10)
    %mul3A_11 = arith.constant 6400 : i32
    %mul3A_12 = arith.muli %arg1, %mul3A_11 : i32
    %mul3A_13 = arith.constant 6400 : i32
    %mul3A_14 = arith.muli %arg1, %mul3A_13 : i32
    "tpu.region"() ({
      %run_scoped3A = tpu.sem_alloc : memref<!tpu.dma_semaphore, #tpu.memory_space<semaphore_mem>>
      %dma_start3A = arith.constant 0 : i32
      %dma_start3A_15 = arith.constant 0 : i32
      %dma_start3A_16 = tpu.memref_slice %arg5[%arg0, %dma_start3A, %dma_start3A_15] : memref<2x102400x16xf32, #tpu.memory_space<hbm>> -> memref<1x102400x16xf32, #tpu.memory_space<hbm>>
      %dma_start3A_17 = tpu.memref_squeeze %dma_start3A_16 : memref<1x102400x16xf32, #tpu.memory_space<hbm>> -> memref<102400x16xf32, #tpu.memory_space<hbm>>
      %dma_start3A_18 = arith.constant 0 : i32
      %dma_start3A_19 = tpu.memref_slice %dma_start3A_17[%mul3A_14, %dma_start3A_18] : memref<102400x16xf32, #tpu.memory_space<hbm>> -> memref<6400x16xf32, #tpu.memory_space<hbm>>
      %dma_start3A_20 = arith.constant 0 : i32
      %dma_start3A_21 = tpu.memref_slice %arg6[%mul3A_12, %dma_start3A_20] : memref<102400x16xf32, #tpu.memory_space<vmem_shared>> -> memref<6400x16xf32, #tpu.memory_space<vmem_shared>>
      tpu.enqueue_dma source(%dma_start3A_21 : memref<6400x16xf32, #tpu.memory_space<vmem_shared>>) target(%dma_start3A_19 : memref<6400x16xf32, #tpu.memory_space<hbm>>) target_semaphore(%run_scoped3A : memref<!tpu.dma_semaphore, #tpu.memory_space<semaphore_mem>>)
      %dma_wait3A = arith.constant 0 : i32
      %dma_wait3A_22 = arith.constant 0 : i32
      %dma_wait3A_23 = tpu.memref_slice %arg5[%arg0, %dma_wait3A, %dma_wait3A_22] : memref<2x102400x16xf32, #tpu.memory_space<hbm>> -> memref<1x102400x16xf32, #tpu.memory_space<hbm>>
      %dma_wait3A_24 = tpu.memref_squeeze %dma_wait3A_23 : memref<1x102400x16xf32, #tpu.memory_space<hbm>> -> memref<102400x16xf32, #tpu.memory_space<hbm>>
      %dma_wait3A_25 = arith.constant 0 : i32
      %dma_wait3A_26 = tpu.memref_slice %dma_wait3A_24[%mul3A_14, %dma_wait3A_25] : memref<102400x16xf32, #tpu.memory_space<hbm>> -> memref<6400x16xf32, #tpu.memory_space<hbm>>
      %dma_wait3A_27 = arith.constant 0 : i32
      %dma_wait3A_28 = tpu.memref_slice %arg6[%mul3A_12, %dma_wait3A_27] : memref<102400x16xf32, #tpu.memory_space<vmem_shared>> -> memref<6400x16xf32, #tpu.memory_space<vmem_shared>>
      tpu.wait_dma2 semaphore(%run_scoped3A : memref<!tpu.dma_semaphore, #tpu.memory_space<semaphore_mem>>) src(%dma_wait3A_28 : memref<6400x16xf32, #tpu.memory_space<vmem_shared>>) dst(%dma_wait3A_26 : memref<6400x16xf32, #tpu.memory_space<hbm>>)
      tpu.yield
    }) : () -> ()
    return
  }
}

#map = affine_map<(d0, d1) -> (0, 0)>
#map1 = affine_map<(d0, d1) -> (0, 0, 0)>
module attributes {stable_mosaic.version = 14 : i64} {
  func.func @k(%arg0: i32, %arg1: i32, %arg2: memref<102400x16xf32, #tpu.memory_space<hbm>>, %arg3: memref<25600x128xi32, #tpu.memory_space<hbm>>, %arg4: memref<25600x128xi32, #tpu.memory_space<hbm>>, %arg5: memref<2x102400x16xf32, #tpu.memory_space<hbm>>, %arg6: memref<102400x16xf32, #tpu.memory_space<vmem_shared>>, %arg7: memref<8x128xi32, #tpu.memory_space<vmem>>, %arg8: memref<8x128xi32, #tpu.memory_space<vmem>>, %arg9: memref<8x128x16xf32, #tpu.memory_space<vmem>>, %arg10: memref<!tpu.dma_semaphore, #tpu.memory_space<semaphore_mem>>) attributes {dimension_semantics = [#tpu.dimension_semantics<core_parallel>, #tpu.dimension_semantics<subcore_parallel>], iteration_bounds = array<i64: 2, 16>, scalar_prefetch = 0 : i64, scratch_operands = 5 : i64, tpu.core_type = #tpu.core_type<sc_vector_subcore>, window_params = [{transform_indices = #map}, {transform_indices = #map}, {transform_indices = #map}, {transform_indices = #map1}]} {
    %mul3A = arith.constant 6400 : i32
    %mul3A_0 = arith.muli %arg1, %mul3A : i32
    %mul3A_1 = arith.constant 6400 : i32
    %mul3A_2 = arith.muli %arg1, %mul3A_1 : i32
    "tpu.region"() ({
      %run_scoped3A = tpu.sem_alloc : memref<!tpu.dma_semaphore, #tpu.memory_space<semaphore_mem>>
      %dma_start3A = arith.constant 0 : i32
      %dma_start3A_17 = tpu.memref_slice %arg6[%mul3A_2, %dma_start3A] : memref<102400x16xf32, #tpu.memory_space<vmem_shared>> -> memref<6400x16xf32, #tpu.memory_space<vmem_shared>>
      %dma_start3A_18 = arith.constant 0 : i32
      %dma_start3A_19 = tpu.memref_slice %arg2[%mul3A_0, %dma_start3A_18] : memref<102400x16xf32, #tpu.memory_space<hbm>> -> memref<6400x16xf32, #tpu.memory_space<hbm>>
      tpu.enqueue_dma source(%dma_start3A_19 : memref<6400x16xf32, #tpu.memory_space<hbm>>) target(%dma_start3A_17 : memref<6400x16xf32, #tpu.memory_space<vmem_shared>>) target_semaphore(%run_scoped3A : memref<!tpu.dma_semaphore, #tpu.memory_space<semaphore_mem>>)
      %dma_wait3A = arith.constant 0 : i32
      %dma_wait3A_20 = tpu.memref_slice %arg6[%mul3A_2, %dma_wait3A] : memref<102400x16xf32, #tpu.memory_space<vmem_shared>> -> memref<6400x16xf32, #tpu.memory_space<vmem_shared>>
      %dma_wait3A_21 = arith.constant 0 : i32
      %dma_wait3A_22 = tpu.memref_slice %arg2[%mul3A_0, %dma_wait3A_21] : memref<102400x16xf32, #tpu.memory_space<hbm>> -> memref<6400x16xf32, #tpu.memory_space<hbm>>
      tpu.wait_dma2 semaphore(%run_scoped3A : memref<!tpu.dma_semaphore, #tpu.memory_space<semaphore_mem>>) src(%dma_wait3A_22 : memref<6400x16xf32, #tpu.memory_space<hbm>>) dst(%dma_wait3A_20 : memref<6400x16xf32, #tpu.memory_space<vmem_shared>>)
      tpu.yield
    }) : () -> ()
    %barrier3A = arith.constant 0 : index
    tpu.barrier barrier_id(%barrier3A)
    %mul3A_3 = arith.constant 16 : i32
    %mul3A_4 = arith.muli %arg0, %mul3A_3 : i32
    %add3A = arith.addi %mul3A_4, %arg1 : i32
    %mul3A_5 = arith.constant 800 : i32
    %mul3A_6 = arith.muli %add3A, %mul3A_5 : i32
    %scan3A = arith.constant 0 : i32
    %scan3A_7 = arith.constant 0 : i32
    %scan3A_8 = arith.constant 100 : i32
    %scan3A_9 = arith.addi %scan3A_7, %scan3A_8 : i32
    %scan3A_10 = arith.constant 1 : i32
    scf.for %scan3A_17 = %scan3A_7 to %scan3A_9 step %scan3A_10  : i32 {
      %mul3A_18 = arith.constant 8 : i32
      %mul3A_19 = arith.muli %scan3A_17, %mul3A_18 : i32
      %add3A_20 = arith.addi %mul3A_6, %mul3A_19 : i32
      "tpu.region"() ({
        %run_scoped3A_226 = tpu.sem_alloc : memref<!tpu.dma_semaphore, #tpu.memory_space<semaphore_mem>>
        %dma_start3A_227 = arith.constant 0 : i32
        %dma_start3A_228 = tpu.memref_slice %arg3[%add3A_20, %dma_start3A_227] : memref<25600x128xi32, #tpu.memory_space<hbm>> -> memref<8x128xi32, #tpu.memory_space<hbm>>
        %dma_start3A_229 = arith.constant 0 : i32
        %dma_start3A_230 = tpu.memref_slice %arg3[%add3A_20, %dma_start3A_229] : memref<25600x128xi32, #tpu.memory_space<hbm>> -> memref<8x128xi32, #tpu.memory_space<hbm>>
        tpu.enqueue_dma source(%dma_start3A_230 : memref<8x128xi32, #tpu.memory_space<hbm>>) target(%arg7 : memref<8x128xi32, #tpu.memory_space<vmem>>) target_semaphore(%run_scoped3A_226 : memref<!tpu.dma_semaphore, #tpu.memory_space<semaphore_mem>>)
        %dma_wait3A_231 = arith.constant 0 : i32
        %dma_wait3A_232 = tpu.memref_slice %arg3[%add3A_20, %dma_wait3A_231] : memref<25600x128xi32, #tpu.memory_space<hbm>> -> memref<8x128xi32, #tpu.memory_space<hbm>>
        %dma_wait3A_233 = arith.constant 0 : i32
        %dma_wait3A_234 = tpu.memref_slice %arg3[%add3A_20, %dma_wait3A_233] : memref<25600x128xi32, #tpu.memory_space<hbm>> -> memref<8x128xi32, #tpu.memory_space<hbm>>
        tpu.wait_dma2 semaphore(%run_scoped3A_226 : memref<!tpu.dma_semaphore, #tpu.memory_space<semaphore_mem>>) src(%dma_wait3A_234 : memref<8x128xi32, #tpu.memory_space<hbm>>) dst(%arg7 : memref<8x128xi32, #tpu.memory_space<vmem>>)
        tpu.yield
      }) : () -> ()
      "tpu.region"() ({
        %run_scoped3A_226 = tpu.sem_alloc : memref<!tpu.dma_semaphore, #tpu.memory_space<semaphore_mem>>
        %dma_start3A_227 = arith.constant 0 : i32
        %dma_start3A_228 = tpu.memref_slice %arg4[%add3A_20, %dma_start3A_227] : memref<25600x128xi32, #tpu.memory_space<hbm>> -> memref<8x128xi32, #tpu.memory_space<hbm>>
        %dma_start3A_229 = arith.constant 0 : i32
        %dma_start3A_230 = tpu.memref_slice %arg4[%add3A_20, %dma_start3A_229] : memref<25600x128xi32, #tpu.memory_space<hbm>> -> memref<8x128xi32, #tpu.memory_space<hbm>>
        tpu.enqueue_dma source(%dma_start3A_230 : memref<8x128xi32, #tpu.memory_space<hbm>>) target(%arg8 : memref<8x128xi32, #tpu.memory_space<vmem>>) target_semaphore(%run_scoped3A_226 : memref<!tpu.dma_semaphore, #tpu.memory_space<semaphore_mem>>)
        %dma_wait3A_231 = arith.constant 0 : i32
        %dma_wait3A_232 = tpu.memref_slice %arg4[%add3A_20, %dma_wait3A_231] : memref<25600x128xi32, #tpu.memory_space<hbm>> -> memref<8x128xi32, #tpu.memory_space<hbm>>
        %dma_wait3A_233 = arith.constant 0 : i32
        %dma_wait3A_234 = tpu.memref_slice %arg4[%add3A_20, %dma_wait3A_233] : memref<25600x128xi32, #tpu.memory_space<hbm>> -> memref<8x128xi32, #tpu.memory_space<hbm>>
        tpu.wait_dma2 semaphore(%run_scoped3A_226 : memref<!tpu.dma_semaphore, #tpu.memory_space<semaphore_mem>>) src(%dma_wait3A_234 : memref<8x128xi32, #tpu.memory_space<hbm>>) dst(%arg8 : memref<8x128xi32, #tpu.memory_space<vmem>>)
        tpu.yield
      }) : () -> ()
      %dma_start3A = arith.constant 0 : i32
      %dma_start3A_21 = arith.constant 0 : i32
      %dma_start3A_22 = arith.constant 0 : i32
      %dma_start3A_23 = arith.constant 0 : i32
      %dma_start3A_24 = tpu.memref_slice %arg9[%dma_start3A_21, %dma_start3A_22, %dma_start3A_23] : memref<8x128x16xf32, #tpu.memory_space<vmem>> -> memref<1x128x16xf32, #tpu.memory_space<vmem>>
      %dma_start3A_25 = tpu.memref_squeeze %dma_start3A_24 : memref<1x128x16xf32, #tpu.memory_space<vmem>> -> memref<128x16xf32, #tpu.memory_space<vmem>>
      %dma_start3A_26 = arith.constant 0 : i32
      %dma_start3A_27 = tpu.memref_slice %arg7[%dma_start3A, %dma_start3A_26] : memref<8x128xi32, #tpu.memory_space<vmem>> -> memref<1x128xi32, #tpu.memory_space<vmem>>
      %dma_start3A_28 = tpu.memref_squeeze %dma_start3A_27 : memref<1x128xi32, #tpu.memory_space<vmem>> -> memref<128xi32, #tpu.memory_space<vmem>>
      %dma_start3A_29 = arith.constant 0 : i32
      %dma_start3A_30 = arith.constant 0 : i32
      %dma_start3A_31 = tpu.memref_slice %arg2[%dma_start3A_29, %dma_start3A_30] : memref<102400x16xf32, #tpu.memory_space<hbm>> -> memref<102400x16xf32, #tpu.memory_space<hbm>>
      tpu.enqueue_indirect_dma source(%dma_start3A_31 : memref<102400x16xf32, #tpu.memory_space<hbm>>) target(%dma_start3A_25 : memref<128x16xf32, #tpu.memory_space<vmem>>) offsets(%dma_start3A_28 : memref<128xi32, #tpu.memory_space<vmem>>) semaphore(%arg10 : memref<!tpu.dma_semaphore, #tpu.memory_space<semaphore_mem>>)
      %dma_start3A_32 = arith.constant 1 : i32
      %dma_start3A_33 = arith.constant 1 : i32
      %dma_start3A_34 = arith.constant 0 : i32
      %dma_start3A_35 = arith.constant 0 : i32
      %dma_start3A_36 = tpu.memref_slice %arg9[%dma_start3A_33, %dma_start3A_34, %dma_start3A_35] : memref<8x128x16xf32, #tpu.memory_space<vmem>> -> memref<1x128x16xf32, #tpu.memory_space<vmem>>
      %dma_start3A_37 = tpu.memref_squeeze %dma_start3A_36 : memref<1x128x16xf32, #tpu.memory_space<vmem>> -> memref<128x16xf32, #tpu.memory_space<vmem>>
      %dma_start3A_38 = arith.constant 0 : i32
      %dma_start3A_39 = tpu.memref_slice %arg7[%dma_start3A_32, %dma_start3A_38] : memref<8x128xi32, #tpu.memory_space<vmem>> -> memref<1x128xi32, #tpu.memory_space<vmem>>
      %dma_start3A_40 = tpu.memref_squeeze %dma_start3A_39 : memref<1x128xi32, #tpu.memory_space<vmem>> -> memref<128xi32, #tpu.memory_space<vmem>>
      %dma_start3A_41 = arith.constant 0 : i32
      %dma_start3A_42 = arith.constant 0 : i32
      %dma_start3A_43 = tpu.memref_slice %arg2[%dma_start3A_41, %dma_start3A_42] : memref<102400x16xf32, #tpu.memory_space<hbm>> -> memref<102400x16xf32, #tpu.memory_space<hbm>>
      tpu.enqueue_indirect_dma source(%dma_start3A_43 : memref<102400x16xf32, #tpu.memory_space<hbm>>) target(%dma_start3A_37 : memref<128x16xf32, #tpu.memory_space<vmem>>) offsets(%dma_start3A_40 : memref<128xi32, #tpu.memory_space<vmem>>) semaphore(%arg10 : memref<!tpu.dma_semaphore, #tpu.memory_space<semaphore_mem>>)
      %dma_start3A_44 = arith.constant 2 : i32
      %dma_start3A_45 = arith.constant 2 : i32
      %dma_start3A_46 = arith.constant 0 : i32
      %dma_start3A_47 = arith.constant 0 : i32
      %dma_start3A_48 = tpu.memref_slice %arg9[%dma_start3A_45, %dma_start3A_46, %dma_start3A_47] : memref<8x128x16xf32, #tpu.memory_space<vmem>> -> memref<1x128x16xf32, #tpu.memory_space<vmem>>
      %dma_start3A_49 = tpu.memref_squeeze %dma_start3A_48 : memref<1x128x16xf32, #tpu.memory_space<vmem>> -> memref<128x16xf32, #tpu.memory_space<vmem>>
      %dma_start3A_50 = arith.constant 0 : i32
      %dma_start3A_51 = tpu.memref_slice %arg7[%dma_start3A_44, %dma_start3A_50] : memref<8x128xi32, #tpu.memory_space<vmem>> -> memref<1x128xi32, #tpu.memory_space<vmem>>
      %dma_start3A_52 = tpu.memref_squeeze %dma_start3A_51 : memref<1x128xi32, #tpu.memory_space<vmem>> -> memref<128xi32, #tpu.memory_space<vmem>>
      %dma_start3A_53 = arith.constant 0 : i32
      %dma_start3A_54 = arith.constant 0 : i32
      %dma_start3A_55 = tpu.memref_slice %arg2[%dma_start3A_53, %dma_start3A_54] : memref<102400x16xf32, #tpu.memory_space<hbm>> -> memref<102400x16xf32, #tpu.memory_space<hbm>>
      tpu.enqueue_indirect_dma source(%dma_start3A_55 : memref<102400x16xf32, #tpu.memory_space<hbm>>) target(%dma_start3A_49 : memref<128x16xf32, #tpu.memory_space<vmem>>) offsets(%dma_start3A_52 : memref<128xi32, #tpu.memory_space<vmem>>) semaphore(%arg10 : memref<!tpu.dma_semaphore, #tpu.memory_space<semaphore_mem>>)
      %dma_start3A_56 = arith.constant 3 : i32
      %dma_start3A_57 = arith.constant 3 : i32
      %dma_start3A_58 = arith.constant 0 : i32
      %dma_start3A_59 = arith.constant 0 : i32
      %dma_start3A_60 = tpu.memref_slice %arg9[%dma_start3A_57, %dma_start3A_58, %dma_start3A_59] : memref<8x128x16xf32, #tpu.memory_space<vmem>> -> memref<1x128x16xf32, #tpu.memory_space<vmem>>
      %dma_start3A_61 = tpu.memref_squeeze %dma_start3A_60 : memref<1x128x16xf32, #tpu.memory_space<vmem>> -> memref<128x16xf32, #tpu.memory_space<vmem>>
      %dma_start3A_62 = arith.constant 0 : i32
      %dma_start3A_63 = tpu.memref_slice %arg7[%dma_start3A_56, %dma_start3A_62] : memref<8x128xi32, #tpu.memory_space<vmem>> -> memref<1x128xi32, #tpu.memory_space<vmem>>
      %dma_start3A_64 = tpu.memref_squeeze %dma_start3A_63 : memref<1x128xi32, #tpu.memory_space<vmem>> -> memref<128xi32, #tpu.memory_space<vmem>>
      %dma_start3A_65 = arith.constant 0 : i32
      %dma_start3A_66 = arith.constant 0 : i32
      %dma_start3A_67 = tpu.memref_slice %arg2[%dma_start3A_65, %dma_start3A_66] : memref<102400x16xf32, #tpu.memory_space<hbm>> -> memref<102400x16xf32, #tpu.memory_space<hbm>>
      tpu.enqueue_indirect_dma source(%dma_start3A_67 : memref<102400x16xf32, #tpu.memory_space<hbm>>) target(%dma_start3A_61 : memref<128x16xf32, #tpu.memory_space<vmem>>) offsets(%dma_start3A_64 : memref<128xi32, #tpu.memory_space<vmem>>) semaphore(%arg10 : memref<!tpu.dma_semaphore, #tpu.memory_space<semaphore_mem>>)
      %dma_start3A_68 = arith.constant 4 : i32
      %dma_start3A_69 = arith.constant 4 : i32
      %dma_start3A_70 = arith.constant 0 : i32
      %dma_start3A_71 = arith.constant 0 : i32
      %dma_start3A_72 = tpu.memref_slice %arg9[%dma_start3A_69, %dma_start3A_70, %dma_start3A_71] : memref<8x128x16xf32, #tpu.memory_space<vmem>> -> memref<1x128x16xf32, #tpu.memory_space<vmem>>
      %dma_start3A_73 = tpu.memref_squeeze %dma_start3A_72 : memref<1x128x16xf32, #tpu.memory_space<vmem>> -> memref<128x16xf32, #tpu.memory_space<vmem>>
      %dma_start3A_74 = arith.constant 0 : i32
      %dma_start3A_75 = tpu.memref_slice %arg7[%dma_start3A_68, %dma_start3A_74] : memref<8x128xi32, #tpu.memory_space<vmem>> -> memref<1x128xi32, #tpu.memory_space<vmem>>
      %dma_start3A_76 = tpu.memref_squeeze %dma_start3A_75 : memref<1x128xi32, #tpu.memory_space<vmem>> -> memref<128xi32, #tpu.memory_space<vmem>>
      %dma_start3A_77 = arith.constant 0 : i32
      %dma_start3A_78 = arith.constant 0 : i32
      %dma_start3A_79 = tpu.memref_slice %arg2[%dma_start3A_77, %dma_start3A_78] : memref<102400x16xf32, #tpu.memory_space<hbm>> -> memref<102400x16xf32, #tpu.memory_space<hbm>>
      tpu.enqueue_indirect_dma source(%dma_start3A_79 : memref<102400x16xf32, #tpu.memory_space<hbm>>) target(%dma_start3A_73 : memref<128x16xf32, #tpu.memory_space<vmem>>) offsets(%dma_start3A_76 : memref<128xi32, #tpu.memory_space<vmem>>) semaphore(%arg10 : memref<!tpu.dma_semaphore, #tpu.memory_space<semaphore_mem>>)
      %dma_start3A_80 = arith.constant 5 : i32
      %dma_start3A_81 = arith.constant 5 : i32
      %dma_start3A_82 = arith.constant 0 : i32
      %dma_start3A_83 = arith.constant 0 : i32
      %dma_start3A_84 = tpu.memref_slice %arg9[%dma_start3A_81, %dma_start3A_82, %dma_start3A_83] : memref<8x128x16xf32, #tpu.memory_space<vmem>> -> memref<1x128x16xf32, #tpu.memory_space<vmem>>
      %dma_start3A_85 = tpu.memref_squeeze %dma_start3A_84 : memref<1x128x16xf32, #tpu.memory_space<vmem>> -> memref<128x16xf32, #tpu.memory_space<vmem>>
      %dma_start3A_86 = arith.constant 0 : i32
      %dma_start3A_87 = tpu.memref_slice %arg7[%dma_start3A_80, %dma_start3A_86] : memref<8x128xi32, #tpu.memory_space<vmem>> -> memref<1x128xi32, #tpu.memory_space<vmem>>
      %dma_start3A_88 = tpu.memref_squeeze %dma_start3A_87 : memref<1x128xi32, #tpu.memory_space<vmem>> -> memref<128xi32, #tpu.memory_space<vmem>>
      %dma_start3A_89 = arith.constant 0 : i32
      %dma_start3A_90 = arith.constant 0 : i32
      %dma_start3A_91 = tpu.memref_slice %arg2[%dma_start3A_89, %dma_start3A_90] : memref<102400x16xf32, #tpu.memory_space<hbm>> -> memref<102400x16xf32, #tpu.memory_space<hbm>>
      tpu.enqueue_indirect_dma source(%dma_start3A_91 : memref<102400x16xf32, #tpu.memory_space<hbm>>) target(%dma_start3A_85 : memref<128x16xf32, #tpu.memory_space<vmem>>) offsets(%dma_start3A_88 : memref<128xi32, #tpu.memory_space<vmem>>) semaphore(%arg10 : memref<!tpu.dma_semaphore, #tpu.memory_space<semaphore_mem>>)
      %dma_start3A_92 = arith.constant 6 : i32
      %dma_start3A_93 = arith.constant 6 : i32
      %dma_start3A_94 = arith.constant 0 : i32
      %dma_start3A_95 = arith.constant 0 : i32
      %dma_start3A_96 = tpu.memref_slice %arg9[%dma_start3A_93, %dma_start3A_94, %dma_start3A_95] : memref<8x128x16xf32, #tpu.memory_space<vmem>> -> memref<1x128x16xf32, #tpu.memory_space<vmem>>
      %dma_start3A_97 = tpu.memref_squeeze %dma_start3A_96 : memref<1x128x16xf32, #tpu.memory_space<vmem>> -> memref<128x16xf32, #tpu.memory_space<vmem>>
      %dma_start3A_98 = arith.constant 0 : i32
      %dma_start3A_99 = tpu.memref_slice %arg7[%dma_start3A_92, %dma_start3A_98] : memref<8x128xi32, #tpu.memory_space<vmem>> -> memref<1x128xi32, #tpu.memory_space<vmem>>
      %dma_start3A_100 = tpu.memref_squeeze %dma_start3A_99 : memref<1x128xi32, #tpu.memory_space<vmem>> -> memref<128xi32, #tpu.memory_space<vmem>>
      %dma_start3A_101 = arith.constant 0 : i32
      %dma_start3A_102 = arith.constant 0 : i32
      %dma_start3A_103 = tpu.memref_slice %arg2[%dma_start3A_101, %dma_start3A_102] : memref<102400x16xf32, #tpu.memory_space<hbm>> -> memref<102400x16xf32, #tpu.memory_space<hbm>>
      tpu.enqueue_indirect_dma source(%dma_start3A_103 : memref<102400x16xf32, #tpu.memory_space<hbm>>) target(%dma_start3A_97 : memref<128x16xf32, #tpu.memory_space<vmem>>) offsets(%dma_start3A_100 : memref<128xi32, #tpu.memory_space<vmem>>) semaphore(%arg10 : memref<!tpu.dma_semaphore, #tpu.memory_space<semaphore_mem>>)
      %dma_start3A_104 = arith.constant 7 : i32
      %dma_start3A_105 = arith.constant 7 : i32
      %dma_start3A_106 = arith.constant 0 : i32
      %dma_start3A_107 = arith.constant 0 : i32
      %dma_start3A_108 = tpu.memref_slice %arg9[%dma_start3A_105, %dma_start3A_106, %dma_start3A_107] : memref<8x128x16xf32, #tpu.memory_space<vmem>> -> memref<1x128x16xf32, #tpu.memory_space<vmem>>
      %dma_start3A_109 = tpu.memref_squeeze %dma_start3A_108 : memref<1x128x16xf32, #tpu.memory_space<vmem>> -> memref<128x16xf32, #tpu.memory_space<vmem>>
      %dma_start3A_110 = arith.constant 0 : i32
      %dma_start3A_111 = tpu.memref_slice %arg7[%dma_start3A_104, %dma_start3A_110] : memref<8x128xi32, #tpu.memory_space<vmem>> -> memref<1x128xi32, #tpu.memory_space<vmem>>
      %dma_start3A_112 = tpu.memref_squeeze %dma_start3A_111 : memref<1x128xi32, #tpu.memory_space<vmem>> -> memref<128xi32, #tpu.memory_space<vmem>>
      %dma_start3A_113 = arith.constant 0 : i32
      %dma_start3A_114 = arith.constant 0 : i32
      %dma_start3A_115 = tpu.memref_slice %arg2[%dma_start3A_113, %dma_start3A_114] : memref<102400x16xf32, #tpu.memory_space<hbm>> -> memref<102400x16xf32, #tpu.memory_space<hbm>>
      tpu.enqueue_indirect_dma source(%dma_start3A_115 : memref<102400x16xf32, #tpu.memory_space<hbm>>) target(%dma_start3A_109 : memref<128x16xf32, #tpu.memory_space<vmem>>) offsets(%dma_start3A_112 : memref<128xi32, #tpu.memory_space<vmem>>) semaphore(%arg10 : memref<!tpu.dma_semaphore, #tpu.memory_space<semaphore_mem>>)
      %dma_wait3A = arith.constant 0 : i32
      %dma_wait3A_116 = arith.constant 0 : i32
      %dma_wait3A_117 = arith.constant 0 : i32
      %dma_wait3A_118 = arith.constant 0 : i32
      %dma_wait3A_119 = tpu.memref_slice %arg9[%dma_wait3A_116, %dma_wait3A_117, %dma_wait3A_118] : memref<8x128x16xf32, #tpu.memory_space<vmem>> -> memref<1x128x16xf32, #tpu.memory_space<vmem>>
      %dma_wait3A_120 = tpu.memref_squeeze %dma_wait3A_119 : memref<1x128x16xf32, #tpu.memory_space<vmem>> -> memref<128x16xf32, #tpu.memory_space<vmem>>
      %dma_wait3A_121 = arith.constant 0 : i32
      %dma_wait3A_122 = tpu.memref_slice %arg7[%dma_wait3A, %dma_wait3A_121] : memref<8x128xi32, #tpu.memory_space<vmem>> -> memref<1x128xi32, #tpu.memory_space<vmem>>
      %dma_wait3A_123 = tpu.memref_squeeze %dma_wait3A_122 : memref<1x128xi32, #tpu.memory_space<vmem>> -> memref<128xi32, #tpu.memory_space<vmem>>
      %dma_wait3A_124 = arith.constant 0 : i32
      %dma_wait3A_125 = arith.constant 0 : i32
      %dma_wait3A_126 = tpu.memref_slice %arg2[%dma_wait3A_124, %dma_wait3A_125] : memref<102400x16xf32, #tpu.memory_space<hbm>> -> memref<102400x16xf32, #tpu.memory_space<hbm>>
      tpu.wait_indirect_dma semaphore(%arg10 : memref<!tpu.dma_semaphore, #tpu.memory_space<semaphore_mem>>) src(%dma_wait3A_126 : memref<102400x16xf32, #tpu.memory_space<hbm>>) dst(%dma_wait3A_120 : memref<128x16xf32, #tpu.memory_space<vmem>>)
      %dma_wait3A_127 = arith.constant 1 : i32
      %dma_wait3A_128 = arith.constant 1 : i32
      %dma_wait3A_129 = arith.constant 0 : i32
      %dma_wait3A_130 = arith.constant 0 : i32
      %dma_wait3A_131 = tpu.memref_slice %arg9[%dma_wait3A_128, %dma_wait3A_129, %dma_wait3A_130] : memref<8x128x16xf32, #tpu.memory_space<vmem>> -> memref<1x128x16xf32, #tpu.memory_space<vmem>>
      %dma_wait3A_132 = tpu.memref_squeeze %dma_wait3A_131 : memref<1x128x16xf32, #tpu.memory_space<vmem>> -> memref<128x16xf32, #tpu.memory_space<vmem>>
      %dma_wait3A_133 = arith.constant 0 : i32
      %dma_wait3A_134 = tpu.memref_slice %arg7[%dma_wait3A_127, %dma_wait3A_133] : memref<8x128xi32, #tpu.memory_space<vmem>> -> memref<1x128xi32, #tpu.memory_space<vmem>>
      %dma_wait3A_135 = tpu.memref_squeeze %dma_wait3A_134 : memref<1x128xi32, #tpu.memory_space<vmem>> -> memref<128xi32, #tpu.memory_space<vmem>>
      %dma_wait3A_136 = arith.constant 0 : i32
      %dma_wait3A_137 = arith.constant 0 : i32
      %dma_wait3A_138 = tpu.memref_slice %arg2[%dma_wait3A_136, %dma_wait3A_137] : memref<102400x16xf32, #tpu.memory_space<hbm>> -> memref<102400x16xf32, #tpu.memory_space<hbm>>
      tpu.wait_indirect_dma semaphore(%arg10 : memref<!tpu.dma_semaphore, #tpu.memory_space<semaphore_mem>>) src(%dma_wait3A_138 : memref<102400x16xf32, #tpu.memory_space<hbm>>) dst(%dma_wait3A_132 : memref<128x16xf32, #tpu.memory_space<vmem>>)
      %dma_wait3A_139 = arith.constant 2 : i32
      %dma_wait3A_140 = arith.constant 2 : i32
      %dma_wait3A_141 = arith.constant 0 : i32
      %dma_wait3A_142 = arith.constant 0 : i32
      %dma_wait3A_143 = tpu.memref_slice %arg9[%dma_wait3A_140, %dma_wait3A_141, %dma_wait3A_142] : memref<8x128x16xf32, #tpu.memory_space<vmem>> -> memref<1x128x16xf32, #tpu.memory_space<vmem>>
      %dma_wait3A_144 = tpu.memref_squeeze %dma_wait3A_143 : memref<1x128x16xf32, #tpu.memory_space<vmem>> -> memref<128x16xf32, #tpu.memory_space<vmem>>
      %dma_wait3A_145 = arith.constant 0 : i32
      %dma_wait3A_146 = tpu.memref_slice %arg7[%dma_wait3A_139, %dma_wait3A_145] : memref<8x128xi32, #tpu.memory_space<vmem>> -> memref<1x128xi32, #tpu.memory_space<vmem>>
      %dma_wait3A_147 = tpu.memref_squeeze %dma_wait3A_146 : memref<1x128xi32, #tpu.memory_space<vmem>> -> memref<128xi32, #tpu.memory_space<vmem>>
      %dma_wait3A_148 = arith.constant 0 : i32
      %dma_wait3A_149 = arith.constant 0 : i32
      %dma_wait3A_150 = tpu.memref_slice %arg2[%dma_wait3A_148, %dma_wait3A_149] : memref<102400x16xf32, #tpu.memory_space<hbm>> -> memref<102400x16xf32, #tpu.memory_space<hbm>>
      tpu.wait_indirect_dma semaphore(%arg10 : memref<!tpu.dma_semaphore, #tpu.memory_space<semaphore_mem>>) src(%dma_wait3A_150 : memref<102400x16xf32, #tpu.memory_space<hbm>>) dst(%dma_wait3A_144 : memref<128x16xf32, #tpu.memory_space<vmem>>)
      %dma_wait3A_151 = arith.constant 3 : i32
      %dma_wait3A_152 = arith.constant 3 : i32
      %dma_wait3A_153 = arith.constant 0 : i32
      %dma_wait3A_154 = arith.constant 0 : i32
      %dma_wait3A_155 = tpu.memref_slice %arg9[%dma_wait3A_152, %dma_wait3A_153, %dma_wait3A_154] : memref<8x128x16xf32, #tpu.memory_space<vmem>> -> memref<1x128x16xf32, #tpu.memory_space<vmem>>
      %dma_wait3A_156 = tpu.memref_squeeze %dma_wait3A_155 : memref<1x128x16xf32, #tpu.memory_space<vmem>> -> memref<128x16xf32, #tpu.memory_space<vmem>>
      %dma_wait3A_157 = arith.constant 0 : i32
      %dma_wait3A_158 = tpu.memref_slice %arg7[%dma_wait3A_151, %dma_wait3A_157] : memref<8x128xi32, #tpu.memory_space<vmem>> -> memref<1x128xi32, #tpu.memory_space<vmem>>
      %dma_wait3A_159 = tpu.memref_squeeze %dma_wait3A_158 : memref<1x128xi32, #tpu.memory_space<vmem>> -> memref<128xi32, #tpu.memory_space<vmem>>
      %dma_wait3A_160 = arith.constant 0 : i32
      %dma_wait3A_161 = arith.constant 0 : i32
      %dma_wait3A_162 = tpu.memref_slice %arg2[%dma_wait3A_160, %dma_wait3A_161] : memref<102400x16xf32, #tpu.memory_space<hbm>> -> memref<102400x16xf32, #tpu.memory_space<hbm>>
      tpu.wait_indirect_dma semaphore(%arg10 : memref<!tpu.dma_semaphore, #tpu.memory_space<semaphore_mem>>) src(%dma_wait3A_162 : memref<102400x16xf32, #tpu.memory_space<hbm>>) dst(%dma_wait3A_156 : memref<128x16xf32, #tpu.memory_space<vmem>>)
      %dma_wait3A_163 = arith.constant 4 : i32
      %dma_wait3A_164 = arith.constant 4 : i32
      %dma_wait3A_165 = arith.constant 0 : i32
      %dma_wait3A_166 = arith.constant 0 : i32
      %dma_wait3A_167 = tpu.memref_slice %arg9[%dma_wait3A_164, %dma_wait3A_165, %dma_wait3A_166] : memref<8x128x16xf32, #tpu.memory_space<vmem>> -> memref<1x128x16xf32, #tpu.memory_space<vmem>>
      %dma_wait3A_168 = tpu.memref_squeeze %dma_wait3A_167 : memref<1x128x16xf32, #tpu.memory_space<vmem>> -> memref<128x16xf32, #tpu.memory_space<vmem>>
      %dma_wait3A_169 = arith.constant 0 : i32
      %dma_wait3A_170 = tpu.memref_slice %arg7[%dma_wait3A_163, %dma_wait3A_169] : memref<8x128xi32, #tpu.memory_space<vmem>> -> memref<1x128xi32, #tpu.memory_space<vmem>>
      %dma_wait3A_171 = tpu.memref_squeeze %dma_wait3A_170 : memref<1x128xi32, #tpu.memory_space<vmem>> -> memref<128xi32, #tpu.memory_space<vmem>>
      %dma_wait3A_172 = arith.constant 0 : i32
      %dma_wait3A_173 = arith.constant 0 : i32
      %dma_wait3A_174 = tpu.memref_slice %arg2[%dma_wait3A_172, %dma_wait3A_173] : memref<102400x16xf32, #tpu.memory_space<hbm>> -> memref<102400x16xf32, #tpu.memory_space<hbm>>
      tpu.wait_indirect_dma semaphore(%arg10 : memref<!tpu.dma_semaphore, #tpu.memory_space<semaphore_mem>>) src(%dma_wait3A_174 : memref<102400x16xf32, #tpu.memory_space<hbm>>) dst(%dma_wait3A_168 : memref<128x16xf32, #tpu.memory_space<vmem>>)
      %dma_wait3A_175 = arith.constant 5 : i32
      %dma_wait3A_176 = arith.constant 5 : i32
      %dma_wait3A_177 = arith.constant 0 : i32
      %dma_wait3A_178 = arith.constant 0 : i32
      %dma_wait3A_179 = tpu.memref_slice %arg9[%dma_wait3A_176, %dma_wait3A_177, %dma_wait3A_178] : memref<8x128x16xf32, #tpu.memory_space<vmem>> -> memref<1x128x16xf32, #tpu.memory_space<vmem>>
      %dma_wait3A_180 = tpu.memref_squeeze %dma_wait3A_179 : memref<1x128x16xf32, #tpu.memory_space<vmem>> -> memref<128x16xf32, #tpu.memory_space<vmem>>
      %dma_wait3A_181 = arith.constant 0 : i32
      %dma_wait3A_182 = tpu.memref_slice %arg7[%dma_wait3A_175, %dma_wait3A_181] : memref<8x128xi32, #tpu.memory_space<vmem>> -> memref<1x128xi32, #tpu.memory_space<vmem>>
      %dma_wait3A_183 = tpu.memref_squeeze %dma_wait3A_182 : memref<1x128xi32, #tpu.memory_space<vmem>> -> memref<128xi32, #tpu.memory_space<vmem>>
      %dma_wait3A_184 = arith.constant 0 : i32
      %dma_wait3A_185 = arith.constant 0 : i32
      %dma_wait3A_186 = tpu.memref_slice %arg2[%dma_wait3A_184, %dma_wait3A_185] : memref<102400x16xf32, #tpu.memory_space<hbm>> -> memref<102400x16xf32, #tpu.memory_space<hbm>>
      tpu.wait_indirect_dma semaphore(%arg10 : memref<!tpu.dma_semaphore, #tpu.memory_space<semaphore_mem>>) src(%dma_wait3A_186 : memref<102400x16xf32, #tpu.memory_space<hbm>>) dst(%dma_wait3A_180 : memref<128x16xf32, #tpu.memory_space<vmem>>)
      %dma_wait3A_187 = arith.constant 6 : i32
      %dma_wait3A_188 = arith.constant 6 : i32
      %dma_wait3A_189 = arith.constant 0 : i32
      %dma_wait3A_190 = arith.constant 0 : i32
      %dma_wait3A_191 = tpu.memref_slice %arg9[%dma_wait3A_188, %dma_wait3A_189, %dma_wait3A_190] : memref<8x128x16xf32, #tpu.memory_space<vmem>> -> memref<1x128x16xf32, #tpu.memory_space<vmem>>
      %dma_wait3A_192 = tpu.memref_squeeze %dma_wait3A_191 : memref<1x128x16xf32, #tpu.memory_space<vmem>> -> memref<128x16xf32, #tpu.memory_space<vmem>>
      %dma_wait3A_193 = arith.constant 0 : i32
      %dma_wait3A_194 = tpu.memref_slice %arg7[%dma_wait3A_187, %dma_wait3A_193] : memref<8x128xi32, #tpu.memory_space<vmem>> -> memref<1x128xi32, #tpu.memory_space<vmem>>
      %dma_wait3A_195 = tpu.memref_squeeze %dma_wait3A_194 : memref<1x128xi32, #tpu.memory_space<vmem>> -> memref<128xi32, #tpu.memory_space<vmem>>
      %dma_wait3A_196 = arith.constant 0 : i32
      %dma_wait3A_197 = arith.constant 0 : i32
      %dma_wait3A_198 = tpu.memref_slice %arg2[%dma_wait3A_196, %dma_wait3A_197] : memref<102400x16xf32, #tpu.memory_space<hbm>> -> memref<102400x16xf32, #tpu.memory_space<hbm>>
      tpu.wait_indirect_dma semaphore(%arg10 : memref<!tpu.dma_semaphore, #tpu.memory_space<semaphore_mem>>) src(%dma_wait3A_198 : memref<102400x16xf32, #tpu.memory_space<hbm>>) dst(%dma_wait3A_192 : memref<128x16xf32, #tpu.memory_space<vmem>>)
      %dma_wait3A_199 = arith.constant 7 : i32
      %dma_wait3A_200 = arith.constant 7 : i32
      %dma_wait3A_201 = arith.constant 0 : i32
      %dma_wait3A_202 = arith.constant 0 : i32
      %dma_wait3A_203 = tpu.memref_slice %arg9[%dma_wait3A_200, %dma_wait3A_201, %dma_wait3A_202] : memref<8x128x16xf32, #tpu.memory_space<vmem>> -> memref<1x128x16xf32, #tpu.memory_space<vmem>>
      %dma_wait3A_204 = tpu.memref_squeeze %dma_wait3A_203 : memref<1x128x16xf32, #tpu.memory_space<vmem>> -> memref<128x16xf32, #tpu.memory_space<vmem>>
      %dma_wait3A_205 = arith.constant 0 : i32
      %dma_wait3A_206 = tpu.memref_slice %arg7[%dma_wait3A_199, %dma_wait3A_205] : memref<8x128xi32, #tpu.memory_space<vmem>> -> memref<1x128xi32, #tpu.memory_space<vmem>>
      %dma_wait3A_207 = tpu.memref_squeeze %dma_wait3A_206 : memref<1x128xi32, #tpu.memory_space<vmem>> -> memref<128xi32, #tpu.memory_space<vmem>>
      %dma_wait3A_208 = arith.constant 0 : i32
      %dma_wait3A_209 = arith.constant 0 : i32
      %dma_wait3A_210 = tpu.memref_slice %arg2[%dma_wait3A_208, %dma_wait3A_209] : memref<102400x16xf32, #tpu.memory_space<hbm>> -> memref<102400x16xf32, #tpu.memory_space<hbm>>
      tpu.wait_indirect_dma semaphore(%arg10 : memref<!tpu.dma_semaphore, #tpu.memory_space<semaphore_mem>>) src(%dma_wait3A_210 : memref<102400x16xf32, #tpu.memory_space<hbm>>) dst(%dma_wait3A_204 : memref<128x16xf32, #tpu.memory_space<vmem>>)
      %run_scoped3A = arith.constant 0 : i32
      %run_scoped3A_211 = arith.constant 0 : i32
      "tpu.region"() ({
        %run_scoped3A_226 = tpu.sem_alloc : memref<!tpu.dma_semaphore, #tpu.memory_space<semaphore_mem>>
        %dma_start3A_227 = arith.constant 0 : i32
        %dma_start3A_228 = arith.constant 0 : i32
        %dma_start3A_229 = tpu.memref_slice %arg9[%run_scoped3A, %dma_start3A_227, %dma_start3A_228] : memref<8x128x16xf32, #tpu.memory_space<vmem>> -> memref<1x128x16xf32, #tpu.memory_space<vmem>>
        %dma_start3A_230 = tpu.memref_squeeze %dma_start3A_229 : memref<1x128x16xf32, #tpu.memory_space<vmem>> -> memref<128x16xf32, #tpu.memory_space<vmem>>
        %dma_start3A_231 = arith.constant 0 : i32
        %dma_start3A_232 = tpu.memref_slice %arg8[%run_scoped3A_211, %dma_start3A_231] : memref<8x128xi32, #tpu.memory_space<vmem>> -> memref<1x128xi32, #tpu.memory_space<vmem>>
        %dma_start3A_233 = tpu.memref_squeeze %dma_start3A_232 : memref<1x128xi32, #tpu.memory_space<vmem>> -> memref<128xi32, #tpu.memory_space<vmem>>
        %dma_start3A_234 = arith.constant 0 : i32
        %dma_start3A_235 = arith.constant 0 : i32
        %dma_start3A_236 = tpu.memref_slice %arg6[%dma_start3A_234, %dma_start3A_235] : memref<102400x16xf32, #tpu.memory_space<vmem_shared>> -> memref<102400x16xf32, #tpu.memory_space<vmem_shared>>
        tpu.enqueue_indirect_dma source(%dma_start3A_230 : memref<128x16xf32, #tpu.memory_space<vmem>>) target(%dma_start3A_236 : memref<102400x16xf32, #tpu.memory_space<vmem_shared>>) offsets(%dma_start3A_233 : memref<128xi32, #tpu.memory_space<vmem>>) semaphore(%run_scoped3A_226 : memref<!tpu.dma_semaphore, #tpu.memory_space<semaphore_mem>>) {add = true}
        %dma_wait3A_237 = arith.constant 0 : i32
        %dma_wait3A_238 = arith.constant 0 : i32
        %dma_wait3A_239 = tpu.memref_slice %arg9[%run_scoped3A, %dma_wait3A_237, %dma_wait3A_238] : memref<8x128x16xf32, #tpu.memory_space<vmem>> -> memref<1x128x16xf32, #tpu.memory_space<vmem>>
        %dma_wait3A_240 = tpu.memref_squeeze %dma_wait3A_239 : memref<1x128x16xf32, #tpu.memory_space<vmem>> -> memref<128x16xf32, #tpu.memory_space<vmem>>
        %dma_wait3A_241 = arith.constant 0 : i32
        %dma_wait3A_242 = tpu.memref_slice %arg8[%run_scoped3A_211, %dma_wait3A_241] : memref<8x128xi32, #tpu.memory_space<vmem>> -> memref<1x128xi32, #tpu.memory_space<vmem>>
        %dma_wait3A_243 = tpu.memref_squeeze %dma_wait3A_242 : memref<1x128xi32, #tpu.memory_space<vmem>> -> memref<128xi32, #tpu.memory_space<vmem>>
        %dma_wait3A_244 = arith.constant 0 : i32
        %dma_wait3A_245 = arith.constant 0 : i32
        %dma_wait3A_246 = tpu.memref_slice %arg6[%dma_wait3A_244, %dma_wait3A_245] : memref<102400x16xf32, #tpu.memory_space<vmem_shared>> -> memref<102400x16xf32, #tpu.memory_space<vmem_shared>>
        tpu.wait_indirect_dma semaphore(%run_scoped3A_226 : memref<!tpu.dma_semaphore, #tpu.memory_space<semaphore_mem>>) src(%dma_wait3A_240 : memref<128x16xf32, #tpu.memory_space<vmem>>) dst(%dma_wait3A_246 : memref<102400x16xf32, #tpu.memory_space<vmem_shared>>)
        tpu.yield
      }) : () -> ()
      %run_scoped3A_212 = arith.constant 1 : i32
      %run_scoped3A_213 = arith.constant 1 : i32
      "tpu.region"() ({
        %run_scoped3A_226 = tpu.sem_alloc : memref<!tpu.dma_semaphore, #tpu.memory_space<semaphore_mem>>
        %dma_start3A_227 = arith.constant 0 : i32
        %dma_start3A_228 = arith.constant 0 : i32
        %dma_start3A_229 = tpu.memref_slice %arg9[%run_scoped3A_212, %dma_start3A_227, %dma_start3A_228] : memref<8x128x16xf32, #tpu.memory_space<vmem>> -> memref<1x128x16xf32, #tpu.memory_space<vmem>>
        %dma_start3A_230 = tpu.memref_squeeze %dma_start3A_229 : memref<1x128x16xf32, #tpu.memory_space<vmem>> -> memref<128x16xf32, #tpu.memory_space<vmem>>
        %dma_start3A_231 = arith.constant 0 : i32
        %dma_start3A_232 = tpu.memref_slice %arg8[%run_scoped3A_213, %dma_start3A_231] : memref<8x128xi32, #tpu.memory_space<vmem>> -> memref<1x128xi32, #tpu.memory_space<vmem>>
        %dma_start3A_233 = tpu.memref_squeeze %dma_start3A_232 : memref<1x128xi32, #tpu.memory_space<vmem>> -> memref<128xi32, #tpu.memory_space<vmem>>
        %dma_start3A_234 = arith.constant 0 : i32
        %dma_start3A_235 = arith.constant 0 : i32
        %dma_start3A_236 = tpu.memref_slice %arg6[%dma_start3A_234, %dma_start3A_235] : memref<102400x16xf32, #tpu.memory_space<vmem_shared>> -> memref<102400x16xf32, #tpu.memory_space<vmem_shared>>
        tpu.enqueue_indirect_dma source(%dma_start3A_230 : memref<128x16xf32, #tpu.memory_space<vmem>>) target(%dma_start3A_236 : memref<102400x16xf32, #tpu.memory_space<vmem_shared>>) offsets(%dma_start3A_233 : memref<128xi32, #tpu.memory_space<vmem>>) semaphore(%run_scoped3A_226 : memref<!tpu.dma_semaphore, #tpu.memory_space<semaphore_mem>>) {add = true}
        %dma_wait3A_237 = arith.constant 0 : i32
        %dma_wait3A_238 = arith.constant 0 : i32
        %dma_wait3A_239 = tpu.memref_slice %arg9[%run_scoped3A_212, %dma_wait3A_237, %dma_wait3A_238] : memref<8x128x16xf32, #tpu.memory_space<vmem>> -> memref<1x128x16xf32, #tpu.memory_space<vmem>>
        %dma_wait3A_240 = tpu.memref_squeeze %dma_wait3A_239 : memref<1x128x16xf32, #tpu.memory_space<vmem>> -> memref<128x16xf32, #tpu.memory_space<vmem>>
        %dma_wait3A_241 = arith.constant 0 : i32
        %dma_wait3A_242 = tpu.memref_slice %arg8[%run_scoped3A_213, %dma_wait3A_241] : memref<8x128xi32, #tpu.memory_space<vmem>> -> memref<1x128xi32, #tpu.memory_space<vmem>>
        %dma_wait3A_243 = tpu.memref_squeeze %dma_wait3A_242 : memref<1x128xi32, #tpu.memory_space<vmem>> -> memref<128xi32, #tpu.memory_space<vmem>>
        %dma_wait3A_244 = arith.constant 0 : i32
        %dma_wait3A_245 = arith.constant 0 : i32
        %dma_wait3A_246 = tpu.memref_slice %arg6[%dma_wait3A_244, %dma_wait3A_245] : memref<102400x16xf32, #tpu.memory_space<vmem_shared>> -> memref<102400x16xf32, #tpu.memory_space<vmem_shared>>
        tpu.wait_indirect_dma semaphore(%run_scoped3A_226 : memref<!tpu.dma_semaphore, #tpu.memory_space<semaphore_mem>>) src(%dma_wait3A_240 : memref<128x16xf32, #tpu.memory_space<vmem>>) dst(%dma_wait3A_246 : memref<102400x16xf32, #tpu.memory_space<vmem_shared>>)
        tpu.yield
      }) : () -> ()
      %run_scoped3A_214 = arith.constant 2 : i32
      %run_scoped3A_215 = arith.constant 2 : i32
      "tpu.region"() ({
        %run_scoped3A_226 = tpu.sem_alloc : memref<!tpu.dma_semaphore, #tpu.memory_space<semaphore_mem>>
        %dma_start3A_227 = arith.constant 0 : i32
        %dma_start3A_228 = arith.constant 0 : i32
        %dma_start3A_229 = tpu.memref_slice %arg9[%run_scoped3A_214, %dma_start3A_227, %dma_start3A_228] : memref<8x128x16xf32, #tpu.memory_space<vmem>> -> memref<1x128x16xf32, #tpu.memory_space<vmem>>
        %dma_start3A_230 = tpu.memref_squeeze %dma_start3A_229 : memref<1x128x16xf32, #tpu.memory_space<vmem>> -> memref<128x16xf32, #tpu.memory_space<vmem>>
        %dma_start3A_231 = arith.constant 0 : i32
        %dma_start3A_232 = tpu.memref_slice %arg8[%run_scoped3A_215, %dma_start3A_231] : memref<8x128xi32, #tpu.memory_space<vmem>> -> memref<1x128xi32, #tpu.memory_space<vmem>>
        %dma_start3A_233 = tpu.memref_squeeze %dma_start3A_232 : memref<1x128xi32, #tpu.memory_space<vmem>> -> memref<128xi32, #tpu.memory_space<vmem>>
        %dma_start3A_234 = arith.constant 0 : i32
        %dma_start3A_235 = arith.constant 0 : i32
        %dma_start3A_236 = tpu.memref_slice %arg6[%dma_start3A_234, %dma_start3A_235] : memref<102400x16xf32, #tpu.memory_space<vmem_shared>> -> memref<102400x16xf32, #tpu.memory_space<vmem_shared>>
        tpu.enqueue_indirect_dma source(%dma_start3A_230 : memref<128x16xf32, #tpu.memory_space<vmem>>) target(%dma_start3A_236 : memref<102400x16xf32, #tpu.memory_space<vmem_shared>>) offsets(%dma_start3A_233 : memref<128xi32, #tpu.memory_space<vmem>>) semaphore(%run_scoped3A_226 : memref<!tpu.dma_semaphore, #tpu.memory_space<semaphore_mem>>) {add = true}
        %dma_wait3A_237 = arith.constant 0 : i32
        %dma_wait3A_238 = arith.constant 0 : i32
        %dma_wait3A_239 = tpu.memref_slice %arg9[%run_scoped3A_214, %dma_wait3A_237, %dma_wait3A_238] : memref<8x128x16xf32, #tpu.memory_space<vmem>> -> memref<1x128x16xf32, #tpu.memory_space<vmem>>
        %dma_wait3A_240 = tpu.memref_squeeze %dma_wait3A_239 : memref<1x128x16xf32, #tpu.memory_space<vmem>> -> memref<128x16xf32, #tpu.memory_space<vmem>>
        %dma_wait3A_241 = arith.constant 0 : i32
        %dma_wait3A_242 = tpu.memref_slice %arg8[%run_scoped3A_215, %dma_wait3A_241] : memref<8x128xi32, #tpu.memory_space<vmem>> -> memref<1x128xi32, #tpu.memory_space<vmem>>
        %dma_wait3A_243 = tpu.memref_squeeze %dma_wait3A_242 : memref<1x128xi32, #tpu.memory_space<vmem>> -> memref<128xi32, #tpu.memory_space<vmem>>
        %dma_wait3A_244 = arith.constant 0 : i32
        %dma_wait3A_245 = arith.constant 0 : i32
        %dma_wait3A_246 = tpu.memref_slice %arg6[%dma_wait3A_244, %dma_wait3A_245] : memref<102400x16xf32, #tpu.memory_space<vmem_shared>> -> memref<102400x16xf32, #tpu.memory_space<vmem_shared>>
        tpu.wait_indirect_dma semaphore(%run_scoped3A_226 : memref<!tpu.dma_semaphore, #tpu.memory_space<semaphore_mem>>) src(%dma_wait3A_240 : memref<128x16xf32, #tpu.memory_space<vmem>>) dst(%dma_wait3A_246 : memref<102400x16xf32, #tpu.memory_space<vmem_shared>>)
        tpu.yield
      }) : () -> ()
      %run_scoped3A_216 = arith.constant 3 : i32
      %run_scoped3A_217 = arith.constant 3 : i32
      "tpu.region"() ({
        %run_scoped3A_226 = tpu.sem_alloc : memref<!tpu.dma_semaphore, #tpu.memory_space<semaphore_mem>>
        %dma_start3A_227 = arith.constant 0 : i32
        %dma_start3A_228 = arith.constant 0 : i32
        %dma_start3A_229 = tpu.memref_slice %arg9[%run_scoped3A_216, %dma_start3A_227, %dma_start3A_228] : memref<8x128x16xf32, #tpu.memory_space<vmem>> -> memref<1x128x16xf32, #tpu.memory_space<vmem>>
        %dma_start3A_230 = tpu.memref_squeeze %dma_start3A_229 : memref<1x128x16xf32, #tpu.memory_space<vmem>> -> memref<128x16xf32, #tpu.memory_space<vmem>>
        %dma_start3A_231 = arith.constant 0 : i32
        %dma_start3A_232 = tpu.memref_slice %arg8[%run_scoped3A_217, %dma_start3A_231] : memref<8x128xi32, #tpu.memory_space<vmem>> -> memref<1x128xi32, #tpu.memory_space<vmem>>
        %dma_start3A_233 = tpu.memref_squeeze %dma_start3A_232 : memref<1x128xi32, #tpu.memory_space<vmem>> -> memref<128xi32, #tpu.memory_space<vmem>>
        %dma_start3A_234 = arith.constant 0 : i32
        %dma_start3A_235 = arith.constant 0 : i32
        %dma_start3A_236 = tpu.memref_slice %arg6[%dma_start3A_234, %dma_start3A_235] : memref<102400x16xf32, #tpu.memory_space<vmem_shared>> -> memref<102400x16xf32, #tpu.memory_space<vmem_shared>>
        tpu.enqueue_indirect_dma source(%dma_start3A_230 : memref<128x16xf32, #tpu.memory_space<vmem>>) target(%dma_start3A_236 : memref<102400x16xf32, #tpu.memory_space<vmem_shared>>) offsets(%dma_start3A_233 : memref<128xi32, #tpu.memory_space<vmem>>) semaphore(%run_scoped3A_226 : memref<!tpu.dma_semaphore, #tpu.memory_space<semaphore_mem>>) {add = true}
        %dma_wait3A_237 = arith.constant 0 : i32
        %dma_wait3A_238 = arith.constant 0 : i32
        %dma_wait3A_239 = tpu.memref_slice %arg9[%run_scoped3A_216, %dma_wait3A_237, %dma_wait3A_238] : memref<8x128x16xf32, #tpu.memory_space<vmem>> -> memref<1x128x16xf32, #tpu.memory_space<vmem>>
        %dma_wait3A_240 = tpu.memref_squeeze %dma_wait3A_239 : memref<1x128x16xf32, #tpu.memory_space<vmem>> -> memref<128x16xf32, #tpu.memory_space<vmem>>
        %dma_wait3A_241 = arith.constant 0 : i32
        %dma_wait3A_242 = tpu.memref_slice %arg8[%run_scoped3A_217, %dma_wait3A_241] : memref<8x128xi32, #tpu.memory_space<vmem>> -> memref<1x128xi32, #tpu.memory_space<vmem>>
        %dma_wait3A_243 = tpu.memref_squeeze %dma_wait3A_242 : memref<1x128xi32, #tpu.memory_space<vmem>> -> memref<128xi32, #tpu.memory_space<vmem>>
        %dma_wait3A_244 = arith.constant 0 : i32
        %dma_wait3A_245 = arith.constant 0 : i32
        %dma_wait3A_246 = tpu.memref_slice %arg6[%dma_wait3A_244, %dma_wait3A_245] : memref<102400x16xf32, #tpu.memory_space<vmem_shared>> -> memref<102400x16xf32, #tpu.memory_space<vmem_shared>>
        tpu.wait_indirect_dma semaphore(%run_scoped3A_226 : memref<!tpu.dma_semaphore, #tpu.memory_space<semaphore_mem>>) src(%dma_wait3A_240 : memref<128x16xf32, #tpu.memory_space<vmem>>) dst(%dma_wait3A_246 : memref<102400x16xf32, #tpu.memory_space<vmem_shared>>)
        tpu.yield
      }) : () -> ()
      %run_scoped3A_218 = arith.constant 4 : i32
      %run_scoped3A_219 = arith.constant 4 : i32
      "tpu.region"() ({
        %run_scoped3A_226 = tpu.sem_alloc : memref<!tpu.dma_semaphore, #tpu.memory_space<semaphore_mem>>
        %dma_start3A_227 = arith.constant 0 : i32
        %dma_start3A_228 = arith.constant 0 : i32
        %dma_start3A_229 = tpu.memref_slice %arg9[%run_scoped3A_218, %dma_start3A_227, %dma_start3A_228] : memref<8x128x16xf32, #tpu.memory_space<vmem>> -> memref<1x128x16xf32, #tpu.memory_space<vmem>>
        %dma_start3A_230 = tpu.memref_squeeze %dma_start3A_229 : memref<1x128x16xf32, #tpu.memory_space<vmem>> -> memref<128x16xf32, #tpu.memory_space<vmem>>
        %dma_start3A_231 = arith.constant 0 : i32
        %dma_start3A_232 = tpu.memref_slice %arg8[%run_scoped3A_219, %dma_start3A_231] : memref<8x128xi32, #tpu.memory_space<vmem>> -> memref<1x128xi32, #tpu.memory_space<vmem>>
        %dma_start3A_233 = tpu.memref_squeeze %dma_start3A_232 : memref<1x128xi32, #tpu.memory_space<vmem>> -> memref<128xi32, #tpu.memory_space<vmem>>
        %dma_start3A_234 = arith.constant 0 : i32
        %dma_start3A_235 = arith.constant 0 : i32
        %dma_start3A_236 = tpu.memref_slice %arg6[%dma_start3A_234, %dma_start3A_235] : memref<102400x16xf32, #tpu.memory_space<vmem_shared>> -> memref<102400x16xf32, #tpu.memory_space<vmem_shared>>
        tpu.enqueue_indirect_dma source(%dma_start3A_230 : memref<128x16xf32, #tpu.memory_space<vmem>>) target(%dma_start3A_236 : memref<102400x16xf32, #tpu.memory_space<vmem_shared>>) offsets(%dma_start3A_233 : memref<128xi32, #tpu.memory_space<vmem>>) semaphore(%run_scoped3A_226 : memref<!tpu.dma_semaphore, #tpu.memory_space<semaphore_mem>>) {add = true}
        %dma_wait3A_237 = arith.constant 0 : i32
        %dma_wait3A_238 = arith.constant 0 : i32
        %dma_wait3A_239 = tpu.memref_slice %arg9[%run_scoped3A_218, %dma_wait3A_237, %dma_wait3A_238] : memref<8x128x16xf32, #tpu.memory_space<vmem>> -> memref<1x128x16xf32, #tpu.memory_space<vmem>>
        %dma_wait3A_240 = tpu.memref_squeeze %dma_wait3A_239 : memref<1x128x16xf32, #tpu.memory_space<vmem>> -> memref<128x16xf32, #tpu.memory_space<vmem>>
        %dma_wait3A_241 = arith.constant 0 : i32
        %dma_wait3A_242 = tpu.memref_slice %arg8[%run_scoped3A_219, %dma_wait3A_241] : memref<8x128xi32, #tpu.memory_space<vmem>> -> memref<1x128xi32, #tpu.memory_space<vmem>>
        %dma_wait3A_243 = tpu.memref_squeeze %dma_wait3A_242 : memref<1x128xi32, #tpu.memory_space<vmem>> -> memref<128xi32, #tpu.memory_space<vmem>>
        %dma_wait3A_244 = arith.constant 0 : i32
        %dma_wait3A_245 = arith.constant 0 : i32
        %dma_wait3A_246 = tpu.memref_slice %arg6[%dma_wait3A_244, %dma_wait3A_245] : memref<102400x16xf32, #tpu.memory_space<vmem_shared>> -> memref<102400x16xf32, #tpu.memory_space<vmem_shared>>
        tpu.wait_indirect_dma semaphore(%run_scoped3A_226 : memref<!tpu.dma_semaphore, #tpu.memory_space<semaphore_mem>>) src(%dma_wait3A_240 : memref<128x16xf32, #tpu.memory_space<vmem>>) dst(%dma_wait3A_246 : memref<102400x16xf32, #tpu.memory_space<vmem_shared>>)
        tpu.yield
      }) : () -> ()
      %run_scoped3A_220 = arith.constant 5 : i32
      %run_scoped3A_221 = arith.constant 5 : i32
      "tpu.region"() ({
        %run_scoped3A_226 = tpu.sem_alloc : memref<!tpu.dma_semaphore, #tpu.memory_space<semaphore_mem>>
        %dma_start3A_227 = arith.constant 0 : i32
        %dma_start3A_228 = arith.constant 0 : i32
        %dma_start3A_229 = tpu.memref_slice %arg9[%run_scoped3A_220, %dma_start3A_227, %dma_start3A_228] : memref<8x128x16xf32, #tpu.memory_space<vmem>> -> memref<1x128x16xf32, #tpu.memory_space<vmem>>
        %dma_start3A_230 = tpu.memref_squeeze %dma_start3A_229 : memref<1x128x16xf32, #tpu.memory_space<vmem>> -> memref<128x16xf32, #tpu.memory_space<vmem>>
        %dma_start3A_231 = arith.constant 0 : i32
        %dma_start3A_232 = tpu.memref_slice %arg8[%run_scoped3A_221, %dma_start3A_231] : memref<8x128xi32, #tpu.memory_space<vmem>> -> memref<1x128xi32, #tpu.memory_space<vmem>>
        %dma_start3A_233 = tpu.memref_squeeze %dma_start3A_232 : memref<1x128xi32, #tpu.memory_space<vmem>> -> memref<128xi32, #tpu.memory_space<vmem>>
        %dma_start3A_234 = arith.constant 0 : i32
        %dma_start3A_235 = arith.constant 0 : i32
        %dma_start3A_236 = tpu.memref_slice %arg6[%dma_start3A_234, %dma_start3A_235] : memref<102400x16xf32, #tpu.memory_space<vmem_shared>> -> memref<102400x16xf32, #tpu.memory_space<vmem_shared>>
        tpu.enqueue_indirect_dma source(%dma_start3A_230 : memref<128x16xf32, #tpu.memory_space<vmem>>) target(%dma_start3A_236 : memref<102400x16xf32, #tpu.memory_space<vmem_shared>>) offsets(%dma_start3A_233 : memref<128xi32, #tpu.memory_space<vmem>>) semaphore(%run_scoped3A_226 : memref<!tpu.dma_semaphore, #tpu.memory_space<semaphore_mem>>) {add = true}
        %dma_wait3A_237 = arith.constant 0 : i32
        %dma_wait3A_238 = arith.constant 0 : i32
        %dma_wait3A_239 = tpu.memref_slice %arg9[%run_scoped3A_220, %dma_wait3A_237, %dma_wait3A_238] : memref<8x128x16xf32, #tpu.memory_space<vmem>> -> memref<1x128x16xf32, #tpu.memory_space<vmem>>
        %dma_wait3A_240 = tpu.memref_squeeze %dma_wait3A_239 : memref<1x128x16xf32, #tpu.memory_space<vmem>> -> memref<128x16xf32, #tpu.memory_space<vmem>>
        %dma_wait3A_241 = arith.constant 0 : i32
        %dma_wait3A_242 = tpu.memref_slice %arg8[%run_scoped3A_221, %dma_wait3A_241] : memref<8x128xi32, #tpu.memory_space<vmem>> -> memref<1x128xi32, #tpu.memory_space<vmem>>
        %dma_wait3A_243 = tpu.memref_squeeze %dma_wait3A_242 : memref<1x128xi32, #tpu.memory_space<vmem>> -> memref<128xi32, #tpu.memory_space<vmem>>
        %dma_wait3A_244 = arith.constant 0 : i32
        %dma_wait3A_245 = arith.constant 0 : i32
        %dma_wait3A_246 = tpu.memref_slice %arg6[%dma_wait3A_244, %dma_wait3A_245] : memref<102400x16xf32, #tpu.memory_space<vmem_shared>> -> memref<102400x16xf32, #tpu.memory_space<vmem_shared>>
        tpu.wait_indirect_dma semaphore(%run_scoped3A_226 : memref<!tpu.dma_semaphore, #tpu.memory_space<semaphore_mem>>) src(%dma_wait3A_240 : memref<128x16xf32, #tpu.memory_space<vmem>>) dst(%dma_wait3A_246 : memref<102400x16xf32, #tpu.memory_space<vmem_shared>>)
        tpu.yield
      }) : () -> ()
      %run_scoped3A_222 = arith.constant 6 : i32
      %run_scoped3A_223 = arith.constant 6 : i32
      "tpu.region"() ({
        %run_scoped3A_226 = tpu.sem_alloc : memref<!tpu.dma_semaphore, #tpu.memory_space<semaphore_mem>>
        %dma_start3A_227 = arith.constant 0 : i32
        %dma_start3A_228 = arith.constant 0 : i32
        %dma_start3A_229 = tpu.memref_slice %arg9[%run_scoped3A_222, %dma_start3A_227, %dma_start3A_228] : memref<8x128x16xf32, #tpu.memory_space<vmem>> -> memref<1x128x16xf32, #tpu.memory_space<vmem>>
        %dma_start3A_230 = tpu.memref_squeeze %dma_start3A_229 : memref<1x128x16xf32, #tpu.memory_space<vmem>> -> memref<128x16xf32, #tpu.memory_space<vmem>>
        %dma_start3A_231 = arith.constant 0 : i32
        %dma_start3A_232 = tpu.memref_slice %arg8[%run_scoped3A_223, %dma_start3A_231] : memref<8x128xi32, #tpu.memory_space<vmem>> -> memref<1x128xi32, #tpu.memory_space<vmem>>
        %dma_start3A_233 = tpu.memref_squeeze %dma_start3A_232 : memref<1x128xi32, #tpu.memory_space<vmem>> -> memref<128xi32, #tpu.memory_space<vmem>>
        %dma_start3A_234 = arith.constant 0 : i32
        %dma_start3A_235 = arith.constant 0 : i32
        %dma_start3A_236 = tpu.memref_slice %arg6[%dma_start3A_234, %dma_start3A_235] : memref<102400x16xf32, #tpu.memory_space<vmem_shared>> -> memref<102400x16xf32, #tpu.memory_space<vmem_shared>>
        tpu.enqueue_indirect_dma source(%dma_start3A_230 : memref<128x16xf32, #tpu.memory_space<vmem>>) target(%dma_start3A_236 : memref<102400x16xf32, #tpu.memory_space<vmem_shared>>) offsets(%dma_start3A_233 : memref<128xi32, #tpu.memory_space<vmem>>) semaphore(%run_scoped3A_226 : memref<!tpu.dma_semaphore, #tpu.memory_space<semaphore_mem>>) {add = true}
        %dma_wait3A_237 = arith.constant 0 : i32
        %dma_wait3A_238 = arith.constant 0 : i32
        %dma_wait3A_239 = tpu.memref_slice %arg9[%run_scoped3A_222, %dma_wait3A_237, %dma_wait3A_238] : memref<8x128x16xf32, #tpu.memory_space<vmem>> -> memref<1x128x16xf32, #tpu.memory_space<vmem>>
        %dma_wait3A_240 = tpu.memref_squeeze %dma_wait3A_239 : memref<1x128x16xf32, #tpu.memory_space<vmem>> -> memref<128x16xf32, #tpu.memory_space<vmem>>
        %dma_wait3A_241 = arith.constant 0 : i32
        %dma_wait3A_242 = tpu.memref_slice %arg8[%run_scoped3A_223, %dma_wait3A_241] : memref<8x128xi32, #tpu.memory_space<vmem>> -> memref<1x128xi32, #tpu.memory_space<vmem>>
        %dma_wait3A_243 = tpu.memref_squeeze %dma_wait3A_242 : memref<1x128xi32, #tpu.memory_space<vmem>> -> memref<128xi32, #tpu.memory_space<vmem>>
        %dma_wait3A_244 = arith.constant 0 : i32
        %dma_wait3A_245 = arith.constant 0 : i32
        %dma_wait3A_246 = tpu.memref_slice %arg6[%dma_wait3A_244, %dma_wait3A_245] : memref<102400x16xf32, #tpu.memory_space<vmem_shared>> -> memref<102400x16xf32, #tpu.memory_space<vmem_shared>>
        tpu.wait_indirect_dma semaphore(%run_scoped3A_226 : memref<!tpu.dma_semaphore, #tpu.memory_space<semaphore_mem>>) src(%dma_wait3A_240 : memref<128x16xf32, #tpu.memory_space<vmem>>) dst(%dma_wait3A_246 : memref<102400x16xf32, #tpu.memory_space<vmem_shared>>)
        tpu.yield
      }) : () -> ()
      %run_scoped3A_224 = arith.constant 7 : i32
      %run_scoped3A_225 = arith.constant 7 : i32
      "tpu.region"() ({
        %run_scoped3A_226 = tpu.sem_alloc : memref<!tpu.dma_semaphore, #tpu.memory_space<semaphore_mem>>
        %dma_start3A_227 = arith.constant 0 : i32
        %dma_start3A_228 = arith.constant 0 : i32
        %dma_start3A_229 = tpu.memref_slice %arg9[%run_scoped3A_224, %dma_start3A_227, %dma_start3A_228] : memref<8x128x16xf32, #tpu.memory_space<vmem>> -> memref<1x128x16xf32, #tpu.memory_space<vmem>>
        %dma_start3A_230 = tpu.memref_squeeze %dma_start3A_229 : memref<1x128x16xf32, #tpu.memory_space<vmem>> -> memref<128x16xf32, #tpu.memory_space<vmem>>
        %dma_start3A_231 = arith.constant 0 : i32
        %dma_start3A_232 = tpu.memref_slice %arg8[%run_scoped3A_225, %dma_start3A_231] : memref<8x128xi32, #tpu.memory_space<vmem>> -> memref<1x128xi32, #tpu.memory_space<vmem>>
        %dma_start3A_233 = tpu.memref_squeeze %dma_start3A_232 : memref<1x128xi32, #tpu.memory_space<vmem>> -> memref<128xi32, #tpu.memory_space<vmem>>
        %dma_start3A_234 = arith.constant 0 : i32
        %dma_start3A_235 = arith.constant 0 : i32
        %dma_start3A_236 = tpu.memref_slice %arg6[%dma_start3A_234, %dma_start3A_235] : memref<102400x16xf32, #tpu.memory_space<vmem_shared>> -> memref<102400x16xf32, #tpu.memory_space<vmem_shared>>
        tpu.enqueue_indirect_dma source(%dma_start3A_230 : memref<128x16xf32, #tpu.memory_space<vmem>>) target(%dma_start3A_236 : memref<102400x16xf32, #tpu.memory_space<vmem_shared>>) offsets(%dma_start3A_233 : memref<128xi32, #tpu.memory_space<vmem>>) semaphore(%run_scoped3A_226 : memref<!tpu.dma_semaphore, #tpu.memory_space<semaphore_mem>>) {add = true}
        %dma_wait3A_237 = arith.constant 0 : i32
        %dma_wait3A_238 = arith.constant 0 : i32
        %dma_wait3A_239 = tpu.memref_slice %arg9[%run_scoped3A_224, %dma_wait3A_237, %dma_wait3A_238] : memref<8x128x16xf32, #tpu.memory_space<vmem>> -> memref<1x128x16xf32, #tpu.memory_space<vmem>>
        %dma_wait3A_240 = tpu.memref_squeeze %dma_wait3A_239 : memref<1x128x16xf32, #tpu.memory_space<vmem>> -> memref<128x16xf32, #tpu.memory_space<vmem>>
        %dma_wait3A_241 = arith.constant 0 : i32
        %dma_wait3A_242 = tpu.memref_slice %arg8[%run_scoped3A_225, %dma_wait3A_241] : memref<8x128xi32, #tpu.memory_space<vmem>> -> memref<1x128xi32, #tpu.memory_space<vmem>>
        %dma_wait3A_243 = tpu.memref_squeeze %dma_wait3A_242 : memref<1x128xi32, #tpu.memory_space<vmem>> -> memref<128xi32, #tpu.memory_space<vmem>>
        %dma_wait3A_244 = arith.constant 0 : i32
        %dma_wait3A_245 = arith.constant 0 : i32
        %dma_wait3A_246 = tpu.memref_slice %arg6[%dma_wait3A_244, %dma_wait3A_245] : memref<102400x16xf32, #tpu.memory_space<vmem_shared>> -> memref<102400x16xf32, #tpu.memory_space<vmem_shared>>
        tpu.wait_indirect_dma semaphore(%run_scoped3A_226 : memref<!tpu.dma_semaphore, #tpu.memory_space<semaphore_mem>>) src(%dma_wait3A_240 : memref<128x16xf32, #tpu.memory_space<vmem>>) dst(%dma_wait3A_246 : memref<102400x16xf32, #tpu.memory_space<vmem_shared>>)
        tpu.yield
      }) : () -> ()
    }
    %scan3A_11 = arith.constant 100 : i32
    %barrier3A_12 = arith.constant 0 : index
    tpu.barrier barrier_id(%barrier3A_12)
    %mul3A_13 = arith.constant 6400 : i32
    %mul3A_14 = arith.muli %arg1, %mul3A_13 : i32
    %mul3A_15 = arith.constant 6400 : i32
    %mul3A_16 = arith.muli %arg1, %mul3A_15 : i32
    "tpu.region"() ({
      %run_scoped3A = tpu.sem_alloc : memref<!tpu.dma_semaphore, #tpu.memory_space<semaphore_mem>>
      %dma_start3A = arith.constant 0 : i32
      %dma_start3A_17 = arith.constant 0 : i32
      %dma_start3A_18 = tpu.memref_slice %arg5[%arg0, %dma_start3A, %dma_start3A_17] : memref<2x102400x16xf32, #tpu.memory_space<hbm>> -> memref<1x102400x16xf32, #tpu.memory_space<hbm>>
      %dma_start3A_19 = tpu.memref_squeeze %dma_start3A_18 : memref<1x102400x16xf32, #tpu.memory_space<hbm>> -> memref<102400x16xf32, #tpu.memory_space<hbm>>
      %dma_start3A_20 = arith.constant 0 : i32
      %dma_start3A_21 = tpu.memref_slice %dma_start3A_19[%mul3A_16, %dma_start3A_20] : memref<102400x16xf32, #tpu.memory_space<hbm>> -> memref<6400x16xf32, #tpu.memory_space<hbm>>
      %dma_start3A_22 = arith.constant 0 : i32
      %dma_start3A_23 = tpu.memref_slice %arg6[%mul3A_14, %dma_start3A_22] : memref<102400x16xf32, #tpu.memory_space<vmem_shared>> -> memref<6400x16xf32, #tpu.memory_space<vmem_shared>>
      tpu.enqueue_dma source(%dma_start3A_23 : memref<6400x16xf32, #tpu.memory_space<vmem_shared>>) target(%dma_start3A_21 : memref<6400x16xf32, #tpu.memory_space<hbm>>) target_semaphore(%run_scoped3A : memref<!tpu.dma_semaphore, #tpu.memory_space<semaphore_mem>>)
      %dma_wait3A = arith.constant 0 : i32
      %dma_wait3A_24 = arith.constant 0 : i32
      %dma_wait3A_25 = tpu.memref_slice %arg5[%arg0, %dma_wait3A, %dma_wait3A_24] : memref<2x102400x16xf32, #tpu.memory_space<hbm>> -> memref<1x102400x16xf32, #tpu.memory_space<hbm>>
      %dma_wait3A_26 = tpu.memref_squeeze %dma_wait3A_25 : memref<1x102400x16xf32, #tpu.memory_space<hbm>> -> memref<102400x16xf32, #tpu.memory_space<hbm>>
      %dma_wait3A_27 = arith.constant 0 : i32
      %dma_wait3A_28 = tpu.memref_slice %dma_wait3A_26[%mul3A_16, %dma_wait3A_27] : memref<102400x16xf32, #tpu.memory_space<hbm>> -> memref<6400x16xf32, #tpu.memory_space<hbm>>
      %dma_wait3A_29 = arith.constant 0 : i32
      %dma_wait3A_30 = tpu.memref_slice %arg6[%mul3A_14, %dma_wait3A_29] : memref<102400x16xf32, #tpu.memory_space<vmem_shared>> -> memref<6400x16xf32, #tpu.memory_space<vmem_shared>>
      tpu.wait_dma2 semaphore(%run_scoped3A : memref<!tpu.dma_semaphore, #tpu.memory_space<semaphore_mem>>) src(%dma_wait3A_30 : memref<6400x16xf32, #tpu.memory_space<vmem_shared>>) dst(%dma_wait3A_28 : memref<6400x16xf32, #tpu.memory_space<hbm>>)
      tpu.yield
    }) : () -> ()
    return
  }
}

#map = affine_map<(d0, d1) -> (0, 0, 0)>
#map1 = affine_map<(d0, d1) -> (0, 0)>
module attributes {stable_mosaic.version = 14 : i64} {
  func.func @k(%arg0: i32, %arg1: i32, %arg2: memref<2x102400x16xf32, #tpu.memory_space<hbm>>, %arg3: memref<25600x128xi32, #tpu.memory_space<hbm>>, %arg4: memref<25600x128xi32, #tpu.memory_space<hbm>>, %arg5: memref<2x102400x16xf32, #tpu.memory_space<hbm>>, %arg6: memref<102400x16xf32, #tpu.memory_space<vmem_shared>>, %arg7: memref<8x128xi32, #tpu.memory_space<vmem>>, %arg8: memref<8x128xi32, #tpu.memory_space<vmem>>, %arg9: memref<8x128x16xf32, #tpu.memory_space<vmem>>, %arg10: memref<!tpu.dma_semaphore, #tpu.memory_space<semaphore_mem>>) attributes {dimension_semantics = [#tpu.dimension_semantics<core_parallel>, #tpu.dimension_semantics<subcore_parallel>], iteration_bounds = array<i64: 2, 16>, scalar_prefetch = 0 : i64, scratch_operands = 5 : i64, tpu.core_type = #tpu.core_type<sc_vector_subcore>, window_params = [{transform_indices = #map}, {transform_indices = #map1}, {transform_indices = #map1}, {transform_indices = #map}]} {
    %mul3A = arith.constant 6400 : i32
    %mul3A_0 = arith.muli %arg1, %mul3A : i32
    %mul3A_1 = arith.constant 6400 : i32
    %mul3A_2 = arith.muli %arg1, %mul3A_1 : i32
    "tpu.region"() ({
      %run_scoped3A = tpu.sem_alloc : memref<!tpu.dma_semaphore, #tpu.memory_space<semaphore_mem>>
      %dma_start3A = arith.constant 0 : i32
      %dma_start3A_15 = tpu.memref_slice %arg6[%mul3A_2, %dma_start3A] : memref<102400x16xf32, #tpu.memory_space<vmem_shared>> -> memref<6400x16xf32, #tpu.memory_space<vmem_shared>>
      %dma_start3A_16 = arith.constant 0 : i32
      %dma_start3A_17 = arith.constant 0 : i32
      %dma_start3A_18 = tpu.memref_slice %arg2[%arg0, %dma_start3A_16, %dma_start3A_17] : memref<2x102400x16xf32, #tpu.memory_space<hbm>> -> memref<1x102400x16xf32, #tpu.memory_space<hbm>>
      %dma_start3A_19 = tpu.memref_squeeze %dma_start3A_18 : memref<1x102400x16xf32, #tpu.memory_space<hbm>> -> memref<102400x16xf32, #tpu.memory_space<hbm>>
      %dma_start3A_20 = arith.constant 0 : i32
      %dma_start3A_21 = tpu.memref_slice %dma_start3A_19[%mul3A_0, %dma_start3A_20] : memref<102400x16xf32, #tpu.memory_space<hbm>> -> memref<6400x16xf32, #tpu.memory_space<hbm>>
      tpu.enqueue_dma source(%dma_start3A_21 : memref<6400x16xf32, #tpu.memory_space<hbm>>) target(%dma_start3A_15 : memref<6400x16xf32, #tpu.memory_space<vmem_shared>>) target_semaphore(%run_scoped3A : memref<!tpu.dma_semaphore, #tpu.memory_space<semaphore_mem>>)
      %dma_wait3A = arith.constant 0 : i32
      %dma_wait3A_22 = tpu.memref_slice %arg6[%mul3A_2, %dma_wait3A] : memref<102400x16xf32, #tpu.memory_space<vmem_shared>> -> memref<6400x16xf32, #tpu.memory_space<vmem_shared>>
      %dma_wait3A_23 = arith.constant 0 : i32
      %dma_wait3A_24 = arith.constant 0 : i32
      %dma_wait3A_25 = tpu.memref_slice %arg2[%arg0, %dma_wait3A_23, %dma_wait3A_24] : memref<2x102400x16xf32, #tpu.memory_space<hbm>> -> memref<1x102400x16xf32, #tpu.memory_space<hbm>>
      %dma_wait3A_26 = tpu.memref_squeeze %dma_wait3A_25 : memref<1x102400x16xf32, #tpu.memory_space<hbm>> -> memref<102400x16xf32, #tpu.memory_space<hbm>>
      %dma_wait3A_27 = arith.constant 0 : i32
      %dma_wait3A_28 = tpu.memref_slice %dma_wait3A_26[%mul3A_0, %dma_wait3A_27] : memref<102400x16xf32, #tpu.memory_space<hbm>> -> memref<6400x16xf32, #tpu.memory_space<hbm>>
      tpu.wait_dma2 semaphore(%run_scoped3A : memref<!tpu.dma_semaphore, #tpu.memory_space<semaphore_mem>>) src(%dma_wait3A_28 : memref<6400x16xf32, #tpu.memory_space<hbm>>) dst(%dma_wait3A_22 : memref<6400x16xf32, #tpu.memory_space<vmem_shared>>)
      tpu.yield
    }) : () -> ()
    %barrier3A = arith.constant 0 : index
    tpu.barrier barrier_id(%barrier3A)
    %mul3A_3 = arith.constant 1600 : i32
    %mul3A_4 = arith.muli %arg1, %mul3A_3 : i32
    %scan3A = arith.constant 0 : i32
    %scan3A_5 = arith.constant 0 : i32
    %scan3A_6 = arith.constant 200 : i32
    %scan3A_7 = arith.addi %scan3A_5, %scan3A_6 : i32
    %scan3A_8 = arith.constant 1 : i32
    scf.for %scan3A_15 = %scan3A_5 to %scan3A_7 step %scan3A_8  : i32 {
      %mul3A_16 = arith.constant 8 : i32
      %mul3A_17 = arith.muli %scan3A_15, %mul3A_16 : i32
      %add3A = arith.addi %mul3A_4, %mul3A_17 : i32
      "tpu.region"() ({
        %run_scoped3A_287 = tpu.sem_alloc : memref<!tpu.dma_semaphore, #tpu.memory_space<semaphore_mem>>
        %dma_start3A_288 = arith.constant 0 : i32
        %dma_start3A_289 = tpu.memref_slice %arg3[%add3A, %dma_start3A_288] : memref<25600x128xi32, #tpu.memory_space<hbm>> -> memref<8x128xi32, #tpu.memory_space<hbm>>
        %dma_start3A_290 = arith.constant 0 : i32
        %dma_start3A_291 = tpu.memref_slice %arg3[%add3A, %dma_start3A_290] : memref<25600x128xi32, #tpu.memory_space<hbm>> -> memref<8x128xi32, #tpu.memory_space<hbm>>
        tpu.enqueue_dma source(%dma_start3A_291 : memref<8x128xi32, #tpu.memory_space<hbm>>) target(%arg7 : memref<8x128xi32, #tpu.memory_space<vmem>>) target_semaphore(%run_scoped3A_287 : memref<!tpu.dma_semaphore, #tpu.memory_space<semaphore_mem>>)
        %dma_wait3A_292 = arith.constant 0 : i32
        %dma_wait3A_293 = tpu.memref_slice %arg3[%add3A, %dma_wait3A_292] : memref<25600x128xi32, #tpu.memory_space<hbm>> -> memref<8x128xi32, #tpu.memory_space<hbm>>
        %dma_wait3A_294 = arith.constant 0 : i32
        %dma_wait3A_295 = tpu.memref_slice %arg3[%add3A, %dma_wait3A_294] : memref<25600x128xi32, #tpu.memory_space<hbm>> -> memref<8x128xi32, #tpu.memory_space<hbm>>
        tpu.wait_dma2 semaphore(%run_scoped3A_287 : memref<!tpu.dma_semaphore, #tpu.memory_space<semaphore_mem>>) src(%dma_wait3A_295 : memref<8x128xi32, #tpu.memory_space<hbm>>) dst(%arg7 : memref<8x128xi32, #tpu.memory_space<vmem>>)
        tpu.yield
      }) : () -> ()
      "tpu.region"() ({
        %run_scoped3A_287 = tpu.sem_alloc : memref<!tpu.dma_semaphore, #tpu.memory_space<semaphore_mem>>
        %dma_start3A_288 = arith.constant 0 : i32
        %dma_start3A_289 = tpu.memref_slice %arg4[%add3A, %dma_start3A_288] : memref<25600x128xi32, #tpu.memory_space<hbm>> -> memref<8x128xi32, #tpu.memory_space<hbm>>
        %dma_start3A_290 = arith.constant 0 : i32
        %dma_start3A_291 = tpu.memref_slice %arg4[%add3A, %dma_start3A_290] : memref<25600x128xi32, #tpu.memory_space<hbm>> -> memref<8x128xi32, #tpu.memory_space<hbm>>
        tpu.enqueue_dma source(%dma_start3A_291 : memref<8x128xi32, #tpu.memory_space<hbm>>) target(%arg8 : memref<8x128xi32, #tpu.memory_space<vmem>>) target_semaphore(%run_scoped3A_287 : memref<!tpu.dma_semaphore, #tpu.memory_space<semaphore_mem>>)
        %dma_wait3A_292 = arith.constant 0 : i32
        %dma_wait3A_293 = tpu.memref_slice %arg4[%add3A, %dma_wait3A_292] : memref<25600x128xi32, #tpu.memory_space<hbm>> -> memref<8x128xi32, #tpu.memory_space<hbm>>
        %dma_wait3A_294 = arith.constant 0 : i32
        %dma_wait3A_295 = tpu.memref_slice %arg4[%add3A, %dma_wait3A_294] : memref<25600x128xi32, #tpu.memory_space<hbm>> -> memref<8x128xi32, #tpu.memory_space<hbm>>
        tpu.wait_dma2 semaphore(%run_scoped3A_287 : memref<!tpu.dma_semaphore, #tpu.memory_space<semaphore_mem>>) src(%dma_wait3A_295 : memref<8x128xi32, #tpu.memory_space<hbm>>) dst(%arg8 : memref<8x128xi32, #tpu.memory_space<vmem>>)
        tpu.yield
      }) : () -> ()
      %dma_start3A = arith.constant 0 : i32
      %dma_start3A_18 = arith.constant 0 : i32
      %dma_start3A_19 = arith.constant 0 : i32
      %dma_start3A_20 = arith.constant 0 : i32
      %dma_start3A_21 = tpu.memref_slice %arg9[%dma_start3A_18, %dma_start3A_19, %dma_start3A_20] : memref<8x128x16xf32, #tpu.memory_space<vmem>> -> memref<1x128x16xf32, #tpu.memory_space<vmem>>
      %dma_start3A_22 = tpu.memref_squeeze %dma_start3A_21 : memref<1x128x16xf32, #tpu.memory_space<vmem>> -> memref<128x16xf32, #tpu.memory_space<vmem>>
      %dma_start3A_23 = arith.constant 0 : i32
      %dma_start3A_24 = tpu.memref_slice %arg7[%dma_start3A, %dma_start3A_23] : memref<8x128xi32, #tpu.memory_space<vmem>> -> memref<1x128xi32, #tpu.memory_space<vmem>>
      %dma_start3A_25 = tpu.memref_squeeze %dma_start3A_24 : memref<1x128xi32, #tpu.memory_space<vmem>> -> memref<128xi32, #tpu.memory_space<vmem>>
      %dma_start3A_26 = arith.constant 0 : i32
      %dma_start3A_27 = arith.constant 0 : i32
      %dma_start3A_28 = tpu.memref_slice %arg2[%arg0, %dma_start3A_26, %dma_start3A_27] : memref<2x102400x16xf32, #tpu.memory_space<hbm>> -> memref<1x102400x16xf32, #tpu.memory_space<hbm>>
      %dma_start3A_29 = tpu.memref_squeeze %dma_start3A_28 : memref<1x102400x16xf32, #tpu.memory_space<hbm>> -> memref<102400x16xf32, #tpu.memory_space<hbm>>
      %dma_start3A_30 = arith.constant 0 : i32
      %dma_start3A_31 = arith.constant 0 : i32
      %dma_start3A_32 = tpu.memref_slice %dma_start3A_29[%dma_start3A_30, %dma_start3A_31] : memref<102400x16xf32, #tpu.memory_space<hbm>> -> memref<102400x16xf32, #tpu.memory_space<hbm>>
      tpu.enqueue_indirect_dma source(%dma_start3A_32 : memref<102400x16xf32, #tpu.memory_space<hbm>>) target(%dma_start3A_22 : memref<128x16xf32, #tpu.memory_space<vmem>>) offsets(%dma_start3A_25 : memref<128xi32, #tpu.memory_space<vmem>>) semaphore(%arg10 : memref<!tpu.dma_semaphore, #tpu.memory_space<semaphore_mem>>)
      %dma_start3A_33 = arith.constant 1 : i32
      %dma_start3A_34 = arith.constant 1 : i32
      %dma_start3A_35 = arith.constant 0 : i32
      %dma_start3A_36 = arith.constant 0 : i32
      %dma_start3A_37 = tpu.memref_slice %arg9[%dma_start3A_34, %dma_start3A_35, %dma_start3A_36] : memref<8x128x16xf32, #tpu.memory_space<vmem>> -> memref<1x128x16xf32, #tpu.memory_space<vmem>>
      %dma_start3A_38 = tpu.memref_squeeze %dma_start3A_37 : memref<1x128x16xf32, #tpu.memory_space<vmem>> -> memref<128x16xf32, #tpu.memory_space<vmem>>
      %dma_start3A_39 = arith.constant 0 : i32
      %dma_start3A_40 = tpu.memref_slice %arg7[%dma_start3A_33, %dma_start3A_39] : memref<8x128xi32, #tpu.memory_space<vmem>> -> memref<1x128xi32, #tpu.memory_space<vmem>>
      %dma_start3A_41 = tpu.memref_squeeze %dma_start3A_40 : memref<1x128xi32, #tpu.memory_space<vmem>> -> memref<128xi32, #tpu.memory_space<vmem>>
      %dma_start3A_42 = arith.constant 0 : i32
      %dma_start3A_43 = arith.constant 0 : i32
      %dma_start3A_44 = tpu.memref_slice %arg2[%arg0, %dma_start3A_42, %dma_start3A_43] : memref<2x102400x16xf32, #tpu.memory_space<hbm>> -> memref<1x102400x16xf32, #tpu.memory_space<hbm>>
      %dma_start3A_45 = tpu.memref_squeeze %dma_start3A_44 : memref<1x102400x16xf32, #tpu.memory_space<hbm>> -> memref<102400x16xf32, #tpu.memory_space<hbm>>
      %dma_start3A_46 = arith.constant 0 : i32
      %dma_start3A_47 = arith.constant 0 : i32
      %dma_start3A_48 = tpu.memref_slice %dma_start3A_45[%dma_start3A_46, %dma_start3A_47] : memref<102400x16xf32, #tpu.memory_space<hbm>> -> memref<102400x16xf32, #tpu.memory_space<hbm>>
      tpu.enqueue_indirect_dma source(%dma_start3A_48 : memref<102400x16xf32, #tpu.memory_space<hbm>>) target(%dma_start3A_38 : memref<128x16xf32, #tpu.memory_space<vmem>>) offsets(%dma_start3A_41 : memref<128xi32, #tpu.memory_space<vmem>>) semaphore(%arg10 : memref<!tpu.dma_semaphore, #tpu.memory_space<semaphore_mem>>)
      %dma_start3A_49 = arith.constant 2 : i32
      %dma_start3A_50 = arith.constant 2 : i32
      %dma_start3A_51 = arith.constant 0 : i32
      %dma_start3A_52 = arith.constant 0 : i32
      %dma_start3A_53 = tpu.memref_slice %arg9[%dma_start3A_50, %dma_start3A_51, %dma_start3A_52] : memref<8x128x16xf32, #tpu.memory_space<vmem>> -> memref<1x128x16xf32, #tpu.memory_space<vmem>>
      %dma_start3A_54 = tpu.memref_squeeze %dma_start3A_53 : memref<1x128x16xf32, #tpu.memory_space<vmem>> -> memref<128x16xf32, #tpu.memory_space<vmem>>
      %dma_start3A_55 = arith.constant 0 : i32
      %dma_start3A_56 = tpu.memref_slice %arg7[%dma_start3A_49, %dma_start3A_55] : memref<8x128xi32, #tpu.memory_space<vmem>> -> memref<1x128xi32, #tpu.memory_space<vmem>>
      %dma_start3A_57 = tpu.memref_squeeze %dma_start3A_56 : memref<1x128xi32, #tpu.memory_space<vmem>> -> memref<128xi32, #tpu.memory_space<vmem>>
      %dma_start3A_58 = arith.constant 0 : i32
      %dma_start3A_59 = arith.constant 0 : i32
      %dma_start3A_60 = tpu.memref_slice %arg2[%arg0, %dma_start3A_58, %dma_start3A_59] : memref<2x102400x16xf32, #tpu.memory_space<hbm>> -> memref<1x102400x16xf32, #tpu.memory_space<hbm>>
      %dma_start3A_61 = tpu.memref_squeeze %dma_start3A_60 : memref<1x102400x16xf32, #tpu.memory_space<hbm>> -> memref<102400x16xf32, #tpu.memory_space<hbm>>
      %dma_start3A_62 = arith.constant 0 : i32
      %dma_start3A_63 = arith.constant 0 : i32
      %dma_start3A_64 = tpu.memref_slice %dma_start3A_61[%dma_start3A_62, %dma_start3A_63] : memref<102400x16xf32, #tpu.memory_space<hbm>> -> memref<102400x16xf32, #tpu.memory_space<hbm>>
      tpu.enqueue_indirect_dma source(%dma_start3A_64 : memref<102400x16xf32, #tpu.memory_space<hbm>>) target(%dma_start3A_54 : memref<128x16xf32, #tpu.memory_space<vmem>>) offsets(%dma_start3A_57 : memref<128xi32, #tpu.memory_space<vmem>>) semaphore(%arg10 : memref<!tpu.dma_semaphore, #tpu.memory_space<semaphore_mem>>)
      %dma_start3A_65 = arith.constant 3 : i32
      %dma_start3A_66 = arith.constant 3 : i32
      %dma_start3A_67 = arith.constant 0 : i32
      %dma_start3A_68 = arith.constant 0 : i32
      %dma_start3A_69 = tpu.memref_slice %arg9[%dma_start3A_66, %dma_start3A_67, %dma_start3A_68] : memref<8x128x16xf32, #tpu.memory_space<vmem>> -> memref<1x128x16xf32, #tpu.memory_space<vmem>>
      %dma_start3A_70 = tpu.memref_squeeze %dma_start3A_69 : memref<1x128x16xf32, #tpu.memory_space<vmem>> -> memref<128x16xf32, #tpu.memory_space<vmem>>
      %dma_start3A_71 = arith.constant 0 : i32
      %dma_start3A_72 = tpu.memref_slice %arg7[%dma_start3A_65, %dma_start3A_71] : memref<8x128xi32, #tpu.memory_space<vmem>> -> memref<1x128xi32, #tpu.memory_space<vmem>>
      %dma_start3A_73 = tpu.memref_squeeze %dma_start3A_72 : memref<1x128xi32, #tpu.memory_space<vmem>> -> memref<128xi32, #tpu.memory_space<vmem>>
      %dma_start3A_74 = arith.constant 0 : i32
      %dma_start3A_75 = arith.constant 0 : i32
      %dma_start3A_76 = tpu.memref_slice %arg2[%arg0, %dma_start3A_74, %dma_start3A_75] : memref<2x102400x16xf32, #tpu.memory_space<hbm>> -> memref<1x102400x16xf32, #tpu.memory_space<hbm>>
      %dma_start3A_77 = tpu.memref_squeeze %dma_start3A_76 : memref<1x102400x16xf32, #tpu.memory_space<hbm>> -> memref<102400x16xf32, #tpu.memory_space<hbm>>
      %dma_start3A_78 = arith.constant 0 : i32
      %dma_start3A_79 = arith.constant 0 : i32
      %dma_start3A_80 = tpu.memref_slice %dma_start3A_77[%dma_start3A_78, %dma_start3A_79] : memref<102400x16xf32, #tpu.memory_space<hbm>> -> memref<102400x16xf32, #tpu.memory_space<hbm>>
      tpu.enqueue_indirect_dma source(%dma_start3A_80 : memref<102400x16xf32, #tpu.memory_space<hbm>>) target(%dma_start3A_70 : memref<128x16xf32, #tpu.memory_space<vmem>>) offsets(%dma_start3A_73 : memref<128xi32, #tpu.memory_space<vmem>>) semaphore(%arg10 : memref<!tpu.dma_semaphore, #tpu.memory_space<semaphore_mem>>)
      %dma_start3A_81 = arith.constant 4 : i32
      %dma_start3A_82 = arith.constant 4 : i32
      %dma_start3A_83 = arith.constant 0 : i32
      %dma_start3A_84 = arith.constant 0 : i32
      %dma_start3A_85 = tpu.memref_slice %arg9[%dma_start3A_82, %dma_start3A_83, %dma_start3A_84] : memref<8x128x16xf32, #tpu.memory_space<vmem>> -> memref<1x128x16xf32, #tpu.memory_space<vmem>>
      %dma_start3A_86 = tpu.memref_squeeze %dma_start3A_85 : memref<1x128x16xf32, #tpu.memory_space<vmem>> -> memref<128x16xf32, #tpu.memory_space<vmem>>
      %dma_start3A_87 = arith.constant 0 : i32
      %dma_start3A_88 = tpu.memref_slice %arg7[%dma_start3A_81, %dma_start3A_87] : memref<8x128xi32, #tpu.memory_space<vmem>> -> memref<1x128xi32, #tpu.memory_space<vmem>>
      %dma_start3A_89 = tpu.memref_squeeze %dma_start3A_88 : memref<1x128xi32, #tpu.memory_space<vmem>> -> memref<128xi32, #tpu.memory_space<vmem>>
      %dma_start3A_90 = arith.constant 0 : i32
      %dma_start3A_91 = arith.constant 0 : i32
      %dma_start3A_92 = tpu.memref_slice %arg2[%arg0, %dma_start3A_90, %dma_start3A_91] : memref<2x102400x16xf32, #tpu.memory_space<hbm>> -> memref<1x102400x16xf32, #tpu.memory_space<hbm>>
      %dma_start3A_93 = tpu.memref_squeeze %dma_start3A_92 : memref<1x102400x16xf32, #tpu.memory_space<hbm>> -> memref<102400x16xf32, #tpu.memory_space<hbm>>
      %dma_start3A_94 = arith.constant 0 : i32
      %dma_start3A_95 = arith.constant 0 : i32
      %dma_start3A_96 = tpu.memref_slice %dma_start3A_93[%dma_start3A_94, %dma_start3A_95] : memref<102400x16xf32, #tpu.memory_space<hbm>> -> memref<102400x16xf32, #tpu.memory_space<hbm>>
      tpu.enqueue_indirect_dma source(%dma_start3A_96 : memref<102400x16xf32, #tpu.memory_space<hbm>>) target(%dma_start3A_86 : memref<128x16xf32, #tpu.memory_space<vmem>>) offsets(%dma_start3A_89 : memref<128xi32, #tpu.memory_space<vmem>>) semaphore(%arg10 : memref<!tpu.dma_semaphore, #tpu.memory_space<semaphore_mem>>)
      %dma_start3A_97 = arith.constant 5 : i32
      %dma_start3A_98 = arith.constant 5 : i32
      %dma_start3A_99 = arith.constant 0 : i32
      %dma_start3A_100 = arith.constant 0 : i32
      %dma_start3A_101 = tpu.memref_slice %arg9[%dma_start3A_98, %dma_start3A_99, %dma_start3A_100] : memref<8x128x16xf32, #tpu.memory_space<vmem>> -> memref<1x128x16xf32, #tpu.memory_space<vmem>>
      %dma_start3A_102 = tpu.memref_squeeze %dma_start3A_101 : memref<1x128x16xf32, #tpu.memory_space<vmem>> -> memref<128x16xf32, #tpu.memory_space<vmem>>
      %dma_start3A_103 = arith.constant 0 : i32
      %dma_start3A_104 = tpu.memref_slice %arg7[%dma_start3A_97, %dma_start3A_103] : memref<8x128xi32, #tpu.memory_space<vmem>> -> memref<1x128xi32, #tpu.memory_space<vmem>>
      %dma_start3A_105 = tpu.memref_squeeze %dma_start3A_104 : memref<1x128xi32, #tpu.memory_space<vmem>> -> memref<128xi32, #tpu.memory_space<vmem>>
      %dma_start3A_106 = arith.constant 0 : i32
      %dma_start3A_107 = arith.constant 0 : i32
      %dma_start3A_108 = tpu.memref_slice %arg2[%arg0, %dma_start3A_106, %dma_start3A_107] : memref<2x102400x16xf32, #tpu.memory_space<hbm>> -> memref<1x102400x16xf32, #tpu.memory_space<hbm>>
      %dma_start3A_109 = tpu.memref_squeeze %dma_start3A_108 : memref<1x102400x16xf32, #tpu.memory_space<hbm>> -> memref<102400x16xf32, #tpu.memory_space<hbm>>
      %dma_start3A_110 = arith.constant 0 : i32
      %dma_start3A_111 = arith.constant 0 : i32
      %dma_start3A_112 = tpu.memref_slice %dma_start3A_109[%dma_start3A_110, %dma_start3A_111] : memref<102400x16xf32, #tpu.memory_space<hbm>> -> memref<102400x16xf32, #tpu.memory_space<hbm>>
      tpu.enqueue_indirect_dma source(%dma_start3A_112 : memref<102400x16xf32, #tpu.memory_space<hbm>>) target(%dma_start3A_102 : memref<128x16xf32, #tpu.memory_space<vmem>>) offsets(%dma_start3A_105 : memref<128xi32, #tpu.memory_space<vmem>>) semaphore(%arg10 : memref<!tpu.dma_semaphore, #tpu.memory_space<semaphore_mem>>)
      %dma_start3A_113 = arith.constant 6 : i32
      %dma_start3A_114 = arith.constant 6 : i32
      %dma_start3A_115 = arith.constant 0 : i32
      %dma_start3A_116 = arith.constant 0 : i32
      %dma_start3A_117 = tpu.memref_slice %arg9[%dma_start3A_114, %dma_start3A_115, %dma_start3A_116] : memref<8x128x16xf32, #tpu.memory_space<vmem>> -> memref<1x128x16xf32, #tpu.memory_space<vmem>>
      %dma_start3A_118 = tpu.memref_squeeze %dma_start3A_117 : memref<1x128x16xf32, #tpu.memory_space<vmem>> -> memref<128x16xf32, #tpu.memory_space<vmem>>
      %dma_start3A_119 = arith.constant 0 : i32
      %dma_start3A_120 = tpu.memref_slice %arg7[%dma_start3A_113, %dma_start3A_119] : memref<8x128xi32, #tpu.memory_space<vmem>> -> memref<1x128xi32, #tpu.memory_space<vmem>>
      %dma_start3A_121 = tpu.memref_squeeze %dma_start3A_120 : memref<1x128xi32, #tpu.memory_space<vmem>> -> memref<128xi32, #tpu.memory_space<vmem>>
      %dma_start3A_122 = arith.constant 0 : i32
      %dma_start3A_123 = arith.constant 0 : i32
      %dma_start3A_124 = tpu.memref_slice %arg2[%arg0, %dma_start3A_122, %dma_start3A_123] : memref<2x102400x16xf32, #tpu.memory_space<hbm>> -> memref<1x102400x16xf32, #tpu.memory_space<hbm>>
      %dma_start3A_125 = tpu.memref_squeeze %dma_start3A_124 : memref<1x102400x16xf32, #tpu.memory_space<hbm>> -> memref<102400x16xf32, #tpu.memory_space<hbm>>
      %dma_start3A_126 = arith.constant 0 : i32
      %dma_start3A_127 = arith.constant 0 : i32
      %dma_start3A_128 = tpu.memref_slice %dma_start3A_125[%dma_start3A_126, %dma_start3A_127] : memref<102400x16xf32, #tpu.memory_space<hbm>> -> memref<102400x16xf32, #tpu.memory_space<hbm>>
      tpu.enqueue_indirect_dma source(%dma_start3A_128 : memref<102400x16xf32, #tpu.memory_space<hbm>>) target(%dma_start3A_118 : memref<128x16xf32, #tpu.memory_space<vmem>>) offsets(%dma_start3A_121 : memref<128xi32, #tpu.memory_space<vmem>>) semaphore(%arg10 : memref<!tpu.dma_semaphore, #tpu.memory_space<semaphore_mem>>)
      %dma_start3A_129 = arith.constant 7 : i32
      %dma_start3A_130 = arith.constant 7 : i32
      %dma_start3A_131 = arith.constant 0 : i32
      %dma_start3A_132 = arith.constant 0 : i32
      %dma_start3A_133 = tpu.memref_slice %arg9[%dma_start3A_130, %dma_start3A_131, %dma_start3A_132] : memref<8x128x16xf32, #tpu.memory_space<vmem>> -> memref<1x128x16xf32, #tpu.memory_space<vmem>>
      %dma_start3A_134 = tpu.memref_squeeze %dma_start3A_133 : memref<1x128x16xf32, #tpu.memory_space<vmem>> -> memref<128x16xf32, #tpu.memory_space<vmem>>
      %dma_start3A_135 = arith.constant 0 : i32
      %dma_start3A_136 = tpu.memref_slice %arg7[%dma_start3A_129, %dma_start3A_135] : memref<8x128xi32, #tpu.memory_space<vmem>> -> memref<1x128xi32, #tpu.memory_space<vmem>>
      %dma_start3A_137 = tpu.memref_squeeze %dma_start3A_136 : memref<1x128xi32, #tpu.memory_space<vmem>> -> memref<128xi32, #tpu.memory_space<vmem>>
      %dma_start3A_138 = arith.constant 0 : i32
      %dma_start3A_139 = arith.constant 0 : i32
      %dma_start3A_140 = tpu.memref_slice %arg2[%arg0, %dma_start3A_138, %dma_start3A_139] : memref<2x102400x16xf32, #tpu.memory_space<hbm>> -> memref<1x102400x16xf32, #tpu.memory_space<hbm>>
      %dma_start3A_141 = tpu.memref_squeeze %dma_start3A_140 : memref<1x102400x16xf32, #tpu.memory_space<hbm>> -> memref<102400x16xf32, #tpu.memory_space<hbm>>
      %dma_start3A_142 = arith.constant 0 : i32
      %dma_start3A_143 = arith.constant 0 : i32
      %dma_start3A_144 = tpu.memref_slice %dma_start3A_141[%dma_start3A_142, %dma_start3A_143] : memref<102400x16xf32, #tpu.memory_space<hbm>> -> memref<102400x16xf32, #tpu.memory_space<hbm>>
      tpu.enqueue_indirect_dma source(%dma_start3A_144 : memref<102400x16xf32, #tpu.memory_space<hbm>>) target(%dma_start3A_134 : memref<128x16xf32, #tpu.memory_space<vmem>>) offsets(%dma_start3A_137 : memref<128xi32, #tpu.memory_space<vmem>>) semaphore(%arg10 : memref<!tpu.dma_semaphore, #tpu.memory_space<semaphore_mem>>)
      %dma_wait3A = arith.constant 0 : i32
      %dma_wait3A_145 = arith.constant 0 : i32
      %dma_wait3A_146 = arith.constant 0 : i32
      %dma_wait3A_147 = arith.constant 0 : i32
      %dma_wait3A_148 = tpu.memref_slice %arg9[%dma_wait3A_145, %dma_wait3A_146, %dma_wait3A_147] : memref<8x128x16xf32, #tpu.memory_space<vmem>> -> memref<1x128x16xf32, #tpu.memory_space<vmem>>
      %dma_wait3A_149 = tpu.memref_squeeze %dma_wait3A_148 : memref<1x128x16xf32, #tpu.memory_space<vmem>> -> memref<128x16xf32, #tpu.memory_space<vmem>>
      %dma_wait3A_150 = arith.constant 0 : i32
      %dma_wait3A_151 = tpu.memref_slice %arg7[%dma_wait3A, %dma_wait3A_150] : memref<8x128xi32, #tpu.memory_space<vmem>> -> memref<1x128xi32, #tpu.memory_space<vmem>>
      %dma_wait3A_152 = tpu.memref_squeeze %dma_wait3A_151 : memref<1x128xi32, #tpu.memory_space<vmem>> -> memref<128xi32, #tpu.memory_space<vmem>>
      %dma_wait3A_153 = arith.constant 0 : i32
      %dma_wait3A_154 = arith.constant 0 : i32
      %dma_wait3A_155 = tpu.memref_slice %arg2[%arg0, %dma_wait3A_153, %dma_wait3A_154] : memref<2x102400x16xf32, #tpu.memory_space<hbm>> -> memref<1x102400x16xf32, #tpu.memory_space<hbm>>
      %dma_wait3A_156 = tpu.memref_squeeze %dma_wait3A_155 : memref<1x102400x16xf32, #tpu.memory_space<hbm>> -> memref<102400x16xf32, #tpu.memory_space<hbm>>
      %dma_wait3A_157 = arith.constant 0 : i32
      %dma_wait3A_158 = arith.constant 0 : i32
      %dma_wait3A_159 = tpu.memref_slice %dma_wait3A_156[%dma_wait3A_157, %dma_wait3A_158] : memref<102400x16xf32, #tpu.memory_space<hbm>> -> memref<102400x16xf32, #tpu.memory_space<hbm>>
      tpu.wait_indirect_dma semaphore(%arg10 : memref<!tpu.dma_semaphore, #tpu.memory_space<semaphore_mem>>) src(%dma_wait3A_159 : memref<102400x16xf32, #tpu.memory_space<hbm>>) dst(%dma_wait3A_149 : memref<128x16xf32, #tpu.memory_space<vmem>>)
      %dma_wait3A_160 = arith.constant 1 : i32
      %dma_wait3A_161 = arith.constant 1 : i32
      %dma_wait3A_162 = arith.constant 0 : i32
      %dma_wait3A_163 = arith.constant 0 : i32
      %dma_wait3A_164 = tpu.memref_slice %arg9[%dma_wait3A_161, %dma_wait3A_162, %dma_wait3A_163] : memref<8x128x16xf32, #tpu.memory_space<vmem>> -> memref<1x128x16xf32, #tpu.memory_space<vmem>>
      %dma_wait3A_165 = tpu.memref_squeeze %dma_wait3A_164 : memref<1x128x16xf32, #tpu.memory_space<vmem>> -> memref<128x16xf32, #tpu.memory_space<vmem>>
      %dma_wait3A_166 = arith.constant 0 : i32
      %dma_wait3A_167 = tpu.memref_slice %arg7[%dma_wait3A_160, %dma_wait3A_166] : memref<8x128xi32, #tpu.memory_space<vmem>> -> memref<1x128xi32, #tpu.memory_space<vmem>>
      %dma_wait3A_168 = tpu.memref_squeeze %dma_wait3A_167 : memref<1x128xi32, #tpu.memory_space<vmem>> -> memref<128xi32, #tpu.memory_space<vmem>>
      %dma_wait3A_169 = arith.constant 0 : i32
      %dma_wait3A_170 = arith.constant 0 : i32
      %dma_wait3A_171 = tpu.memref_slice %arg2[%arg0, %dma_wait3A_169, %dma_wait3A_170] : memref<2x102400x16xf32, #tpu.memory_space<hbm>> -> memref<1x102400x16xf32, #tpu.memory_space<hbm>>
      %dma_wait3A_172 = tpu.memref_squeeze %dma_wait3A_171 : memref<1x102400x16xf32, #tpu.memory_space<hbm>> -> memref<102400x16xf32, #tpu.memory_space<hbm>>
      %dma_wait3A_173 = arith.constant 0 : i32
      %dma_wait3A_174 = arith.constant 0 : i32
      %dma_wait3A_175 = tpu.memref_slice %dma_wait3A_172[%dma_wait3A_173, %dma_wait3A_174] : memref<102400x16xf32, #tpu.memory_space<hbm>> -> memref<102400x16xf32, #tpu.memory_space<hbm>>
      tpu.wait_indirect_dma semaphore(%arg10 : memref<!tpu.dma_semaphore, #tpu.memory_space<semaphore_mem>>) src(%dma_wait3A_175 : memref<102400x16xf32, #tpu.memory_space<hbm>>) dst(%dma_wait3A_165 : memref<128x16xf32, #tpu.memory_space<vmem>>)
      %dma_wait3A_176 = arith.constant 2 : i32
      %dma_wait3A_177 = arith.constant 2 : i32
      %dma_wait3A_178 = arith.constant 0 : i32
      %dma_wait3A_179 = arith.constant 0 : i32
      %dma_wait3A_180 = tpu.memref_slice %arg9[%dma_wait3A_177, %dma_wait3A_178, %dma_wait3A_179] : memref<8x128x16xf32, #tpu.memory_space<vmem>> -> memref<1x128x16xf32, #tpu.memory_space<vmem>>
      %dma_wait3A_181 = tpu.memref_squeeze %dma_wait3A_180 : memref<1x128x16xf32, #tpu.memory_space<vmem>> -> memref<128x16xf32, #tpu.memory_space<vmem>>
      %dma_wait3A_182 = arith.constant 0 : i32
      %dma_wait3A_183 = tpu.memref_slice %arg7[%dma_wait3A_176, %dma_wait3A_182] : memref<8x128xi32, #tpu.memory_space<vmem>> -> memref<1x128xi32, #tpu.memory_space<vmem>>
      %dma_wait3A_184 = tpu.memref_squeeze %dma_wait3A_183 : memref<1x128xi32, #tpu.memory_space<vmem>> -> memref<128xi32, #tpu.memory_space<vmem>>
      %dma_wait3A_185 = arith.constant 0 : i32
      %dma_wait3A_186 = arith.constant 0 : i32
      %dma_wait3A_187 = tpu.memref_slice %arg2[%arg0, %dma_wait3A_185, %dma_wait3A_186] : memref<2x102400x16xf32, #tpu.memory_space<hbm>> -> memref<1x102400x16xf32, #tpu.memory_space<hbm>>
      %dma_wait3A_188 = tpu.memref_squeeze %dma_wait3A_187 : memref<1x102400x16xf32, #tpu.memory_space<hbm>> -> memref<102400x16xf32, #tpu.memory_space<hbm>>
      %dma_wait3A_189 = arith.constant 0 : i32
      %dma_wait3A_190 = arith.constant 0 : i32
      %dma_wait3A_191 = tpu.memref_slice %dma_wait3A_188[%dma_wait3A_189, %dma_wait3A_190] : memref<102400x16xf32, #tpu.memory_space<hbm>> -> memref<102400x16xf32, #tpu.memory_space<hbm>>
      tpu.wait_indirect_dma semaphore(%arg10 : memref<!tpu.dma_semaphore, #tpu.memory_space<semaphore_mem>>) src(%dma_wait3A_191 : memref<102400x16xf32, #tpu.memory_space<hbm>>) dst(%dma_wait3A_181 : memref<128x16xf32, #tpu.memory_space<vmem>>)
      %dma_wait3A_192 = arith.constant 3 : i32
      %dma_wait3A_193 = arith.constant 3 : i32
      %dma_wait3A_194 = arith.constant 0 : i32
      %dma_wait3A_195 = arith.constant 0 : i32
      %dma_wait3A_196 = tpu.memref_slice %arg9[%dma_wait3A_193, %dma_wait3A_194, %dma_wait3A_195] : memref<8x128x16xf32, #tpu.memory_space<vmem>> -> memref<1x128x16xf32, #tpu.memory_space<vmem>>
      %dma_wait3A_197 = tpu.memref_squeeze %dma_wait3A_196 : memref<1x128x16xf32, #tpu.memory_space<vmem>> -> memref<128x16xf32, #tpu.memory_space<vmem>>
      %dma_wait3A_198 = arith.constant 0 : i32
      %dma_wait3A_199 = tpu.memref_slice %arg7[%dma_wait3A_192, %dma_wait3A_198] : memref<8x128xi32, #tpu.memory_space<vmem>> -> memref<1x128xi32, #tpu.memory_space<vmem>>
      %dma_wait3A_200 = tpu.memref_squeeze %dma_wait3A_199 : memref<1x128xi32, #tpu.memory_space<vmem>> -> memref<128xi32, #tpu.memory_space<vmem>>
      %dma_wait3A_201 = arith.constant 0 : i32
      %dma_wait3A_202 = arith.constant 0 : i32
      %dma_wait3A_203 = tpu.memref_slice %arg2[%arg0, %dma_wait3A_201, %dma_wait3A_202] : memref<2x102400x16xf32, #tpu.memory_space<hbm>> -> memref<1x102400x16xf32, #tpu.memory_space<hbm>>
      %dma_wait3A_204 = tpu.memref_squeeze %dma_wait3A_203 : memref<1x102400x16xf32, #tpu.memory_space<hbm>> -> memref<102400x16xf32, #tpu.memory_space<hbm>>
      %dma_wait3A_205 = arith.constant 0 : i32
      %dma_wait3A_206 = arith.constant 0 : i32
      %dma_wait3A_207 = tpu.memref_slice %dma_wait3A_204[%dma_wait3A_205, %dma_wait3A_206] : memref<102400x16xf32, #tpu.memory_space<hbm>> -> memref<102400x16xf32, #tpu.memory_space<hbm>>
      tpu.wait_indirect_dma semaphore(%arg10 : memref<!tpu.dma_semaphore, #tpu.memory_space<semaphore_mem>>) src(%dma_wait3A_207 : memref<102400x16xf32, #tpu.memory_space<hbm>>) dst(%dma_wait3A_197 : memref<128x16xf32, #tpu.memory_space<vmem>>)
      %dma_wait3A_208 = arith.constant 4 : i32
      %dma_wait3A_209 = arith.constant 4 : i32
      %dma_wait3A_210 = arith.constant 0 : i32
      %dma_wait3A_211 = arith.constant 0 : i32
      %dma_wait3A_212 = tpu.memref_slice %arg9[%dma_wait3A_209, %dma_wait3A_210, %dma_wait3A_211] : memref<8x128x16xf32, #tpu.memory_space<vmem>> -> memref<1x128x16xf32, #tpu.memory_space<vmem>>
      %dma_wait3A_213 = tpu.memref_squeeze %dma_wait3A_212 : memref<1x128x16xf32, #tpu.memory_space<vmem>> -> memref<128x16xf32, #tpu.memory_space<vmem>>
      %dma_wait3A_214 = arith.constant 0 : i32
      %dma_wait3A_215 = tpu.memref_slice %arg7[%dma_wait3A_208, %dma_wait3A_214] : memref<8x128xi32, #tpu.memory_space<vmem>> -> memref<1x128xi32, #tpu.memory_space<vmem>>
      %dma_wait3A_216 = tpu.memref_squeeze %dma_wait3A_215 : memref<1x128xi32, #tpu.memory_space<vmem>> -> memref<128xi32, #tpu.memory_space<vmem>>
      %dma_wait3A_217 = arith.constant 0 : i32
      %dma_wait3A_218 = arith.constant 0 : i32
      %dma_wait3A_219 = tpu.memref_slice %arg2[%arg0, %dma_wait3A_217, %dma_wait3A_218] : memref<2x102400x16xf32, #tpu.memory_space<hbm>> -> memref<1x102400x16xf32, #tpu.memory_space<hbm>>
      %dma_wait3A_220 = tpu.memref_squeeze %dma_wait3A_219 : memref<1x102400x16xf32, #tpu.memory_space<hbm>> -> memref<102400x16xf32, #tpu.memory_space<hbm>>
      %dma_wait3A_221 = arith.constant 0 : i32
      %dma_wait3A_222 = arith.constant 0 : i32
      %dma_wait3A_223 = tpu.memref_slice %dma_wait3A_220[%dma_wait3A_221, %dma_wait3A_222] : memref<102400x16xf32, #tpu.memory_space<hbm>> -> memref<102400x16xf32, #tpu.memory_space<hbm>>
      tpu.wait_indirect_dma semaphore(%arg10 : memref<!tpu.dma_semaphore, #tpu.memory_space<semaphore_mem>>) src(%dma_wait3A_223 : memref<102400x16xf32, #tpu.memory_space<hbm>>) dst(%dma_wait3A_213 : memref<128x16xf32, #tpu.memory_space<vmem>>)
      %dma_wait3A_224 = arith.constant 5 : i32
      %dma_wait3A_225 = arith.constant 5 : i32
      %dma_wait3A_226 = arith.constant 0 : i32
      %dma_wait3A_227 = arith.constant 0 : i32
      %dma_wait3A_228 = tpu.memref_slice %arg9[%dma_wait3A_225, %dma_wait3A_226, %dma_wait3A_227] : memref<8x128x16xf32, #tpu.memory_space<vmem>> -> memref<1x128x16xf32, #tpu.memory_space<vmem>>
      %dma_wait3A_229 = tpu.memref_squeeze %dma_wait3A_228 : memref<1x128x16xf32, #tpu.memory_space<vmem>> -> memref<128x16xf32, #tpu.memory_space<vmem>>
      %dma_wait3A_230 = arith.constant 0 : i32
      %dma_wait3A_231 = tpu.memref_slice %arg7[%dma_wait3A_224, %dma_wait3A_230] : memref<8x128xi32, #tpu.memory_space<vmem>> -> memref<1x128xi32, #tpu.memory_space<vmem>>
      %dma_wait3A_232 = tpu.memref_squeeze %dma_wait3A_231 : memref<1x128xi32, #tpu.memory_space<vmem>> -> memref<128xi32, #tpu.memory_space<vmem>>
      %dma_wait3A_233 = arith.constant 0 : i32
      %dma_wait3A_234 = arith.constant 0 : i32
      %dma_wait3A_235 = tpu.memref_slice %arg2[%arg0, %dma_wait3A_233, %dma_wait3A_234] : memref<2x102400x16xf32, #tpu.memory_space<hbm>> -> memref<1x102400x16xf32, #tpu.memory_space<hbm>>
      %dma_wait3A_236 = tpu.memref_squeeze %dma_wait3A_235 : memref<1x102400x16xf32, #tpu.memory_space<hbm>> -> memref<102400x16xf32, #tpu.memory_space<hbm>>
      %dma_wait3A_237 = arith.constant 0 : i32
      %dma_wait3A_238 = arith.constant 0 : i32
      %dma_wait3A_239 = tpu.memref_slice %dma_wait3A_236[%dma_wait3A_237, %dma_wait3A_238] : memref<102400x16xf32, #tpu.memory_space<hbm>> -> memref<102400x16xf32, #tpu.memory_space<hbm>>
      tpu.wait_indirect_dma semaphore(%arg10 : memref<!tpu.dma_semaphore, #tpu.memory_space<semaphore_mem>>) src(%dma_wait3A_239 : memref<102400x16xf32, #tpu.memory_space<hbm>>) dst(%dma_wait3A_229 : memref<128x16xf32, #tpu.memory_space<vmem>>)
      %dma_wait3A_240 = arith.constant 6 : i32
      %dma_wait3A_241 = arith.constant 6 : i32
      %dma_wait3A_242 = arith.constant 0 : i32
      %dma_wait3A_243 = arith.constant 0 : i32
      %dma_wait3A_244 = tpu.memref_slice %arg9[%dma_wait3A_241, %dma_wait3A_242, %dma_wait3A_243] : memref<8x128x16xf32, #tpu.memory_space<vmem>> -> memref<1x128x16xf32, #tpu.memory_space<vmem>>
      %dma_wait3A_245 = tpu.memref_squeeze %dma_wait3A_244 : memref<1x128x16xf32, #tpu.memory_space<vmem>> -> memref<128x16xf32, #tpu.memory_space<vmem>>
      %dma_wait3A_246 = arith.constant 0 : i32
      %dma_wait3A_247 = tpu.memref_slice %arg7[%dma_wait3A_240, %dma_wait3A_246] : memref<8x128xi32, #tpu.memory_space<vmem>> -> memref<1x128xi32, #tpu.memory_space<vmem>>
      %dma_wait3A_248 = tpu.memref_squeeze %dma_wait3A_247 : memref<1x128xi32, #tpu.memory_space<vmem>> -> memref<128xi32, #tpu.memory_space<vmem>>
      %dma_wait3A_249 = arith.constant 0 : i32
      %dma_wait3A_250 = arith.constant 0 : i32
      %dma_wait3A_251 = tpu.memref_slice %arg2[%arg0, %dma_wait3A_249, %dma_wait3A_250] : memref<2x102400x16xf32, #tpu.memory_space<hbm>> -> memref<1x102400x16xf32, #tpu.memory_space<hbm>>
      %dma_wait3A_252 = tpu.memref_squeeze %dma_wait3A_251 : memref<1x102400x16xf32, #tpu.memory_space<hbm>> -> memref<102400x16xf32, #tpu.memory_space<hbm>>
      %dma_wait3A_253 = arith.constant 0 : i32
      %dma_wait3A_254 = arith.constant 0 : i32
      %dma_wait3A_255 = tpu.memref_slice %dma_wait3A_252[%dma_wait3A_253, %dma_wait3A_254] : memref<102400x16xf32, #tpu.memory_space<hbm>> -> memref<102400x16xf32, #tpu.memory_space<hbm>>
      tpu.wait_indirect_dma semaphore(%arg10 : memref<!tpu.dma_semaphore, #tpu.memory_space<semaphore_mem>>) src(%dma_wait3A_255 : memref<102400x16xf32, #tpu.memory_space<hbm>>) dst(%dma_wait3A_245 : memref<128x16xf32, #tpu.memory_space<vmem>>)
      %dma_wait3A_256 = arith.constant 7 : i32
      %dma_wait3A_257 = arith.constant 7 : i32
      %dma_wait3A_258 = arith.constant 0 : i32
      %dma_wait3A_259 = arith.constant 0 : i32
      %dma_wait3A_260 = tpu.memref_slice %arg9[%dma_wait3A_257, %dma_wait3A_258, %dma_wait3A_259] : memref<8x128x16xf32, #tpu.memory_space<vmem>> -> memref<1x128x16xf32, #tpu.memory_space<vmem>>
      %dma_wait3A_261 = tpu.memref_squeeze %dma_wait3A_260 : memref<1x128x16xf32, #tpu.memory_space<vmem>> -> memref<128x16xf32, #tpu.memory_space<vmem>>
      %dma_wait3A_262 = arith.constant 0 : i32
      %dma_wait3A_263 = tpu.memref_slice %arg7[%dma_wait3A_256, %dma_wait3A_262] : memref<8x128xi32, #tpu.memory_space<vmem>> -> memref<1x128xi32, #tpu.memory_space<vmem>>
      %dma_wait3A_264 = tpu.memref_squeeze %dma_wait3A_263 : memref<1x128xi32, #tpu.memory_space<vmem>> -> memref<128xi32, #tpu.memory_space<vmem>>
      %dma_wait3A_265 = arith.constant 0 : i32
      %dma_wait3A_266 = arith.constant 0 : i32
      %dma_wait3A_267 = tpu.memref_slice %arg2[%arg0, %dma_wait3A_265, %dma_wait3A_266] : memref<2x102400x16xf32, #tpu.memory_space<hbm>> -> memref<1x102400x16xf32, #tpu.memory_space<hbm>>
      %dma_wait3A_268 = tpu.memref_squeeze %dma_wait3A_267 : memref<1x102400x16xf32, #tpu.memory_space<hbm>> -> memref<102400x16xf32, #tpu.memory_space<hbm>>
      %dma_wait3A_269 = arith.constant 0 : i32
      %dma_wait3A_270 = arith.constant 0 : i32
      %dma_wait3A_271 = tpu.memref_slice %dma_wait3A_268[%dma_wait3A_269, %dma_wait3A_270] : memref<102400x16xf32, #tpu.memory_space<hbm>> -> memref<102400x16xf32, #tpu.memory_space<hbm>>
      tpu.wait_indirect_dma semaphore(%arg10 : memref<!tpu.dma_semaphore, #tpu.memory_space<semaphore_mem>>) src(%dma_wait3A_271 : memref<102400x16xf32, #tpu.memory_space<hbm>>) dst(%dma_wait3A_261 : memref<128x16xf32, #tpu.memory_space<vmem>>)
      %run_scoped3A = arith.constant 0 : i32
      %run_scoped3A_272 = arith.constant 0 : i32
      "tpu.region"() ({
        %run_scoped3A_287 = tpu.sem_alloc : memref<!tpu.dma_semaphore, #tpu.memory_space<semaphore_mem>>
        %dma_start3A_288 = arith.constant 0 : i32
        %dma_start3A_289 = arith.constant 0 : i32
        %dma_start3A_290 = tpu.memref_slice %arg9[%run_scoped3A, %dma_start3A_288, %dma_start3A_289] : memref<8x128x16xf32, #tpu.memory_space<vmem>> -> memref<1x128x16xf32, #tpu.memory_space<vmem>>
        %dma_start3A_291 = tpu.memref_squeeze %dma_start3A_290 : memref<1x128x16xf32, #tpu.memory_space<vmem>> -> memref<128x16xf32, #tpu.memory_space<vmem>>
        %dma_start3A_292 = arith.constant 0 : i32
        %dma_start3A_293 = tpu.memref_slice %arg8[%run_scoped3A_272, %dma_start3A_292] : memref<8x128xi32, #tpu.memory_space<vmem>> -> memref<1x128xi32, #tpu.memory_space<vmem>>
        %dma_start3A_294 = tpu.memref_squeeze %dma_start3A_293 : memref<1x128xi32, #tpu.memory_space<vmem>> -> memref<128xi32, #tpu.memory_space<vmem>>
        %dma_start3A_295 = arith.constant 0 : i32
        %dma_start3A_296 = arith.constant 0 : i32
        %dma_start3A_297 = tpu.memref_slice %arg6[%dma_start3A_295, %dma_start3A_296] : memref<102400x16xf32, #tpu.memory_space<vmem_shared>> -> memref<102400x16xf32, #tpu.memory_space<vmem_shared>>
        tpu.enqueue_indirect_dma source(%dma_start3A_291 : memref<128x16xf32, #tpu.memory_space<vmem>>) target(%dma_start3A_297 : memref<102400x16xf32, #tpu.memory_space<vmem_shared>>) offsets(%dma_start3A_294 : memref<128xi32, #tpu.memory_space<vmem>>) semaphore(%run_scoped3A_287 : memref<!tpu.dma_semaphore, #tpu.memory_space<semaphore_mem>>) {add = true}
        %dma_wait3A_298 = arith.constant 0 : i32
        %dma_wait3A_299 = arith.constant 0 : i32
        %dma_wait3A_300 = tpu.memref_slice %arg9[%run_scoped3A, %dma_wait3A_298, %dma_wait3A_299] : memref<8x128x16xf32, #tpu.memory_space<vmem>> -> memref<1x128x16xf32, #tpu.memory_space<vmem>>
        %dma_wait3A_301 = tpu.memref_squeeze %dma_wait3A_300 : memref<1x128x16xf32, #tpu.memory_space<vmem>> -> memref<128x16xf32, #tpu.memory_space<vmem>>
        %dma_wait3A_302 = arith.constant 0 : i32
        %dma_wait3A_303 = tpu.memref_slice %arg8[%run_scoped3A_272, %dma_wait3A_302] : memref<8x128xi32, #tpu.memory_space<vmem>> -> memref<1x128xi32, #tpu.memory_space<vmem>>
        %dma_wait3A_304 = tpu.memref_squeeze %dma_wait3A_303 : memref<1x128xi32, #tpu.memory_space<vmem>> -> memref<128xi32, #tpu.memory_space<vmem>>
        %dma_wait3A_305 = arith.constant 0 : i32
        %dma_wait3A_306 = arith.constant 0 : i32
        %dma_wait3A_307 = tpu.memref_slice %arg6[%dma_wait3A_305, %dma_wait3A_306] : memref<102400x16xf32, #tpu.memory_space<vmem_shared>> -> memref<102400x16xf32, #tpu.memory_space<vmem_shared>>
        tpu.wait_indirect_dma semaphore(%run_scoped3A_287 : memref<!tpu.dma_semaphore, #tpu.memory_space<semaphore_mem>>) src(%dma_wait3A_301 : memref<128x16xf32, #tpu.memory_space<vmem>>) dst(%dma_wait3A_307 : memref<102400x16xf32, #tpu.memory_space<vmem_shared>>)
        tpu.yield
      }) : () -> ()
      %run_scoped3A_273 = arith.constant 1 : i32
      %run_scoped3A_274 = arith.constant 1 : i32
      "tpu.region"() ({
        %run_scoped3A_287 = tpu.sem_alloc : memref<!tpu.dma_semaphore, #tpu.memory_space<semaphore_mem>>
        %dma_start3A_288 = arith.constant 0 : i32
        %dma_start3A_289 = arith.constant 0 : i32
        %dma_start3A_290 = tpu.memref_slice %arg9[%run_scoped3A_273, %dma_start3A_288, %dma_start3A_289] : memref<8x128x16xf32, #tpu.memory_space<vmem>> -> memref<1x128x16xf32, #tpu.memory_space<vmem>>
        %dma_start3A_291 = tpu.memref_squeeze %dma_start3A_290 : memref<1x128x16xf32, #tpu.memory_space<vmem>> -> memref<128x16xf32, #tpu.memory_space<vmem>>
        %dma_start3A_292 = arith.constant 0 : i32
        %dma_start3A_293 = tpu.memref_slice %arg8[%run_scoped3A_274, %dma_start3A_292] : memref<8x128xi32, #tpu.memory_space<vmem>> -> memref<1x128xi32, #tpu.memory_space<vmem>>
        %dma_start3A_294 = tpu.memref_squeeze %dma_start3A_293 : memref<1x128xi32, #tpu.memory_space<vmem>> -> memref<128xi32, #tpu.memory_space<vmem>>
        %dma_start3A_295 = arith.constant 0 : i32
        %dma_start3A_296 = arith.constant 0 : i32
        %dma_start3A_297 = tpu.memref_slice %arg6[%dma_start3A_295, %dma_start3A_296] : memref<102400x16xf32, #tpu.memory_space<vmem_shared>> -> memref<102400x16xf32, #tpu.memory_space<vmem_shared>>
        tpu.enqueue_indirect_dma source(%dma_start3A_291 : memref<128x16xf32, #tpu.memory_space<vmem>>) target(%dma_start3A_297 : memref<102400x16xf32, #tpu.memory_space<vmem_shared>>) offsets(%dma_start3A_294 : memref<128xi32, #tpu.memory_space<vmem>>) semaphore(%run_scoped3A_287 : memref<!tpu.dma_semaphore, #tpu.memory_space<semaphore_mem>>) {add = true}
        %dma_wait3A_298 = arith.constant 0 : i32
        %dma_wait3A_299 = arith.constant 0 : i32
        %dma_wait3A_300 = tpu.memref_slice %arg9[%run_scoped3A_273, %dma_wait3A_298, %dma_wait3A_299] : memref<8x128x16xf32, #tpu.memory_space<vmem>> -> memref<1x128x16xf32, #tpu.memory_space<vmem>>
        %dma_wait3A_301 = tpu.memref_squeeze %dma_wait3A_300 : memref<1x128x16xf32, #tpu.memory_space<vmem>> -> memref<128x16xf32, #tpu.memory_space<vmem>>
        %dma_wait3A_302 = arith.constant 0 : i32
        %dma_wait3A_303 = tpu.memref_slice %arg8[%run_scoped3A_274, %dma_wait3A_302] : memref<8x128xi32, #tpu.memory_space<vmem>> -> memref<1x128xi32, #tpu.memory_space<vmem>>
        %dma_wait3A_304 = tpu.memref_squeeze %dma_wait3A_303 : memref<1x128xi32, #tpu.memory_space<vmem>> -> memref<128xi32, #tpu.memory_space<vmem>>
        %dma_wait3A_305 = arith.constant 0 : i32
        %dma_wait3A_306 = arith.constant 0 : i32
        %dma_wait3A_307 = tpu.memref_slice %arg6[%dma_wait3A_305, %dma_wait3A_306] : memref<102400x16xf32, #tpu.memory_space<vmem_shared>> -> memref<102400x16xf32, #tpu.memory_space<vmem_shared>>
        tpu.wait_indirect_dma semaphore(%run_scoped3A_287 : memref<!tpu.dma_semaphore, #tpu.memory_space<semaphore_mem>>) src(%dma_wait3A_301 : memref<128x16xf32, #tpu.memory_space<vmem>>) dst(%dma_wait3A_307 : memref<102400x16xf32, #tpu.memory_space<vmem_shared>>)
        tpu.yield
      }) : () -> ()
      %run_scoped3A_275 = arith.constant 2 : i32
      %run_scoped3A_276 = arith.constant 2 : i32
      "tpu.region"() ({
        %run_scoped3A_287 = tpu.sem_alloc : memref<!tpu.dma_semaphore, #tpu.memory_space<semaphore_mem>>
        %dma_start3A_288 = arith.constant 0 : i32
        %dma_start3A_289 = arith.constant 0 : i32
        %dma_start3A_290 = tpu.memref_slice %arg9[%run_scoped3A_275, %dma_start3A_288, %dma_start3A_289] : memref<8x128x16xf32, #tpu.memory_space<vmem>> -> memref<1x128x16xf32, #tpu.memory_space<vmem>>
        %dma_start3A_291 = tpu.memref_squeeze %dma_start3A_290 : memref<1x128x16xf32, #tpu.memory_space<vmem>> -> memref<128x16xf32, #tpu.memory_space<vmem>>
        %dma_start3A_292 = arith.constant 0 : i32
        %dma_start3A_293 = tpu.memref_slice %arg8[%run_scoped3A_276, %dma_start3A_292] : memref<8x128xi32, #tpu.memory_space<vmem>> -> memref<1x128xi32, #tpu.memory_space<vmem>>
        %dma_start3A_294 = tpu.memref_squeeze %dma_start3A_293 : memref<1x128xi32, #tpu.memory_space<vmem>> -> memref<128xi32, #tpu.memory_space<vmem>>
        %dma_start3A_295 = arith.constant 0 : i32
        %dma_start3A_296 = arith.constant 0 : i32
        %dma_start3A_297 = tpu.memref_slice %arg6[%dma_start3A_295, %dma_start3A_296] : memref<102400x16xf32, #tpu.memory_space<vmem_shared>> -> memref<102400x16xf32, #tpu.memory_space<vmem_shared>>
        tpu.enqueue_indirect_dma source(%dma_start3A_291 : memref<128x16xf32, #tpu.memory_space<vmem>>) target(%dma_start3A_297 : memref<102400x16xf32, #tpu.memory_space<vmem_shared>>) offsets(%dma_start3A_294 : memref<128xi32, #tpu.memory_space<vmem>>) semaphore(%run_scoped3A_287 : memref<!tpu.dma_semaphore, #tpu.memory_space<semaphore_mem>>) {add = true}
        %dma_wait3A_298 = arith.constant 0 : i32
        %dma_wait3A_299 = arith.constant 0 : i32
        %dma_wait3A_300 = tpu.memref_slice %arg9[%run_scoped3A_275, %dma_wait3A_298, %dma_wait3A_299] : memref<8x128x16xf32, #tpu.memory_space<vmem>> -> memref<1x128x16xf32, #tpu.memory_space<vmem>>
        %dma_wait3A_301 = tpu.memref_squeeze %dma_wait3A_300 : memref<1x128x16xf32, #tpu.memory_space<vmem>> -> memref<128x16xf32, #tpu.memory_space<vmem>>
        %dma_wait3A_302 = arith.constant 0 : i32
        %dma_wait3A_303 = tpu.memref_slice %arg8[%run_scoped3A_276, %dma_wait3A_302] : memref<8x128xi32, #tpu.memory_space<vmem>> -> memref<1x128xi32, #tpu.memory_space<vmem>>
        %dma_wait3A_304 = tpu.memref_squeeze %dma_wait3A_303 : memref<1x128xi32, #tpu.memory_space<vmem>> -> memref<128xi32, #tpu.memory_space<vmem>>
        %dma_wait3A_305 = arith.constant 0 : i32
        %dma_wait3A_306 = arith.constant 0 : i32
        %dma_wait3A_307 = tpu.memref_slice %arg6[%dma_wait3A_305, %dma_wait3A_306] : memref<102400x16xf32, #tpu.memory_space<vmem_shared>> -> memref<102400x16xf32, #tpu.memory_space<vmem_shared>>
        tpu.wait_indirect_dma semaphore(%run_scoped3A_287 : memref<!tpu.dma_semaphore, #tpu.memory_space<semaphore_mem>>) src(%dma_wait3A_301 : memref<128x16xf32, #tpu.memory_space<vmem>>) dst(%dma_wait3A_307 : memref<102400x16xf32, #tpu.memory_space<vmem_shared>>)
        tpu.yield
      }) : () -> ()
      %run_scoped3A_277 = arith.constant 3 : i32
      %run_scoped3A_278 = arith.constant 3 : i32
      "tpu.region"() ({
        %run_scoped3A_287 = tpu.sem_alloc : memref<!tpu.dma_semaphore, #tpu.memory_space<semaphore_mem>>
        %dma_start3A_288 = arith.constant 0 : i32
        %dma_start3A_289 = arith.constant 0 : i32
        %dma_start3A_290 = tpu.memref_slice %arg9[%run_scoped3A_277, %dma_start3A_288, %dma_start3A_289] : memref<8x128x16xf32, #tpu.memory_space<vmem>> -> memref<1x128x16xf32, #tpu.memory_space<vmem>>
        %dma_start3A_291 = tpu.memref_squeeze %dma_start3A_290 : memref<1x128x16xf32, #tpu.memory_space<vmem>> -> memref<128x16xf32, #tpu.memory_space<vmem>>
        %dma_start3A_292 = arith.constant 0 : i32
        %dma_start3A_293 = tpu.memref_slice %arg8[%run_scoped3A_278, %dma_start3A_292] : memref<8x128xi32, #tpu.memory_space<vmem>> -> memref<1x128xi32, #tpu.memory_space<vmem>>
        %dma_start3A_294 = tpu.memref_squeeze %dma_start3A_293 : memref<1x128xi32, #tpu.memory_space<vmem>> -> memref<128xi32, #tpu.memory_space<vmem>>
        %dma_start3A_295 = arith.constant 0 : i32
        %dma_start3A_296 = arith.constant 0 : i32
        %dma_start3A_297 = tpu.memref_slice %arg6[%dma_start3A_295, %dma_start3A_296] : memref<102400x16xf32, #tpu.memory_space<vmem_shared>> -> memref<102400x16xf32, #tpu.memory_space<vmem_shared>>
        tpu.enqueue_indirect_dma source(%dma_start3A_291 : memref<128x16xf32, #tpu.memory_space<vmem>>) target(%dma_start3A_297 : memref<102400x16xf32, #tpu.memory_space<vmem_shared>>) offsets(%dma_start3A_294 : memref<128xi32, #tpu.memory_space<vmem>>) semaphore(%run_scoped3A_287 : memref<!tpu.dma_semaphore, #tpu.memory_space<semaphore_mem>>) {add = true}
        %dma_wait3A_298 = arith.constant 0 : i32
        %dma_wait3A_299 = arith.constant 0 : i32
        %dma_wait3A_300 = tpu.memref_slice %arg9[%run_scoped3A_277, %dma_wait3A_298, %dma_wait3A_299] : memref<8x128x16xf32, #tpu.memory_space<vmem>> -> memref<1x128x16xf32, #tpu.memory_space<vmem>>
        %dma_wait3A_301 = tpu.memref_squeeze %dma_wait3A_300 : memref<1x128x16xf32, #tpu.memory_space<vmem>> -> memref<128x16xf32, #tpu.memory_space<vmem>>
        %dma_wait3A_302 = arith.constant 0 : i32
        %dma_wait3A_303 = tpu.memref_slice %arg8[%run_scoped3A_278, %dma_wait3A_302] : memref<8x128xi32, #tpu.memory_space<vmem>> -> memref<1x128xi32, #tpu.memory_space<vmem>>
        %dma_wait3A_304 = tpu.memref_squeeze %dma_wait3A_303 : memref<1x128xi32, #tpu.memory_space<vmem>> -> memref<128xi32, #tpu.memory_space<vmem>>
        %dma_wait3A_305 = arith.constant 0 : i32
        %dma_wait3A_306 = arith.constant 0 : i32
        %dma_wait3A_307 = tpu.memref_slice %arg6[%dma_wait3A_305, %dma_wait3A_306] : memref<102400x16xf32, #tpu.memory_space<vmem_shared>> -> memref<102400x16xf32, #tpu.memory_space<vmem_shared>>
        tpu.wait_indirect_dma semaphore(%run_scoped3A_287 : memref<!tpu.dma_semaphore, #tpu.memory_space<semaphore_mem>>) src(%dma_wait3A_301 : memref<128x16xf32, #tpu.memory_space<vmem>>) dst(%dma_wait3A_307 : memref<102400x16xf32, #tpu.memory_space<vmem_shared>>)
        tpu.yield
      }) : () -> ()
      %run_scoped3A_279 = arith.constant 4 : i32
      %run_scoped3A_280 = arith.constant 4 : i32
      "tpu.region"() ({
        %run_scoped3A_287 = tpu.sem_alloc : memref<!tpu.dma_semaphore, #tpu.memory_space<semaphore_mem>>
        %dma_start3A_288 = arith.constant 0 : i32
        %dma_start3A_289 = arith.constant 0 : i32
        %dma_start3A_290 = tpu.memref_slice %arg9[%run_scoped3A_279, %dma_start3A_288, %dma_start3A_289] : memref<8x128x16xf32, #tpu.memory_space<vmem>> -> memref<1x128x16xf32, #tpu.memory_space<vmem>>
        %dma_start3A_291 = tpu.memref_squeeze %dma_start3A_290 : memref<1x128x16xf32, #tpu.memory_space<vmem>> -> memref<128x16xf32, #tpu.memory_space<vmem>>
        %dma_start3A_292 = arith.constant 0 : i32
        %dma_start3A_293 = tpu.memref_slice %arg8[%run_scoped3A_280, %dma_start3A_292] : memref<8x128xi32, #tpu.memory_space<vmem>> -> memref<1x128xi32, #tpu.memory_space<vmem>>
        %dma_start3A_294 = tpu.memref_squeeze %dma_start3A_293 : memref<1x128xi32, #tpu.memory_space<vmem>> -> memref<128xi32, #tpu.memory_space<vmem>>
        %dma_start3A_295 = arith.constant 0 : i32
        %dma_start3A_296 = arith.constant 0 : i32
        %dma_start3A_297 = tpu.memref_slice %arg6[%dma_start3A_295, %dma_start3A_296] : memref<102400x16xf32, #tpu.memory_space<vmem_shared>> -> memref<102400x16xf32, #tpu.memory_space<vmem_shared>>
        tpu.enqueue_indirect_dma source(%dma_start3A_291 : memref<128x16xf32, #tpu.memory_space<vmem>>) target(%dma_start3A_297 : memref<102400x16xf32, #tpu.memory_space<vmem_shared>>) offsets(%dma_start3A_294 : memref<128xi32, #tpu.memory_space<vmem>>) semaphore(%run_scoped3A_287 : memref<!tpu.dma_semaphore, #tpu.memory_space<semaphore_mem>>) {add = true}
        %dma_wait3A_298 = arith.constant 0 : i32
        %dma_wait3A_299 = arith.constant 0 : i32
        %dma_wait3A_300 = tpu.memref_slice %arg9[%run_scoped3A_279, %dma_wait3A_298, %dma_wait3A_299] : memref<8x128x16xf32, #tpu.memory_space<vmem>> -> memref<1x128x16xf32, #tpu.memory_space<vmem>>
        %dma_wait3A_301 = tpu.memref_squeeze %dma_wait3A_300 : memref<1x128x16xf32, #tpu.memory_space<vmem>> -> memref<128x16xf32, #tpu.memory_space<vmem>>
        %dma_wait3A_302 = arith.constant 0 : i32
        %dma_wait3A_303 = tpu.memref_slice %arg8[%run_scoped3A_280, %dma_wait3A_302] : memref<8x128xi32, #tpu.memory_space<vmem>> -> memref<1x128xi32, #tpu.memory_space<vmem>>
        %dma_wait3A_304 = tpu.memref_squeeze %dma_wait3A_303 : memref<1x128xi32, #tpu.memory_space<vmem>> -> memref<128xi32, #tpu.memory_space<vmem>>
        %dma_wait3A_305 = arith.constant 0 : i32
        %dma_wait3A_306 = arith.constant 0 : i32
        %dma_wait3A_307 = tpu.memref_slice %arg6[%dma_wait3A_305, %dma_wait3A_306] : memref<102400x16xf32, #tpu.memory_space<vmem_shared>> -> memref<102400x16xf32, #tpu.memory_space<vmem_shared>>
        tpu.wait_indirect_dma semaphore(%run_scoped3A_287 : memref<!tpu.dma_semaphore, #tpu.memory_space<semaphore_mem>>) src(%dma_wait3A_301 : memref<128x16xf32, #tpu.memory_space<vmem>>) dst(%dma_wait3A_307 : memref<102400x16xf32, #tpu.memory_space<vmem_shared>>)
        tpu.yield
      }) : () -> ()
      %run_scoped3A_281 = arith.constant 5 : i32
      %run_scoped3A_282 = arith.constant 5 : i32
      "tpu.region"() ({
        %run_scoped3A_287 = tpu.sem_alloc : memref<!tpu.dma_semaphore, #tpu.memory_space<semaphore_mem>>
        %dma_start3A_288 = arith.constant 0 : i32
        %dma_start3A_289 = arith.constant 0 : i32
        %dma_start3A_290 = tpu.memref_slice %arg9[%run_scoped3A_281, %dma_start3A_288, %dma_start3A_289] : memref<8x128x16xf32, #tpu.memory_space<vmem>> -> memref<1x128x16xf32, #tpu.memory_space<vmem>>
        %dma_start3A_291 = tpu.memref_squeeze %dma_start3A_290 : memref<1x128x16xf32, #tpu.memory_space<vmem>> -> memref<128x16xf32, #tpu.memory_space<vmem>>
        %dma_start3A_292 = arith.constant 0 : i32
        %dma_start3A_293 = tpu.memref_slice %arg8[%run_scoped3A_282, %dma_start3A_292] : memref<8x128xi32, #tpu.memory_space<vmem>> -> memref<1x128xi32, #tpu.memory_space<vmem>>
        %dma_start3A_294 = tpu.memref_squeeze %dma_start3A_293 : memref<1x128xi32, #tpu.memory_space<vmem>> -> memref<128xi32, #tpu.memory_space<vmem>>
        %dma_start3A_295 = arith.constant 0 : i32
        %dma_start3A_296 = arith.constant 0 : i32
        %dma_start3A_297 = tpu.memref_slice %arg6[%dma_start3A_295, %dma_start3A_296] : memref<102400x16xf32, #tpu.memory_space<vmem_shared>> -> memref<102400x16xf32, #tpu.memory_space<vmem_shared>>
        tpu.enqueue_indirect_dma source(%dma_start3A_291 : memref<128x16xf32, #tpu.memory_space<vmem>>) target(%dma_start3A_297 : memref<102400x16xf32, #tpu.memory_space<vmem_shared>>) offsets(%dma_start3A_294 : memref<128xi32, #tpu.memory_space<vmem>>) semaphore(%run_scoped3A_287 : memref<!tpu.dma_semaphore, #tpu.memory_space<semaphore_mem>>) {add = true}
        %dma_wait3A_298 = arith.constant 0 : i32
        %dma_wait3A_299 = arith.constant 0 : i32
        %dma_wait3A_300 = tpu.memref_slice %arg9[%run_scoped3A_281, %dma_wait3A_298, %dma_wait3A_299] : memref<8x128x16xf32, #tpu.memory_space<vmem>> -> memref<1x128x16xf32, #tpu.memory_space<vmem>>
        %dma_wait3A_301 = tpu.memref_squeeze %dma_wait3A_300 : memref<1x128x16xf32, #tpu.memory_space<vmem>> -> memref<128x16xf32, #tpu.memory_space<vmem>>
        %dma_wait3A_302 = arith.constant 0 : i32
        %dma_wait3A_303 = tpu.memref_slice %arg8[%run_scoped3A_282, %dma_wait3A_302] : memref<8x128xi32, #tpu.memory_space<vmem>> -> memref<1x128xi32, #tpu.memory_space<vmem>>
        %dma_wait3A_304 = tpu.memref_squeeze %dma_wait3A_303 : memref<1x128xi32, #tpu.memory_space<vmem>> -> memref<128xi32, #tpu.memory_space<vmem>>
        %dma_wait3A_305 = arith.constant 0 : i32
        %dma_wait3A_306 = arith.constant 0 : i32
        %dma_wait3A_307 = tpu.memref_slice %arg6[%dma_wait3A_305, %dma_wait3A_306] : memref<102400x16xf32, #tpu.memory_space<vmem_shared>> -> memref<102400x16xf32, #tpu.memory_space<vmem_shared>>
        tpu.wait_indirect_dma semaphore(%run_scoped3A_287 : memref<!tpu.dma_semaphore, #tpu.memory_space<semaphore_mem>>) src(%dma_wait3A_301 : memref<128x16xf32, #tpu.memory_space<vmem>>) dst(%dma_wait3A_307 : memref<102400x16xf32, #tpu.memory_space<vmem_shared>>)
        tpu.yield
      }) : () -> ()
      %run_scoped3A_283 = arith.constant 6 : i32
      %run_scoped3A_284 = arith.constant 6 : i32
      "tpu.region"() ({
        %run_scoped3A_287 = tpu.sem_alloc : memref<!tpu.dma_semaphore, #tpu.memory_space<semaphore_mem>>
        %dma_start3A_288 = arith.constant 0 : i32
        %dma_start3A_289 = arith.constant 0 : i32
        %dma_start3A_290 = tpu.memref_slice %arg9[%run_scoped3A_283, %dma_start3A_288, %dma_start3A_289] : memref<8x128x16xf32, #tpu.memory_space<vmem>> -> memref<1x128x16xf32, #tpu.memory_space<vmem>>
        %dma_start3A_291 = tpu.memref_squeeze %dma_start3A_290 : memref<1x128x16xf32, #tpu.memory_space<vmem>> -> memref<128x16xf32, #tpu.memory_space<vmem>>
        %dma_start3A_292 = arith.constant 0 : i32
        %dma_start3A_293 = tpu.memref_slice %arg8[%run_scoped3A_284, %dma_start3A_292] : memref<8x128xi32, #tpu.memory_space<vmem>> -> memref<1x128xi32, #tpu.memory_space<vmem>>
        %dma_start3A_294 = tpu.memref_squeeze %dma_start3A_293 : memref<1x128xi32, #tpu.memory_space<vmem>> -> memref<128xi32, #tpu.memory_space<vmem>>
        %dma_start3A_295 = arith.constant 0 : i32
        %dma_start3A_296 = arith.constant 0 : i32
        %dma_start3A_297 = tpu.memref_slice %arg6[%dma_start3A_295, %dma_start3A_296] : memref<102400x16xf32, #tpu.memory_space<vmem_shared>> -> memref<102400x16xf32, #tpu.memory_space<vmem_shared>>
        tpu.enqueue_indirect_dma source(%dma_start3A_291 : memref<128x16xf32, #tpu.memory_space<vmem>>) target(%dma_start3A_297 : memref<102400x16xf32, #tpu.memory_space<vmem_shared>>) offsets(%dma_start3A_294 : memref<128xi32, #tpu.memory_space<vmem>>) semaphore(%run_scoped3A_287 : memref<!tpu.dma_semaphore, #tpu.memory_space<semaphore_mem>>) {add = true}
        %dma_wait3A_298 = arith.constant 0 : i32
        %dma_wait3A_299 = arith.constant 0 : i32
        %dma_wait3A_300 = tpu.memref_slice %arg9[%run_scoped3A_283, %dma_wait3A_298, %dma_wait3A_299] : memref<8x128x16xf32, #tpu.memory_space<vmem>> -> memref<1x128x16xf32, #tpu.memory_space<vmem>>
        %dma_wait3A_301 = tpu.memref_squeeze %dma_wait3A_300 : memref<1x128x16xf32, #tpu.memory_space<vmem>> -> memref<128x16xf32, #tpu.memory_space<vmem>>
        %dma_wait3A_302 = arith.constant 0 : i32
        %dma_wait3A_303 = tpu.memref_slice %arg8[%run_scoped3A_284, %dma_wait3A_302] : memref<8x128xi32, #tpu.memory_space<vmem>> -> memref<1x128xi32, #tpu.memory_space<vmem>>
        %dma_wait3A_304 = tpu.memref_squeeze %dma_wait3A_303 : memref<1x128xi32, #tpu.memory_space<vmem>> -> memref<128xi32, #tpu.memory_space<vmem>>
        %dma_wait3A_305 = arith.constant 0 : i32
        %dma_wait3A_306 = arith.constant 0 : i32
        %dma_wait3A_307 = tpu.memref_slice %arg6[%dma_wait3A_305, %dma_wait3A_306] : memref<102400x16xf32, #tpu.memory_space<vmem_shared>> -> memref<102400x16xf32, #tpu.memory_space<vmem_shared>>
        tpu.wait_indirect_dma semaphore(%run_scoped3A_287 : memref<!tpu.dma_semaphore, #tpu.memory_space<semaphore_mem>>) src(%dma_wait3A_301 : memref<128x16xf32, #tpu.memory_space<vmem>>) dst(%dma_wait3A_307 : memref<102400x16xf32, #tpu.memory_space<vmem_shared>>)
        tpu.yield
      }) : () -> ()
      %run_scoped3A_285 = arith.constant 7 : i32
      %run_scoped3A_286 = arith.constant 7 : i32
      "tpu.region"() ({
        %run_scoped3A_287 = tpu.sem_alloc : memref<!tpu.dma_semaphore, #tpu.memory_space<semaphore_mem>>
        %dma_start3A_288 = arith.constant 0 : i32
        %dma_start3A_289 = arith.constant 0 : i32
        %dma_start3A_290 = tpu.memref_slice %arg9[%run_scoped3A_285, %dma_start3A_288, %dma_start3A_289] : memref<8x128x16xf32, #tpu.memory_space<vmem>> -> memref<1x128x16xf32, #tpu.memory_space<vmem>>
        %dma_start3A_291 = tpu.memref_squeeze %dma_start3A_290 : memref<1x128x16xf32, #tpu.memory_space<vmem>> -> memref<128x16xf32, #tpu.memory_space<vmem>>
        %dma_start3A_292 = arith.constant 0 : i32
        %dma_start3A_293 = tpu.memref_slice %arg8[%run_scoped3A_286, %dma_start3A_292] : memref<8x128xi32, #tpu.memory_space<vmem>> -> memref<1x128xi32, #tpu.memory_space<vmem>>
        %dma_start3A_294 = tpu.memref_squeeze %dma_start3A_293 : memref<1x128xi32, #tpu.memory_space<vmem>> -> memref<128xi32, #tpu.memory_space<vmem>>
        %dma_start3A_295 = arith.constant 0 : i32
        %dma_start3A_296 = arith.constant 0 : i32
        %dma_start3A_297 = tpu.memref_slice %arg6[%dma_start3A_295, %dma_start3A_296] : memref<102400x16xf32, #tpu.memory_space<vmem_shared>> -> memref<102400x16xf32, #tpu.memory_space<vmem_shared>>
        tpu.enqueue_indirect_dma source(%dma_start3A_291 : memref<128x16xf32, #tpu.memory_space<vmem>>) target(%dma_start3A_297 : memref<102400x16xf32, #tpu.memory_space<vmem_shared>>) offsets(%dma_start3A_294 : memref<128xi32, #tpu.memory_space<vmem>>) semaphore(%run_scoped3A_287 : memref<!tpu.dma_semaphore, #tpu.memory_space<semaphore_mem>>) {add = true}
        %dma_wait3A_298 = arith.constant 0 : i32
        %dma_wait3A_299 = arith.constant 0 : i32
        %dma_wait3A_300 = tpu.memref_slice %arg9[%run_scoped3A_285, %dma_wait3A_298, %dma_wait3A_299] : memref<8x128x16xf32, #tpu.memory_space<vmem>> -> memref<1x128x16xf32, #tpu.memory_space<vmem>>
        %dma_wait3A_301 = tpu.memref_squeeze %dma_wait3A_300 : memref<1x128x16xf32, #tpu.memory_space<vmem>> -> memref<128x16xf32, #tpu.memory_space<vmem>>
        %dma_wait3A_302 = arith.constant 0 : i32
        %dma_wait3A_303 = tpu.memref_slice %arg8[%run_scoped3A_286, %dma_wait3A_302] : memref<8x128xi32, #tpu.memory_space<vmem>> -> memref<1x128xi32, #tpu.memory_space<vmem>>
        %dma_wait3A_304 = tpu.memref_squeeze %dma_wait3A_303 : memref<1x128xi32, #tpu.memory_space<vmem>> -> memref<128xi32, #tpu.memory_space<vmem>>
        %dma_wait3A_305 = arith.constant 0 : i32
        %dma_wait3A_306 = arith.constant 0 : i32
        %dma_wait3A_307 = tpu.memref_slice %arg6[%dma_wait3A_305, %dma_wait3A_306] : memref<102400x16xf32, #tpu.memory_space<vmem_shared>> -> memref<102400x16xf32, #tpu.memory_space<vmem_shared>>
        tpu.wait_indirect_dma semaphore(%run_scoped3A_287 : memref<!tpu.dma_semaphore, #tpu.memory_space<semaphore_mem>>) src(%dma_wait3A_301 : memref<128x16xf32, #tpu.memory_space<vmem>>) dst(%dma_wait3A_307 : memref<102400x16xf32, #tpu.memory_space<vmem_shared>>)
        tpu.yield
      }) : () -> ()
    }
    %scan3A_9 = arith.constant 200 : i32
    %barrier3A_10 = arith.constant 0 : index
    tpu.barrier barrier_id(%barrier3A_10)
    %mul3A_11 = arith.constant 6400 : i32
    %mul3A_12 = arith.muli %arg1, %mul3A_11 : i32
    %mul3A_13 = arith.constant 6400 : i32
    %mul3A_14 = arith.muli %arg1, %mul3A_13 : i32
    "tpu.region"() ({
      %run_scoped3A = tpu.sem_alloc : memref<!tpu.dma_semaphore, #tpu.memory_space<semaphore_mem>>
      %dma_start3A = arith.constant 0 : i32
      %dma_start3A_15 = arith.constant 0 : i32
      %dma_start3A_16 = tpu.memref_slice %arg5[%arg0, %dma_start3A, %dma_start3A_15] : memref<2x102400x16xf32, #tpu.memory_space<hbm>> -> memref<1x102400x16xf32, #tpu.memory_space<hbm>>
      %dma_start3A_17 = tpu.memref_squeeze %dma_start3A_16 : memref<1x102400x16xf32, #tpu.memory_space<hbm>> -> memref<102400x16xf32, #tpu.memory_space<hbm>>
      %dma_start3A_18 = arith.constant 0 : i32
      %dma_start3A_19 = tpu.memref_slice %dma_start3A_17[%mul3A_14, %dma_start3A_18] : memref<102400x16xf32, #tpu.memory_space<hbm>> -> memref<6400x16xf32, #tpu.memory_space<hbm>>
      %dma_start3A_20 = arith.constant 0 : i32
      %dma_start3A_21 = tpu.memref_slice %arg6[%mul3A_12, %dma_start3A_20] : memref<102400x16xf32, #tpu.memory_space<vmem_shared>> -> memref<6400x16xf32, #tpu.memory_space<vmem_shared>>
      tpu.enqueue_dma source(%dma_start3A_21 : memref<6400x16xf32, #tpu.memory_space<vmem_shared>>) target(%dma_start3A_19 : memref<6400x16xf32, #tpu.memory_space<hbm>>) target_semaphore(%run_scoped3A : memref<!tpu.dma_semaphore, #tpu.memory_space<semaphore_mem>>)
      %dma_wait3A = arith.constant 0 : i32
      %dma_wait3A_22 = arith.constant 0 : i32
      %dma_wait3A_23 = tpu.memref_slice %arg5[%arg0, %dma_wait3A, %dma_wait3A_22] : memref<2x102400x16xf32, #tpu.memory_space<hbm>> -> memref<1x102400x16xf32, #tpu.memory_space<hbm>>
      %dma_wait3A_24 = tpu.memref_squeeze %dma_wait3A_23 : memref<1x102400x16xf32, #tpu.memory_space<hbm>> -> memref<102400x16xf32, #tpu.memory_space<hbm>>
      %dma_wait3A_25 = arith.constant 0 : i32
      %dma_wait3A_26 = tpu.memref_slice %dma_wait3A_24[%mul3A_14, %dma_wait3A_25] : memref<102400x16xf32, #tpu.memory_space<hbm>> -> memref<6400x16xf32, #tpu.memory_space<hbm>>
      %dma_wait3A_27 = arith.constant 0 : i32
      %dma_wait3A_28 = tpu.memref_slice %arg6[%mul3A_12, %dma_wait3A_27] : memref<102400x16xf32, #tpu.memory_space<vmem_shared>> -> memref<6400x16xf32, #tpu.memory_space<vmem_shared>>
      tpu.wait_dma2 semaphore(%run_scoped3A : memref<!tpu.dma_semaphore, #tpu.memory_space<semaphore_mem>>) src(%dma_wait3A_28 : memref<6400x16xf32, #tpu.memory_space<vmem_shared>>) dst(%dma_wait3A_26 : memref<6400x16xf32, #tpu.memory_space<hbm>>)
      tpu.yield
    }) : () -> ()
    return
  }
}

module attributes {stable_mosaic.version = 14 : i64} {
  func.func @_mlp_l1_body(%arg0: i32, %arg1: memref<2x4096x16xf32, #tpu.memory_space<vmem>>, %arg2: memref<4096x16xf32, #tpu.memory_space<vmem>>, %arg3: memref<16x32xf32, #tpu.memory_space<vmem>>, %arg4: memref<1x32xf32, #tpu.memory_space<vmem>>, %arg5: memref<32x32xf32, #tpu.memory_space<vmem>>, %arg6: memref<1x32xf32, #tpu.memory_space<vmem>>, %arg7: memref<1x32xf32, #tpu.memory_space<vmem>>, %arg8: memref<1x32xf32, #tpu.memory_space<vmem>>, %arg9: memref<2x4096x16xf32, #tpu.memory_space<vmem>>) attributes {dimension_semantics = [#tpu.dimension_semantics<arbitrary>], iteration_bounds = array<i64: 25>, scalar_prefetch = 0 : i64, scratch_operands = 0 : i64, tpu.core_type = #tpu.core_type<tc>, window_params = [{transform_indices = @transform_0, window_bounds = array<i64: 2, 4096, 16>}, {transform_indices = @transform_1, window_bounds = array<i64: 4096, 16>}, {pipeline_mode = #tpu.pipeline_mode<synchronous>, transform_indices = @transform_2, window_bounds = array<i64: 16, 32>}, {pipeline_mode = #tpu.pipeline_mode<synchronous>, transform_indices = @transform_3, window_bounds = array<i64: 1, 32>}, {pipeline_mode = #tpu.pipeline_mode<synchronous>, transform_indices = @transform_4, window_bounds = array<i64: 32, 32>}, {pipeline_mode = #tpu.pipeline_mode<synchronous>, transform_indices = @transform_5, window_bounds = array<i64: 1, 32>}, {pipeline_mode = #tpu.pipeline_mode<synchronous>, transform_indices = @transform_6, window_bounds = array<i64: 1, 32>}, {pipeline_mode = #tpu.pipeline_mode<synchronous>, transform_indices = @transform_7, window_bounds = array<i64: 1, 32>}, {transform_indices = @transform_8, window_bounds = array<i64: 2, 4096, 16>}]} {
    %get3A = arith.constant 0 : index
    %get3A_0 = arith.constant 0 : index
    %get3A_1 = arith.constant 0 : index
    %get3A_2 = vector.load %arg1[%get3A, %get3A_0, %get3A_1] : memref<2x4096x16xf32, #tpu.memory_space<vmem>>, vector<1x4096x16xf32>
    %get3A_3 = vector.shape_cast %get3A_2 : vector<1x4096x16xf32> to vector<4096x16xf32>
    %get3A_4 = arith.constant 1 : index
    %get3A_5 = arith.constant 0 : index
    %get3A_6 = arith.constant 0 : index
    %get3A_7 = vector.load %arg1[%get3A_4, %get3A_5, %get3A_6] : memref<2x4096x16xf32, #tpu.memory_space<vmem>>, vector<1x4096x16xf32>
    %get3A_8 = vector.shape_cast %get3A_7 : vector<1x4096x16xf32> to vector<4096x16xf32>
    %add3A = arith.addf %get3A_3, %get3A_8 : vector<4096x16xf32>
    %get3A_9 = arith.constant 0 : index
    %get3A_10 = arith.constant 0 : index
    %get3A_11 = vector.load %arg2[%get3A_9, %get3A_10] : memref<4096x16xf32, #tpu.memory_space<vmem>>, vector<4096x16xf32>
    %sub3A = arith.subf %add3A, %get3A_11 : vector<4096x16xf32>
    %get3A_12 = arith.constant 0 : index
    %get3A_13 = arith.constant 0 : index
    %get3A_14 = vector.load %arg3[%get3A_12, %get3A_13] : memref<16x32xf32, #tpu.memory_space<vmem>>, vector<16x32xf32>
    %dot_general3A = arith.constant dense<0.000000e+00> : vector<4096x32xf32>
    %dot_general3A_15 = tpu.matmul %sub3A, %get3A_14, %dot_general3A {dimension_numbers = #tpu.dot_dimension_numbers<[1], [0], [0], [1], [0, 0, 1, 1], [], []>, transpose_lhs_hint = false} : vector<4096x16xf32>, vector<16x32xf32>, vector<4096x32xf32> -> vector<4096x32xf32>
    %get3A_16 = arith.constant 0 : index
    %get3A_17 = arith.constant 0 : index
    %get3A_18 = vector.load %arg4[%get3A_16, %get3A_17] : memref<1x32xf32, #tpu.memory_space<vmem>>, vector<1x32xf32>
    %add3A_19 = vector.broadcast %get3A_18 : vector<1x32xf32> to vector<4096x32xf32>
    %add3A_20 = arith.addf %dot_general3A_15, %add3A_19 : vector<4096x32xf32>
    %max3A = arith.constant 0.000000e+00 : f32
    %max3A_21 = vector.broadcast %max3A : f32 to vector<4096x32xf32>
    %max3A_22 = arith.maximumf %add3A_20, %max3A_21 : vector<4096x32xf32>
    %get3A_23 = arith.constant 0 : index
    %get3A_24 = arith.constant 0 : index
    %get3A_25 = vector.load %arg5[%get3A_23, %get3A_24] : memref<32x32xf32, #tpu.memory_space<vmem>>, vector<32x32xf32>
    %dot_general3A_26 = arith.constant dense<0.000000e+00> : vector<4096x32xf32>
    %dot_general3A_27 = tpu.matmul %max3A_22, %get3A_25, %dot_general3A_26 {dimension_numbers = #tpu.dot_dimension_numbers<[1], [0], [0], [1], [0, 0, 1, 1], [], []>, transpose_lhs_hint = false} : vector<4096x32xf32>, vector<32x32xf32>, vector<4096x32xf32> -> vector<4096x32xf32>
    %get3A_28 = arith.constant 0 : index
    %get3A_29 = arith.constant 0 : index
    %get3A_30 = vector.load %arg6[%get3A_28, %get3A_29] : memref<1x32xf32, #tpu.memory_space<vmem>>, vector<1x32xf32>
    %add3A_31 = vector.broadcast %get3A_30 : vector<1x32xf32> to vector<4096x32xf32>
    %add3A_32 = arith.addf %dot_general3A_27, %add3A_31 : vector<4096x32xf32>
    %max3A_33 = arith.constant 0.000000e+00 : f32
    %max3A_34 = vector.broadcast %max3A_33 : f32 to vector<4096x32xf32>
    %max3A_35 = arith.maximumf %add3A_32, %max3A_34 : vector<4096x32xf32>
    %get3A_36 = arith.constant 0 : index
    %get3A_37 = arith.constant 0 : index
    %get3A_38 = vector.load %arg7[%get3A_36, %get3A_37] : memref<1x32xf32, #tpu.memory_space<vmem>>, vector<1x32xf32>
    %mul3A = vector.broadcast %get3A_38 : vector<1x32xf32> to vector<4096x32xf32>
    %mul3A_39 = arith.mulf %max3A_35, %mul3A : vector<4096x32xf32>
    %get3A_40 = arith.constant 0 : index
    %get3A_41 = arith.constant 0 : index
    %get3A_42 = vector.load %arg8[%get3A_40, %get3A_41] : memref<1x32xf32, #tpu.memory_space<vmem>>, vector<1x32xf32>
    %add3A_43 = vector.broadcast %get3A_42 : vector<1x32xf32> to vector<4096x32xf32>
    %add3A_44 = arith.addf %mul3A_39, %add3A_43 : vector<4096x32xf32>
    %slice3A = vector.extract_strided_slice %add3A_44 {offsets = [0, 0], sizes = [4096, 16], strides = [1, 1]} : vector<4096x32xf32> to vector<4096x16xf32>
    %swap3A = arith.constant 0 : index
    %swap3A_45 = arith.constant 0 : index
    %swap3A_46 = arith.constant 0 : index
    %swap3A_47 = vector.load %arg9[%swap3A, %swap3A_45, %swap3A_46] : memref<2x4096x16xf32, #tpu.memory_space<vmem>>, vector<1x4096x16xf32>
    %swap3A_48 = vector.shape_cast %swap3A_47 : vector<1x4096x16xf32> to vector<4096x16xf32>
    %swap3A_49 = vector.shape_cast %slice3A : vector<4096x16xf32> to vector<1x4096x16xf32>
    tpu.vector_store %arg9[%swap3A, %swap3A_45, %swap3A_46], %swap3A_49 {strides = array<i32>} : memref<2x4096x16xf32, #tpu.memory_space<vmem>>, vector<1x4096x16xf32>,
    %slice3A_50 = vector.extract_strided_slice %add3A_44 {offsets = [0, 16], sizes = [4096, 16], strides = [1, 1]} : vector<4096x32xf32> to vector<4096x16xf32>
    %swap3A_51 = arith.constant 1 : index
    %swap3A_52 = arith.constant 0 : index
    %swap3A_53 = arith.constant 0 : index
    %swap3A_54 = vector.load %arg9[%swap3A_51, %swap3A_52, %swap3A_53] : memref<2x4096x16xf32, #tpu.memory_space<vmem>>, vector<1x4096x16xf32>
    %swap3A_55 = vector.shape_cast %swap3A_54 : vector<1x4096x16xf32> to vector<4096x16xf32>
    %swap3A_56 = vector.shape_cast %slice3A_50 : vector<4096x16xf32> to vector<1x4096x16xf32>
    tpu.vector_store %arg9[%swap3A_51, %swap3A_52, %swap3A_53], %swap3A_56 {strides = array<i32>} : memref<2x4096x16xf32, #tpu.memory_space<vmem>>, vector<1x4096x16xf32>,
    return
  }
  func.func @transform_0(%arg0: i32) -> (i32, i32, i32) {
    %c0_i32 = arith.constant 0 : i32
    %c0_i32_0 = arith.constant 0 : i32
    %c0_i32_1 = arith.constant 0 : i32
    return %c0_i32, %arg0, %c0_i32_0 : i32, i32, i32
  }
  func.func @transform_1(%arg0: i32) -> (i32, i32) {
    %c0_i32 = arith.constant 0 : i32
    %c0_i32_0 = arith.constant 0 : i32
    return %arg0, %c0_i32 : i32, i32
  }
  func.func @transform_2(%arg0: i32) -> (i32, i32) {
    %c0_i32 = arith.constant 0 : i32
    %c0_i32_0 = arith.constant 0 : i32
    %c0_i32_1 = arith.constant 0 : i32
    return %c0_i32, %c0_i32_0 : i32, i32
  }
  func.func @transform_3(%arg0: i32) -> (i32, i32) {
    %c0_i32 = arith.constant 0 : i32
    %c0_i32_0 = arith.constant 0 : i32
    %c0_i32_1 = arith.constant 0 : i32
    return %c0_i32, %c0_i32_0 : i32, i32
  }
  func.func @transform_4(%arg0: i32) -> (i32, i32) {
    %c0_i32 = arith.constant 0 : i32
    %c0_i32_0 = arith.constant 0 : i32
    %c0_i32_1 = arith.constant 0 : i32
    return %c0_i32, %c0_i32_0 : i32, i32
  }
  func.func @transform_5(%arg0: i32) -> (i32, i32) {
    %c0_i32 = arith.constant 0 : i32
    %c0_i32_0 = arith.constant 0 : i32
    %c0_i32_1 = arith.constant 0 : i32
    return %c0_i32, %c0_i32_0 : i32, i32
  }
  func.func @transform_6(%arg0: i32) -> (i32, i32) {
    %c0_i32 = arith.constant 0 : i32
    %c0_i32_0 = arith.constant 0 : i32
    %c0_i32_1 = arith.constant 0 : i32
    return %c0_i32, %c0_i32_0 : i32, i32
  }
  func.func @transform_7(%arg0: i32) -> (i32, i32) {
    %c0_i32 = arith.constant 0 : i32
    %c0_i32_0 = arith.constant 0 : i32
    %c0_i32_1 = arith.constant 0 : i32
    return %c0_i32, %c0_i32_0 : i32, i32
  }
  func.func @transform_8(%arg0: i32) -> (i32, i32, i32) {
    %c0_i32 = arith.constant 0 : i32
    %c0_i32_0 = arith.constant 0 : i32
    %c0_i32_1 = arith.constant 0 : i32
    return %c0_i32, %arg0, %c0_i32_0 : i32, i32, i32
  }
}

module attributes {stable_mosaic.version = 14 : i64} {
  func.func @_mlp_body(%arg0: i32, %arg1: memref<2x4096x16xf32, #tpu.memory_space<vmem>>, %arg2: memref<32x32xf32, #tpu.memory_space<vmem>>, %arg3: memref<1x32xf32, #tpu.memory_space<vmem>>, %arg4: memref<32x32xf32, #tpu.memory_space<vmem>>, %arg5: memref<1x32xf32, #tpu.memory_space<vmem>>, %arg6: memref<1x32xf32, #tpu.memory_space<vmem>>, %arg7: memref<1x32xf32, #tpu.memory_space<vmem>>, %arg8: memref<2x4096x16xf32, #tpu.memory_space<vmem>>) attributes {dimension_semantics = [#tpu.dimension_semantics<arbitrary>], iteration_bounds = array<i64: 25>, scalar_prefetch = 0 : i64, scratch_operands = 0 : i64, tpu.core_type = #tpu.core_type<tc>, window_params = [{transform_indices = @transform_0, window_bounds = array<i64: 2, 4096, 16>}, {pipeline_mode = #tpu.pipeline_mode<synchronous>, transform_indices = @transform_1, window_bounds = array<i64: 32, 32>}, {pipeline_mode = #tpu.pipeline_mode<synchronous>, transform_indices = @transform_2, window_bounds = array<i64: 1, 32>}, {pipeline_mode = #tpu.pipeline_mode<synchronous>, transform_indices = @transform_3, window_bounds = array<i64: 32, 32>}, {pipeline_mode = #tpu.pipeline_mode<synchronous>, transform_indices = @transform_4, window_bounds = array<i64: 1, 32>}, {pipeline_mode = #tpu.pipeline_mode<synchronous>, transform_indices = @transform_5, window_bounds = array<i64: 1, 32>}, {pipeline_mode = #tpu.pipeline_mode<synchronous>, transform_indices = @transform_6, window_bounds = array<i64: 1, 32>}, {transform_indices = @transform_7, window_bounds = array<i64: 2, 4096, 16>}]} {
    %get3A = arith.constant 0 : index
    %get3A_0 = arith.constant 0 : index
    %get3A_1 = arith.constant 0 : index
    %get3A_2 = vector.load %arg1[%get3A, %get3A_0, %get3A_1] : memref<2x4096x16xf32, #tpu.memory_space<vmem>>, vector<1x4096x16xf32>
    %get3A_3 = vector.shape_cast %get3A_2 : vector<1x4096x16xf32> to vector<4096x16xf32>
    %get3A_4 = arith.constant 1 : index
    %get3A_5 = arith.constant 0 : index
    %get3A_6 = arith.constant 0 : index
    %get3A_7 = vector.load %arg1[%get3A_4, %get3A_5, %get3A_6] : memref<2x4096x16xf32, #tpu.memory_space<vmem>>, vector<1x4096x16xf32>
    %get3A_8 = vector.shape_cast %get3A_7 : vector<1x4096x16xf32> to vector<4096x16xf32>
    %concatenate3A = tpu.concatenate %get3A_3, %get3A_8 in 1 : vector<4096x16xf32>, vector<4096x16xf32> -> vector<4096x32xf32>
    %get3A_9 = arith.constant 0 : index
    %get3A_10 = arith.constant 0 : index
    %get3A_11 = vector.load %arg2[%get3A_9, %get3A_10] : memref<32x32xf32, #tpu.memory_space<vmem>>, vector<32x32xf32>
    %dot_general3A = arith.constant dense<0.000000e+00> : vector<4096x32xf32>
    %dot_general3A_12 = tpu.matmul %concatenate3A, %get3A_11, %dot_general3A {dimension_numbers = #tpu.dot_dimension_numbers<[1], [0], [0], [1], [0, 0, 1, 1], [], []>, transpose_lhs_hint = false} : vector<4096x32xf32>, vector<32x32xf32>, vector<4096x32xf32> -> vector<4096x32xf32>
    %get3A_13 = arith.constant 0 : index
    %get3A_14 = arith.constant 0 : index
    %get3A_15 = vector.load %arg3[%get3A_13, %get3A_14] : memref<1x32xf32, #tpu.memory_space<vmem>>, vector<1x32xf32>
    %add3A = vector.broadcast %get3A_15 : vector<1x32xf32> to vector<4096x32xf32>
    %add3A_16 = arith.addf %dot_general3A_12, %add3A : vector<4096x32xf32>
    %max3A = arith.constant 0.000000e+00 : f32
    %max3A_17 = vector.broadcast %max3A : f32 to vector<4096x32xf32>
    %max3A_18 = arith.maximumf %add3A_16, %max3A_17 : vector<4096x32xf32>
    %get3A_19 = arith.constant 0 : index
    %get3A_20 = arith.constant 0 : index
    %get3A_21 = vector.load %arg4[%get3A_19, %get3A_20] : memref<32x32xf32, #tpu.memory_space<vmem>>, vector<32x32xf32>
    %dot_general3A_22 = arith.constant dense<0.000000e+00> : vector<4096x32xf32>
    %dot_general3A_23 = tpu.matmul %max3A_18, %get3A_21, %dot_general3A_22 {dimension_numbers = #tpu.dot_dimension_numbers<[1], [0], [0], [1], [0, 0, 1, 1], [], []>, transpose_lhs_hint = false} : vector<4096x32xf32>, vector<32x32xf32>, vector<4096x32xf32> -> vector<4096x32xf32>
    %get3A_24 = arith.constant 0 : index
    %get3A_25 = arith.constant 0 : index
    %get3A_26 = vector.load %arg5[%get3A_24, %get3A_25] : memref<1x32xf32, #tpu.memory_space<vmem>>, vector<1x32xf32>
    %add3A_27 = vector.broadcast %get3A_26 : vector<1x32xf32> to vector<4096x32xf32>
    %add3A_28 = arith.addf %dot_general3A_23, %add3A_27 : vector<4096x32xf32>
    %max3A_29 = arith.constant 0.000000e+00 : f32
    %max3A_30 = vector.broadcast %max3A_29 : f32 to vector<4096x32xf32>
    %max3A_31 = arith.maximumf %add3A_28, %max3A_30 : vector<4096x32xf32>
    %get3A_32 = arith.constant 0 : index
    %get3A_33 = arith.constant 0 : index
    %get3A_34 = vector.load %arg6[%get3A_32, %get3A_33] : memref<1x32xf32, #tpu.memory_space<vmem>>, vector<1x32xf32>
    %mul3A = vector.broadcast %get3A_34 : vector<1x32xf32> to vector<4096x32xf32>
    %mul3A_35 = arith.mulf %max3A_31, %mul3A : vector<4096x32xf32>
    %get3A_36 = arith.constant 0 : index
    %get3A_37 = arith.constant 0 : index
    %get3A_38 = vector.load %arg7[%get3A_36, %get3A_37] : memref<1x32xf32, #tpu.memory_space<vmem>>, vector<1x32xf32>
    %add3A_39 = vector.broadcast %get3A_38 : vector<1x32xf32> to vector<4096x32xf32>
    %add3A_40 = arith.addf %mul3A_35, %add3A_39 : vector<4096x32xf32>
    %slice3A = vector.extract_strided_slice %add3A_40 {offsets = [0, 0], sizes = [4096, 16], strides = [1, 1]} : vector<4096x32xf32> to vector<4096x16xf32>
    %swap3A = arith.constant 0 : index
    %swap3A_41 = arith.constant 0 : index
    %swap3A_42 = arith.constant 0 : index
    %swap3A_43 = vector.load %arg8[%swap3A, %swap3A_41, %swap3A_42] : memref<2x4096x16xf32, #tpu.memory_space<vmem>>, vector<1x4096x16xf32>
    %swap3A_44 = vector.shape_cast %swap3A_43 : vector<1x4096x16xf32> to vector<4096x16xf32>
    %swap3A_45 = vector.shape_cast %slice3A : vector<4096x16xf32> to vector<1x4096x16xf32>
    tpu.vector_store %arg8[%swap3A, %swap3A_41, %swap3A_42], %swap3A_45 {strides = array<i32>} : memref<2x4096x16xf32, #tpu.memory_space<vmem>>, vector<1x4096x16xf32>,
    %slice3A_46 = vector.extract_strided_slice %add3A_40 {offsets = [0, 16], sizes = [4096, 16], strides = [1, 1]} : vector<4096x32xf32> to vector<4096x16xf32>
    %swap3A_47 = arith.constant 1 : index
    %swap3A_48 = arith.constant 0 : index
    %swap3A_49 = arith.constant 0 : index
    %swap3A_50 = vector.load %arg8[%swap3A_47, %swap3A_48, %swap3A_49] : memref<2x4096x16xf32, #tpu.memory_space<vmem>>, vector<1x4096x16xf32>
    %swap3A_51 = vector.shape_cast %swap3A_50 : vector<1x4096x16xf32> to vector<4096x16xf32>
    %swap3A_52 = vector.shape_cast %slice3A_46 : vector<4096x16xf32> to vector<1x4096x16xf32>
    tpu.vector_store %arg8[%swap3A_47, %swap3A_48, %swap3A_49], %swap3A_52 {strides = array<i32>} : memref<2x4096x16xf32, #tpu.memory_space<vmem>>, vector<1x4096x16xf32>,
    return
  }
  func.func @transform_0(%arg0: i32) -> (i32, i32, i32) {
    %c0_i32 = arith.constant 0 : i32
    %c0_i32_0 = arith.constant 0 : i32
    %c0_i32_1 = arith.constant 0 : i32
    return %c0_i32, %arg0, %c0_i32_0 : i32, i32, i32
  }
  func.func @transform_1(%arg0: i32) -> (i32, i32) {
    %c0_i32 = arith.constant 0 : i32
    %c0_i32_0 = arith.constant 0 : i32
    %c0_i32_1 = arith.constant 0 : i32
    return %c0_i32, %c0_i32_0 : i32, i32
  }
  func.func @transform_2(%arg0: i32) -> (i32, i32) {
    %c0_i32 = arith.constant 0 : i32
    %c0_i32_0 = arith.constant 0 : i32
    %c0_i32_1 = arith.constant 0 : i32
    return %c0_i32, %c0_i32_0 : i32, i32
  }
  func.func @transform_3(%arg0: i32) -> (i32, i32) {
    %c0_i32 = arith.constant 0 : i32
    %c0_i32_0 = arith.constant 0 : i32
    %c0_i32_1 = arith.constant 0 : i32
    return %c0_i32, %c0_i32_0 : i32, i32
  }
  func.func @transform_4(%arg0: i32) -> (i32, i32) {
    %c0_i32 = arith.constant 0 : i32
    %c0_i32_0 = arith.constant 0 : i32
    %c0_i32_1 = arith.constant 0 : i32
    return %c0_i32, %c0_i32_0 : i32, i32
  }
  func.func @transform_5(%arg0: i32) -> (i32, i32) {
    %c0_i32 = arith.constant 0 : i32
    %c0_i32_0 = arith.constant 0 : i32
    %c0_i32_1 = arith.constant 0 : i32
    return %c0_i32, %c0_i32_0 : i32, i32
  }
  func.func @transform_6(%arg0: i32) -> (i32, i32) {
    %c0_i32 = arith.constant 0 : i32
    %c0_i32_0 = arith.constant 0 : i32
    %c0_i32_1 = arith.constant 0 : i32
    return %c0_i32, %c0_i32_0 : i32, i32
  }
  func.func @transform_7(%arg0: i32) -> (i32, i32, i32) {
    %c0_i32 = arith.constant 0 : i32
    %c0_i32_0 = arith.constant 0 : i32
    %c0_i32_1 = arith.constant 0 : i32
    return %c0_i32, %arg0, %c0_i32_0 : i32, i32, i32
  }
}

module attributes {stable_mosaic.version = 14 : i64} {
  func.func @_mlp_body(%arg0: i32, %arg1: memref<2x4096x16xf32, #tpu.memory_space<vmem>>, %arg2: memref<32x32xf32, #tpu.memory_space<vmem>>, %arg3: memref<1x32xf32, #tpu.memory_space<vmem>>, %arg4: memref<32x32xf32, #tpu.memory_space<vmem>>, %arg5: memref<1x32xf32, #tpu.memory_space<vmem>>, %arg6: memref<1x32xf32, #tpu.memory_space<vmem>>, %arg7: memref<1x32xf32, #tpu.memory_space<vmem>>, %arg8: memref<4096x32xf32, #tpu.memory_space<vmem>>) attributes {dimension_semantics = [#tpu.dimension_semantics<arbitrary>], iteration_bounds = array<i64: 25>, scalar_prefetch = 0 : i64, scratch_operands = 0 : i64, tpu.core_type = #tpu.core_type<tc>, window_params = [{transform_indices = @transform_0, window_bounds = array<i64: 2, 4096, 16>}, {pipeline_mode = #tpu.pipeline_mode<synchronous>, transform_indices = @transform_1, window_bounds = array<i64: 32, 32>}, {pipeline_mode = #tpu.pipeline_mode<synchronous>, transform_indices = @transform_2, window_bounds = array<i64: 1, 32>}, {pipeline_mode = #tpu.pipeline_mode<synchronous>, transform_indices = @transform_3, window_bounds = array<i64: 32, 32>}, {pipeline_mode = #tpu.pipeline_mode<synchronous>, transform_indices = @transform_4, window_bounds = array<i64: 1, 32>}, {pipeline_mode = #tpu.pipeline_mode<synchronous>, transform_indices = @transform_5, window_bounds = array<i64: 1, 32>}, {pipeline_mode = #tpu.pipeline_mode<synchronous>, transform_indices = @transform_6, window_bounds = array<i64: 1, 32>}, {transform_indices = @transform_7, window_bounds = array<i64: 4096, 32>}]} {
    %get3A = arith.constant 0 : index
    %get3A_0 = arith.constant 0 : index
    %get3A_1 = arith.constant 0 : index
    %get3A_2 = vector.load %arg1[%get3A, %get3A_0, %get3A_1] : memref<2x4096x16xf32, #tpu.memory_space<vmem>>, vector<1x4096x16xf32>
    %get3A_3 = vector.shape_cast %get3A_2 : vector<1x4096x16xf32> to vector<4096x16xf32>
    %get3A_4 = arith.constant 1 : index
    %get3A_5 = arith.constant 0 : index
    %get3A_6 = arith.constant 0 : index
    %get3A_7 = vector.load %arg1[%get3A_4, %get3A_5, %get3A_6] : memref<2x4096x16xf32, #tpu.memory_space<vmem>>, vector<1x4096x16xf32>
    %get3A_8 = vector.shape_cast %get3A_7 : vector<1x4096x16xf32> to vector<4096x16xf32>
    %concatenate3A = tpu.concatenate %get3A_3, %get3A_8 in 1 : vector<4096x16xf32>, vector<4096x16xf32> -> vector<4096x32xf32>
    %get3A_9 = arith.constant 0 : index
    %get3A_10 = arith.constant 0 : index
    %get3A_11 = vector.load %arg2[%get3A_9, %get3A_10] : memref<32x32xf32, #tpu.memory_space<vmem>>, vector<32x32xf32>
    %dot_general3A = arith.constant dense<0.000000e+00> : vector<4096x32xf32>
    %dot_general3A_12 = tpu.matmul %concatenate3A, %get3A_11, %dot_general3A {dimension_numbers = #tpu.dot_dimension_numbers<[1], [0], [0], [1], [0, 0, 1, 1], [], []>, transpose_lhs_hint = false} : vector<4096x32xf32>, vector<32x32xf32>, vector<4096x32xf32> -> vector<4096x32xf32>
    %get3A_13 = arith.constant 0 : index
    %get3A_14 = arith.constant 0 : index
    %get3A_15 = vector.load %arg3[%get3A_13, %get3A_14] : memref<1x32xf32, #tpu.memory_space<vmem>>, vector<1x32xf32>
    %add3A = vector.broadcast %get3A_15 : vector<1x32xf32> to vector<4096x32xf32>
    %add3A_16 = arith.addf %dot_general3A_12, %add3A : vector<4096x32xf32>
    %max3A = arith.constant 0.000000e+00 : f32
    %max3A_17 = vector.broadcast %max3A : f32 to vector<4096x32xf32>
    %max3A_18 = arith.maximumf %add3A_16, %max3A_17 : vector<4096x32xf32>
    %get3A_19 = arith.constant 0 : index
    %get3A_20 = arith.constant 0 : index
    %get3A_21 = vector.load %arg4[%get3A_19, %get3A_20] : memref<32x32xf32, #tpu.memory_space<vmem>>, vector<32x32xf32>
    %dot_general3A_22 = arith.constant dense<0.000000e+00> : vector<4096x32xf32>
    %dot_general3A_23 = tpu.matmul %max3A_18, %get3A_21, %dot_general3A_22 {dimension_numbers = #tpu.dot_dimension_numbers<[1], [0], [0], [1], [0, 0, 1, 1], [], []>, transpose_lhs_hint = false} : vector<4096x32xf32>, vector<32x32xf32>, vector<4096x32xf32> -> vector<4096x32xf32>
    %get3A_24 = arith.constant 0 : index
    %get3A_25 = arith.constant 0 : index
    %get3A_26 = vector.load %arg5[%get3A_24, %get3A_25] : memref<1x32xf32, #tpu.memory_space<vmem>>, vector<1x32xf32>
    %add3A_27 = vector.broadcast %get3A_26 : vector<1x32xf32> to vector<4096x32xf32>
    %add3A_28 = arith.addf %dot_general3A_23, %add3A_27 : vector<4096x32xf32>
    %max3A_29 = arith.constant 0.000000e+00 : f32
    %max3A_30 = vector.broadcast %max3A_29 : f32 to vector<4096x32xf32>
    %max3A_31 = arith.maximumf %add3A_28, %max3A_30 : vector<4096x32xf32>
    %get3A_32 = arith.constant 0 : index
    %get3A_33 = arith.constant 0 : index
    %get3A_34 = vector.load %arg6[%get3A_32, %get3A_33] : memref<1x32xf32, #tpu.memory_space<vmem>>, vector<1x32xf32>
    %mul3A = vector.broadcast %get3A_34 : vector<1x32xf32> to vector<4096x32xf32>
    %mul3A_35 = arith.mulf %max3A_31, %mul3A : vector<4096x32xf32>
    %get3A_36 = arith.constant 0 : index
    %get3A_37 = arith.constant 0 : index
    %get3A_38 = vector.load %arg7[%get3A_36, %get3A_37] : memref<1x32xf32, #tpu.memory_space<vmem>>, vector<1x32xf32>
    %add3A_39 = vector.broadcast %get3A_38 : vector<1x32xf32> to vector<4096x32xf32>
    %add3A_40 = arith.addf %mul3A_35, %add3A_39 : vector<4096x32xf32>
    %swap3A = arith.constant 0 : index
    %swap3A_41 = arith.constant 0 : index
    %swap3A_42 = vector.load %arg8[%swap3A, %swap3A_41] : memref<4096x32xf32, #tpu.memory_space<vmem>>, vector<4096x32xf32>
    tpu.vector_store %arg8[%swap3A, %swap3A_41], %add3A_40 {strides = array<i32>} : memref<4096x32xf32, #tpu.memory_space<vmem>>, vector<4096x32xf32>,
    return
  }
  func.func @transform_0(%arg0: i32) -> (i32, i32, i32) {
    %c0_i32 = arith.constant 0 : i32
    %c0_i32_0 = arith.constant 0 : i32
    %c0_i32_1 = arith.constant 0 : i32
    return %c0_i32, %arg0, %c0_i32_0 : i32, i32, i32
  }
  func.func @transform_1(%arg0: i32) -> (i32, i32) {
    %c0_i32 = arith.constant 0 : i32
    %c0_i32_0 = arith.constant 0 : i32
    %c0_i32_1 = arith.constant 0 : i32
    return %c0_i32, %c0_i32_0 : i32, i32
  }
  func.func @transform_2(%arg0: i32) -> (i32, i32) {
    %c0_i32 = arith.constant 0 : i32
    %c0_i32_0 = arith.constant 0 : i32
    %c0_i32_1 = arith.constant 0 : i32
    return %c0_i32, %c0_i32_0 : i32, i32
  }
  func.func @transform_3(%arg0: i32) -> (i32, i32) {
    %c0_i32 = arith.constant 0 : i32
    %c0_i32_0 = arith.constant 0 : i32
    %c0_i32_1 = arith.constant 0 : i32
    return %c0_i32, %c0_i32_0 : i32, i32
  }
  func.func @transform_4(%arg0: i32) -> (i32, i32) {
    %c0_i32 = arith.constant 0 : i32
    %c0_i32_0 = arith.constant 0 : i32
    %c0_i32_1 = arith.constant 0 : i32
    return %c0_i32, %c0_i32_0 : i32, i32
  }
  func.func @transform_5(%arg0: i32) -> (i32, i32) {
    %c0_i32 = arith.constant 0 : i32
    %c0_i32_0 = arith.constant 0 : i32
    %c0_i32_1 = arith.constant 0 : i32
    return %c0_i32, %c0_i32_0 : i32, i32
  }
  func.func @transform_6(%arg0: i32) -> (i32, i32) {
    %c0_i32 = arith.constant 0 : i32
    %c0_i32_0 = arith.constant 0 : i32
    %c0_i32_1 = arith.constant 0 : i32
    return %c0_i32, %c0_i32_0 : i32, i32
  }
  func.func @transform_7(%arg0: i32) -> (i32, i32) {
    %c0_i32 = arith.constant 0 : i32
    %c0_i32_0 = arith.constant 0 : i32
    return %arg0, %c0_i32 : i32, i32
  }
}

module attributes {stable_mosaic.version = 14 : i64} {
  func.func @_final_body(%arg0: i32, %arg1: memref<200x2048xf32, #tpu.memory_space<vmem>>, %arg2: memref<2048x32xf32, #tpu.memory_space<vmem>>, %arg3: memref<32x2xf32, #tpu.memory_space<vmem>>, %arg4: memref<1x2xf32, #tpu.memory_space<vmem>>, %arg5: memref<200x2xf32, #tpu.memory_space<vmem>>) attributes {dimension_semantics = [#tpu.dimension_semantics<arbitrary>], iteration_bounds = array<i64: 8>, scalar_prefetch = 0 : i64, scratch_operands = 0 : i64, tpu.core_type = #tpu.core_type<tc>, window_params = [{transform_indices = @transform_0, window_bounds = array<i64: 200, 2048>}, {pipeline_mode = #tpu.pipeline_mode<synchronous>, transform_indices = @transform_1, window_bounds = array<i64: 2048, 32>}, {pipeline_mode = #tpu.pipeline_mode<synchronous>, transform_indices = @transform_2, window_bounds = array<i64: 32, 2>}, {pipeline_mode = #tpu.pipeline_mode<synchronous>, transform_indices = @transform_3, window_bounds = array<i64: 1, 2>}, {transform_indices = @transform_4, window_bounds = array<i64: 200, 2>}]} {
    %get3A = arith.constant 0 : index
    %get3A_0 = arith.constant 0 : index
    %get3A_1 = vector.load %arg1[%get3A, %get3A_0] : memref<200x2048xf32, #tpu.memory_space<vmem>>, vector<200x2048xf32>
    %get3A_2 = arith.constant 0 : index
    %get3A_3 = arith.constant 0 : index
    %get3A_4 = vector.load %arg2[%get3A_2, %get3A_3] : memref<2048x32xf32, #tpu.memory_space<vmem>>, vector<2048x32xf32>
    %dot_general3A = arith.constant dense<0.000000e+00> : vector<200x32xf32>
    %dot_general3A_5 = tpu.matmul %get3A_1, %get3A_4, %dot_general3A {dimension_numbers = #tpu.dot_dimension_numbers<[1], [0], [0], [1], [0, 0, 1, 1], [], []>, transpose_lhs_hint = false} : vector<200x2048xf32>, vector<2048x32xf32>, vector<200x32xf32> -> vector<200x32xf32>
    %get3A_6 = arith.constant 0 : index
    %get3A_7 = arith.constant 0 : index
    %get3A_8 = vector.load %arg3[%get3A_6, %get3A_7] : memref<32x2xf32, #tpu.memory_space<vmem>>, vector<32x2xf32>
    %dot_general3A_9 = arith.constant dense<0.000000e+00> : vector<200x2xf32>
    %dot_general3A_10 = tpu.matmul %dot_general3A_5, %get3A_8, %dot_general3A_9 {dimension_numbers = #tpu.dot_dimension_numbers<[1], [0], [0], [1], [0, 0, 1, 1], [], []>, transpose_lhs_hint = false} : vector<200x32xf32>, vector<32x2xf32>, vector<200x2xf32> -> vector<200x2xf32>
    %get3A_11 = arith.constant 0 : index
    %get3A_12 = arith.constant 0 : index
    %get3A_13 = vector.load %arg4[%get3A_11, %get3A_12] : memref<1x2xf32, #tpu.memory_space<vmem>>, vector<1x2xf32>
    %add3A = vector.broadcast %get3A_13 : vector<1x2xf32> to vector<200x2xf32>
    %add3A_14 = arith.addf %dot_general3A_10, %add3A : vector<200x2xf32>
    %reduce_max3A = arith.constant dense<0xFF800000> : vector<200xf32>
    %reduce_max3A_15 = vector.multi_reduction <maximumf>, %add3A_14, %reduce_max3A [1] : vector<200x2xf32> to vector<200xf32>
    %broadcast_in_dim3A = vector.shape_cast %reduce_max3A_15 : vector<200xf32> to vector<200x1xf32>
    %sub3A = vector.broadcast %broadcast_in_dim3A : vector<200x1xf32> to vector<200x2xf32>
    %sub3A_16 = arith.subf %add3A_14, %sub3A : vector<200x2xf32>
    %exp3A = math.exp %sub3A_16 : vector<200x2xf32>
    %sub3A_17 = vector.broadcast %broadcast_in_dim3A : vector<200x1xf32> to vector<200x2xf32>
    %sub3A_18 = arith.subf %add3A_14, %sub3A_17 : vector<200x2xf32>
    %reduce_sum3A = arith.constant dense<0.000000e+00> : vector<200xf32>
    %reduce_sum3A_19 = vector.multi_reduction <add>, %exp3A, %reduce_sum3A [1] : vector<200x2xf32> to vector<200xf32>
    %broadcast_in_dim3A_20 = vector.shape_cast %reduce_sum3A_19 : vector<200xf32> to vector<200x1xf32>
    %log3A = math.log %broadcast_in_dim3A_20 : vector<200x1xf32>
    %sub3A_21 = vector.broadcast %log3A : vector<200x1xf32> to vector<200x2xf32>
    %sub3A_22 = arith.subf %sub3A_18, %sub3A_21 : vector<200x2xf32>
    %swap3A = arith.constant 0 : index
    %swap3A_23 = arith.constant 0 : index
    %swap3A_24 = vector.load %arg5[%swap3A, %swap3A_23] : memref<200x2xf32, #tpu.memory_space<vmem>>, vector<200x2xf32>
    tpu.vector_store %arg5[%swap3A, %swap3A_23], %sub3A_22 {strides = array<i32>} : memref<200x2xf32, #tpu.memory_space<vmem>>, vector<200x2xf32>,
    return
  }
  func.func @transform_0(%arg0: i32) -> (i32, i32) {
    %c0_i32 = arith.constant 0 : i32
    %c0_i32_0 = arith.constant 0 : i32
    return %arg0, %c0_i32 : i32, i32
  }
  func.func @transform_1(%arg0: i32) -> (i32, i32) {
    %c0_i32 = arith.constant 0 : i32
    %c0_i32_0 = arith.constant 0 : i32
    %c0_i32_1 = arith.constant 0 : i32
    return %c0_i32, %c0_i32_0 : i32, i32
  }
  func.func @transform_2(%arg0: i32) -> (i32, i32) {
    %c0_i32 = arith.constant 0 : i32
    %c0_i32_0 = arith.constant 0 : i32
    %c0_i32_1 = arith.constant 0 : i32
    return %c0_i32, %c0_i32_0 : i32, i32
  }
  func.func @transform_3(%arg0: i32) -> (i32, i32) {
    %c0_i32 = arith.constant 0 : i32
    %c0_i32_0 = arith.constant 0 : i32
    %c0_i32_1 = arith.constant 0 : i32
    return %c0_i32, %c0_i32_0 : i32, i32
  }
  func.func @transform_4(%arg0: i32) -> (i32, i32) {
    %c0_i32 = arith.constant 0 : i32
    %c0_i32_0 = arith.constant 0 : i32
    return %arg0, %c0_i32 : i32, i32
  }
}

</mosaic_0001>

<sc_bundles>
// kernel: kernel.12.cloned.1.call-start
scs
__scs_entry_jumppad:
0x0: {  	(pc) =	sbr.rel $0x88, $3  }
0x1: {  	(tag) =	ssettag $0x0;
	lr =	simm.s32 $0x1  }
0x2: {  	[smem:$0x3F85] =	sst lr;
	_ =	strace $0xD0000000  }
0x3: {  	_ = 	snop  }
0x4: {  	_ = 	snop  }
0x5: {  	_ = 	snop  }
0x6: {  	_ = 	snop  }
0x7: {  	_ = 	snop  }
__scs_overlays_trampoline_lowered:
0x8: {  	[smem:$0x3F94] =	sst s0  }
0x9: {  	[smem:$0x3F95] =	sst s1  }
0xa: {  	[smem:$0x3F96] =	sst s2  }
0xb: {  	[smem:$0x3F97] =	sst s3  }
0xc: {  	[smem:$0x3F98] =	sst s4  }
0xd: {  	[smem:$0x3F99] =	sst s5  }
0xe: {  	[smem:$0x3F9A] =	sst s6  }
0xf: {  	[smem:$0x3F9B] =	sst s7  }
0x10: {  	[smem:$0x3F9C] =	sst s8  }
0x11: {  	[smem:$0x3F9D] =	sst s9;
	s0 =	simm.s32 @!p0 $0x0  }
0x12: {  	s1 =	sld [smem:$0x3F83];
	s0 =	simm.s32 @p0 $0x1  }
0x13: {  	[smem:$0x3F9E] =	sst s0;
	s0 =	simm.s32 @!p1 $0x0  }
0x14: {  	s2 =	sld [smem:$0x3F82];
	s0 =	simm.s32 @p1 $0x1  }
0x15: {  	[smem:$0x3F9F] =	sst s0;
	s0 =	simm.s32 @!p2 $0x0  }
0x16: {  	s3 =	sld [smem:$0x3FDB];
	s0 =	simm.s32 @p2 $0x1  }
0x17: {  	s4 =	simm.s32 $0x1BF5;
	[smem:$0x3FA1] =	sst s0  }
0x18: {  	s0 =	sld [smem:$0x3F84];
	_ =	swait.ge [sflag:s4], $0x0  }
0x19: {  	s7 =	sld [smem:$0x3F85]  }
0x1a: {  	s8 =	sadd.s32 $0xFFFFE003, lr  }
0x1b: {  	s9 =	sadd.s32 $0xFFFFFEF7, lr;
	s5 =	simm.s32 $0xFFFFFFFF;
	p2 =	slt.u32 s8, $0xFFFFF086  }
0x1c: {  	p1 =	slt.u32 s9, $0xF7A;
	s5 =	simm.s32 @!p2 $0x0  }
0x1d: {  	s5 =	simm.s32 @p1 $0x1;
	p0 =	seq.s32 s7, s2  }
0x1e: {  	s7 =	smul.u32 @!p0 $0xF7A, s2;
	p2 =	seq.s32 @!p0 s5, $0x0  }
0x1f: {  	s9 =	smul.u32 $0xF7A, s1;
	s8 =	simm.s32 @!p0 $0x1BF5;
	p2 =	por !p2, p0  }
0x20: {  	[sflag:s8] =	ssyncset.s32 @!p0 $0xFFFFF086;
	s6 =	sadd.s32 @!p0 s3, s7;
	s7 =	simm.s32 @!p0 $0x108  }
0x21: {  	s3 =	sadd.s32 s3, s9;
	s6 =	sadd.s32 @!p0 $0x88, s6;
	s7 =	simm.s32 @p2 $0x1082  }
0x22: {  	[simem:s7], [sflag:s8] =	dma.local @!p0 [hbm:s6], $0xF7A  }
0x23: {  	s9 =	sor.u32 $0xD0000000, s2;
	s6 =	simm.s32 $0x108;
	_ =	swait.ge @!p0 [sflag:s8], $0x0  }
0x24: {  	s3 =	sadd.s32 $0x88, s3;
	s6 =	simm.s32 @!p1 $0x1082;
	[sflag:s4] =	ssyncset.s32 $0xFFFFF086  }
0x25: {  	[simem:s6], [sflag:s4] =	dma.local [hbm:s3], $0xF7A  }
0x26: {  	[smem:$0x3F85] =	sst s1;
	(tag) =	ssettag s2;
	_ =	strace s9  }
0x27: {  	s1 =	sld [smem:$0x3F95]  }
0x28: {  	s2 =	sld [smem:$0x3F96]  }
0x29: {  	s4 =	sld [smem:$0x3F98]  }
0x2a: {  	p0 =	seq.s32 s5, $0x0;
	s5 =	sld [smem:$0x3F99]  }
0x2b: {  	s6 =	sld [smem:$0x3F9A]  }
0x2c: {  	s7 =	sld [smem:$0x3F9B]  }
0x2d: {  	s3 =	simm.s32 $0x108;
	s8 =	sld [smem:$0x3F9C]  }
0x2e: {  	s3 =	simm.s32 @!p0 $0x1082;
	s9 =	sld [smem:$0x3F9D]  }
0x2f: {  	lr =	sadd.s32 s0, s3;
	s0 =	sld [smem:$0x3F94]  }
0x30: {  	s3 =	sld [smem:$0x3F97]  }
0x31: {  	[smem:$0x3FA0] =	sst s10  }
0x32: {  	s10 =	sld [smem:$0x3F9E];
	_ =	sdelay $0x3  }
0x33: {  	p0 =	seq.s32 s10, $0x1;
	s10 =	sld [smem:$0x3FA0];
	_ =	sdelay $0x3  }
0x34: {  	[smem:$0x3FA0] =	sst s10  }
0x35: {  	s10 =	sld [smem:$0x3F9F];
	_ =	sdelay $0x3  }
0x36: {  	p1 =	seq.s32 s10, $0x1;
	s10 =	sld [smem:$0x3FA0];
	_ =	sdelay $0x3  }
0x37: {  	[smem:$0x3FA0] =	sst s10  }
0x38: {  	s10 =	sld [smem:$0x3FA1]  }
0x39: {  	_ = 	snop;
	(pc) =	sbr.ind lr, $3  }
0x3a: {  	_ = 	snop  }
0x3b: {  	_ = 	snop  }
0x3c: {  	p2 =	seq.s32 s10, $0x1;
	s10 =	sld [smem:$0x3FA0]  }
0x3d: {  	_ =	shalt  }
0x3e: {  	_ =	shalt  }
0x3f: {  	_ =	shalt  }
0x40: {  	_ =	shalt  }
0x41: {  	_ =	shalt  }
0x42: {  	_ =	shalt  }
0x43: {  	_ =	shalt  }
0x44: {  	_ =	shalt  }
0x45: {  	_ =	shalt  }
0x46: {  	_ =	shalt  }
0x47: {  	_ =	shalt  }
0x48: {  	_ =	shalt  }
0x49: {  	_ =	shalt  }
0x4a: {  	_ =	shalt  }
0x4b: {  	_ =	shalt  }
0x4c: {  	_ =	shalt  }
0x4d: {  	_ =	shalt  }
0x4e: {  	_ =	shalt  }
0x4f: {  	_ =	shalt  }
0x50: {  	_ =	shalt  }
0x51: {  	_ =	shalt  }
0x52: {  	_ =	shalt  }
0x53: {  	_ =	shalt  }
0x54: {  	_ =	shalt  }
0x55: {  	_ =	shalt  }
0x56: {  	_ =	shalt  }
0x57: {  	_ =	shalt  }
0x58: {  	_ =	shalt  }
0x59: {  	_ =	shalt  }
0x5a: {  	_ =	shalt  }
0x5b: {  	_ =	shalt  }
0x5c: {  	_ =	shalt  }
0x5d: {  	_ =	shalt  }
0x5e: {  	_ =	shalt  }
0x5f: {  	_ =	shalt  }
0x60: {  	_ =	shalt  }
0x61: {  	_ =	shalt  }
0x62: {  	_ =	shalt  }
0x63: {  	_ =	shalt  }
0x64: {  	_ =	shalt  }
0x65: {  	_ =	shalt  }
0x66: {  	_ =	shalt  }
0x67: {  	_ =	shalt  }
0x68: {  	_ =	shalt  }
0x69: {  	_ =	shalt  }
0x6a: {  	_ =	shalt  }
0x6b: {  	_ =	shalt  }
0x6c: {  	_ =	shalt  }
0x6d: {  	_ =	shalt  }
0x6e: {  	_ =	shalt  }
0x6f: {  	_ =	shalt  }
0x70: {  	_ =	shalt  }
0x71: {  	_ =	shalt  }
0x72: {  	_ =	shalt  }
0x73: {  	_ =	shalt  }
0x74: {  	_ =	shalt  }
0x75: {  	_ =	shalt  }
0x76: {  	_ =	shalt  }
0x77: {  	_ =	shalt  }
0x78: {  	_ =	shalt  }
0x79: {  	_ =	shalt  }
0x7a: {  	_ =	shalt  }
0x7b: {  	_ =	shalt  }
0x7c: {  	_ =	shalt  }
0x7d: {  	_ =	shalt  }
0x7e: {  	_ =	shalt  }
0x7f: {  	_ =	shalt  }
0x80: {  	_ =	shalt  }
0x81: {  	_ =	shalt  }
0x82: {  	_ =	shalt  }
0x83: {  	_ =	shalt  }
0x84: {  	_ =	shalt  }
0x85: {  	_ =	shalt  }
0x86: {  	_ =	shalt  }
0x87: {  	_ =	shalt  }
.Lfunc_end0:
.L_simem_size_0:
called_computation.1_lowered:
.L_overlay_start_0:
0x88: {  	s2 =	sld [smem:$0x3FD9]  }
0x89: {  	s3 =	sld [smem:$0x3FFE];
	_ =	sdelay $0x1  }
0x8a: {  	s1 =	srdreg.scid  }
0x8b: {  	s0 =	sand.u32 $0x1, s1  }
0x8c: {  	s16 =	sshll.u32 s0, $0xA;
	s2 =	sadd.s32 s3, s2  }
0x8d: {  	s2 =	sadd.s32 s2, s16  }
0x8e: {  	[smem:$0x3FAC] =	sst s2  }
0x8f: {  	_ = 	snop  }
0x90: {  	(tm) =	ssettm $0x1  }
0x91: {  	s17 =	sld [smem:$0x3FFB];
	_ =	sdelay $0x3  }
0x92: {  	_ =	strace s17  }
0x93: {  	s2 =	sld [smem:$0x3FFC];
	_ =	sdelay $0x3  }
0x94: {  	_ =	strace s2  }
0x95: {  	s2 =	sld [smem:$0x3FFD];
	_ =	sdelay $0x3  }
0x96: {  	_ =	strace s2  }
0x97: {  	_ =	strace $0x8FFFFFFF  }
0x98: {  	s18 =	sld [smem:$0x3FDB];
	_ =	sdelay $0x1  }
0x99: {  	s19 =	simm.s32 $_scs_section_size  }
0x9a: {  	s4 =	simm.s32 $_size__tile_overlayer_lowered;
	s5 =	simm.s32 $_tile_overlayer_lowered  }
0x9b: {  	s22 =	simm.s32 $0x1BFF;
	s21 =	sshll.u32 s5, $0x1;
	s2 =	sadd.s32 s19, s18  }
0x9c: {  	s6 =	simm.s32 $0x0;
	s20 =	sshll.u32 s4, $0x1;
	s4 =	sadd.s32 s21, s2  }
0x9d: {  	[timem:s6], [sflag:s22] =	dma.local [hbm:s4], s20  }
0x9e: {  	_ =	swait.ge [sflag:s22], s20  }
0x9f: {  	s3 =	ssub.s32 $0x0, s20;
	[sflag:s22] =	ssyncset.done $0x0  }
0xa0: {  	[sflag:s22] =	ssyncadd.s32 s3;
	_ =	sdelay $0x1  }
0xa1: {  	s23 =	simm.s32 $0x1B8B  }
0xa2: {  	_ =	swait.ge [sflag:s23], $0x1  }
0xa3: {  	[sflag:s23] =	ssyncset.done $0x0  }
0xa4: {  	s25 =	simm.s32 $0x1B8E;
	s24 =	sld [smem:$0x3FFE];
	[sflag:s23] =	ssyncadd.s32 $0xFFFFFFFF  }
0xa5: {  	s26 =	simm.s32 $execute0_lowered;
	[smem:$0x3FD2] =	sst s25  }
0xa6: {  	s4 =	sshll.u32 s26, $0x1;
	_ =	strace $0x80000049;
	[dreg:$0x1] =	wrdreg $0xFFFFFFFF  }
0xa7: {  	s28 =	simm.s32 $_size_execute0_lowered;
	s2 =	sadd.s32 s2, s4;
	[dreg:$0x0] =	wrdreg $0x0  }
0xa8: {  	s4 =	sshll.u32 s28, $0x1;
	[dreg:$0x2] =	wrdreg s2  }
0xa9: {  	[dreg:$0x3] =	wrdreg s4  }
0xaa: {  	[dreg:$0x4] =	wrdreg $0xC0  }
0xab: {  	_ =	task [dreg:s6], $0x5FFFF  }
0xac: {  	[dreg:$0x1] =	wrdreg $0xFFFFFFFF  }
0xad: {  	[dreg:$0x0] =	wrdreg $0x60  }
0xae: {  	[dreg:$0x2] =	wrdreg s24  }
0xaf: {  	[dreg:$0x3] =	wrdreg $0x0  }
0xb0: {  	[dreg:$0x4] =	wrdreg $0x9  }
0xb1: {  	_ =	task.clear_ibuf [dreg:s6], $0x5FFFF;
	_ =	strace $0x90000049  }
0xb2: {  	s29 =	simm.s32 $0x9;
	_ =	strace $0x8000004B  }
0xb3: {  	_ =	swait.ge [sflag:s29], $0x1  }
0xb4: {  	[sflag:s29] =	ssyncadd.s32 $0xFFFFFFFF  }
0xb5: {  	_ =	strace $0x9000004B  }
0xb6: {  	_ =	sfence  }
0xb7: {  	s30 =	sld [smem:$0x0];
	_ =	sdelay $0x2  }
0xb8: {  	s31 =	sshll.u32 s1, $0xD;
	s1 =	sshrl.u32 s1, $0x2  }
0xb9: {  	s3 =	sand.u32 $0x4000, s31;
	s1 =	sadd.s32 s1, s30  }
0xba: {  	s0 =	sor.u32 s3, s0;
	s1 =	sshll.u32 s1, $0x11  }
0xbb: {  	s0 =	sor.u32 s1, s0  }
0xbc: {  	s0 =	sadd.s32 $0x8F2B, s0  }
0xbd: {  	[sflag:s0] =	ssyncadd.remote.s32 $0x1  }
0xbe: {  	_ =	sfence.sel $0xFFFF  }
0xbf: {  	[dreg:$0x0] =	wrdreg $0xFFFFFFFF;
	(pc) =	sbr.abs _section_cstart, $3  }
0xc0: {  	[dreg:$0x1] =	wrdreg $0xFFFFFFFF  }
0xc1: {  	_ =	task.clear_ibuf [dreg:s6], $0x2FFFF;
	_ =	strace $0x9FFFFFFF  }
0xc2: {  	(tm) =	ssettm $0x7FFFFFFF  }
0xc3: {  	_ =	shalt  }
tec
execute0_lowered:
.L_overlay_start_1:
0x0: {  	(tag) =	ssettag $0x1  }
0x1: {  	s0 =	rddreg [dreg:$0x0]  }
0x2: {  	s2 =	rddreg [dreg:$0x1];
	s9 =	stileid.u32  }
0x3: {  	s1 =	srdreg.scid;
	s3 =	simm.s32 $0x0;
	s10 =	simm.s32 $0x19000  }
0x4: {  	s11 =	simm.s32 $0x19400;
	s12 =	simm.s32 $0x80;
	s23 =	simm.s32 $0x19080  }
0x5: {  	s13 =	simm.s32 $0x19800;
	s25 =	simm.s32 $0x19100;
	s14 =	simm.s32 $0x1A000  }
0x6: {  	s26 =	simm.s32 $0x19180;
	s15 =	simm.s32 $0x1A800;
	s16 =	simm.s32 $0x1B000  }
0x7: {  	s17 =	simm.s32 $0x19200;
	s18 =	simm.s32 $0x1B800;
	s28 =	simm.s32 $0x19480  }
0x8: {  	s29 =	simm.s32 $0x19500;
	s30 =	simm.s32 $0x19580;
	s31 =	simm.s32 $0x19600  }
0x9: {  	s4 =	smul.u32 $0x6400, s9;
	s1 =	sand.u32 $0x1, s1;
	[smem:$0x7FF] =	sst s3  }
0xa: {  	s7 =	smul.u32 $0x19000, s9;
	s20 =	sshll.u32 s9, $0x6;
	s9 =	simm.s32 $0x2  }
0xb: {  	s5 =	smul.u32 $0x32000, s1;
	_ =	strace $0x8000004A;
	[dreg:$0x5] =	wrdreg s23  }
0xc: {  	s1 =	ssub.s32 $0x2, s1;
	s24 =	sor.u32 $0x1C02, s20;
	[dreg:$0x6] =	wrdreg s25  }
0xd: {  	[dreg:$0x7] =	wrdreg s26;
	s20 =	simm.s32 $0x1C000;
	s23 =	simm.s32 $0x19380  }
0xe: {  	s25 =	simm.s32 $0x1D000;
	s26 =	simm.s32 $0x1;
	s6 =	sshrl.u32 s1, $0x1  }
0xf: {  	s8 =	sadd.s32 s4, s0;
	s19 =	sadd.s32 s7, s2;
	[dreg:$0x9] =	wrdreg s24  }
0x10: {  	s0 =	sadd.s32 s5, s0;
	s1 =	ssub.s32 s1, s6;
	s6 =	sshrl.u32 s7, $0x3  }
0x11: {  	s21 =	sadd.s32 $0x4A00, s8;
	s22 =	sadd.s32 $0x68A00, s8;
	s5 =	simm.s32 $0x19780  }
0x12: {  	s8 =	simm.s32 $0x0;
	s4 =	sadd.s32 $0xCCA00, s0;
	[dreg:$0x3] =	wrdreg s21  }
0x13: {  	s0 =	sadd.s32 $0x130A00, s0;
	s1 =	smax.u32 s1, $0x1;
	[dreg:$0x4] =	wrdreg s22  }
0x14: {  	s21 =	simm.s32 $0x19300;
	s7 =	sadd.s32 s6, s4;
	[dreg:$0xa] =	wrdreg s1  }
0x15: {  	s22 =	simm.s32 $0x1C800;
	s0 =	sadd.s32 s6, s0;
	[dreg:$0x8] =	wrdreg s7  }
0x16: {  	s1 =	simm.s32 $0x19700;
	s7 =	sshrl.u32 s19, $0x3;
	[dreg:$0xc] =	wrdreg s0  }
0x17: {  	s19 =	simm.s32 $0x19280;
	s0 =	simm.s32 $0x19680;
	[dreg:$0xb] =	wrdreg s7  }
.LBB2_1:
0x18: {  	[dreg:$0xd] =	wrdreg s8  }
0x19: {  	s6 =	rddreg [dreg:$0x8]  }
0x1a: {  	[spmem:s7], [sflag:s24] =	dma.local [hbm:s6], $0x3200  }
0x1b: {  	_ =	swait.ge [sflag:s9], $0x3200  }
0x1c: {  	[sflag:s9] =	ssyncset.done $0x0  }
0x1d: {  	[sflag:s9] =	ssyncadd.s32 $0xFFFFCE00  }
0x1e: {  	[bflag:$0x0] =	sbarrier.arrive $0xFFFF  }
0x1f: {  	s7 =	rddreg [dreg:$0x4]  }
0x20: {  	s6 =	sadd.s32 $0x0, s7  }
0x21: {  	[tilespmem:s10], [sflag:$0x2] =	stream.linear.gather [hbm4b:s6+s3], $0x400, $0x38;
	[tilespmem:$0x1D800] =	vst v63  }
0x22: {  	_ =	swait.ge [sflag:s9], $0x400  }
0x23: {  	s8 =	rddreg [dreg:$0x3];
	[sflag:s9] =	ssyncset.done $0x0  }
0x24: {  	[sflag:s9] =	ssyncadd.s32 $0xFFFFFC00;
	s6 =	sadd.s32 $0x0, s8  }
0x25: {  	[tilespmem:s11], [sflag:$0x2] =	stream.linear.gather [hbm4b:s6+s3], $0x400, $0x38;
	[tilespmem:$0x1D800] =	vst v63  }
0x26: {  	_ =	swait.ge [sflag:s9], $0x400  }
0x27: {  	[sflag:s9] =	ssyncset.done $0x0  }
0x28: {  	[sflag:s9] =	ssyncadd.s32 $0xFFFFFC00  }
0x29: {  	[tilespmem:s13], [sflag:$0x1] =	stream.indirect.gather [hbm4b:s4+s12], $0x10, s10, s12, $0xb8;
	[tilespmem:$0x1D800] =	vst v63  }
0x2a: {  	s24 =	rddreg [dreg:$0x5]  }
0x2b: {  	[tilespmem:s14], [sflag:$0x1] =	stream.indirect.gather [hbm4b:s4+s12], $0x10, s24, s12, $0xb8;
	[tilespmem:$0x1D800] =	vst v63  }
0x2c: {  	s7 =	rddreg [dreg:$0x6]  }
0x2d: {  	[tilespmem:s15], [sflag:$0x1] =	stream.indirect.gather [hbm4b:s4+s12], $0x10, s7, s12, $0xb8;
	[tilespmem:$0x1D800] =	vst v63  }
0x2e: {  	s24 =	rddreg [dreg:$0x7]  }
0x2f: {  	[tilespmem:s16], [sflag:$0x1] =	stream.indirect.gather [hbm4b:s4+s12], $0x10, s24, s12, $0xb8;
	[tilespmem:$0x1D800] =	vst v63  }
0x30: {  	_ = 	snop  }
0x31: {  	[tilespmem:s18], [sflag:$0x1] =	stream.indirect.gather [hbm4b:s4+s12], $0x10, s17, s12, $0xb8;
	[tilespmem:$0x1D800] =	vst v63  }
0x32: {  	_ = 	snop  }
0x33: {  	[tilespmem:s20], [sflag:$0x1] =	stream.indirect.gather [hbm4b:s4+s12], $0x10, s19, s12, $0xb8;
	[tilespmem:$0x1D800] =	vst v63  }
0x34: {  	_ = 	snop  }
0x35: {  	[tilespmem:s22], [sflag:$0x1] =	stream.indirect.gather [hbm4b:s4+s12], $0x10, s21, s12, $0xb8;
	[tilespmem:$0x1D800] =	vst v63  }
0x36: {  	_ = 	snop  }
0x37: {  	[tilespmem:s25], [sflag:$0x1] =	stream.indirect.gather [hbm4b:s4+s12], $0x10, s23, s12, $0xb8;
	[tilespmem:$0x1D800] =	vst v63  }
0x38: {  	_ =	swait.ge [sflag:s26], $0x800  }
0x39: {  	[sflag:s26] =	ssyncset.done $0x0  }
0x3a: {  	[sflag:s26] =	ssyncadd.s32 $0xFFFFF800  }
0x3b: {  	_ =	swait.ge [sflag:s26], $0x800  }
0x3c: {  	[sflag:s26] =	ssyncset.done $0x0  }
0x3d: {  	[sflag:s26] =	ssyncadd.s32 $0xFFFFF800  }
0x3e: {  	_ =	swait.ge [sflag:s26], $0x800  }
0x3f: {  	[sflag:s26] =	ssyncset.done $0x0  }
0x40: {  	[sflag:s26] =	ssyncadd.s32 $0xFFFFF800  }
0x41: {  	_ =	swait.ge [sflag:s26], $0x800  }
0x42: {  	[sflag:s26] =	ssyncset.done $0x0  }
0x43: {  	[sflag:s26] =	ssyncadd.s32 $0xFFFFF800  }
0x44: {  	_ =	swait.ge [sflag:s26], $0x800  }
0x45: {  	[sflag:s26] =	ssyncset.done $0x0  }
0x46: {  	[sflag:s26] =	ssyncadd.s32 $0xFFFFF800  }
0x47: {  	_ =	swait.ge [sflag:s26], $0x800  }
0x48: {  	[sflag:s26] =	ssyncset.done $0x0  }
0x49: {  	[sflag:s26] =	ssyncadd.s32 $0xFFFFF800  }
0x4a: {  	_ =	swait.ge [sflag:s26], $0x800  }
0x4b: {  	[sflag:s26] =	ssyncset.done $0x0  }
0x4c: {  	[sflag:s26] =	ssyncadd.s32 $0xFFFFF800  }
0x4d: {  	_ =	swait.ge [sflag:s26], $0x800  }
0x4e: {  	[sflag:s26] =	ssyncset.done $0x0  }
0x4f: {  	[sflag:s26] =	ssyncadd.s32 $0xFFFFF800  }
0x50: {  	[spmem:s2] =	stream.indirect.scatter.add.f32 [tilespmem:s13], [sflag:$0x2], $0x10, s11, s12, $0xb8;
	[tilespmem:$0x1D800] =	vst v63  }
0x51: {  	_ =	swait.ge [sflag:s9], $0x800  }
0x52: {  	[sflag:s9] =	ssyncset.done $0x0  }
0x53: {  	[sflag:s9] =	ssyncadd.s32 $0xFFFFF800  }
0x54: {  	[spmem:s2] =	stream.indirect.scatter.add.f32 [tilespmem:s14], [sflag:$0x2], $0x10, s28, s12, $0xb8;
	[tilespmem:$0x1D800] =	vst v63  }
0x55: {  	_ =	swait.ge [sflag:s9], $0x800  }
0x56: {  	[sflag:s9] =	ssyncset.done $0x0  }
0x57: {  	[sflag:s9] =	ssyncadd.s32 $0xFFFFF800  }
0x58: {  	[spmem:s2] =	stream.indirect.scatter.add.f32 [tilespmem:s15], [sflag:$0x2], $0x10, s29, s12, $0xb8;
	[tilespmem:$0x1D800] =	vst v63  }
0x59: {  	_ =	swait.ge [sflag:s9], $0x800  }
0x5a: {  	[sflag:s9] =	ssyncset.done $0x0  }
0x5b: {  	[sflag:s9] =	ssyncadd.s32 $0xFFFFF800  }
0x5c: {  	[spmem:s2] =	stream.indirect.scatter.add.f32 [tilespmem:s16], [sflag:$0x2], $0x10, s30, s12, $0xb8;
	[tilespmem:$0x1D800] =	vst v63  }
0x5d: {  	_ =	swait.ge [sflag:s9], $0x800  }
0x5e: {  	[sflag:s9] =	ssyncset.done $0x0  }
0x5f: {  	[sflag:s9] =	ssyncadd.s32 $0xFFFFF800  }
0x60: {  	[spmem:s2] =	stream.indirect.scatter.add.f32 [tilespmem:s18], [sflag:$0x2], $0x10, s31, s12, $0xb8;
	[tilespmem:$0x1D800] =	vst v63  }
0x61: {  	_ =	swait.ge [sflag:s9], $0x800  }
0x62: {  	[sflag:s9] =	ssyncset.done $0x0  }
0x63: {  	[sflag:s9] =	ssyncadd.s32 $0xFFFFF800  }
0x64: {  	[spmem:s2] =	stream.indirect.scatter.add.f32 [tilespmem:s20], [sflag:$0x2], $0x10, s0, s12, $0xb8;
	[tilespmem:$0x1D800] =	vst v63  }
0x65: {  	_ =	swait.ge [sflag:s9], $0x800  }
0x66: {  	[sflag:s9] =	ssyncset.done $0x0  }
0x67: {  	[sflag:s9] =	ssyncadd.s32 $0xFFFFF800  }
0x68: {  	[spmem:s2] =	stream.indirect.scatter.add.f32 [tilespmem:s22], [sflag:$0x2], $0x10, s1, s12, $0xb8;
	[tilespmem:$0x1D800] =	vst v63  }
0x69: {  	_ =	swait.ge [sflag:s9], $0x800  }
0x6a: {  	[sflag:s9] =	ssyncset.done $0x0  }
0x6b: {  	[sflag:s9] =	ssyncadd.s32 $0xFFFFF800  }
0x6c: {  	[spmem:s2] =	stream.indirect.scatter.add.f32 [tilespmem:s25], [sflag:$0x2], $0x10, s5, s12, $0xb8;
	[tilespmem:$0x1D800] =	vst v63  }
0x6d: {  	s6 =	simm.s32 $0x100;
	_ =	swait.ge [sflag:s9], $0x800  }
0x6e: {  	s24 =	simm.s32 $0x80;
	s8 =	rddreg [dreg:$0x4];
	[sflag:s9] =	ssyncset.done $0x0  }
.LBB2_2:
0x6f: {  	[sflag:s9] =	ssyncadd.s32 $0xFFFFF800;
	s8 =	sadd.s32 s24, s8  }
0x70: {  	[tilespmem:s10], [sflag:$0x2] =	stream.linear.gather [hbm4b:s8+s3], $0x400, $0x38;
	[tilespmem:$0x1D800] =	vst v63  }
0x71: {  	_ =	swait.ge [sflag:s9], $0x400  }
0x72: {  	s8 =	rddreg [dreg:$0x3];
	[sflag:s9] =	ssyncset.done $0x0  }
0x73: {  	[sflag:s9] =	ssyncadd.s32 $0xFFFFFC00;
	s8 =	sadd.s32 s24, s8  }
0x74: {  	[tilespmem:s11], [sflag:$0x2] =	stream.linear.gather [hbm4b:s8+s3], $0x400, $0x38;
	[tilespmem:$0x1D800] =	vst v63  }
0x75: {  	_ =	swait.ge [sflag:s9], $0x400  }
0x76: {  	[sflag:s9] =	ssyncset.done $0x0  }
0x77: {  	s7 =	smov.u32 s6;
	[sflag:s9] =	ssyncadd.s32 $0xFFFFFC00  }
0x78: {  	[tilespmem:s13], [sflag:$0x1] =	stream.indirect.gather [hbm4b:s4+s12], $0x10, s10, s12, $0xb8;
	[tilespmem:$0x1D800] =	vst v63  }
0x79: {  	s24 =	smov.u32 s7;
	s7 =	rddreg [dreg:$0x5]  }
0x7a: {  	[tilespmem:s14], [sflag:$0x1] =	stream.indirect.gather [hbm4b:s4+s12], $0x10, s7, s12, $0xb8;
	[tilespmem:$0x1D800] =	vst v63  }
0x7b: {  	s8 =	rddreg [dreg:$0x6]  }
0x7c: {  	[tilespmem:s15], [sflag:$0x1] =	stream.indirect.gather [hbm4b:s4+s12], $0x10, s8, s12, $0xb8;
	[tilespmem:$0x1D800] =	vst v63  }
0x7d: {  	s7 =	rddreg [dreg:$0x7]  }
0x7e: {  	[tilespmem:s16], [sflag:$0x1] =	stream.indirect.gather [hbm4b:s4+s12], $0x10, s7, s12, $0xb8;
	[tilespmem:$0x1D800] =	vst v63  }
0x7f: {  	_ = 	snop  }
0x80: {  	[tilespmem:s18], [sflag:$0x1] =	stream.indirect.gather [hbm4b:s4+s12], $0x10, s17, s12, $0xb8;
	[tilespmem:$0x1D800] =	vst v63  }
0x81: {  	_ = 	snop  }
0x82: {  	[tilespmem:s20], [sflag:$0x1] =	stream.indirect.gather [hbm4b:s4+s12], $0x10, s19, s12, $0xb8;
	[tilespmem:$0x1D800] =	vst v63  }
0x83: {  	_ = 	snop  }
0x84: {  	[tilespmem:s22], [sflag:$0x1] =	stream.indirect.gather [hbm4b:s4+s12], $0x10, s21, s12, $0xb8;
	[tilespmem:$0x1D800] =	vst v63  }
0x85: {  	_ = 	snop  }
0x86: {  	[tilespmem:s25], [sflag:$0x1] =	stream.indirect.gather [hbm4b:s4+s12], $0x10, s23, s12, $0xb8;
	[tilespmem:$0x1D800] =	vst v63  }
0x87: {  	_ =	swait.ge [sflag:s26], $0x800  }
0x88: {  	[sflag:s26] =	ssyncset.done $0x0  }
0x89: {  	[sflag:s26] =	ssyncadd.s32 $0xFFFFF800  }
0x8a: {  	_ =	swait.ge [sflag:s26], $0x800  }
0x8b: {  	[sflag:s26] =	ssyncset.done $0x0  }
0x8c: {  	[sflag:s26] =	ssyncadd.s32 $0xFFFFF800  }
0x8d: {  	_ =	swait.ge [sflag:s26], $0x800  }
0x8e: {  	[sflag:s26] =	ssyncset.done $0x0  }
0x8f: {  	[sflag:s26] =	ssyncadd.s32 $0xFFFFF800  }
0x90: {  	_ =	swait.ge [sflag:s26], $0x800  }
0x91: {  	[sflag:s26] =	ssyncset.done $0x0  }
0x92: {  	[sflag:s26] =	ssyncadd.s32 $0xFFFFF800  }
0x93: {  	_ =	swait.ge [sflag:s26], $0x800  }
0x94: {  	[sflag:s26] =	ssyncset.done $0x0  }
0x95: {  	[sflag:s26] =	ssyncadd.s32 $0xFFFFF800  }
0x96: {  	_ =	swait.ge [sflag:s26], $0x800  }
0x97: {  	[sflag:s26] =	ssyncset.done $0x0  }
0x98: {  	[sflag:s26] =	ssyncadd.s32 $0xFFFFF800  }
0x99: {  	_ =	swait.ge [sflag:s26], $0x800  }
0x9a: {  	[sflag:s26] =	ssyncset.done $0x0  }
0x9b: {  	[sflag:s26] =	ssyncadd.s32 $0xFFFFF800  }
0x9c: {  	_ =	swait.ge [sflag:s26], $0x800  }
0x9d: {  	[sflag:s26] =	ssyncset.done $0x0  }
0x9e: {  	[sflag:s26] =	ssyncadd.s32 $0xFFFFF800  }
0x9f: {  	[spmem:s2] =	stream.indirect.scatter.add.f32 [tilespmem:s13], [sflag:$0x2], $0x10, s11, s12, $0xb8;
	[tilespmem:$0x1D800] =	vst v63  }
0xa0: {  	_ =	swait.ge [sflag:s9], $0x800  }
0xa1: {  	[sflag:s9] =	ssyncset.done $0x0  }
0xa2: {  	[sflag:s9] =	ssyncadd.s32 $0xFFFFF800  }
0xa3: {  	[spmem:s2] =	stream.indirect.scatter.add.f32 [tilespmem:s14], [sflag:$0x2], $0x10, s28, s12, $0xb8;
	[tilespmem:$0x1D800] =	vst v63  }
0xa4: {  	_ =	swait.ge [sflag:s9], $0x800  }
0xa5: {  	[sflag:s9] =	ssyncset.done $0x0  }
0xa6: {  	[sflag:s9] =	ssyncadd.s32 $0xFFFFF800  }
0xa7: {  	[spmem:s2] =	stream.indirect.scatter.add.f32 [tilespmem:s15], [sflag:$0x2], $0x10, s29, s12, $0xb8;
	[tilespmem:$0x1D800] =	vst v63  }
0xa8: {  	_ =	swait.ge [sflag:s9], $0x800  }
0xa9: {  	[sflag:s9] =	ssyncset.done $0x0  }
0xaa: {  	[sflag:s9] =	ssyncadd.s32 $0xFFFFF800  }
0xab: {  	[spmem:s2] =	stream.indirect.scatter.add.f32 [tilespmem:s16], [sflag:$0x2], $0x10, s30, s12, $0xb8;
	[tilespmem:$0x1D800] =	vst v63  }
0xac: {  	_ =	swait.ge [sflag:s9], $0x800  }
0xad: {  	[sflag:s9] =	ssyncset.done $0x0  }
0xae: {  	[sflag:s9] =	ssyncadd.s32 $0xFFFFF800  }
0xaf: {  	[spmem:s2] =	stream.indirect.scatter.add.f32 [tilespmem:s18], [sflag:$0x2], $0x10, s31, s12, $0xb8;
	[tilespmem:$0x1D800] =	vst v63  }
0xb0: {  	_ =	swait.ge [sflag:s9], $0x800  }
0xb1: {  	[sflag:s9] =	ssyncset.done $0x0  }
0xb2: {  	[sflag:s9] =	ssyncadd.s32 $0xFFFFF800  }
0xb3: {  	[spmem:s2] =	stream.indirect.scatter.add.f32 [tilespmem:s20], [sflag:$0x2], $0x10, s0, s12, $0xb8;
	[tilespmem:$0x1D800] =	vst v63  }
0xb4: {  	_ =	swait.ge [sflag:s9], $0x800  }
0xb5: {  	[sflag:s9] =	ssyncset.done $0x0  }
0xb6: {  	[sflag:s9] =	ssyncadd.s32 $0xFFFFF800  }
0xb7: {  	[spmem:s2] =	stream.indirect.scatter.add.f32 [tilespmem:s22], [sflag:$0x2], $0x10, s1, s12, $0xb8;
	[tilespmem:$0x1D800] =	vst v63  }
0xb8: {  	p0 =	sne.s32 s6, $0x6380;
	_ =	swait.ge [sflag:s9], $0x800  }
.Ltmp0:
0xb9: {  	[sflag:s9] =	ssyncset.done $0x0;
	(pc) =	sbr.rel @p0 .LBB2_2-.Ltmp0, $4  }
0xba: {  	[sflag:s9] =	ssyncadd.s32 $0xFFFFF800  }
0xbb: {  	[spmem:s2] =	stream.indirect.scatter.add.f32 [tilespmem:s25], [sflag:$0x2], $0x10, s5, s12, $0xb8;
	[tilespmem:$0x1D800] =	vst v63  }
0xbc: {  	_ =	swait.ge [sflag:s9], $0x800  }
0xbd: {  	s6 =	sadd.s32 $0x80, s6;
	s8 =	rddreg [dreg:$0x4];
	[sflag:s9] =	ssyncset.done $0x0  }
0xbe: {  	[sflag:s9] =	ssyncadd.s32 $0xFFFFF800;
	s6 =	sadd.s32 s24, s8  }
0xbf: {  	[tilespmem:s10], [sflag:$0x2] =	stream.linear.gather [hbm4b:s6+s3], $0x400, $0x38;
	[tilespmem:$0x1D800] =	vst v63  }
0xc0: {  	_ =	swait.ge [sflag:s9], $0x400  }
0xc1: {  	s7 =	rddreg [dreg:$0x3];
	[sflag:s9] =	ssyncset.done $0x0  }
0xc2: {  	[sflag:s9] =	ssyncadd.s32 $0xFFFFFC00;
	s6 =	sadd.s32 s24, s7  }
0xc3: {  	[tilespmem:s11], [sflag:$0x2] =	stream.linear.gather [hbm4b:s6+s3], $0x400, $0x38;
	[tilespmem:$0x1D800] =	vst v63  }
0xc4: {  	_ =	swait.ge [sflag:s9], $0x400  }
0xc5: {  	[sflag:s9] =	ssyncset.done $0x0  }
0xc6: {  	[sflag:s9] =	ssyncadd.s32 $0xFFFFFC00  }
0xc7: {  	[tilespmem:s13], [sflag:$0x1] =	stream.indirect.gather [hbm4b:s4+s12], $0x10, s10, s12, $0xb8;
	[tilespmem:$0x1D800] =	vst v63  }
0xc8: {  	s8 =	rddreg [dreg:$0x5]  }
0xc9: {  	[tilespmem:s14], [sflag:$0x1] =	stream.indirect.gather [hbm4b:s4+s12], $0x10, s8, s12, $0xb8;
	[tilespmem:$0x1D800] =	vst v63  }
0xca: {  	s7 =	rddreg [dreg:$0x6]  }
0xcb: {  	[tilespmem:s15], [sflag:$0x1] =	stream.indirect.gather [hbm4b:s4+s12], $0x10, s7, s12, $0xb8;
	[tilespmem:$0x1D800] =	vst v63  }
0xcc: {  	s24 =	rddreg [dreg:$0x7]  }
0xcd: {  	[tilespmem:s16], [sflag:$0x1] =	stream.indirect.gather [hbm4b:s4+s12], $0x10, s24, s12, $0xb8;
	[tilespmem:$0x1D800] =	vst v63  }
0xce: {  	_ = 	snop  }
0xcf: {  	[tilespmem:s18], [sflag:$0x1] =	stream.indirect.gather [hbm4b:s4+s12], $0x10, s17, s12, $0xb8;
	[tilespmem:$0x1D800] =	vst v63  }
0xd0: {  	_ = 	snop  }
0xd1: {  	[tilespmem:s20], [sflag:$0x1] =	stream.indirect.gather [hbm4b:s4+s12], $0x10, s19, s12, $0xb8;
	[tilespmem:$0x1D800] =	vst v63  }
0xd2: {  	_ = 	snop  }
0xd3: {  	[tilespmem:s22], [sflag:$0x1] =	stream.indirect.gather [hbm4b:s4+s12], $0x10, s21, s12, $0xb8;
	[tilespmem:$0x1D800] =	vst v63  }
0xd4: {  	_ = 	snop  }
0xd5: {  	[tilespmem:s25], [sflag:$0x1] =	stream.indirect.gather [hbm4b:s4+s12], $0x10, s23, s12, $0xb8;
	[tilespmem:$0x1D800] =	vst v63  }
0xd6: {  	_ =	swait.ge [sflag:s26], $0x800  }
0xd7: {  	[sflag:s26] =	ssyncset.done $0x0  }
0xd8: {  	[sflag:s26] =	ssyncadd.s32 $0xFFFFF800  }
0xd9: {  	_ =	swait.ge [sflag:s26], $0x800  }
0xda: {  	[sflag:s26] =	ssyncset.done $0x0  }
0xdb: {  	[sflag:s26] =	ssyncadd.s32 $0xFFFFF800  }
0xdc: {  	_ =	swait.ge [sflag:s26], $0x800  }
0xdd: {  	[sflag:s26] =	ssyncset.done $0x0  }
0xde: {  	[sflag:s26] =	ssyncadd.s32 $0xFFFFF800  }
0xdf: {  	_ =	swait.ge [sflag:s26], $0x800  }
0xe0: {  	[sflag:s26] =	ssyncset.done $0x0  }
0xe1: {  	[sflag:s26] =	ssyncadd.s32 $0xFFFFF800  }
0xe2: {  	_ =	swait.ge [sflag:s26], $0x800  }
0xe3: {  	[sflag:s26] =	ssyncset.done $0x0  }
0xe4: {  	[sflag:s26] =	ssyncadd.s32 $0xFFFFF800  }
0xe5: {  	_ =	swait.ge [sflag:s26], $0x800  }
0xe6: {  	[sflag:s26] =	ssyncset.done $0x0  }
0xe7: {  	[sflag:s26] =	ssyncadd.s32 $0xFFFFF800  }
0xe8: {  	_ =	swait.ge [sflag:s26], $0x800  }
0xe9: {  	[sflag:s26] =	ssyncset.done $0x0  }
0xea: {  	[sflag:s26] =	ssyncadd.s32 $0xFFFFF800  }
0xeb: {  	_ =	swait.ge [sflag:s26], $0x800  }
0xec: {  	[sflag:s26] =	ssyncset.done $0x0  }
0xed: {  	[sflag:s26] =	ssyncadd.s32 $0xFFFFF800  }
0xee: {  	[spmem:s2] =	stream.indirect.scatter.add.f32 [tilespmem:s13], [sflag:$0x2], $0x10, s11, s12, $0xb8;
	[tilespmem:$0x1D800] =	vst v63  }
0xef: {  	_ =	swait.ge [sflag:s9], $0x800  }
0xf0: {  	[sflag:s9] =	ssyncset.done $0x0  }
0xf1: {  	[sflag:s9] =	ssyncadd.s32 $0xFFFFF800  }
0xf2: {  	[spmem:s2] =	stream.indirect.scatter.add.f32 [tilespmem:s14], [sflag:$0x2], $0x10, s28, s12, $0xb8;
	[tilespmem:$0x1D800] =	vst v63  }
0xf3: {  	_ =	swait.ge [sflag:s9], $0x800  }
0xf4: {  	[sflag:s9] =	ssyncset.done $0x0  }
0xf5: {  	[sflag:s9] =	ssyncadd.s32 $0xFFFFF800  }
0xf6: {  	[spmem:s2] =	stream.indirect.scatter.add.f32 [tilespmem:s15], [sflag:$0x2], $0x10, s29, s12, $0xb8;
	[tilespmem:$0x1D800] =	vst v63  }
0xf7: {  	_ =	swait.ge [sflag:s9], $0x800  }
0xf8: {  	[sflag:s9] =	ssyncset.done $0x0  }
0xf9: {  	[sflag:s9] =	ssyncadd.s32 $0xFFFFF800  }
0xfa: {  	[spmem:s2] =	stream.indirect.scatter.add.f32 [tilespmem:s16], [sflag:$0x2], $0x10, s30, s12, $0xb8;
	[tilespmem:$0x1D800] =	vst v63  }
0xfb: {  	_ =	swait.ge [sflag:s9], $0x800  }
0xfc: {  	[sflag:s9] =	ssyncset.done $0x0  }
0xfd: {  	[sflag:s9] =	ssyncadd.s32 $0xFFFFF800  }
0xfe: {  	[spmem:s2] =	stream.indirect.scatter.add.f32 [tilespmem:s18], [sflag:$0x2], $0x10, s31, s12, $0xb8;
	[tilespmem:$0x1D800] =	vst v63  }
0xff: {  	_ =	swait.ge [sflag:s9], $0x800  }
0x100: {  	[sflag:s9] =	ssyncset.done $0x0  }
0x101: {  	[sflag:s9] =	ssyncadd.s32 $0xFFFFF800  }
0x102: {  	[spmem:s2] =	stream.indirect.scatter.add.f32 [tilespmem:s20], [sflag:$0x2], $0x10, s0, s12, $0xb8;
	[tilespmem:$0x1D800] =	vst v63  }
0x103: {  	_ =	swait.ge [sflag:s9], $0x800  }
0x104: {  	[sflag:s9] =	ssyncset.done $0x0  }
0x105: {  	[sflag:s9] =	ssyncadd.s32 $0xFFFFF800  }
0x106: {  	[spmem:s2] =	stream.indirect.scatter.add.f32 [tilespmem:s22], [sflag:$0x2], $0x10, s1, s12, $0xb8;
	[tilespmem:$0x1D800] =	vst v63  }
0x107: {  	_ =	swait.ge [sflag:s9], $0x800  }
0x108: {  	[sflag:s9] =	ssyncset.done $0x0  }
0x109: {  	[sflag:s9] =	ssyncadd.s32 $0xFFFFF800  }
0x10a: {  	[spmem:s2] =	stream.indirect.scatter.add.f32 [tilespmem:s25], [sflag:$0x2], $0x10, s5, s12, $0xb8;
	[tilespmem:$0x1D800] =	vst v63  }
0x10b: {  	_ =	swait.ge [sflag:s9], $0x800  }
0x10c: {  	[sflag:s9] =	ssyncset.done $0x0  }
0x10d: {  	[sflag:s9] =	ssyncadd.s32 $0xFFFFF800  }
0x10e: {  	[bflag:$0x0] =	sbarrier.arrive $0xFFFF  }
0x10f: {  	s24 =	rddreg [dreg:$0x9]  }
0x110: {  	s7 =	rddreg [dreg:$0xb]  }
0x111: {  	s8 =	rddreg [dreg:$0xc]  }
0x112: {  	[hbm:s8], [sflag:s24] =	dma.local [spmem:s7], $0x3200  }
0x113: {  	_ =	swait.ge [sflag:s9], $0x3200  }
0x114: {  	s6 =	rddreg [dreg:$0xd]  }
0x115: {  	s8 =	sadd.s32 $0x1, s6;
	s6 =	rddreg [dreg:$0xa]  }
0x116: {  	p0 =	sne.s32 s8, s6  }
.Ltmp1:
0x117: {  	_ = 	snop;
	(pc) =	sbr.rel @p0 .LBB2_1-.Ltmp1, $3  }
0x118: {  	_ =	sdelay $0x1  }
0x119: {  	[sflag:s9] =	ssyncset.done $0x0  }
0x11a: {  	[sflag:s9] =	ssyncadd.s32 $0xFFFFCE00  }
0x11b: {  	_ =	sfence.sel $0x180000  }
0x11c: {  	[bflag:$0x0] =	sbarrier.arrive $0xFFFF  }
0x11d: {  	_ =	strace $0x9000004A  }
0x11e: {  	s0 =	stileid.u32;
	[bflag:$0x2] =	sbarrier.arrive $0xFFFF  }
0x11f: {  	p0 =	sne.s32 s0, $0x0;
	s0 =	rddreg [dreg:$0x2]  }
0x120: {  	s0 =	sadd.s32 @!p0 $0x100000, s0  }
0x121: {  	[sflag:s0] =	ssyncadd.tile.s32 @!p0 $0x1;
	_ =	shalt  }
.Lfunc_end2:
_tile_overlayer_lowered:
.L_overlay_start_2:
0x122: {  	(tag) =	ssettag $0x2  }
0x123: {  	s0 =	rddreg [dreg:$0x0];
	s2 =	stileid.u32  }
0x124: {  	s1 =	rddreg [dreg:$0x1];
	p0 =	sne.s32 s2, $0x0  }
0x125: {  	s3 =	rddreg [dreg:$0x2];
	[bflag:$0x3] =	sbarrier.arrive $0xFFFF;
	s2 =	simm.s32 @!p0 $0x1C02  }
0x126: {  	[timem:s3], [sflag:s2] =	dma.local @!p0 [hbm:s0], s1  }
0x127: {  	s0 =	simm.s32 @!p0 $0x2  }
0x128: {  	_ =	swait.ge @!p0 [sflag:s0], s1  }
0x129: {  	s1 =	ssub.s32 @!p0 $0x0, s1;
	[sflag:s0] =	ssyncset.done @!p0 $0x0  }
0x12a: {  	[sflag:s0] =	ssyncadd.s32 @!p0 s1  }
0x12b: {  	[bflag:$0x3] =	sbarrier.arrive $0xFFFF  }
0x12c: {  	_ =	shalt  }

// kernel: kernel.15.cloned.1.call-start
scs
__scs_entry_jumppad:
0x0: {  	(pc) =	sbr.rel $0x88, $3  }
0x1: {  	(tag) =	ssettag $0x0;
	lr =	simm.s32 $0x1  }
0x2: {  	[smem:$0x3F85] =	sst lr;
	_ =	strace $0xD0000000  }
0x3: {  	_ = 	snop  }
0x4: {  	_ = 	snop  }
0x5: {  	_ = 	snop  }
0x6: {  	_ = 	snop  }
0x7: {  	_ = 	snop  }
__scs_overlays_trampoline_lowered:
0x8: {  	[smem:$0x3F94] =	sst s0  }
0x9: {  	[smem:$0x3F95] =	sst s1  }
0xa: {  	[smem:$0x3F96] =	sst s2  }
0xb: {  	[smem:$0x3F97] =	sst s3  }
0xc: {  	[smem:$0x3F98] =	sst s4  }
0xd: {  	[smem:$0x3F99] =	sst s5  }
0xe: {  	[smem:$0x3F9A] =	sst s6  }
0xf: {  	[smem:$0x3F9B] =	sst s7  }
0x10: {  	[smem:$0x3F9C] =	sst s8  }
0x11: {  	[smem:$0x3F9D] =	sst s9;
	s0 =	simm.s32 @!p0 $0x0  }
0x12: {  	s1 =	sld [smem:$0x3F83];
	s0 =	simm.s32 @p0 $0x1  }
0x13: {  	[smem:$0x3F9E] =	sst s0;
	s0 =	simm.s32 @!p1 $0x0  }
0x14: {  	s2 =	sld [smem:$0x3F82];
	s0 =	simm.s32 @p1 $0x1  }
0x15: {  	[smem:$0x3F9F] =	sst s0;
	s0 =	simm.s32 @!p2 $0x0  }
0x16: {  	s3 =	sld [smem:$0x3FDB];
	s0 =	simm.s32 @p2 $0x1  }
0x17: {  	s4 =	simm.s32 $0x1BF5;
	[smem:$0x3FA1] =	sst s0  }
0x18: {  	s0 =	sld [smem:$0x3F84];
	_ =	swait.ge [sflag:s4], $0x0  }
0x19: {  	s7 =	sld [smem:$0x3F85]  }
0x1a: {  	s8 =	sadd.s32 $0xFFFFE003, lr  }
0x1b: {  	s9 =	sadd.s32 $0xFFFFFEF7, lr;
	s5 =	simm.s32 $0xFFFFFFFF;
	p2 =	slt.u32 s8, $0xFFFFF086  }
0x1c: {  	p1 =	slt.u32 s9, $0xF7A;
	s5 =	simm.s32 @!p2 $0x0  }
0x1d: {  	s5 =	simm.s32 @p1 $0x1;
	p0 =	seq.s32 s7, s2  }
0x1e: {  	s7 =	smul.u32 @!p0 $0xF7A, s2;
	p2 =	seq.s32 @!p0 s5, $0x0  }
0x1f: {  	s9 =	smul.u32 $0xF7A, s1;
	s8 =	simm.s32 @!p0 $0x1BF5;
	p2 =	por !p2, p0  }
0x20: {  	[sflag:s8] =	ssyncset.s32 @!p0 $0xFFFFF086;
	s6 =	sadd.s32 @!p0 s3, s7;
	s7 =	simm.s32 @!p0 $0x108  }
0x21: {  	s3 =	sadd.s32 s3, s9;
	s6 =	sadd.s32 @!p0 $0x88, s6;
	s7 =	simm.s32 @p2 $0x1082  }
0x22: {  	[simem:s7], [sflag:s8] =	dma.local @!p0 [hbm:s6], $0xF7A  }
0x23: {  	s9 =	sor.u32 $0xD0000000, s2;
	s6 =	simm.s32 $0x108;
	_ =	swait.ge @!p0 [sflag:s8], $0x0  }
0x24: {  	s3 =	sadd.s32 $0x88, s3;
	s6 =	simm.s32 @!p1 $0x1082;
	[sflag:s4] =	ssyncset.s32 $0xFFFFF086  }
0x25: {  	[simem:s6], [sflag:s4] =	dma.local [hbm:s3], $0xF7A  }
0x26: {  	[smem:$0x3F85] =	sst s1;
	(tag) =	ssettag s2;
	_ =	strace s9  }
0x27: {  	s1 =	sld [smem:$0x3F95]  }
0x28: {  	s2 =	sld [smem:$0x3F96]  }
0x29: {  	s4 =	sld [smem:$0x3F98]  }
0x2a: {  	p0 =	seq.s32 s5, $0x0;
	s5 =	sld [smem:$0x3F99]  }
0x2b: {  	s6 =	sld [smem:$0x3F9A]  }
0x2c: {  	s7 =	sld [smem:$0x3F9B]  }
0x2d: {  	s3 =	simm.s32 $0x108;
	s8 =	sld [smem:$0x3F9C]  }
0x2e: {  	s3 =	simm.s32 @!p0 $0x1082;
	s9 =	sld [smem:$0x3F9D]  }
0x2f: {  	lr =	sadd.s32 s0, s3;
	s0 =	sld [smem:$0x3F94]  }
0x30: {  	s3 =	sld [smem:$0x3F97]  }
0x31: {  	[smem:$0x3FA0] =	sst s10  }
0x32: {  	s10 =	sld [smem:$0x3F9E];
	_ =	sdelay $0x3  }
0x33: {  	p0 =	seq.s32 s10, $0x1;
	s10 =	sld [smem:$0x3FA0];
	_ =	sdelay $0x3  }
0x34: {  	[smem:$0x3FA0] =	sst s10  }
0x35: {  	s10 =	sld [smem:$0x3F9F];
	_ =	sdelay $0x3  }
0x36: {  	p1 =	seq.s32 s10, $0x1;
	s10 =	sld [smem:$0x3FA0];
	_ =	sdelay $0x3  }
0x37: {  	[smem:$0x3FA0] =	sst s10  }
0x38: {  	s10 =	sld [smem:$0x3FA1]  }
0x39: {  	_ = 	snop;
	(pc) =	sbr.ind lr, $3  }
0x3a: {  	_ = 	snop  }
0x3b: {  	_ = 	snop  }
0x3c: {  	p2 =	seq.s32 s10, $0x1;
	s10 =	sld [smem:$0x3FA0]  }
0x3d: {  	_ =	shalt  }
0x3e: {  	_ =	shalt  }
0x3f: {  	_ =	shalt  }
0x40: {  	_ =	shalt  }
0x41: {  	_ =	shalt  }
0x42: {  	_ =	shalt  }
0x43: {  	_ =	shalt  }
0x44: {  	_ =	shalt  }
0x45: {  	_ =	shalt  }
0x46: {  	_ =	shalt  }
0x47: {  	_ =	shalt  }
0x48: {  	_ =	shalt  }
0x49: {  	_ =	shalt  }
0x4a: {  	_ =	shalt  }
0x4b: {  	_ =	shalt  }
0x4c: {  	_ =	shalt  }
0x4d: {  	_ =	shalt  }
0x4e: {  	_ =	shalt  }
0x4f: {  	_ =	shalt  }
0x50: {  	_ =	shalt  }
0x51: {  	_ =	shalt  }
0x52: {  	_ =	shalt  }
0x53: {  	_ =	shalt  }
0x54: {  	_ =	shalt  }
0x55: {  	_ =	shalt  }
0x56: {  	_ =	shalt  }
0x57: {  	_ =	shalt  }
0x58: {  	_ =	shalt  }
0x59: {  	_ =	shalt  }
0x5a: {  	_ =	shalt  }
0x5b: {  	_ =	shalt  }
0x5c: {  	_ =	shalt  }
0x5d: {  	_ =	shalt  }
0x5e: {  	_ =	shalt  }
0x5f: {  	_ =	shalt  }
0x60: {  	_ =	shalt  }
0x61: {  	_ =	shalt  }
0x62: {  	_ =	shalt  }
0x63: {  	_ =	shalt  }
0x64: {  	_ =	shalt  }
0x65: {  	_ =	shalt  }
0x66: {  	_ =	shalt  }
0x67: {  	_ =	shalt  }
0x68: {  	_ =	shalt  }
0x69: {  	_ =	shalt  }
0x6a: {  	_ =	shalt  }
0x6b: {  	_ =	shalt  }
0x6c: {  	_ =	shalt  }
0x6d: {  	_ =	shalt  }
0x6e: {  	_ =	shalt  }
0x6f: {  	_ =	shalt  }
0x70: {  	_ =	shalt  }
0x71: {  	_ =	shalt  }
0x72: {  	_ =	shalt  }
0x73: {  	_ =	shalt  }
0x74: {  	_ =	shalt  }
0x75: {  	_ =	shalt  }
0x76: {  	_ =	shalt  }
0x77: {  	_ =	shalt  }
0x78: {  	_ =	shalt  }
0x79: {  	_ =	shalt  }
0x7a: {  	_ =	shalt  }
0x7b: {  	_ =	shalt  }
0x7c: {  	_ =	shalt  }
0x7d: {  	_ =	shalt  }
0x7e: {  	_ =	shalt  }
0x7f: {  	_ =	shalt  }
0x80: {  	_ =	shalt  }
0x81: {  	_ =	shalt  }
0x82: {  	_ =	shalt  }
0x83: {  	_ =	shalt  }
0x84: {  	_ =	shalt  }
0x85: {  	_ =	shalt  }
0x86: {  	_ =	shalt  }
0x87: {  	_ =	shalt  }
.Lfunc_end0:
.L_simem_size_0:
called_computation.2_lowered:
.L_overlay_start_0:
0x88: {  	s2 =	sld [smem:$0x3FD9]  }
0x89: {  	s3 =	sld [smem:$0x3FFE];
	_ =	sdelay $0x1  }
0x8a: {  	s1 =	srdreg.scid  }
0x8b: {  	s0 =	sand.u32 $0x1, s1  }
0x8c: {  	s16 =	sshll.u32 s0, $0xA;
	s2 =	sadd.s32 s3, s2  }
0x8d: {  	s2 =	sadd.s32 s2, s16  }
0x8e: {  	[smem:$0x3FAC] =	sst s2  }
0x8f: {  	_ = 	snop  }
0x90: {  	(tm) =	ssettm $0x1  }
0x91: {  	s17 =	sld [smem:$0x3FFB];
	_ =	sdelay $0x3  }
0x92: {  	_ =	strace s17  }
0x93: {  	s2 =	sld [smem:$0x3FFC];
	_ =	sdelay $0x3  }
0x94: {  	_ =	strace s2  }
0x95: {  	s2 =	sld [smem:$0x3FFD];
	_ =	sdelay $0x3  }
0x96: {  	_ =	strace s2  }
0x97: {  	_ =	strace $0x8FFFFFFF  }
0x98: {  	s18 =	sld [smem:$0x3FDB];
	_ =	sdelay $0x1  }
0x99: {  	s19 =	simm.s32 $_scs_section_size  }
0x9a: {  	s4 =	simm.s32 $_size__tile_overlayer_lowered;
	s5 =	simm.s32 $_tile_overlayer_lowered  }
0x9b: {  	s22 =	simm.s32 $0x1BFF;
	s21 =	sshll.u32 s5, $0x1;
	s2 =	sadd.s32 s19, s18  }
0x9c: {  	s6 =	simm.s32 $0x0;
	s20 =	sshll.u32 s4, $0x1;
	s4 =	sadd.s32 s21, s2  }
0x9d: {  	[timem:s6], [sflag:s22] =	dma.local [hbm:s4], s20  }
0x9e: {  	_ =	swait.ge [sflag:s22], s20  }
0x9f: {  	s3 =	ssub.s32 $0x0, s20;
	[sflag:s22] =	ssyncset.done $0x0  }
0xa0: {  	[sflag:s22] =	ssyncadd.s32 s3;
	_ =	sdelay $0x1  }
0xa1: {  	s23 =	simm.s32 $0x1B8B  }
0xa2: {  	_ =	swait.ge [sflag:s23], $0x1  }
0xa3: {  	[sflag:s23] =	ssyncset.done $0x0  }
0xa4: {  	s25 =	simm.s32 $0x1B8E;
	s24 =	sld [smem:$0x3FFE];
	[sflag:s23] =	ssyncadd.s32 $0xFFFFFFFF  }
0xa5: {  	s26 =	simm.s32 $execute0_lowered;
	[smem:$0x3FD2] =	sst s25  }
0xa6: {  	s4 =	sshll.u32 s26, $0x1;
	_ =	strace $0x8000004C;
	[dreg:$0x1] =	wrdreg $0xFFFFFFFF  }
0xa7: {  	s28 =	simm.s32 $_size_execute0_lowered;
	s2 =	sadd.s32 s2, s4;
	[dreg:$0x0] =	wrdreg $0x0  }
0xa8: {  	s4 =	sshll.u32 s28, $0x1;
	[dreg:$0x2] =	wrdreg s2  }
0xa9: {  	[dreg:$0x3] =	wrdreg s4  }
0xaa: {  	[dreg:$0x4] =	wrdreg $0xC0  }
0xab: {  	_ =	task [dreg:s6], $0x5FFFF  }
0xac: {  	[dreg:$0x1] =	wrdreg $0xFFFFFFFF  }
0xad: {  	[dreg:$0x0] =	wrdreg $0x60  }
0xae: {  	[dreg:$0x2] =	wrdreg s24  }
0xaf: {  	[dreg:$0x3] =	wrdreg $0x0  }
0xb0: {  	[dreg:$0x4] =	wrdreg $0x9  }
0xb1: {  	_ =	task.clear_ibuf [dreg:s6], $0x5FFFF;
	_ =	strace $0x9000004C  }
0xb2: {  	s29 =	simm.s32 $0x9;
	_ =	strace $0x8000004E  }
0xb3: {  	_ =	swait.ge [sflag:s29], $0x1  }
0xb4: {  	[sflag:s29] =	ssyncadd.s32 $0xFFFFFFFF  }
0xb5: {  	_ =	strace $0x9000004E  }
0xb6: {  	_ =	sfence  }
0xb7: {  	s30 =	sld [smem:$0x0];
	_ =	sdelay $0x2  }
0xb8: {  	s31 =	sshll.u32 s1, $0xD;
	s1 =	sshrl.u32 s1, $0x2  }
0xb9: {  	s3 =	sand.u32 $0x4000, s31;
	s1 =	sadd.s32 s1, s30  }
0xba: {  	s0 =	sor.u32 s3, s0;
	s1 =	sshll.u32 s1, $0x11  }
0xbb: {  	s0 =	sor.u32 s1, s0  }
0xbc: {  	s0 =	sadd.s32 $0x8F2B, s0  }
0xbd: {  	[sflag:s0] =	ssyncadd.remote.s32 $0x1  }
0xbe: {  	_ =	sfence.sel $0xFFFF  }
0xbf: {  	[dreg:$0x0] =	wrdreg $0xFFFFFFFF;
	(pc) =	sbr.abs _section_cstart, $3  }
0xc0: {  	[dreg:$0x1] =	wrdreg $0xFFFFFFFF  }
0xc1: {  	_ =	task.clear_ibuf [dreg:s6], $0x2FFFF;
	_ =	strace $0x9FFFFFFF  }
0xc2: {  	(tm) =	ssettm $0x7FFFFFFF  }
0xc3: {  	_ =	shalt  }
tec
execute0_lowered:
.L_overlay_start_1:
0x0: {  	(tag) =	ssettag $0x1  }
0x1: {  	s0 =	rddreg [dreg:$0x0]  }
0x2: {  	s2 =	rddreg [dreg:$0x1];
	s9 =	stileid.u32  }
0x3: {  	s1 =	srdreg.scid;
	s3 =	simm.s32 $0x0;
	s10 =	simm.s32 $0x19000  }
0x4: {  	s11 =	simm.s32 $0x19400;
	s12 =	simm.s32 $0x80;
	s23 =	simm.s32 $0x19080  }
0x5: {  	s13 =	simm.s32 $0x19800;
	s25 =	simm.s32 $0x19100;
	s14 =	simm.s32 $0x1A000  }
0x6: {  	s26 =	simm.s32 $0x19180;
	s15 =	simm.s32 $0x1A800;
	s16 =	simm.s32 $0x1B000  }
0x7: {  	s17 =	simm.s32 $0x19200;
	s18 =	simm.s32 $0x1B800;
	s28 =	simm.s32 $0x19480  }
0x8: {  	s29 =	simm.s32 $0x19500;
	s30 =	simm.s32 $0x19580;
	s31 =	simm.s32 $0x19600  }
0x9: {  	s4 =	smul.u32 $0x6400, s9;
	s1 =	sand.u32 $0x1, s1;
	[smem:$0x7FF] =	sst s3  }
0xa: {  	s7 =	smul.u32 $0x19000, s9;
	s20 =	sshll.u32 s9, $0x6;
	s9 =	simm.s32 $0x2  }
0xb: {  	s5 =	smul.u32 $0x32000, s1;
	_ =	strace $0x8000004D;
	[dreg:$0x5] =	wrdreg s23  }
0xc: {  	s1 =	ssub.s32 $0x2, s1;
	s24 =	sor.u32 $0x1C02, s20;
	[dreg:$0x6] =	wrdreg s25  }
0xd: {  	[dreg:$0x7] =	wrdreg s26;
	s20 =	simm.s32 $0x1C000;
	s23 =	simm.s32 $0x19380  }
0xe: {  	s25 =	simm.s32 $0x1D000;
	s26 =	simm.s32 $0x1;
	s6 =	sshrl.u32 s1, $0x1  }
0xf: {  	s8 =	sadd.s32 s4, s0;
	s19 =	sadd.s32 s7, s2;
	[dreg:$0x9] =	wrdreg s24  }
0x10: {  	s0 =	sadd.s32 s5, s0;
	s1 =	ssub.s32 s1, s6;
	s6 =	sshrl.u32 s7, $0x3  }
0x11: {  	s21 =	sadd.s32 $0x4A00, s8;
	s22 =	sadd.s32 $0x68A00, s8;
	s5 =	simm.s32 $0x19780  }
0x12: {  	s8 =	simm.s32 $0x0;
	s4 =	sadd.s32 $0xCCA00, s0;
	[dreg:$0x3] =	wrdreg s21  }
0x13: {  	s0 =	sadd.s32 $0x130A00, s0;
	s1 =	smax.u32 s1, $0x1;
	[dreg:$0x4] =	wrdreg s22  }
0x14: {  	s21 =	simm.s32 $0x19300;
	s7 =	sadd.s32 s6, s4;
	[dreg:$0xa] =	wrdreg s1  }
0x15: {  	s22 =	simm.s32 $0x1C800;
	s0 =	sadd.s32 s6, s0;
	[dreg:$0x8] =	wrdreg s7  }
0x16: {  	s1 =	simm.s32 $0x19700;
	s7 =	sshrl.u32 s19, $0x3;
	[dreg:$0xc] =	wrdreg s0  }
0x17: {  	s19 =	simm.s32 $0x19280;
	s0 =	simm.s32 $0x19680;
	[dreg:$0xb] =	wrdreg s7  }
.LBB2_1:
0x18: {  	[dreg:$0xd] =	wrdreg s8  }
0x19: {  	s6 =	rddreg [dreg:$0x8]  }
0x1a: {  	[spmem:s7], [sflag:s24] =	dma.local [hbm:s6], $0x3200  }
0x1b: {  	_ =	swait.ge [sflag:s9], $0x3200  }
0x1c: {  	[sflag:s9] =	ssyncset.done $0x0  }
0x1d: {  	[sflag:s9] =	ssyncadd.s32 $0xFFFFCE00  }
0x1e: {  	[bflag:$0x0] =	sbarrier.arrive $0xFFFF  }
0x1f: {  	s7 =	rddreg [dreg:$0x4]  }
0x20: {  	s6 =	sadd.s32 $0x0, s7  }
0x21: {  	[tilespmem:s10], [sflag:$0x2] =	stream.linear.gather [hbm4b:s6+s3], $0x400, $0x38;
	[tilespmem:$0x1D800] =	vst v63  }
0x22: {  	_ =	swait.ge [sflag:s9], $0x400  }
0x23: {  	s8 =	rddreg [dreg:$0x3];
	[sflag:s9] =	ssyncset.done $0x0  }
0x24: {  	[sflag:s9] =	ssyncadd.s32 $0xFFFFFC00;
	s6 =	sadd.s32 $0x0, s8  }
0x25: {  	[tilespmem:s11], [sflag:$0x2] =	stream.linear.gather [hbm4b:s6+s3], $0x400, $0x38;
	[tilespmem:$0x1D800] =	vst v63  }
0x26: {  	_ =	swait.ge [sflag:s9], $0x400  }
0x27: {  	[sflag:s9] =	ssyncset.done $0x0  }
0x28: {  	[sflag:s9] =	ssyncadd.s32 $0xFFFFFC00  }
0x29: {  	[tilespmem:s13], [sflag:$0x1] =	stream.indirect.gather [hbm4b:s4+s12], $0x10, s10, s12, $0xb8;
	[tilespmem:$0x1D800] =	vst v63  }
0x2a: {  	s24 =	rddreg [dreg:$0x5]  }
0x2b: {  	[tilespmem:s14], [sflag:$0x1] =	stream.indirect.gather [hbm4b:s4+s12], $0x10, s24, s12, $0xb8;
	[tilespmem:$0x1D800] =	vst v63  }
0x2c: {  	s7 =	rddreg [dreg:$0x6]  }
0x2d: {  	[tilespmem:s15], [sflag:$0x1] =	stream.indirect.gather [hbm4b:s4+s12], $0x10, s7, s12, $0xb8;
	[tilespmem:$0x1D800] =	vst v63  }
0x2e: {  	s24 =	rddreg [dreg:$0x7]  }
0x2f: {  	[tilespmem:s16], [sflag:$0x1] =	stream.indirect.gather [hbm4b:s4+s12], $0x10, s24, s12, $0xb8;
	[tilespmem:$0x1D800] =	vst v63  }
0x30: {  	_ = 	snop  }
0x31: {  	[tilespmem:s18], [sflag:$0x1] =	stream.indirect.gather [hbm4b:s4+s12], $0x10, s17, s12, $0xb8;
	[tilespmem:$0x1D800] =	vst v63  }
0x32: {  	_ = 	snop  }
0x33: {  	[tilespmem:s20], [sflag:$0x1] =	stream.indirect.gather [hbm4b:s4+s12], $0x10, s19, s12, $0xb8;
	[tilespmem:$0x1D800] =	vst v63  }
0x34: {  	_ = 	snop  }
0x35: {  	[tilespmem:s22], [sflag:$0x1] =	stream.indirect.gather [hbm4b:s4+s12], $0x10, s21, s12, $0xb8;
	[tilespmem:$0x1D800] =	vst v63  }
0x36: {  	_ = 	snop  }
0x37: {  	[tilespmem:s25], [sflag:$0x1] =	stream.indirect.gather [hbm4b:s4+s12], $0x10, s23, s12, $0xb8;
	[tilespmem:$0x1D800] =	vst v63  }
0x38: {  	_ =	swait.ge [sflag:s26], $0x800  }
0x39: {  	[sflag:s26] =	ssyncset.done $0x0  }
0x3a: {  	[sflag:s26] =	ssyncadd.s32 $0xFFFFF800  }
0x3b: {  	_ =	swait.ge [sflag:s26], $0x800  }
0x3c: {  	[sflag:s26] =	ssyncset.done $0x0  }
0x3d: {  	[sflag:s26] =	ssyncadd.s32 $0xFFFFF800  }
0x3e: {  	_ =	swait.ge [sflag:s26], $0x800  }
0x3f: {  	[sflag:s26] =	ssyncset.done $0x0  }
0x40: {  	[sflag:s26] =	ssyncadd.s32 $0xFFFFF800  }
0x41: {  	_ =	swait.ge [sflag:s26], $0x800  }
0x42: {  	[sflag:s26] =	ssyncset.done $0x0  }
0x43: {  	[sflag:s26] =	ssyncadd.s32 $0xFFFFF800  }
0x44: {  	_ =	swait.ge [sflag:s26], $0x800  }
0x45: {  	[sflag:s26] =	ssyncset.done $0x0  }
0x46: {  	[sflag:s26] =	ssyncadd.s32 $0xFFFFF800  }
0x47: {  	_ =	swait.ge [sflag:s26], $0x800  }
0x48: {  	[sflag:s26] =	ssyncset.done $0x0  }
0x49: {  	[sflag:s26] =	ssyncadd.s32 $0xFFFFF800  }
0x4a: {  	_ =	swait.ge [sflag:s26], $0x800  }
0x4b: {  	[sflag:s26] =	ssyncset.done $0x0  }
0x4c: {  	[sflag:s26] =	ssyncadd.s32 $0xFFFFF800  }
0x4d: {  	_ =	swait.ge [sflag:s26], $0x800  }
0x4e: {  	[sflag:s26] =	ssyncset.done $0x0  }
0x4f: {  	[sflag:s26] =	ssyncadd.s32 $0xFFFFF800  }
0x50: {  	[spmem:s2] =	stream.indirect.scatter.add.f32 [tilespmem:s13], [sflag:$0x2], $0x10, s11, s12, $0xb8;
	[tilespmem:$0x1D800] =	vst v63  }
0x51: {  	_ =	swait.ge [sflag:s9], $0x800  }
0x52: {  	[sflag:s9] =	ssyncset.done $0x0  }
0x53: {  	[sflag:s9] =	ssyncadd.s32 $0xFFFFF800  }
0x54: {  	[spmem:s2] =	stream.indirect.scatter.add.f32 [tilespmem:s14], [sflag:$0x2], $0x10, s28, s12, $0xb8;
	[tilespmem:$0x1D800] =	vst v63  }
0x55: {  	_ =	swait.ge [sflag:s9], $0x800  }
0x56: {  	[sflag:s9] =	ssyncset.done $0x0  }
0x57: {  	[sflag:s9] =	ssyncadd.s32 $0xFFFFF800  }
0x58: {  	[spmem:s2] =	stream.indirect.scatter.add.f32 [tilespmem:s15], [sflag:$0x2], $0x10, s29, s12, $0xb8;
	[tilespmem:$0x1D800] =	vst v63  }
0x59: {  	_ =	swait.ge [sflag:s9], $0x800  }
0x5a: {  	[sflag:s9] =	ssyncset.done $0x0  }
0x5b: {  	[sflag:s9] =	ssyncadd.s32 $0xFFFFF800  }
0x5c: {  	[spmem:s2] =	stream.indirect.scatter.add.f32 [tilespmem:s16], [sflag:$0x2], $0x10, s30, s12, $0xb8;
	[tilespmem:$0x1D800] =	vst v63  }
0x5d: {  	_ =	swait.ge [sflag:s9], $0x800  }
0x5e: {  	[sflag:s9] =	ssyncset.done $0x0  }
0x5f: {  	[sflag:s9] =	ssyncadd.s32 $0xFFFFF800  }
0x60: {  	[spmem:s2] =	stream.indirect.scatter.add.f32 [tilespmem:s18], [sflag:$0x2], $0x10, s31, s12, $0xb8;
	[tilespmem:$0x1D800] =	vst v63  }
0x61: {  	_ =	swait.ge [sflag:s9], $0x800  }
0x62: {  	[sflag:s9] =	ssyncset.done $0x0  }
0x63: {  	[sflag:s9] =	ssyncadd.s32 $0xFFFFF800  }
0x64: {  	[spmem:s2] =	stream.indirect.scatter.add.f32 [tilespmem:s20], [sflag:$0x2], $0x10, s0, s12, $0xb8;
	[tilespmem:$0x1D800] =	vst v63  }
0x65: {  	_ =	swait.ge [sflag:s9], $0x800  }
0x66: {  	[sflag:s9] =	ssyncset.done $0x0  }
0x67: {  	[sflag:s9] =	ssyncadd.s32 $0xFFFFF800  }
0x68: {  	[spmem:s2] =	stream.indirect.scatter.add.f32 [tilespmem:s22], [sflag:$0x2], $0x10, s1, s12, $0xb8;
	[tilespmem:$0x1D800] =	vst v63  }
0x69: {  	_ =	swait.ge [sflag:s9], $0x800  }
0x6a: {  	[sflag:s9] =	ssyncset.done $0x0  }
0x6b: {  	[sflag:s9] =	ssyncadd.s32 $0xFFFFF800  }
0x6c: {  	[spmem:s2] =	stream.indirect.scatter.add.f32 [tilespmem:s25], [sflag:$0x2], $0x10, s5, s12, $0xb8;
	[tilespmem:$0x1D800] =	vst v63  }
0x6d: {  	s6 =	simm.s32 $0x100;
	_ =	swait.ge [sflag:s9], $0x800  }
0x6e: {  	s24 =	simm.s32 $0x80;
	s8 =	rddreg [dreg:$0x4];
	[sflag:s9] =	ssyncset.done $0x0  }
.LBB2_2:
0x6f: {  	[sflag:s9] =	ssyncadd.s32 $0xFFFFF800;
	s8 =	sadd.s32 s24, s8  }
0x70: {  	[tilespmem:s10], [sflag:$0x2] =	stream.linear.gather [hbm4b:s8+s3], $0x400, $0x38;
	[tilespmem:$0x1D800] =	vst v63  }
0x71: {  	_ =	swait.ge [sflag:s9], $0x400  }
0x72: {  	s8 =	rddreg [dreg:$0x3];
	[sflag:s9] =	ssyncset.done $0x0  }
0x73: {  	[sflag:s9] =	ssyncadd.s32 $0xFFFFFC00;
	s8 =	sadd.s32 s24, s8  }
0x74: {  	[tilespmem:s11], [sflag:$0x2] =	stream.linear.gather [hbm4b:s8+s3], $0x400, $0x38;
	[tilespmem:$0x1D800] =	vst v63  }
0x75: {  	_ =	swait.ge [sflag:s9], $0x400  }
0x76: {  	[sflag:s9] =	ssyncset.done $0x0  }
0x77: {  	s7 =	smov.u32 s6;
	[sflag:s9] =	ssyncadd.s32 $0xFFFFFC00  }
0x78: {  	[tilespmem:s13], [sflag:$0x1] =	stream.indirect.gather [hbm4b:s4+s12], $0x10, s10, s12, $0xb8;
	[tilespmem:$0x1D800] =	vst v63  }
0x79: {  	s24 =	smov.u32 s7;
	s7 =	rddreg [dreg:$0x5]  }
0x7a: {  	[tilespmem:s14], [sflag:$0x1] =	stream.indirect.gather [hbm4b:s4+s12], $0x10, s7, s12, $0xb8;
	[tilespmem:$0x1D800] =	vst v63  }
0x7b: {  	s8 =	rddreg [dreg:$0x6]  }
0x7c: {  	[tilespmem:s15], [sflag:$0x1] =	stream.indirect.gather [hbm4b:s4+s12], $0x10, s8, s12, $0xb8;
	[tilespmem:$0x1D800] =	vst v63  }
0x7d: {  	s7 =	rddreg [dreg:$0x7]  }
0x7e: {  	[tilespmem:s16], [sflag:$0x1] =	stream.indirect.gather [hbm4b:s4+s12], $0x10, s7, s12, $0xb8;
	[tilespmem:$0x1D800] =	vst v63  }
0x7f: {  	_ = 	snop  }
0x80: {  	[tilespmem:s18], [sflag:$0x1] =	stream.indirect.gather [hbm4b:s4+s12], $0x10, s17, s12, $0xb8;
	[tilespmem:$0x1D800] =	vst v63  }
0x81: {  	_ = 	snop  }
0x82: {  	[tilespmem:s20], [sflag:$0x1] =	stream.indirect.gather [hbm4b:s4+s12], $0x10, s19, s12, $0xb8;
	[tilespmem:$0x1D800] =	vst v63  }
0x83: {  	_ = 	snop  }
0x84: {  	[tilespmem:s22], [sflag:$0x1] =	stream.indirect.gather [hbm4b:s4+s12], $0x10, s21, s12, $0xb8;
	[tilespmem:$0x1D800] =	vst v63  }
0x85: {  	_ = 	snop  }
0x86: {  	[tilespmem:s25], [sflag:$0x1] =	stream.indirect.gather [hbm4b:s4+s12], $0x10, s23, s12, $0xb8;
	[tilespmem:$0x1D800] =	vst v63  }
0x87: {  	_ =	swait.ge [sflag:s26], $0x800  }
0x88: {  	[sflag:s26] =	ssyncset.done $0x0  }
0x89: {  	[sflag:s26] =	ssyncadd.s32 $0xFFFFF800  }
0x8a: {  	_ =	swait.ge [sflag:s26], $0x800  }
0x8b: {  	[sflag:s26] =	ssyncset.done $0x0  }
0x8c: {  	[sflag:s26] =	ssyncadd.s32 $0xFFFFF800  }
0x8d: {  	_ =	swait.ge [sflag:s26], $0x800  }
0x8e: {  	[sflag:s26] =	ssyncset.done $0x0  }
0x8f: {  	[sflag:s26] =	ssyncadd.s32 $0xFFFFF800  }
0x90: {  	_ =	swait.ge [sflag:s26], $0x800  }
0x91: {  	[sflag:s26] =	ssyncset.done $0x0  }
0x92: {  	[sflag:s26] =	ssyncadd.s32 $0xFFFFF800  }
0x93: {  	_ =	swait.ge [sflag:s26], $0x800  }
0x94: {  	[sflag:s26] =	ssyncset.done $0x0  }
0x95: {  	[sflag:s26] =	ssyncadd.s32 $0xFFFFF800  }
0x96: {  	_ =	swait.ge [sflag:s26], $0x800  }
0x97: {  	[sflag:s26] =	ssyncset.done $0x0  }
0x98: {  	[sflag:s26] =	ssyncadd.s32 $0xFFFFF800  }
0x99: {  	_ =	swait.ge [sflag:s26], $0x800  }
0x9a: {  	[sflag:s26] =	ssyncset.done $0x0  }
0x9b: {  	[sflag:s26] =	ssyncadd.s32 $0xFFFFF800  }
0x9c: {  	_ =	swait.ge [sflag:s26], $0x800  }
0x9d: {  	[sflag:s26] =	ssyncset.done $0x0  }
0x9e: {  	[sflag:s26] =	ssyncadd.s32 $0xFFFFF800  }
0x9f: {  	[spmem:s2] =	stream.indirect.scatter.add.f32 [tilespmem:s13], [sflag:$0x2], $0x10, s11, s12, $0xb8;
	[tilespmem:$0x1D800] =	vst v63  }
0xa0: {  	_ =	swait.ge [sflag:s9], $0x800  }
0xa1: {  	[sflag:s9] =	ssyncset.done $0x0  }
0xa2: {  	[sflag:s9] =	ssyncadd.s32 $0xFFFFF800  }
0xa3: {  	[spmem:s2] =	stream.indirect.scatter.add.f32 [tilespmem:s14], [sflag:$0x2], $0x10, s28, s12, $0xb8;
	[tilespmem:$0x1D800] =	vst v63  }
0xa4: {  	_ =	swait.ge [sflag:s9], $0x800  }
0xa5: {  	[sflag:s9] =	ssyncset.done $0x0  }
0xa6: {  	[sflag:s9] =	ssyncadd.s32 $0xFFFFF800  }
0xa7: {  	[spmem:s2] =	stream.indirect.scatter.add.f32 [tilespmem:s15], [sflag:$0x2], $0x10, s29, s12, $0xb8;
	[tilespmem:$0x1D800] =	vst v63  }
0xa8: {  	_ =	swait.ge [sflag:s9], $0x800  }
0xa9: {  	[sflag:s9] =	ssyncset.done $0x0  }
0xaa: {  	[sflag:s9] =	ssyncadd.s32 $0xFFFFF800  }
0xab: {  	[spmem:s2] =	stream.indirect.scatter.add.f32 [tilespmem:s16], [sflag:$0x2], $0x10, s30, s12, $0xb8;
	[tilespmem:$0x1D800] =	vst v63  }
0xac: {  	_ =	swait.ge [sflag:s9], $0x800  }
0xad: {  	[sflag:s9] =	ssyncset.done $0x0  }
0xae: {  	[sflag:s9] =	ssyncadd.s32 $0xFFFFF800  }
0xaf: {  	[spmem:s2] =	stream.indirect.scatter.add.f32 [tilespmem:s18], [sflag:$0x2], $0x10, s31, s12, $0xb8;
	[tilespmem:$0x1D800] =	vst v63  }
0xb0: {  	_ =	swait.ge [sflag:s9], $0x800  }
0xb1: {  	[sflag:s9] =	ssyncset.done $0x0  }
0xb2: {  	[sflag:s9] =	ssyncadd.s32 $0xFFFFF800  }
0xb3: {  	[spmem:s2] =	stream.indirect.scatter.add.f32 [tilespmem:s20], [sflag:$0x2], $0x10, s0, s12, $0xb8;
	[tilespmem:$0x1D800] =	vst v63  }
0xb4: {  	_ =	swait.ge [sflag:s9], $0x800  }
0xb5: {  	[sflag:s9] =	ssyncset.done $0x0  }
0xb6: {  	[sflag:s9] =	ssyncadd.s32 $0xFFFFF800  }
0xb7: {  	[spmem:s2] =	stream.indirect.scatter.add.f32 [tilespmem:s22], [sflag:$0x2], $0x10, s1, s12, $0xb8;
	[tilespmem:$0x1D800] =	vst v63  }
0xb8: {  	p0 =	sne.s32 s6, $0x6380;
	_ =	swait.ge [sflag:s9], $0x800  }
.Ltmp0:
0xb9: {  	[sflag:s9] =	ssyncset.done $0x0;
	(pc) =	sbr.rel @p0 .LBB2_2-.Ltmp0, $4  }
0xba: {  	[sflag:s9] =	ssyncadd.s32 $0xFFFFF800  }
0xbb: {  	[spmem:s2] =	stream.indirect.scatter.add.f32 [tilespmem:s25], [sflag:$0x2], $0x10, s5, s12, $0xb8;
	[tilespmem:$0x1D800] =	vst v63  }
0xbc: {  	_ =	swait.ge [sflag:s9], $0x800  }
0xbd: {  	s6 =	sadd.s32 $0x80, s6;
	s8 =	rddreg [dreg:$0x4];
	[sflag:s9] =	ssyncset.done $0x0  }
0xbe: {  	[sflag:s9] =	ssyncadd.s32 $0xFFFFF800;
	s6 =	sadd.s32 s24, s8  }
0xbf: {  	[tilespmem:s10], [sflag:$0x2] =	stream.linear.gather [hbm4b:s6+s3], $0x400, $0x38;
	[tilespmem:$0x1D800] =	vst v63  }
0xc0: {  	_ =	swait.ge [sflag:s9], $0x400  }
0xc1: {  	s7 =	rddreg [dreg:$0x3];
	[sflag:s9] =	ssyncset.done $0x0  }
0xc2: {  	[sflag:s9] =	ssyncadd.s32 $0xFFFFFC00;
	s6 =	sadd.s32 s24, s7  }
0xc3: {  	[tilespmem:s11], [sflag:$0x2] =	stream.linear.gather [hbm4b:s6+s3], $0x400, $0x38;
	[tilespmem:$0x1D800] =	vst v63  }
0xc4: {  	_ =	swait.ge [sflag:s9], $0x400  }
0xc5: {  	[sflag:s9] =	ssyncset.done $0x0  }
0xc6: {  	[sflag:s9] =	ssyncadd.s32 $0xFFFFFC00  }
0xc7: {  	[tilespmem:s13], [sflag:$0x1] =	stream.indirect.gather [hbm4b:s4+s12], $0x10, s10, s12, $0xb8;
	[tilespmem:$0x1D800] =	vst v63  }
0xc8: {  	s8 =	rddreg [dreg:$0x5]  }
0xc9: {  	[tilespmem:s14], [sflag:$0x1] =	stream.indirect.gather [hbm4b:s4+s12], $0x10, s8, s12, $0xb8;
	[tilespmem:$0x1D800] =	vst v63  }
0xca: {  	s7 =	rddreg [dreg:$0x6]  }
0xcb: {  	[tilespmem:s15], [sflag:$0x1] =	stream.indirect.gather [hbm4b:s4+s12], $0x10, s7, s12, $0xb8;
	[tilespmem:$0x1D800] =	vst v63  }
0xcc: {  	s24 =	rddreg [dreg:$0x7]  }
0xcd: {  	[tilespmem:s16], [sflag:$0x1] =	stream.indirect.gather [hbm4b:s4+s12], $0x10, s24, s12, $0xb8;
	[tilespmem:$0x1D800] =	vst v63  }
0xce: {  	_ = 	snop  }
0xcf: {  	[tilespmem:s18], [sflag:$0x1] =	stream.indirect.gather [hbm4b:s4+s12], $0x10, s17, s12, $0xb8;
	[tilespmem:$0x1D800] =	vst v63  }
0xd0: {  	_ = 	snop  }
0xd1: {  	[tilespmem:s20], [sflag:$0x1] =	stream.indirect.gather [hbm4b:s4+s12], $0x10, s19, s12, $0xb8;
	[tilespmem:$0x1D800] =	vst v63  }
0xd2: {  	_ = 	snop  }
0xd3: {  	[tilespmem:s22], [sflag:$0x1] =	stream.indirect.gather [hbm4b:s4+s12], $0x10, s21, s12, $0xb8;
	[tilespmem:$0x1D800] =	vst v63  }
0xd4: {  	_ = 	snop  }
0xd5: {  	[tilespmem:s25], [sflag:$0x1] =	stream.indirect.gather [hbm4b:s4+s12], $0x10, s23, s12, $0xb8;
	[tilespmem:$0x1D800] =	vst v63  }
0xd6: {  	_ =	swait.ge [sflag:s26], $0x800  }
0xd7: {  	[sflag:s26] =	ssyncset.done $0x0  }
0xd8: {  	[sflag:s26] =	ssyncadd.s32 $0xFFFFF800  }
0xd9: {  	_ =	swait.ge [sflag:s26], $0x800  }
0xda: {  	[sflag:s26] =	ssyncset.done $0x0  }
0xdb: {  	[sflag:s26] =	ssyncadd.s32 $0xFFFFF800  }
0xdc: {  	_ =	swait.ge [sflag:s26], $0x800  }
0xdd: {  	[sflag:s26] =	ssyncset.done $0x0  }
0xde: {  	[sflag:s26] =	ssyncadd.s32 $0xFFFFF800  }
0xdf: {  	_ =	swait.ge [sflag:s26], $0x800  }
0xe0: {  	[sflag:s26] =	ssyncset.done $0x0  }
0xe1: {  	[sflag:s26] =	ssyncadd.s32 $0xFFFFF800  }
0xe2: {  	_ =	swait.ge [sflag:s26], $0x800  }
0xe3: {  	[sflag:s26] =	ssyncset.done $0x0  }
0xe4: {  	[sflag:s26] =	ssyncadd.s32 $0xFFFFF800  }
0xe5: {  	_ =	swait.ge [sflag:s26], $0x800  }
0xe6: {  	[sflag:s26] =	ssyncset.done $0x0  }
0xe7: {  	[sflag:s26] =	ssyncadd.s32 $0xFFFFF800  }
0xe8: {  	_ =	swait.ge [sflag:s26], $0x800  }
0xe9: {  	[sflag:s26] =	ssyncset.done $0x0  }
0xea: {  	[sflag:s26] =	ssyncadd.s32 $0xFFFFF800  }
0xeb: {  	_ =	swait.ge [sflag:s26], $0x800  }
0xec: {  	[sflag:s26] =	ssyncset.done $0x0  }
0xed: {  	[sflag:s26] =	ssyncadd.s32 $0xFFFFF800  }
0xee: {  	[spmem:s2] =	stream.indirect.scatter.add.f32 [tilespmem:s13], [sflag:$0x2], $0x10, s11, s12, $0xb8;
	[tilespmem:$0x1D800] =	vst v63  }
0xef: {  	_ =	swait.ge [sflag:s9], $0x800  }
0xf0: {  	[sflag:s9] =	ssyncset.done $0x0  }
0xf1: {  	[sflag:s9] =	ssyncadd.s32 $0xFFFFF800  }
0xf2: {  	[spmem:s2] =	stream.indirect.scatter.add.f32 [tilespmem:s14], [sflag:$0x2], $0x10, s28, s12, $0xb8;
	[tilespmem:$0x1D800] =	vst v63  }
0xf3: {  	_ =	swait.ge [sflag:s9], $0x800  }
0xf4: {  	[sflag:s9] =	ssyncset.done $0x0  }
0xf5: {  	[sflag:s9] =	ssyncadd.s32 $0xFFFFF800  }
0xf6: {  	[spmem:s2] =	stream.indirect.scatter.add.f32 [tilespmem:s15], [sflag:$0x2], $0x10, s29, s12, $0xb8;
	[tilespmem:$0x1D800] =	vst v63  }
0xf7: {  	_ =	swait.ge [sflag:s9], $0x800  }
0xf8: {  	[sflag:s9] =	ssyncset.done $0x0  }
0xf9: {  	[sflag:s9] =	ssyncadd.s32 $0xFFFFF800  }
0xfa: {  	[spmem:s2] =	stream.indirect.scatter.add.f32 [tilespmem:s16], [sflag:$0x2], $0x10, s30, s12, $0xb8;
	[tilespmem:$0x1D800] =	vst v63  }
0xfb: {  	_ =	swait.ge [sflag:s9], $0x800  }
0xfc: {  	[sflag:s9] =	ssyncset.done $0x0  }
0xfd: {  	[sflag:s9] =	ssyncadd.s32 $0xFFFFF800  }
0xfe: {  	[spmem:s2] =	stream.indirect.scatter.add.f32 [tilespmem:s18], [sflag:$0x2], $0x10, s31, s12, $0xb8;
	[tilespmem:$0x1D800] =	vst v63  }
0xff: {  	_ =	swait.ge [sflag:s9], $0x800  }
0x100: {  	[sflag:s9] =	ssyncset.done $0x0  }
0x101: {  	[sflag:s9] =	ssyncadd.s32 $0xFFFFF800  }
0x102: {  	[spmem:s2] =	stream.indirect.scatter.add.f32 [tilespmem:s20], [sflag:$0x2], $0x10, s0, s12, $0xb8;
	[tilespmem:$0x1D800] =	vst v63  }
0x103: {  	_ =	swait.ge [sflag:s9], $0x800  }
0x104: {  	[sflag:s9] =	ssyncset.done $0x0  }
0x105: {  	[sflag:s9] =	ssyncadd.s32 $0xFFFFF800  }
0x106: {  	[spmem:s2] =	stream.indirect.scatter.add.f32 [tilespmem:s22], [sflag:$0x2], $0x10, s1, s12, $0xb8;
	[tilespmem:$0x1D800] =	vst v63  }
0x107: {  	_ =	swait.ge [sflag:s9], $0x800  }
0x108: {  	[sflag:s9] =	ssyncset.done $0x0  }
0x109: {  	[sflag:s9] =	ssyncadd.s32 $0xFFFFF800  }
0x10a: {  	[spmem:s2] =	stream.indirect.scatter.add.f32 [tilespmem:s25], [sflag:$0x2], $0x10, s5, s12, $0xb8;
	[tilespmem:$0x1D800] =	vst v63  }
0x10b: {  	_ =	swait.ge [sflag:s9], $0x800  }
0x10c: {  	[sflag:s9] =	ssyncset.done $0x0  }
0x10d: {  	[sflag:s9] =	ssyncadd.s32 $0xFFFFF800  }
0x10e: {  	[bflag:$0x0] =	sbarrier.arrive $0xFFFF  }
0x10f: {  	s24 =	rddreg [dreg:$0x9]  }
0x110: {  	s7 =	rddreg [dreg:$0xb]  }
0x111: {  	s8 =	rddreg [dreg:$0xc]  }
0x112: {  	[hbm:s8], [sflag:s24] =	dma.local [spmem:s7], $0x3200  }
0x113: {  	_ =	swait.ge [sflag:s9], $0x3200  }
0x114: {  	s6 =	rddreg [dreg:$0xd]  }
0x115: {  	s8 =	sadd.s32 $0x1, s6;
	s6 =	rddreg [dreg:$0xa]  }
0x116: {  	p0 =	sne.s32 s8, s6  }
.Ltmp1:
0x117: {  	_ = 	snop;
	(pc) =	sbr.rel @p0 .LBB2_1-.Ltmp1, $3  }
0x118: {  	_ =	sdelay $0x1  }
0x119: {  	[sflag:s9] =	ssyncset.done $0x0  }
0x11a: {  	[sflag:s9] =	ssyncadd.s32 $0xFFFFCE00  }
0x11b: {  	_ =	sfence.sel $0x180000  }
0x11c: {  	[bflag:$0x0] =	sbarrier.arrive $0xFFFF  }
0x11d: {  	_ =	strace $0x9000004D  }
0x11e: {  	s0 =	stileid.u32;
	[bflag:$0x2] =	sbarrier.arrive $0xFFFF  }
0x11f: {  	p0 =	sne.s32 s0, $0x0;
	s0 =	rddreg [dreg:$0x2]  }
0x120: {  	s0 =	sadd.s32 @!p0 $0x100000, s0  }
0x121: {  	[sflag:s0] =	ssyncadd.tile.s32 @!p0 $0x1;
	_ =	shalt  }
.Lfunc_end2:
_tile_overlayer_lowered:
.L_overlay_start_2:
0x122: {  	(tag) =	ssettag $0x2  }
0x123: {  	s0 =	rddreg [dreg:$0x0];
	s2 =	stileid.u32  }
0x124: {  	s1 =	rddreg [dreg:$0x1];
	p0 =	sne.s32 s2, $0x0  }
0x125: {  	s3 =	rddreg [dreg:$0x2];
	[bflag:$0x3] =	sbarrier.arrive $0xFFFF;
	s2 =	simm.s32 @!p0 $0x1C02  }
0x126: {  	[timem:s3], [sflag:s2] =	dma.local @!p0 [hbm:s0], s1  }
0x127: {  	s0 =	simm.s32 @!p0 $0x2  }
0x128: {  	_ =	swait.ge @!p0 [sflag:s0], s1  }
0x129: {  	s1 =	ssub.s32 @!p0 $0x0, s1;
	[sflag:s0] =	ssyncset.done @!p0 $0x0  }
0x12a: {  	[sflag:s0] =	ssyncadd.s32 @!p0 s1  }
0x12b: {  	[bflag:$0x3] =	sbarrier.arrive $0xFFFF  }
0x12c: {  	_ =	shalt  }

// kernel: kernel.9.cloned.1.call-start
scs
__scs_entry_jumppad:
0x0: {  	(pc) =	sbr.rel $0x88, $3  }
0x1: {  	(tag) =	ssettag $0x0;
	lr =	simm.s32 $0x1  }
0x2: {  	[smem:$0x3F85] =	sst lr;
	_ =	strace $0xD0000000  }
0x3: {  	_ = 	snop  }
0x4: {  	_ = 	snop  }
0x5: {  	_ = 	snop  }
0x6: {  	_ = 	snop  }
0x7: {  	_ = 	snop  }
__scs_overlays_trampoline_lowered:
0x8: {  	[smem:$0x3F94] =	sst s0  }
0x9: {  	[smem:$0x3F95] =	sst s1  }
0xa: {  	[smem:$0x3F96] =	sst s2  }
0xb: {  	[smem:$0x3F97] =	sst s3  }
0xc: {  	[smem:$0x3F98] =	sst s4  }
0xd: {  	[smem:$0x3F99] =	sst s5  }
0xe: {  	[smem:$0x3F9A] =	sst s6  }
0xf: {  	[smem:$0x3F9B] =	sst s7  }
0x10: {  	[smem:$0x3F9C] =	sst s8  }
0x11: {  	[smem:$0x3F9D] =	sst s9;
	s0 =	simm.s32 @!p0 $0x0  }
0x12: {  	s1 =	sld [smem:$0x3F83];
	s0 =	simm.s32 @p0 $0x1  }
0x13: {  	[smem:$0x3F9E] =	sst s0;
	s0 =	simm.s32 @!p1 $0x0  }
0x14: {  	s2 =	sld [smem:$0x3F82];
	s0 =	simm.s32 @p1 $0x1  }
0x15: {  	[smem:$0x3F9F] =	sst s0;
	s0 =	simm.s32 @!p2 $0x0  }
0x16: {  	s3 =	sld [smem:$0x3FDB];
	s0 =	simm.s32 @p2 $0x1  }
0x17: {  	s4 =	simm.s32 $0x1BF5;
	[smem:$0x3FA1] =	sst s0  }
0x18: {  	s0 =	sld [smem:$0x3F84];
	_ =	swait.ge [sflag:s4], $0x0  }
0x19: {  	s7 =	sld [smem:$0x3F85]  }
0x1a: {  	s8 =	sadd.s32 $0xFFFFE003, lr  }
0x1b: {  	s9 =	sadd.s32 $0xFFFFFEF7, lr;
	s5 =	simm.s32 $0xFFFFFFFF;
	p2 =	slt.u32 s8, $0xFFFFF086  }
0x1c: {  	p1 =	slt.u32 s9, $0xF7A;
	s5 =	simm.s32 @!p2 $0x0  }
0x1d: {  	s5 =	simm.s32 @p1 $0x1;
	p0 =	seq.s32 s7, s2  }
0x1e: {  	s7 =	smul.u32 @!p0 $0xF7A, s2;
	p2 =	seq.s32 @!p0 s5, $0x0  }
0x1f: {  	s9 =	smul.u32 $0xF7A, s1;
	s8 =	simm.s32 @!p0 $0x1BF5;
	p2 =	por !p2, p0  }
0x20: {  	[sflag:s8] =	ssyncset.s32 @!p0 $0xFFFFF086;
	s6 =	sadd.s32 @!p0 s3, s7;
	s7 =	simm.s32 @!p0 $0x108  }
0x21: {  	s3 =	sadd.s32 s3, s9;
	s6 =	sadd.s32 @!p0 $0x88, s6;
	s7 =	simm.s32 @p2 $0x1082  }
0x22: {  	[simem:s7], [sflag:s8] =	dma.local @!p0 [hbm:s6], $0xF7A  }
0x23: {  	s9 =	sor.u32 $0xD0000000, s2;
	s6 =	simm.s32 $0x108;
	_ =	swait.ge @!p0 [sflag:s8], $0x0  }
0x24: {  	s3 =	sadd.s32 $0x88, s3;
	s6 =	simm.s32 @!p1 $0x1082;
	[sflag:s4] =	ssyncset.s32 $0xFFFFF086  }
0x25: {  	[simem:s6], [sflag:s4] =	dma.local [hbm:s3], $0xF7A  }
0x26: {  	[smem:$0x3F85] =	sst s1;
	(tag) =	ssettag s2;
	_ =	strace s9  }
0x27: {  	s1 =	sld [smem:$0x3F95]  }
0x28: {  	s2 =	sld [smem:$0x3F96]  }
0x29: {  	s4 =	sld [smem:$0x3F98]  }
0x2a: {  	p0 =	seq.s32 s5, $0x0;
	s5 =	sld [smem:$0x3F99]  }
0x2b: {  	s6 =	sld [smem:$0x3F9A]  }
0x2c: {  	s7 =	sld [smem:$0x3F9B]  }
0x2d: {  	s3 =	simm.s32 $0x108;
	s8 =	sld [smem:$0x3F9C]  }
0x2e: {  	s3 =	simm.s32 @!p0 $0x1082;
	s9 =	sld [smem:$0x3F9D]  }
0x2f: {  	lr =	sadd.s32 s0, s3;
	s0 =	sld [smem:$0x3F94]  }
0x30: {  	s3 =	sld [smem:$0x3F97]  }
0x31: {  	[smem:$0x3FA0] =	sst s10  }
0x32: {  	s10 =	sld [smem:$0x3F9E];
	_ =	sdelay $0x3  }
0x33: {  	p0 =	seq.s32 s10, $0x1;
	s10 =	sld [smem:$0x3FA0];
	_ =	sdelay $0x3  }
0x34: {  	[smem:$0x3FA0] =	sst s10  }
0x35: {  	s10 =	sld [smem:$0x3F9F];
	_ =	sdelay $0x3  }
0x36: {  	p1 =	seq.s32 s10, $0x1;
	s10 =	sld [smem:$0x3FA0];
	_ =	sdelay $0x3  }
0x37: {  	[smem:$0x3FA0] =	sst s10  }
0x38: {  	s10 =	sld [smem:$0x3FA1]  }
0x39: {  	_ = 	snop;
	(pc) =	sbr.ind lr, $3  }
0x3a: {  	_ = 	snop  }
0x3b: {  	_ = 	snop  }
0x3c: {  	p2 =	seq.s32 s10, $0x1;
	s10 =	sld [smem:$0x3FA0]  }
0x3d: {  	_ =	shalt  }
0x3e: {  	_ =	shalt  }
0x3f: {  	_ =	shalt  }
0x40: {  	_ =	shalt  }
0x41: {  	_ =	shalt  }
0x42: {  	_ =	shalt  }
0x43: {  	_ =	shalt  }
0x44: {  	_ =	shalt  }
0x45: {  	_ =	shalt  }
0x46: {  	_ =	shalt  }
0x47: {  	_ =	shalt  }
0x48: {  	_ =	shalt  }
0x49: {  	_ =	shalt  }
0x4a: {  	_ =	shalt  }
0x4b: {  	_ =	shalt  }
0x4c: {  	_ =	shalt  }
0x4d: {  	_ =	shalt  }
0x4e: {  	_ =	shalt  }
0x4f: {  	_ =	shalt  }
0x50: {  	_ =	shalt  }
0x51: {  	_ =	shalt  }
0x52: {  	_ =	shalt  }
0x53: {  	_ =	shalt  }
0x54: {  	_ =	shalt  }
0x55: {  	_ =	shalt  }
0x56: {  	_ =	shalt  }
0x57: {  	_ =	shalt  }
0x58: {  	_ =	shalt  }
0x59: {  	_ =	shalt  }
0x5a: {  	_ =	shalt  }
0x5b: {  	_ =	shalt  }
0x5c: {  	_ =	shalt  }
0x5d: {  	_ =	shalt  }
0x5e: {  	_ =	shalt  }
0x5f: {  	_ =	shalt  }
0x60: {  	_ =	shalt  }
0x61: {  	_ =	shalt  }
0x62: {  	_ =	shalt  }
0x63: {  	_ =	shalt  }
0x64: {  	_ =	shalt  }
0x65: {  	_ =	shalt  }
0x66: {  	_ =	shalt  }
0x67: {  	_ =	shalt  }
0x68: {  	_ =	shalt  }
0x69: {  	_ =	shalt  }
0x6a: {  	_ =	shalt  }
0x6b: {  	_ =	shalt  }
0x6c: {  	_ =	shalt  }
0x6d: {  	_ =	shalt  }
0x6e: {  	_ =	shalt  }
0x6f: {  	_ =	shalt  }
0x70: {  	_ =	shalt  }
0x71: {  	_ =	shalt  }
0x72: {  	_ =	shalt  }
0x73: {  	_ =	shalt  }
0x74: {  	_ =	shalt  }
0x75: {  	_ =	shalt  }
0x76: {  	_ =	shalt  }
0x77: {  	_ =	shalt  }
0x78: {  	_ =	shalt  }
0x79: {  	_ =	shalt  }
0x7a: {  	_ =	shalt  }
0x7b: {  	_ =	shalt  }
0x7c: {  	_ =	shalt  }
0x7d: {  	_ =	shalt  }
0x7e: {  	_ =	shalt  }
0x7f: {  	_ =	shalt  }
0x80: {  	_ =	shalt  }
0x81: {  	_ =	shalt  }
0x82: {  	_ =	shalt  }
0x83: {  	_ =	shalt  }
0x84: {  	_ =	shalt  }
0x85: {  	_ =	shalt  }
0x86: {  	_ =	shalt  }
0x87: {  	_ =	shalt  }
.Lfunc_end0:
.L_simem_size_0:
called_computation_lowered:
.L_overlay_start_0:
0x88: {  	s2 =	sld [smem:$0x3FD9]  }
0x89: {  	s3 =	sld [smem:$0x3FFE];
	_ =	sdelay $0x1  }
0x8a: {  	s1 =	srdreg.scid  }
0x8b: {  	s0 =	sand.u32 $0x1, s1  }
0x8c: {  	s16 =	sshll.u32 s0, $0xA;
	s2 =	sadd.s32 s3, s2  }
0x8d: {  	s2 =	sadd.s32 s2, s16  }
0x8e: {  	[smem:$0x3FAC] =	sst s2  }
0x8f: {  	_ = 	snop  }
0x90: {  	(tm) =	ssettm $0x1  }
0x91: {  	s17 =	sld [smem:$0x3FFB];
	_ =	sdelay $0x3  }
0x92: {  	_ =	strace s17  }
0x93: {  	s2 =	sld [smem:$0x3FFC];
	_ =	sdelay $0x3  }
0x94: {  	_ =	strace s2  }
0x95: {  	s2 =	sld [smem:$0x3FFD];
	_ =	sdelay $0x3  }
0x96: {  	_ =	strace s2  }
0x97: {  	_ =	strace $0x8FFFFFFF  }
0x98: {  	s18 =	sld [smem:$0x3FDB];
	_ =	sdelay $0x1  }
0x99: {  	s19 =	simm.s32 $_scs_section_size  }
0x9a: {  	s4 =	simm.s32 $_size__tile_overlayer_lowered;
	s5 =	simm.s32 $_tile_overlayer_lowered  }
0x9b: {  	s22 =	simm.s32 $0x1BFF;
	s21 =	sshll.u32 s5, $0x1;
	s2 =	sadd.s32 s19, s18  }
0x9c: {  	s6 =	simm.s32 $0x0;
	s20 =	sshll.u32 s4, $0x1;
	s4 =	sadd.s32 s21, s2  }
0x9d: {  	[timem:s6], [sflag:s22] =	dma.local [hbm:s4], s20  }
0x9e: {  	_ =	swait.ge [sflag:s22], s20  }
0x9f: {  	s3 =	ssub.s32 $0x0, s20;
	[sflag:s22] =	ssyncset.done $0x0  }
0xa0: {  	[sflag:s22] =	ssyncadd.s32 s3;
	_ =	sdelay $0x1  }
0xa1: {  	s23 =	simm.s32 $0x1B8B  }
0xa2: {  	_ =	swait.ge [sflag:s23], $0x1  }
0xa3: {  	[sflag:s23] =	ssyncset.done $0x0  }
0xa4: {  	s25 =	simm.s32 $0x1B8E;
	s24 =	sld [smem:$0x3FFE];
	[sflag:s23] =	ssyncadd.s32 $0xFFFFFFFF  }
0xa5: {  	s26 =	simm.s32 $execute0_lowered;
	[smem:$0x3FD2] =	sst s25  }
0xa6: {  	s4 =	sshll.u32 s26, $0x1;
	_ =	strace $0x80000046;
	[dreg:$0x1] =	wrdreg $0xFFFFFFFF  }
0xa7: {  	s28 =	simm.s32 $_size_execute0_lowered;
	s2 =	sadd.s32 s2, s4;
	[dreg:$0x0] =	wrdreg $0x0  }
0xa8: {  	s4 =	sshll.u32 s28, $0x1;
	[dreg:$0x2] =	wrdreg s2  }
0xa9: {  	[dreg:$0x3] =	wrdreg s4  }
0xaa: {  	[dreg:$0x4] =	wrdreg $0xC0  }
0xab: {  	_ =	task [dreg:s6], $0x5FFFF  }
0xac: {  	[dreg:$0x1] =	wrdreg $0xFFFFFFFF  }
0xad: {  	[dreg:$0x0] =	wrdreg $0x60  }
0xae: {  	[dreg:$0x2] =	wrdreg s24  }
0xaf: {  	[dreg:$0x3] =	wrdreg $0x0  }
0xb0: {  	[dreg:$0x4] =	wrdreg $0x9  }
0xb1: {  	_ =	task.clear_ibuf [dreg:s6], $0x5FFFF;
	_ =	strace $0x90000046  }
0xb2: {  	s29 =	simm.s32 $0x9;
	_ =	strace $0x80000048  }
0xb3: {  	_ =	swait.ge [sflag:s29], $0x1  }
0xb4: {  	[sflag:s29] =	ssyncadd.s32 $0xFFFFFFFF  }
0xb5: {  	_ =	strace $0x90000048  }
0xb6: {  	_ =	sfence  }
0xb7: {  	s30 =	sld [smem:$0x0];
	_ =	sdelay $0x2  }
0xb8: {  	s31 =	sshll.u32 s1, $0xD;
	s1 =	sshrl.u32 s1, $0x2  }
0xb9: {  	s3 =	sand.u32 $0x4000, s31;
	s1 =	sadd.s32 s1, s30  }
0xba: {  	s0 =	sor.u32 s3, s0;
	s1 =	sshll.u32 s1, $0x11  }
0xbb: {  	s0 =	sor.u32 s1, s0  }
0xbc: {  	s0 =	sadd.s32 $0x8F2B, s0  }
0xbd: {  	[sflag:s0] =	ssyncadd.remote.s32 $0x1  }
0xbe: {  	_ =	sfence.sel $0xFFFF  }
0xbf: {  	[dreg:$0x0] =	wrdreg $0xFFFFFFFF;
	(pc) =	sbr.abs _section_cstart, $3  }
0xc0: {  	[dreg:$0x1] =	wrdreg $0xFFFFFFFF  }
0xc1: {  	_ =	task.clear_ibuf [dreg:s6], $0x2FFFF;
	_ =	strace $0x9FFFFFFF  }
0xc2: {  	(tm) =	ssettm $0x7FFFFFFF  }
0xc3: {  	_ =	shalt  }
tec
execute0_lowered:
.L_overlay_start_1:
0x0: {  	(tag) =	ssettag $0x1  }
0x1: {  	s0 =	rddreg [dreg:$0x0];
	s1 =	srdreg.scid  }
0x2: {  	s8 =	stileid.u32;
	s2 =	rddreg [dreg:$0x1];
	s3 =	simm.s32 $0x0  }
0x3: {  	s10 =	simm.s32 $0x19000;
	s11 =	simm.s32 $0x19400;
	s12 =	simm.s32 $0x80  }
0x4: {  	s24 =	simm.s32 $0x19080;
	s13 =	simm.s32 $0x19800;
	s25 =	simm.s32 $0x19100  }
0x5: {  	s14 =	simm.s32 $0x1A000;
	s26 =	simm.s32 $0x19180;
	s15 =	simm.s32 $0x1A800  }
0x6: {  	s16 =	simm.s32 $0x1B000;
	s17 =	simm.s32 $0x19200;
	s18 =	simm.s32 $0x1B800  }
0x7: {  	s19 =	simm.s32 $0x19280;
	s20 =	simm.s32 $0x1C000;
	s28 =	simm.s32 $0x19480  }
0x8: {  	s29 =	simm.s32 $0x19500;
	s30 =	simm.s32 $0x19580;
	s31 =	simm.s32 $0x19600  }
0x9: {  	s1 =	sand.u32 $0x1, s1;
	s5 =	smul.u32 $0x19000, s8;
	[smem:$0x7FF] =	sst s3  }
0xa: {  	s4 =	smul.u32 $0x190000, s1;
	_ =	strace $0x80000047;
	[dreg:$0x5] =	wrdreg s24  }
0xb: {  	s8 =	sshll.u32 s8, $0x6;
	s7 =	smul.u32 $0x32000, s1;
	[dreg:$0x6] =	wrdreg s25  }
0xc: {  	s1 =	ssub.s32 $0x2, s1;
	s8 =	sor.u32 $0x1C02, s8;
	[dreg:$0x7] =	wrdreg s26  }
0xd: {  	s25 =	simm.s32 $0x1D000;
	s26 =	simm.s32 $0x1;
	s24 =	simm.s32 $0x0  }
0xe: {  	s21 =	sshrl.u32 s1, $0x1;
	s22 =	sadd.s32 s5, s2;
	[dreg:$0x9] =	wrdreg s8  }
0xf: {  	s6 =	sadd.s32 s5, s4;
	s4 =	sadd.s32 $0x25CA00, s0;
	s5 =	sshrl.u32 s5, $0x3  }
0x10: {  	s1 =	ssub.s32 s1, s21;
	s21 =	simm.s32 $0x19300;
	s9 =	sadd.s32 s4, s5  }
0x11: {  	s6 =	sshrl.u32 s6, $0x3;
	s1 =	smax.u32 s1, $0x1;
	[dreg:$0x8] =	wrdreg s9  }
0x12: {  	s6 =	sadd.s32 s6, s0;
	s0 =	sadd.s32 s7, s0;
	[dreg:$0xa] =	wrdreg s1  }
0x13: {  	s7 =	sshrl.u32 s22, $0x3;
	s9 =	simm.s32 $0x2;
	s22 =	simm.s32 $0x1C800  }
0x14: {  	s1 =	simm.s32 $0x19680;
	s23 =	sadd.s32 $0x4A00, s6;
	[dreg:$0xb] =	wrdreg s7  }
0x15: {  	s6 =	sadd.s32 $0x68A00, s6;
	s0 =	sadd.s32 $0x28EA00, s0;
	[dreg:$0x3] =	wrdreg s23  }
0x16: {  	[dreg:$0x4] =	wrdreg s6;
	s23 =	simm.s32 $0x19380;
	s0 =	sadd.s32 s5, s0  }
0x17: {  	s5 =	simm.s32 $0x19780;
	[dreg:$0xc] =	wrdreg s0;
	s0 =	simm.s32 $0x19700  }
.LBB2_1:
0x18: {  	[dreg:$0xd] =	wrdreg s24  }
0x19: {  	s6 =	rddreg [dreg:$0x8]  }
0x1a: {  	[spmem:s7], [sflag:s8] =	dma.local [hbm:s6], $0x3200  }
0x1b: {  	_ =	swait.ge [sflag:s9], $0x3200  }
0x1c: {  	[sflag:s9] =	ssyncset.done $0x0  }
0x1d: {  	[sflag:s9] =	ssyncadd.s32 $0xFFFFCE00  }
0x1e: {  	[bflag:$0x0] =	sbarrier.arrive $0xFFFF  }
0x1f: {  	s7 =	rddreg [dreg:$0x4]  }
0x20: {  	s6 =	sadd.s32 $0x0, s7  }
0x21: {  	[tilespmem:s10], [sflag:$0x2] =	stream.linear.gather [hbm4b:s6+s3], $0x400, $0x38;
	[tilespmem:$0x1D800] =	vst v63  }
0x22: {  	_ =	swait.ge [sflag:s9], $0x400  }
0x23: {  	s8 =	rddreg [dreg:$0x3];
	[sflag:s9] =	ssyncset.done $0x0  }
0x24: {  	[sflag:s9] =	ssyncadd.s32 $0xFFFFFC00;
	s6 =	sadd.s32 $0x0, s8  }
0x25: {  	[tilespmem:s11], [sflag:$0x2] =	stream.linear.gather [hbm4b:s6+s3], $0x400, $0x38;
	[tilespmem:$0x1D800] =	vst v63  }
0x26: {  	_ =	swait.ge [sflag:s9], $0x400  }
0x27: {  	[sflag:s9] =	ssyncset.done $0x0  }
0x28: {  	[sflag:s9] =	ssyncadd.s32 $0xFFFFFC00  }
0x29: {  	[tilespmem:s13], [sflag:$0x1] =	stream.indirect.gather [hbm4b:s4+s12], $0x10, s10, s12, $0xb8;
	[tilespmem:$0x1D800] =	vst v63  }
0x2a: {  	s24 =	rddreg [dreg:$0x5]  }
0x2b: {  	[tilespmem:s14], [sflag:$0x1] =	stream.indirect.gather [hbm4b:s4+s12], $0x10, s24, s12, $0xb8;
	[tilespmem:$0x1D800] =	vst v63  }
0x2c: {  	s7 =	rddreg [dreg:$0x6]  }
0x2d: {  	[tilespmem:s15], [sflag:$0x1] =	stream.indirect.gather [hbm4b:s4+s12], $0x10, s7, s12, $0xb8;
	[tilespmem:$0x1D800] =	vst v63  }
0x2e: {  	s24 =	rddreg [dreg:$0x7]  }
0x2f: {  	[tilespmem:s16], [sflag:$0x1] =	stream.indirect.gather [hbm4b:s4+s12], $0x10, s24, s12, $0xb8;
	[tilespmem:$0x1D800] =	vst v63  }
0x30: {  	_ = 	snop  }
0x31: {  	[tilespmem:s18], [sflag:$0x1] =	stream.indirect.gather [hbm4b:s4+s12], $0x10, s17, s12, $0xb8;
	[tilespmem:$0x1D800] =	vst v63  }
0x32: {  	_ = 	snop  }
0x33: {  	[tilespmem:s20], [sflag:$0x1] =	stream.indirect.gather [hbm4b:s4+s12], $0x10, s19, s12, $0xb8;
	[tilespmem:$0x1D800] =	vst v63  }
0x34: {  	_ = 	snop  }
0x35: {  	[tilespmem:s22], [sflag:$0x1] =	stream.indirect.gather [hbm4b:s4+s12], $0x10, s21, s12, $0xb8;
	[tilespmem:$0x1D800] =	vst v63  }
0x36: {  	_ = 	snop  }
0x37: {  	[tilespmem:s25], [sflag:$0x1] =	stream.indirect.gather [hbm4b:s4+s12], $0x10, s23, s12, $0xb8;
	[tilespmem:$0x1D800] =	vst v63  }
0x38: {  	_ =	swait.ge [sflag:s26], $0x800  }
0x39: {  	[sflag:s26] =	ssyncset.done $0x0  }
0x3a: {  	[sflag:s26] =	ssyncadd.s32 $0xFFFFF800  }
0x3b: {  	_ =	swait.ge [sflag:s26], $0x800  }
0x3c: {  	[sflag:s26] =	ssyncset.done $0x0  }
0x3d: {  	[sflag:s26] =	ssyncadd.s32 $0xFFFFF800  }
0x3e: {  	_ =	swait.ge [sflag:s26], $0x800  }
0x3f: {  	[sflag:s26] =	ssyncset.done $0x0  }
0x40: {  	[sflag:s26] =	ssyncadd.s32 $0xFFFFF800  }
0x41: {  	_ =	swait.ge [sflag:s26], $0x800  }
0x42: {  	[sflag:s26] =	ssyncset.done $0x0  }
0x43: {  	[sflag:s26] =	ssyncadd.s32 $0xFFFFF800  }
0x44: {  	_ =	swait.ge [sflag:s26], $0x800  }
0x45: {  	[sflag:s26] =	ssyncset.done $0x0  }
0x46: {  	[sflag:s26] =	ssyncadd.s32 $0xFFFFF800  }
0x47: {  	_ =	swait.ge [sflag:s26], $0x800  }
0x48: {  	[sflag:s26] =	ssyncset.done $0x0  }
0x49: {  	[sflag:s26] =	ssyncadd.s32 $0xFFFFF800  }
0x4a: {  	_ =	swait.ge [sflag:s26], $0x800  }
0x4b: {  	[sflag:s26] =	ssyncset.done $0x0  }
0x4c: {  	[sflag:s26] =	ssyncadd.s32 $0xFFFFF800  }
0x4d: {  	_ =	swait.ge [sflag:s26], $0x800  }
0x4e: {  	[sflag:s26] =	ssyncset.done $0x0  }
0x4f: {  	[sflag:s26] =	ssyncadd.s32 $0xFFFFF800  }
0x50: {  	[spmem:s2] =	stream.indirect.scatter.add.f32 [tilespmem:s13], [sflag:$0x2], $0x10, s11, s12, $0xb8;
	[tilespmem:$0x1D800] =	vst v63  }
0x51: {  	_ =	swait.ge [sflag:s9], $0x800  }
0x52: {  	[sflag:s9] =	ssyncset.done $0x0  }
0x53: {  	[sflag:s9] =	ssyncadd.s32 $0xFFFFF800  }
0x54: {  	[spmem:s2] =	stream.indirect.scatter.add.f32 [tilespmem:s14], [sflag:$0x2], $0x10, s28, s12, $0xb8;
	[tilespmem:$0x1D800] =	vst v63  }
0x55: {  	_ =	swait.ge [sflag:s9], $0x800  }
0x56: {  	[sflag:s9] =	ssyncset.done $0x0  }
0x57: {  	[sflag:s9] =	ssyncadd.s32 $0xFFFFF800  }
0x58: {  	[spmem:s2] =	stream.indirect.scatter.add.f32 [tilespmem:s15], [sflag:$0x2], $0x10, s29, s12, $0xb8;
	[tilespmem:$0x1D800] =	vst v63  }
0x59: {  	_ =	swait.ge [sflag:s9], $0x800  }
0x5a: {  	[sflag:s9] =	ssyncset.done $0x0  }
0x5b: {  	[sflag:s9] =	ssyncadd.s32 $0xFFFFF800  }
0x5c: {  	[spmem:s2] =	stream.indirect.scatter.add.f32 [tilespmem:s16], [sflag:$0x2], $0x10, s30, s12, $0xb8;
	[tilespmem:$0x1D800] =	vst v63  }
0x5d: {  	_ =	swait.ge [sflag:s9], $0x800  }
0x5e: {  	[sflag:s9] =	ssyncset.done $0x0  }
0x5f: {  	[sflag:s9] =	ssyncadd.s32 $0xFFFFF800  }
0x60: {  	[spmem:s2] =	stream.indirect.scatter.add.f32 [tilespmem:s18], [sflag:$0x2], $0x10, s31, s12, $0xb8;
	[tilespmem:$0x1D800] =	vst v63  }
0x61: {  	_ =	swait.ge [sflag:s9], $0x800  }
0x62: {  	[sflag:s9] =	ssyncset.done $0x0  }
0x63: {  	[sflag:s9] =	ssyncadd.s32 $0xFFFFF800  }
0x64: {  	[spmem:s2] =	stream.indirect.scatter.add.f32 [tilespmem:s20], [sflag:$0x2], $0x10, s1, s12, $0xb8;
	[tilespmem:$0x1D800] =	vst v63  }
0x65: {  	_ =	swait.ge [sflag:s9], $0x800  }
0x66: {  	[sflag:s9] =	ssyncset.done $0x0  }
0x67: {  	[sflag:s9] =	ssyncadd.s32 $0xFFFFF800  }
0x68: {  	[spmem:s2] =	stream.indirect.scatter.add.f32 [tilespmem:s22], [sflag:$0x2], $0x10, s0, s12, $0xb8;
	[tilespmem:$0x1D800] =	vst v63  }
0x69: {  	_ =	swait.ge [sflag:s9], $0x800  }
0x6a: {  	[sflag:s9] =	ssyncset.done $0x0  }
0x6b: {  	[sflag:s9] =	ssyncadd.s32 $0xFFFFF800  }
0x6c: {  	[spmem:s2] =	stream.indirect.scatter.add.f32 [tilespmem:s25], [sflag:$0x2], $0x10, s5, s12, $0xb8;
	[tilespmem:$0x1D800] =	vst v63  }
0x6d: {  	s6 =	simm.s32 $0x100;
	_ =	swait.ge [sflag:s9], $0x800  }
0x6e: {  	s24 =	simm.s32 $0x80;
	s8 =	rddreg [dreg:$0x4];
	[sflag:s9] =	ssyncset.done $0x0  }
.LBB2_2:
0x6f: {  	[sflag:s9] =	ssyncadd.s32 $0xFFFFF800;
	s8 =	sadd.s32 s24, s8  }
0x70: {  	[tilespmem:s10], [sflag:$0x2] =	stream.linear.gather [hbm4b:s8+s3], $0x400, $0x38;
	[tilespmem:$0x1D800] =	vst v63  }
0x71: {  	_ =	swait.ge [sflag:s9], $0x400  }
0x72: {  	s8 =	rddreg [dreg:$0x3];
	[sflag:s9] =	ssyncset.done $0x0  }
0x73: {  	[sflag:s9] =	ssyncadd.s32 $0xFFFFFC00;
	s8 =	sadd.s32 s24, s8  }
0x74: {  	[tilespmem:s11], [sflag:$0x2] =	stream.linear.gather [hbm4b:s8+s3], $0x400, $0x38;
	[tilespmem:$0x1D800] =	vst v63  }
0x75: {  	_ =	swait.ge [sflag:s9], $0x400  }
0x76: {  	[sflag:s9] =	ssyncset.done $0x0  }
0x77: {  	s7 =	smov.u32 s6;
	[sflag:s9] =	ssyncadd.s32 $0xFFFFFC00  }
0x78: {  	[tilespmem:s13], [sflag:$0x1] =	stream.indirect.gather [hbm4b:s4+s12], $0x10, s10, s12, $0xb8;
	[tilespmem:$0x1D800] =	vst v63  }
0x79: {  	s24 =	smov.u32 s7;
	s7 =	rddreg [dreg:$0x5]  }
0x7a: {  	[tilespmem:s14], [sflag:$0x1] =	stream.indirect.gather [hbm4b:s4+s12], $0x10, s7, s12, $0xb8;
	[tilespmem:$0x1D800] =	vst v63  }
0x7b: {  	s8 =	rddreg [dreg:$0x6]  }
0x7c: {  	[tilespmem:s15], [sflag:$0x1] =	stream.indirect.gather [hbm4b:s4+s12], $0x10, s8, s12, $0xb8;
	[tilespmem:$0x1D800] =	vst v63  }
0x7d: {  	s7 =	rddreg [dreg:$0x7]  }
0x7e: {  	[tilespmem:s16], [sflag:$0x1] =	stream.indirect.gather [hbm4b:s4+s12], $0x10, s7, s12, $0xb8;
	[tilespmem:$0x1D800] =	vst v63  }
0x7f: {  	_ = 	snop  }
0x80: {  	[tilespmem:s18], [sflag:$0x1] =	stream.indirect.gather [hbm4b:s4+s12], $0x10, s17, s12, $0xb8;
	[tilespmem:$0x1D800] =	vst v63  }
0x81: {  	_ = 	snop  }
0x82: {  	[tilespmem:s20], [sflag:$0x1] =	stream.indirect.gather [hbm4b:s4+s12], $0x10, s19, s12, $0xb8;
	[tilespmem:$0x1D800] =	vst v63  }
0x83: {  	_ = 	snop  }
0x84: {  	[tilespmem:s22], [sflag:$0x1] =	stream.indirect.gather [hbm4b:s4+s12], $0x10, s21, s12, $0xb8;
	[tilespmem:$0x1D800] =	vst v63  }
0x85: {  	_ = 	snop  }
0x86: {  	[tilespmem:s25], [sflag:$0x1] =	stream.indirect.gather [hbm4b:s4+s12], $0x10, s23, s12, $0xb8;
	[tilespmem:$0x1D800] =	vst v63  }
0x87: {  	_ =	swait.ge [sflag:s26], $0x800  }
0x88: {  	[sflag:s26] =	ssyncset.done $0x0  }
0x89: {  	[sflag:s26] =	ssyncadd.s32 $0xFFFFF800  }
0x8a: {  	_ =	swait.ge [sflag:s26], $0x800  }
0x8b: {  	[sflag:s26] =	ssyncset.done $0x0  }
0x8c: {  	[sflag:s26] =	ssyncadd.s32 $0xFFFFF800  }
0x8d: {  	_ =	swait.ge [sflag:s26], $0x800  }
0x8e: {  	[sflag:s26] =	ssyncset.done $0x0  }
0x8f: {  	[sflag:s26] =	ssyncadd.s32 $0xFFFFF800  }
0x90: {  	_ =	swait.ge [sflag:s26], $0x800  }
0x91: {  	[sflag:s26] =	ssyncset.done $0x0  }
0x92: {  	[sflag:s26] =	ssyncadd.s32 $0xFFFFF800  }
0x93: {  	_ =	swait.ge [sflag:s26], $0x800  }
0x94: {  	[sflag:s26] =	ssyncset.done $0x0  }
0x95: {  	[sflag:s26] =	ssyncadd.s32 $0xFFFFF800  }
0x96: {  	_ =	swait.ge [sflag:s26], $0x800  }
0x97: {  	[sflag:s26] =	ssyncset.done $0x0  }
0x98: {  	[sflag:s26] =	ssyncadd.s32 $0xFFFFF800  }
0x99: {  	_ =	swait.ge [sflag:s26], $0x800  }
0x9a: {  	[sflag:s26] =	ssyncset.done $0x0  }
0x9b: {  	[sflag:s26] =	ssyncadd.s32 $0xFFFFF800  }
0x9c: {  	_ =	swait.ge [sflag:s26], $0x800  }
0x9d: {  	[sflag:s26] =	ssyncset.done $0x0  }
0x9e: {  	[sflag:s26] =	ssyncadd.s32 $0xFFFFF800  }
0x9f: {  	[spmem:s2] =	stream.indirect.scatter.add.f32 [tilespmem:s13], [sflag:$0x2], $0x10, s11, s12, $0xb8;
	[tilespmem:$0x1D800] =	vst v63  }
0xa0: {  	_ =	swait.ge [sflag:s9], $0x800  }
0xa1: {  	[sflag:s9] =	ssyncset.done $0x0  }
0xa2: {  	[sflag:s9] =	ssyncadd.s32 $0xFFFFF800  }
0xa3: {  	[spmem:s2] =	stream.indirect.scatter.add.f32 [tilespmem:s14], [sflag:$0x2], $0x10, s28, s12, $0xb8;
	[tilespmem:$0x1D800] =	vst v63  }
0xa4: {  	_ =	swait.ge [sflag:s9], $0x800  }
0xa5: {  	[sflag:s9] =	ssyncset.done $0x0  }
0xa6: {  	[sflag:s9] =	ssyncadd.s32 $0xFFFFF800  }
0xa7: {  	[spmem:s2] =	stream.indirect.scatter.add.f32 [tilespmem:s15], [sflag:$0x2], $0x10, s29, s12, $0xb8;
	[tilespmem:$0x1D800] =	vst v63  }
0xa8: {  	_ =	swait.ge [sflag:s9], $0x800  }
0xa9: {  	[sflag:s9] =	ssyncset.done $0x0  }
0xaa: {  	[sflag:s9] =	ssyncadd.s32 $0xFFFFF800  }
0xab: {  	[spmem:s2] =	stream.indirect.scatter.add.f32 [tilespmem:s16], [sflag:$0x2], $0x10, s30, s12, $0xb8;
	[tilespmem:$0x1D800] =	vst v63  }
0xac: {  	_ =	swait.ge [sflag:s9], $0x800  }
0xad: {  	[sflag:s9] =	ssyncset.done $0x0  }
0xae: {  	[sflag:s9] =	ssyncadd.s32 $0xFFFFF800  }
0xaf: {  	[spmem:s2] =	stream.indirect.scatter.add.f32 [tilespmem:s18], [sflag:$0x2], $0x10, s31, s12, $0xb8;
	[tilespmem:$0x1D800] =	vst v63  }
0xb0: {  	_ =	swait.ge [sflag:s9], $0x800  }
0xb1: {  	[sflag:s9] =	ssyncset.done $0x0  }
0xb2: {  	[sflag:s9] =	ssyncadd.s32 $0xFFFFF800  }
0xb3: {  	[spmem:s2] =	stream.indirect.scatter.add.f32 [tilespmem:s20], [sflag:$0x2], $0x10, s1, s12, $0xb8;
	[tilespmem:$0x1D800] =	vst v63  }
0xb4: {  	_ =	swait.ge [sflag:s9], $0x800  }
0xb5: {  	[sflag:s9] =	ssyncset.done $0x0  }
0xb6: {  	[sflag:s9] =	ssyncadd.s32 $0xFFFFF800  }
0xb7: {  	[spmem:s2] =	stream.indirect.scatter.add.f32 [tilespmem:s22], [sflag:$0x2], $0x10, s0, s12, $0xb8;
	[tilespmem:$0x1D800] =	vst v63  }
0xb8: {  	p0 =	sne.s32 s6, $0x3180;
	_ =	swait.ge [sflag:s9], $0x800  }
.Ltmp0:
0xb9: {  	[sflag:s9] =	ssyncset.done $0x0;
	(pc) =	sbr.rel @p0 .LBB2_2-.Ltmp0, $4  }
0xba: {  	[sflag:s9] =	ssyncadd.s32 $0xFFFFF800  }
0xbb: {  	[spmem:s2] =	stream.indirect.scatter.add.f32 [tilespmem:s25], [sflag:$0x2], $0x10, s5, s12, $0xb8;
	[tilespmem:$0x1D800] =	vst v63  }
0xbc: {  	_ =	swait.ge [sflag:s9], $0x800  }
0xbd: {  	s6 =	sadd.s32 $0x80, s6;
	s8 =	rddreg [dreg:$0x4];
	[sflag:s9] =	ssyncset.done $0x0  }
0xbe: {  	[sflag:s9] =	ssyncadd.s32 $0xFFFFF800;
	s6 =	sadd.s32 s24, s8  }
0xbf: {  	[tilespmem:s10], [sflag:$0x2] =	stream.linear.gather [hbm4b:s6+s3], $0x400, $0x38;
	[tilespmem:$0x1D800] =	vst v63  }
0xc0: {  	_ =	swait.ge [sflag:s9], $0x400  }
0xc1: {  	s8 =	rddreg [dreg:$0x3];
	[sflag:s9] =	ssyncset.done $0x0  }
0xc2: {  	[sflag:s9] =	ssyncadd.s32 $0xFFFFFC00;
	s6 =	sadd.s32 s24, s8  }
0xc3: {  	[tilespmem:s11], [sflag:$0x2] =	stream.linear.gather [hbm4b:s6+s3], $0x400, $0x38;
	[tilespmem:$0x1D800] =	vst v63  }
0xc4: {  	_ =	swait.ge [sflag:s9], $0x400  }
0xc5: {  	[sflag:s9] =	ssyncset.done $0x0  }
0xc6: {  	[sflag:s9] =	ssyncadd.s32 $0xFFFFFC00  }
0xc7: {  	[tilespmem:s13], [sflag:$0x1] =	stream.indirect.gather [hbm4b:s4+s12], $0x10, s10, s12, $0xb8;
	[tilespmem:$0x1D800] =	vst v63  }
0xc8: {  	s24 =	rddreg [dreg:$0x5]  }
0xc9: {  	[tilespmem:s14], [sflag:$0x1] =	stream.indirect.gather [hbm4b:s4+s12], $0x10, s24, s12, $0xb8;
	[tilespmem:$0x1D800] =	vst v63  }
0xca: {  	s7 =	rddreg [dreg:$0x6]  }
0xcb: {  	[tilespmem:s15], [sflag:$0x1] =	stream.indirect.gather [hbm4b:s4+s12], $0x10, s7, s12, $0xb8;
	[tilespmem:$0x1D800] =	vst v63  }
0xcc: {  	s8 =	rddreg [dreg:$0x7]  }
0xcd: {  	[tilespmem:s16], [sflag:$0x1] =	stream.indirect.gather [hbm4b:s4+s12], $0x10, s8, s12, $0xb8;
	[tilespmem:$0x1D800] =	vst v63  }
0xce: {  	_ = 	snop  }
0xcf: {  	[tilespmem:s18], [sflag:$0x1] =	stream.indirect.gather [hbm4b:s4+s12], $0x10, s17, s12, $0xb8;
	[tilespmem:$0x1D800] =	vst v63  }
0xd0: {  	_ = 	snop  }
0xd1: {  	[tilespmem:s20], [sflag:$0x1] =	stream.indirect.gather [hbm4b:s4+s12], $0x10, s19, s12, $0xb8;
	[tilespmem:$0x1D800] =	vst v63  }
0xd2: {  	_ = 	snop  }
0xd3: {  	[tilespmem:s22], [sflag:$0x1] =	stream.indirect.gather [hbm4b:s4+s12], $0x10, s21, s12, $0xb8;
	[tilespmem:$0x1D800] =	vst v63  }
0xd4: {  	_ = 	snop  }
0xd5: {  	[tilespmem:s25], [sflag:$0x1] =	stream.indirect.gather [hbm4b:s4+s12], $0x10, s23, s12, $0xb8;
	[tilespmem:$0x1D800] =	vst v63  }
0xd6: {  	_ =	swait.ge [sflag:s26], $0x800  }
0xd7: {  	[sflag:s26] =	ssyncset.done $0x0  }
0xd8: {  	[sflag:s26] =	ssyncadd.s32 $0xFFFFF800  }
0xd9: {  	_ =	swait.ge [sflag:s26], $0x800  }
0xda: {  	[sflag:s26] =	ssyncset.done $0x0  }
0xdb: {  	[sflag:s26] =	ssyncadd.s32 $0xFFFFF800  }
0xdc: {  	_ =	swait.ge [sflag:s26], $0x800  }
0xdd: {  	[sflag:s26] =	ssyncset.done $0x0  }
0xde: {  	[sflag:s26] =	ssyncadd.s32 $0xFFFFF800  }
0xdf: {  	_ =	swait.ge [sflag:s26], $0x800  }
0xe0: {  	[sflag:s26] =	ssyncset.done $0x0  }
0xe1: {  	[sflag:s26] =	ssyncadd.s32 $0xFFFFF800  }
0xe2: {  	_ =	swait.ge [sflag:s26], $0x800  }
0xe3: {  	[sflag:s26] =	ssyncset.done $0x0  }
0xe4: {  	[sflag:s26] =	ssyncadd.s32 $0xFFFFF800  }
0xe5: {  	_ =	swait.ge [sflag:s26], $0x800  }
0xe6: {  	[sflag:s26] =	ssyncset.done $0x0  }
0xe7: {  	[sflag:s26] =	ssyncadd.s32 $0xFFFFF800  }
0xe8: {  	_ =	swait.ge [sflag:s26], $0x800  }
0xe9: {  	[sflag:s26] =	ssyncset.done $0x0  }
0xea: {  	[sflag:s26] =	ssyncadd.s32 $0xFFFFF800  }
0xeb: {  	_ =	swait.ge [sflag:s26], $0x800  }
0xec: {  	[sflag:s26] =	ssyncset.done $0x0  }
0xed: {  	[sflag:s26] =	ssyncadd.s32 $0xFFFFF800  }
0xee: {  	[spmem:s2] =	stream.indirect.scatter.add.f32 [tilespmem:s13], [sflag:$0x2], $0x10, s11, s12, $0xb8;
	[tilespmem:$0x1D800] =	vst v63  }
0xef: {  	_ =	swait.ge [sflag:s9], $0x800  }
0xf0: {  	[sflag:s9] =	ssyncset.done $0x0  }
0xf1: {  	[sflag:s9] =	ssyncadd.s32 $0xFFFFF800  }
0xf2: {  	[spmem:s2] =	stream.indirect.scatter.add.f32 [tilespmem:s14], [sflag:$0x2], $0x10, s28, s12, $0xb8;
	[tilespmem:$0x1D800] =	vst v63  }
0xf3: {  	_ =	swait.ge [sflag:s9], $0x800  }
0xf4: {  	[sflag:s9] =	ssyncset.done $0x0  }
0xf5: {  	[sflag:s9] =	ssyncadd.s32 $0xFFFFF800  }
0xf6: {  	[spmem:s2] =	stream.indirect.scatter.add.f32 [tilespmem:s15], [sflag:$0x2], $0x10, s29, s12, $0xb8;
	[tilespmem:$0x1D800] =	vst v63  }
0xf7: {  	_ =	swait.ge [sflag:s9], $0x800  }
0xf8: {  	[sflag:s9] =	ssyncset.done $0x0  }
0xf9: {  	[sflag:s9] =	ssyncadd.s32 $0xFFFFF800  }
0xfa: {  	[spmem:s2] =	stream.indirect.scatter.add.f32 [tilespmem:s16], [sflag:$0x2], $0x10, s30, s12, $0xb8;
	[tilespmem:$0x1D800] =	vst v63  }
0xfb: {  	_ =	swait.ge [sflag:s9], $0x800  }
0xfc: {  	[sflag:s9] =	ssyncset.done $0x0  }
0xfd: {  	[sflag:s9] =	ssyncadd.s32 $0xFFFFF800  }
0xfe: {  	[spmem:s2] =	stream.indirect.scatter.add.f32 [tilespmem:s18], [sflag:$0x2], $0x10, s31, s12, $0xb8;
	[tilespmem:$0x1D800] =	vst v63  }
0xff: {  	_ =	swait.ge [sflag:s9], $0x800  }
0x100: {  	[sflag:s9] =	ssyncset.done $0x0  }
0x101: {  	[sflag:s9] =	ssyncadd.s32 $0xFFFFF800  }
0x102: {  	[spmem:s2] =	stream.indirect.scatter.add.f32 [tilespmem:s20], [sflag:$0x2], $0x10, s1, s12, $0xb8;
	[tilespmem:$0x1D800] =	vst v63  }
0x103: {  	_ =	swait.ge [sflag:s9], $0x800  }
0x104: {  	[sflag:s9] =	ssyncset.done $0x0  }
0x105: {  	[sflag:s9] =	ssyncadd.s32 $0xFFFFF800  }
0x106: {  	[spmem:s2] =	stream.indirect.scatter.add.f32 [tilespmem:s22], [sflag:$0x2], $0x10, s0, s12, $0xb8;
	[tilespmem:$0x1D800] =	vst v63  }
0x107: {  	_ =	swait.ge [sflag:s9], $0x800  }
0x108: {  	[sflag:s9] =	ssyncset.done $0x0  }
0x109: {  	[sflag:s9] =	ssyncadd.s32 $0xFFFFF800  }
0x10a: {  	[spmem:s2] =	stream.indirect.scatter.add.f32 [tilespmem:s25], [sflag:$0x2], $0x10, s5, s12, $0xb8;
	[tilespmem:$0x1D800] =	vst v63  }
0x10b: {  	_ =	swait.ge [sflag:s9], $0x800  }
0x10c: {  	[sflag:s9] =	ssyncset.done $0x0  }
0x10d: {  	[sflag:s9] =	ssyncadd.s32 $0xFFFFF800  }
0x10e: {  	[bflag:$0x0] =	sbarrier.arrive $0xFFFF  }
0x10f: {  	s8 =	rddreg [dreg:$0x9]  }
0x110: {  	s7 =	rddreg [dreg:$0xb]  }
0x111: {  	s24 =	rddreg [dreg:$0xc]  }
0x112: {  	[hbm:s24], [sflag:s8] =	dma.local [spmem:s7], $0x3200  }
0x113: {  	_ =	swait.ge [sflag:s9], $0x3200  }
0x114: {  	s6 =	rddreg [dreg:$0xd]  }
0x115: {  	s24 =	sadd.s32 $0x1, s6;
	s6 =	rddreg [dreg:$0xa]  }
0x116: {  	p0 =	sne.s32 s24, s6  }
.Ltmp1:
0x117: {  	_ = 	snop;
	(pc) =	sbr.rel @p0 .LBB2_1-.Ltmp1, $3  }
0x118: {  	_ =	sdelay $0x1  }
0x119: {  	[sflag:s9] =	ssyncset.done $0x0  }
0x11a: {  	[sflag:s9] =	ssyncadd.s32 $0xFFFFCE00  }
0x11b: {  	_ =	sfence.sel $0x180000  }
0x11c: {  	[bflag:$0x0] =	sbarrier.arrive $0xFFFF  }
0x11d: {  	_ =	strace $0x90000047  }
0x11e: {  	s0 =	stileid.u32;
	[bflag:$0x2] =	sbarrier.arrive $0xFFFF  }
0x11f: {  	p0 =	sne.s32 s0, $0x0;
	s0 =	rddreg [dreg:$0x2]  }
0x120: {  	s0 =	sadd.s32 @!p0 $0x100000, s0  }
0x121: {  	[sflag:s0] =	ssyncadd.tile.s32 @!p0 $0x1;
	_ =	shalt  }
.Lfunc_end2:
_tile_overlayer_lowered:
.L_overlay_start_2:
0x122: {  	(tag) =	ssettag $0x2  }
0x123: {  	s0 =	rddreg [dreg:$0x0];
	s2 =	stileid.u32  }
0x124: {  	s1 =	rddreg [dreg:$0x1];
	p0 =	sne.s32 s2, $0x0  }
0x125: {  	s3 =	rddreg [dreg:$0x2];
	[bflag:$0x3] =	sbarrier.arrive $0xFFFF;
	s2 =	simm.s32 @!p0 $0x1C02  }
0x126: {  	[timem:s3], [sflag:s2] =	dma.local @!p0 [hbm:s0], s1  }
0x127: {  	s0 =	simm.s32 @!p0 $0x2  }
0x128: {  	_ =	swait.ge @!p0 [sflag:s0], s1  }
0x129: {  	s1 =	ssub.s32 @!p0 $0x0, s1;
	[sflag:s0] =	ssyncset.done @!p0 $0x0  }
0x12a: {  	[sflag:s0] =	ssyncadd.s32 @!p0 s1  }
0x12b: {  	[bflag:$0x3] =	sbarrier.arrive $0xFFFF  }
0x12c: {  	_ =	shalt  }

</sc_bundles>
